<compile_context>
chip_gen: v7x
topology: tpu7x:2x2x1
jax: 0.10.2.dev20260603
libtpu: 0.0.44.dev20260713+nightly
codegen_flags: <defaults>
</compile_context>

<pallas_src>
import functools

import jax
import jax.numpy as jnp
from jax import lax
from jax.experimental import pallas as pl
from jax.experimental.pallas import tpu as pltpu
from jax.experimental.pallas import tpu_sc as plsc

BATCH = 4096
SEQ = 200
D = 128
LANES = 16

_NW = 32
_ROWS_PER_W = BATCH // _NW
_IDX_PER_W = _ROWS_PER_W * SEQ
_NBUF = 3
_MAIN = _ROWS_PER_W - 2


def _body(x_hbm, tok_hbm, pos_hbm, out_hbm, idx_v, pos_v, tok_v, gsem, ssem):
    cid = lax.axis_index("c")
    sid = lax.axis_index("s")
    wid = sid * 2 + cid
    base_idx = wid * _IDX_PER_W

    pltpu.sync_copy(x_hbm.at[pl.ds(base_idx, _IDX_PER_W)], idx_v)
    pltpu.sync_copy(pos_hbm, pos_v)

    def issue_gather(c, b):
        off = c * SEQ
        pltpu.async_copy(
            tok_hbm.at[idx_v.at[pl.ds(off, 128)]],
            tok_v.at[b, pl.ds(0, 128)], gsem.at[b])
        pltpu.async_copy(
            tok_hbm.at[idx_v.at[pl.ds(off + 128, SEQ - 128)]],
            tok_v.at[b, pl.ds(128, SEQ - 128)], gsem.at[b])

    def wait_gather(b):
        pltpu.make_async_copy(
            tok_hbm.at[pl.ds(0, SEQ)], tok_v.at[b], gsem.at[b]).wait()

    def issue_scatter(c, b):
        pltpu.async_copy(
            tok_v.at[b], out_hbm.at[pl.ds(base_idx + c * SEQ, SEQ)],
            ssem.at[b])

    def wait_scatter(b):
        pltpu.make_async_copy(
            tok_v.at[b], out_hbm.at[pl.ds(0, SEQ)], ssem.at[b]).wait()

    def add_pos(b):
        tv = tok_v.at[b]

        def add_rows(i, _):
            s0 = i * 4
            for r in range(4):
                s = s0 + r
                for k in range(D // LANES):
                    sl = pl.ds(k * LANES, LANES)
                    tv[s, sl] = tv[s, sl] + pos_v[s, sl]
            return _

        lax.fori_loop(0, SEQ // 4, add_rows, None)

    issue_gather(0, 0)
    issue_gather(1, 1)

    def main(t, _):
        for b in range(_NBUF):
            c = t * _NBUF + b
            wait_gather(b)
            add_pos(b)

            @pl.when(c >= 1)
            def _wait_prev_scatter():
                wait_scatter((b + 2) % _NBUF)

            @pl.when(c + 2 < _ROWS_PER_W)
            def _issue_next_gather():
                issue_gather(c + 2, (b + 2) % _NBUF)

            issue_scatter(c, b)
        return _

    lax.fori_loop(0, _MAIN // _NBUF, main, None)

    for c in (_MAIN, _MAIN + 1):
        b = c % _NBUF
        wait_gather(b)
        add_pos(b)
        issue_scatter(c, b)
    for c in (_MAIN - 1, _MAIN, _MAIN + 1):
        wait_scatter(c % _NBUF)


@functools.partial(
    pl.kernel,
    out_type=jax.ShapeDtypeStruct((BATCH * SEQ, D), jnp.float32),
    mesh=plsc.VectorSubcoreMesh(core_axis_name="c", subcore_axis_name="s"),
    scratch_types=[
        pltpu.VMEM((_IDX_PER_W,), jnp.int32),
        pltpu.VMEM((SEQ, D), jnp.float32),
        pltpu.VMEM((_NBUF, SEQ, D), jnp.float32),
        pltpu.SemaphoreType.DMA((_NBUF,)),
        pltpu.SemaphoreType.DMA((_NBUF,)),
    ],
)
def _emb(x_hbm, tok_hbm, pos_hbm, out_hbm, idx_v, pos_v, tok_v, gsem, ssem):
    _body(x_hbm, tok_hbm, pos_hbm, out_hbm, idx_v, pos_v, tok_v, gsem, ssem)


def kernel(x, token_table, pos_table):
    b, s = x.shape
    x_flat = x.reshape(-1).astype(jnp.int32)
    out = _emb(x_flat, token_table, pos_table)
    return out.reshape(b, s, token_table.shape[1])

# --- scband reference (transcript-rebuilt; emitter-appended) ---
"""Pipeline reference for scband-position-embedding-80161269613460 (READ-ONLY COPY).

The authoritative reference and input builder live on the scoring server;
editing this copy changes nothing except your own understanding.
"""

import jax, jax.numpy as jnp
import numpy as np

VOCAB = 100000
MAX_LEN = 200
D_MODEL = 128
BATCH = 4096
SEQ = 200

def setup_inputs(seed: int = 0) -> dict:
    key = jax.random.key(seed)
    k1, k2, k3 = jax.random.split(key, 3)
    x = jax.random.randint(k1, (BATCH, SEQ), 0, VOCAB, dtype=jnp.int64 if jax.config.jax_enable_x64 else jnp.int32)
    token_table = jax.random.normal(k2, (VOCAB, D_MODEL), dtype=jnp.float32) * 0.02
    pos_table = jax.random.normal(k3, (MAX_LEN, D_MODEL), dtype=jnp.float32) * 0.02
    return {"x": x, "token_table": token_table, "pos_table": pos_table}

def reference(x, token_table, pos_table):
    seq_len = x.shape[-1]
    positions = jnp.arange(0, seq_len)
    pos_embed = jnp.take(pos_table, positions, axis=0)  # [seq, d]
    tok_embed = jnp.take(token_table, x, axis=0)        # [B, seq, d]
    return tok_embed + pos_embed[None, :, :]

if __name__ == "__main__":
    import jax
    _d = setup_inputs()
    print(jax.jit(kernel)(*tuple(_d.values())))

</pallas_src>

<mosaic_0001>
#map = affine_map<(d0, d1) -> (0)>
#map1 = affine_map<(d0, d1) -> (0, 0)>
module attributes {stable_mosaic.version = 14 : i64} {
  func.func @_emb(%arg0: i32, %arg1: i32, %arg2: memref<819200xi32, #tpu.memory_space<hbm>>, %arg3: memref<100000x128xf32, #tpu.memory_space<hbm>>, %arg4: memref<200x128xf32, #tpu.memory_space<hbm>>, %arg5: memref<819200x128xf32, #tpu.memory_space<hbm>>, %arg6: memref<25600xi32, #tpu.memory_space<vmem>>, %arg7: memref<200x128xf32, #tpu.memory_space<vmem>>, %arg8: memref<3x200x128xf32, #tpu.memory_space<vmem>>, %arg9: memref<3x!tpu.dma_semaphore, #tpu.memory_space<semaphore_mem>>, %arg10: memref<3x!tpu.dma_semaphore, #tpu.memory_space<semaphore_mem>>) attributes {dimension_semantics = [#tpu.dimension_semantics<core_parallel>, #tpu.dimension_semantics<subcore_parallel>], iteration_bounds = array<i64: 2, 16>, scalar_prefetch = 0 : i64, scratch_operands = 5 : i64, tpu.core_type = #tpu.core_type<sc_vector_subcore>, window_params = [{transform_indices = #map}, {transform_indices = #map1}, {transform_indices = #map1}, {transform_indices = #map1}]} {
    %mul3A = arith.constant 2 : i32
    %mul3A_0 = arith.muli %arg1, %mul3A : i32
    %add3A = arith.addi %mul3A_0, %arg0 : i32
    %mul3A_1 = arith.constant 25600 : i32
    %mul3A_2 = arith.muli %add3A, %mul3A_1 : i32
    "tpu.region"() ({
      %run_scoped3A = tpu.sem_alloc : memref<!tpu.dma_semaphore, #tpu.memory_space<semaphore_mem>>
      %dma_start3A_195 = tpu.memref_slice %arg2[%mul3A_2] : memref<819200xi32, #tpu.memory_space<hbm>> -> memref<25600xi32, #tpu.memory_space<hbm>>
      %dma_start3A_196 = tpu.memref_slice %arg2[%mul3A_2] : memref<819200xi32, #tpu.memory_space<hbm>> -> memref<25600xi32, #tpu.memory_space<hbm>>
      tpu.enqueue_dma source(%dma_start3A_196 : memref<25600xi32, #tpu.memory_space<hbm>>) target(%arg6 : memref<25600xi32, #tpu.memory_space<vmem>>) target_semaphore(%run_scoped3A : memref<!tpu.dma_semaphore, #tpu.memory_space<semaphore_mem>>)
      %dma_wait3A_197 = tpu.memref_slice %arg2[%mul3A_2] : memref<819200xi32, #tpu.memory_space<hbm>> -> memref<25600xi32, #tpu.memory_space<hbm>>
      %dma_wait3A_198 = tpu.memref_slice %arg2[%mul3A_2] : memref<819200xi32, #tpu.memory_space<hbm>> -> memref<25600xi32, #tpu.memory_space<hbm>>
      tpu.wait_dma2 semaphore(%run_scoped3A : memref<!tpu.dma_semaphore, #tpu.memory_space<semaphore_mem>>) src(%dma_wait3A_198 : memref<25600xi32, #tpu.memory_space<hbm>>) dst(%arg6 : memref<25600xi32, #tpu.memory_space<vmem>>)
      tpu.yield
    }) : () -> ()
    "tpu.region"() ({
      %run_scoped3A = tpu.sem_alloc : memref<!tpu.dma_semaphore, #tpu.memory_space<semaphore_mem>>
      tpu.enqueue_dma source(%arg4 : memref<200x128xf32, #tpu.memory_space<hbm>>) target(%arg7 : memref<200x128xf32, #tpu.memory_space<vmem>>) target_semaphore(%run_scoped3A : memref<!tpu.dma_semaphore, #tpu.memory_space<semaphore_mem>>)
      tpu.wait_dma2 semaphore(%run_scoped3A : memref<!tpu.dma_semaphore, #tpu.memory_space<semaphore_mem>>) src(%arg4 : memref<200x128xf32, #tpu.memory_space<hbm>>) dst(%arg7 : memref<200x128xf32, #tpu.memory_space<vmem>>)
      tpu.yield
    }) : () -> ()
    %dma_start3A = arith.constant 0 : i32
    %dma_start3A_3 = arith.constant 0 : i32
    %dma_start3A_4 = arith.constant 0 : i32
    %dma_start3A_5 = arith.constant 0 : i32
    %dma_start3A_6 = tpu.memref_slice %arg8[%dma_start3A, %dma_start3A_4, %dma_start3A_5] : memref<3x200x128xf32, #tpu.memory_space<vmem>> -> memref<1x128x128xf32, #tpu.memory_space<vmem>>
    %dma_start3A_7 = tpu.memref_squeeze %dma_start3A_6 : memref<1x128x128xf32, #tpu.memory_space<vmem>> -> memref<128x128xf32, #tpu.memory_space<vmem>>
    %dma_start3A_8 = arith.constant 0 : i32
    %dma_start3A_9 = tpu.memref_slice %arg6[%dma_start3A_8] : memref<25600xi32, #tpu.memory_space<vmem>> -> memref<128xi32, #tpu.memory_space<vmem>>
    %dma_start3A_10 = arith.constant 0 : i32
    %dma_start3A_11 = arith.constant 0 : i32
    %dma_start3A_12 = tpu.memref_slice %arg3[%dma_start3A_10, %dma_start3A_11] : memref<100000x128xf32, #tpu.memory_space<hbm>> -> memref<100000x128xf32, #tpu.memory_space<hbm>>
    %dma_start3A_13 = tpu.memref_slice %arg9[%dma_start3A_3] : memref<3x!tpu.dma_semaphore, #tpu.memory_space<semaphore_mem>> -> memref<1x!tpu.dma_semaphore, #tpu.memory_space<semaphore_mem>>
    %dma_start3A_14 = tpu.memref_squeeze %dma_start3A_13 : memref<1x!tpu.dma_semaphore, #tpu.memory_space<semaphore_mem>> -> memref<!tpu.dma_semaphore, #tpu.memory_space<semaphore_mem>>
    tpu.enqueue_indirect_dma source(%dma_start3A_12 : memref<100000x128xf32, #tpu.memory_space<hbm>>) target(%dma_start3A_7 : memref<128x128xf32, #tpu.memory_space<vmem>>) offsets(%dma_start3A_9 : memref<128xi32, #tpu.memory_space<vmem>>) semaphore(%dma_start3A_14 : memref<!tpu.dma_semaphore, #tpu.memory_space<semaphore_mem>>)
    %dma_start3A_15 = arith.constant 0 : i32
    %dma_start3A_16 = arith.constant 0 : i32
    %dma_start3A_17 = arith.constant 128 : i32
    %dma_start3A_18 = arith.constant 0 : i32
    %dma_start3A_19 = tpu.memref_slice %arg8[%dma_start3A_15, %dma_start3A_17, %dma_start3A_18] : memref<3x200x128xf32, #tpu.memory_space<vmem>> -> memref<1x72x128xf32, #tpu.memory_space<vmem>>
    %dma_start3A_20 = tpu.memref_squeeze %dma_start3A_19 : memref<1x72x128xf32, #tpu.memory_space<vmem>> -> memref<72x128xf32, #tpu.memory_space<vmem>>
    %dma_start3A_21 = arith.constant 128 : i32
    %dma_start3A_22 = tpu.memref_slice %arg6[%dma_start3A_21] : memref<25600xi32, #tpu.memory_space<vmem>> -> memref<72xi32, #tpu.memory_space<vmem>>
    %dma_start3A_23 = arith.constant 0 : i32
    %dma_start3A_24 = arith.constant 0 : i32
    %dma_start3A_25 = tpu.memref_slice %arg3[%dma_start3A_23, %dma_start3A_24] : memref<100000x128xf32, #tpu.memory_space<hbm>> -> memref<100000x128xf32, #tpu.memory_space<hbm>>
    %dma_start3A_26 = tpu.memref_slice %arg9[%dma_start3A_16] : memref<3x!tpu.dma_semaphore, #tpu.memory_space<semaphore_mem>> -> memref<1x!tpu.dma_semaphore, #tpu.memory_space<semaphore_mem>>
    %dma_start3A_27 = tpu.memref_squeeze %dma_start3A_26 : memref<1x!tpu.dma_semaphore, #tpu.memory_space<semaphore_mem>> -> memref<!tpu.dma_semaphore, #tpu.memory_space<semaphore_mem>>
    tpu.enqueue_indirect_dma source(%dma_start3A_25 : memref<100000x128xf32, #tpu.memory_space<hbm>>) target(%dma_start3A_20 : memref<72x128xf32, #tpu.memory_space<vmem>>) offsets(%dma_start3A_22 : memref<72xi32, #tpu.memory_space<vmem>>) semaphore(%dma_start3A_27 : memref<!tpu.dma_semaphore, #tpu.memory_space<semaphore_mem>>)
    %dma_start3A_28 = arith.constant 1 : i32
    %dma_start3A_29 = arith.constant 1 : i32
    %dma_start3A_30 = arith.constant 0 : i32
    %dma_start3A_31 = arith.constant 0 : i32
    %dma_start3A_32 = tpu.memref_slice %arg8[%dma_start3A_28, %dma_start3A_30, %dma_start3A_31] : memref<3x200x128xf32, #tpu.memory_space<vmem>> -> memref<1x128x128xf32, #tpu.memory_space<vmem>>
    %dma_start3A_33 = tpu.memref_squeeze %dma_start3A_32 : memref<1x128x128xf32, #tpu.memory_space<vmem>> -> memref<128x128xf32, #tpu.memory_space<vmem>>
    %dma_start3A_34 = arith.constant 200 : i32
    %dma_start3A_35 = tpu.memref_slice %arg6[%dma_start3A_34] : memref<25600xi32, #tpu.memory_space<vmem>> -> memref<128xi32, #tpu.memory_space<vmem>>
    %dma_start3A_36 = arith.constant 0 : i32
    %dma_start3A_37 = arith.constant 0 : i32
    %dma_start3A_38 = tpu.memref_slice %arg3[%dma_start3A_36, %dma_start3A_37] : memref<100000x128xf32, #tpu.memory_space<hbm>> -> memref<100000x128xf32, #tpu.memory_space<hbm>>
    %dma_start3A_39 = tpu.memref_slice %arg9[%dma_start3A_29] : memref<3x!tpu.dma_semaphore, #tpu.memory_space<semaphore_mem>> -> memref<1x!tpu.dma_semaphore, #tpu.memory_space<semaphore_mem>>
    %dma_start3A_40 = tpu.memref_squeeze %dma_start3A_39 : memref<1x!tpu.dma_semaphore, #tpu.memory_space<semaphore_mem>> -> memref<!tpu.dma_semaphore, #tpu.memory_space<semaphore_mem>>
    tpu.enqueue_indirect_dma source(%dma_start3A_38 : memref<100000x128xf32, #tpu.memory_space<hbm>>) target(%dma_start3A_33 : memref<128x128xf32, #tpu.memory_space<vmem>>) offsets(%dma_start3A_35 : memref<128xi32, #tpu.memory_space<vmem>>) semaphore(%dma_start3A_40 : memref<!tpu.dma_semaphore, #tpu.memory_space<semaphore_mem>>)
    %dma_start3A_41 = arith.constant 1 : i32
    %dma_start3A_42 = arith.constant 1 : i32
    %dma_start3A_43 = arith.constant 128 : i32
    %dma_start3A_44 = arith.constant 0 : i32
    %dma_start3A_45 = tpu.memref_slice %arg8[%dma_start3A_41, %dma_start3A_43, %dma_start3A_44] : memref<3x200x128xf32, #tpu.memory_space<vmem>> -> memref<1x72x128xf32, #tpu.memory_space<vmem>>
    %dma_start3A_46 = tpu.memref_squeeze %dma_start3A_45 : memref<1x72x128xf32, #tpu.memory_space<vmem>> -> memref<72x128xf32, #tpu.memory_space<vmem>>
    %dma_start3A_47 = arith.constant 328 : i32
    %dma_start3A_48 = tpu.memref_slice %arg6[%dma_start3A_47] : memref<25600xi32, #tpu.memory_space<vmem>> -> memref<72xi32, #tpu.memory_space<vmem>>
    %dma_start3A_49 = arith.constant 0 : i32
    %dma_start3A_50 = arith.constant 0 : i32
    %dma_start3A_51 = tpu.memref_slice %arg3[%dma_start3A_49, %dma_start3A_50] : memref<100000x128xf32, #tpu.memory_space<hbm>> -> memref<100000x128xf32, #tpu.memory_space<hbm>>
    %dma_start3A_52 = tpu.memref_slice %arg9[%dma_start3A_42] : memref<3x!tpu.dma_semaphore, #tpu.memory_space<semaphore_mem>> -> memref<1x!tpu.dma_semaphore, #tpu.memory_space<semaphore_mem>>
    %dma_start3A_53 = tpu.memref_squeeze %dma_start3A_52 : memref<1x!tpu.dma_semaphore, #tpu.memory_space<semaphore_mem>> -> memref<!tpu.dma_semaphore, #tpu.memory_space<semaphore_mem>>
    tpu.enqueue_indirect_dma source(%dma_start3A_51 : memref<100000x128xf32, #tpu.memory_space<hbm>>) target(%dma_start3A_46 : memref<72x128xf32, #tpu.memory_space<vmem>>) offsets(%dma_start3A_48 : memref<72xi32, #tpu.memory_space<vmem>>) semaphore(%dma_start3A_53 : memref<!tpu.dma_semaphore, #tpu.memory_space<semaphore_mem>>)
    %scan3A = arith.constant 0 : i32
    %scan3A_54 = arith.constant 42 : i32
    %scan3A_55 = arith.addi %scan3A, %scan3A_54 : i32
    %scan3A_56 = arith.constant 1 : i32
    scf.for %scan3A_195 = %scan3A to %scan3A_55 step %scan3A_56  : i32 {
      %mul3A_196 = arith.constant 3 : i32
      %mul3A_197 = arith.muli %scan3A_195, %mul3A_196 : i32
      %add3A_198 = arith.constant 0 : i32
      %add3A_199 = arith.addi %mul3A_197, %add3A_198 : i32
      %dma_wait3A_200 = arith.constant 0 : i32
      %dma_wait3A_201 = arith.constant 0 : i32
      %dma_wait3A_202 = arith.constant 0 : i32
      %dma_wait3A_203 = arith.constant 0 : i32
      %dma_wait3A_204 = tpu.memref_slice %arg8[%dma_wait3A_200, %dma_wait3A_202, %dma_wait3A_203] : memref<3x200x128xf32, #tpu.memory_space<vmem>> -> memref<1x200x128xf32, #tpu.memory_space<vmem>>
      %dma_wait3A_205 = tpu.memref_squeeze %dma_wait3A_204 : memref<1x200x128xf32, #tpu.memory_space<vmem>> -> memref<200x128xf32, #tpu.memory_space<vmem>>
      %dma_wait3A_206 = arith.constant 0 : i32
      %dma_wait3A_207 = arith.constant 0 : i32
      %dma_wait3A_208 = tpu.memref_slice %arg3[%dma_wait3A_206, %dma_wait3A_207] : memref<100000x128xf32, #tpu.memory_space<hbm>> -> memref<200x128xf32, #tpu.memory_space<hbm>>
      %dma_wait3A_209 = tpu.memref_slice %arg9[%dma_wait3A_201] : memref<3x!tpu.dma_semaphore, #tpu.memory_space<semaphore_mem>> -> memref<1x!tpu.dma_semaphore, #tpu.memory_space<semaphore_mem>>
      %dma_wait3A_210 = tpu.memref_squeeze %dma_wait3A_209 : memref<1x!tpu.dma_semaphore, #tpu.memory_space<semaphore_mem>> -> memref<!tpu.dma_semaphore, #tpu.memory_space<semaphore_mem>>
      %dma_wait3A_211 = arith.constant 0 : i32
      %dma_wait3A_212 = arith.constant 0 : i32
      %dma_wait3A_213 = tpu.memref_slice %arg8[%dma_wait3A_200, %dma_wait3A_211, %dma_wait3A_212] : memref<3x200x128xf32, #tpu.memory_space<vmem>> -> memref<1x200x128xf32, #tpu.memory_space<vmem>>
      %dma_wait3A_214 = tpu.memref_squeeze %dma_wait3A_213 : memref<1x200x128xf32, #tpu.memory_space<vmem>> -> memref<200x128xf32, #tpu.memory_space<vmem>>
      %dma_wait3A_215 = arith.constant 0 : i32
      %dma_wait3A_216 = arith.constant 0 : i32
      %dma_wait3A_217 = tpu.memref_slice %arg3[%dma_wait3A_215, %dma_wait3A_216] : memref<100000x128xf32, #tpu.memory_space<hbm>> -> memref<200x128xf32, #tpu.memory_space<hbm>>
      tpu.wait_dma2 semaphore(%dma_wait3A_210 : memref<!tpu.dma_semaphore, #tpu.memory_space<semaphore_mem>>) src(%dma_wait3A_217 : memref<200x128xf32, #tpu.memory_space<hbm>>) dst(%dma_wait3A_214 : memref<200x128xf32, #tpu.memory_space<vmem>>)
      %scan3A_218 = arith.constant 0 : i32
      %scan3A_219 = arith.constant 0 : i32
      %scan3A_220 = arith.constant 50 : i32
      %scan3A_221 = arith.addi %scan3A_219, %scan3A_220 : i32
      %scan3A_222 = arith.constant 1 : i32
      scf.for %scan3A_369 = %scan3A_219 to %scan3A_221 step %scan3A_222  : i32 {
        %mul3A_370 = arith.constant 4 : i32
        %mul3A_371 = arith.muli %scan3A_369, %mul3A_370 : i32
        %add3A_372 = arith.constant 0 : i32
        %add3A_373 = arith.addi %mul3A_371, %add3A_372 : i32
        %get3A = arith.constant 0 : i32
        %get3A_374 = arith.constant 0 : i32
        %get3A_375 = tpu.memref_slice %arg8[%scan3A_218, %get3A, %get3A_374] : memref<3x200x128xf32, #tpu.memory_space<vmem>> -> memref<1x200x128xf32, #tpu.memory_space<vmem>>
        %get3A_376 = tpu.memref_squeeze %get3A_375 : memref<1x200x128xf32, #tpu.memory_space<vmem>> -> memref<200x128xf32, #tpu.memory_space<vmem>>
        %get3A_377 = arith.index_cast %add3A_373 : i32 to index
        %get3A_378 = arith.constant 0 : index
        %get3A_379 = tpu.vector_load %get3A_376[%get3A_377, %get3A_378] {strides = array<i32>} : memref<200x128xf32, #tpu.memory_space<vmem>>, vector<1x16xf32>,
        %get3A_380 = vector.shape_cast %get3A_379 : vector<1x16xf32> to vector<16xf32>
        %get3A_381 = arith.index_cast %add3A_373 : i32 to index
        %get3A_382 = arith.constant 0 : index
        %get3A_383 = tpu.vector_load %arg7[%get3A_381, %get3A_382] {strides = array<i32>} : memref<200x128xf32, #tpu.memory_space<vmem>>, vector<1x16xf32>,
        %get3A_384 = vector.shape_cast %get3A_383 : vector<1x16xf32> to vector<16xf32>
        %add3A_385 = arith.addf %get3A_380, %get3A_384 : vector<16xf32>
        %swap3A = arith.constant 0 : i32
        %swap3A_386 = arith.constant 0 : i32
        %swap3A_387 = tpu.memref_slice %arg8[%scan3A_218, %swap3A, %swap3A_386] : memref<3x200x128xf32, #tpu.memory_space<vmem>> -> memref<1x200x128xf32, #tpu.memory_space<vmem>>
        %swap3A_388 = tpu.memref_squeeze %swap3A_387 : memref<1x200x128xf32, #tpu.memory_space<vmem>> -> memref<200x128xf32, #tpu.memory_space<vmem>>
        %swap3A_389 = arith.index_cast %add3A_373 : i32 to index
        %swap3A_390 = arith.constant 0 : index
        %swap3A_391 = tpu.vector_load %swap3A_388[%swap3A_389, %swap3A_390] {strides = array<i32>} : memref<200x128xf32, #tpu.memory_space<vmem>>, vector<1x16xf32>,
        %swap3A_392 = vector.shape_cast %swap3A_391 : vector<1x16xf32> to vector<16xf32>
        %swap3A_393 = vector.shape_cast %add3A_385 : vector<16xf32> to vector<1x16xf32>
        tpu.vector_store %swap3A_388[%swap3A_389, %swap3A_390], %swap3A_393 {strides = array<i32>} : memref<200x128xf32, #tpu.memory_space<vmem>>, vector<1x16xf32>,
        %get3A_394 = arith.constant 0 : i32
        %get3A_395 = arith.constant 0 : i32
        %get3A_396 = tpu.memref_slice %arg8[%scan3A_218, %get3A_394, %get3A_395] : memref<3x200x128xf32, #tpu.memory_space<vmem>> -> memref<1x200x128xf32, #tpu.memory_space<vmem>>
        %get3A_397 = tpu.memref_squeeze %get3A_396 : memref<1x200x128xf32, #tpu.memory_space<vmem>> -> memref<200x128xf32, #tpu.memory_space<vmem>>
        %get3A_398 = arith.index_cast %add3A_373 : i32 to index
        %get3A_399 = arith.constant 16 : index
        %get3A_400 = tpu.vector_load %get3A_397[%get3A_398, %get3A_399] {strides = array<i32>} : memref<200x128xf32, #tpu.memory_space<vmem>>, vector<1x16xf32>,
        %get3A_401 = vector.shape_cast %get3A_400 : vector<1x16xf32> to vector<16xf32>
        %get3A_402 = arith.index_cast %add3A_373 : i32 to index
        %get3A_403 = arith.constant 16 : index
        %get3A_404 = tpu.vector_load %arg7[%get3A_402, %get3A_403] {strides = array<i32>} : memref<200x128xf32, #tpu.memory_space<vmem>>, vector<1x16xf32>,
        %get3A_405 = vector.shape_cast %get3A_404 : vector<1x16xf32> to vector<16xf32>
        %add3A_406 = arith.addf %get3A_401, %get3A_405 : vector<16xf32>
        %swap3A_407 = arith.constant 0 : i32
        %swap3A_408 = arith.constant 0 : i32
        %swap3A_409 = tpu.memref_slice %arg8[%scan3A_218, %swap3A_407, %swap3A_408] : memref<3x200x128xf32, #tpu.memory_space<vmem>> -> memref<1x200x128xf32, #tpu.memory_space<vmem>>
        %swap3A_410 = tpu.memref_squeeze %swap3A_409 : memref<1x200x128xf32, #tpu.memory_space<vmem>> -> memref<200x128xf32, #tpu.memory_space<vmem>>
        %swap3A_411 = arith.index_cast %add3A_373 : i32 to index
        %swap3A_412 = arith.constant 16 : index
        %swap3A_413 = tpu.vector_load %swap3A_410[%swap3A_411, %swap3A_412] {strides = array<i32>} : memref<200x128xf32, #tpu.memory_space<vmem>>, vector<1x16xf32>,
        %swap3A_414 = vector.shape_cast %swap3A_413 : vector<1x16xf32> to vector<16xf32>
        %swap3A_415 = vector.shape_cast %add3A_406 : vector<16xf32> to vector<1x16xf32>
        tpu.vector_store %swap3A_410[%swap3A_411, %swap3A_412], %swap3A_415 {strides = array<i32>} : memref<200x128xf32, #tpu.memory_space<vmem>>, vector<1x16xf32>,
        %get3A_416 = arith.constant 0 : i32
        %get3A_417 = arith.constant 0 : i32
        %get3A_418 = tpu.memref_slice %arg8[%scan3A_218, %get3A_416, %get3A_417] : memref<3x200x128xf32, #tpu.memory_space<vmem>> -> memref<1x200x128xf32, #tpu.memory_space<vmem>>
        %get3A_419 = tpu.memref_squeeze %get3A_418 : memref<1x200x128xf32, #tpu.memory_space<vmem>> -> memref<200x128xf32, #tpu.memory_space<vmem>>
        %get3A_420 = arith.index_cast %add3A_373 : i32 to index
        %get3A_421 = arith.constant 32 : index
        %get3A_422 = tpu.vector_load %get3A_419[%get3A_420, %get3A_421] {strides = array<i32>} : memref<200x128xf32, #tpu.memory_space<vmem>>, vector<1x16xf32>,
        %get3A_423 = vector.shape_cast %get3A_422 : vector<1x16xf32> to vector<16xf32>
        %get3A_424 = arith.index_cast %add3A_373 : i32 to index
        %get3A_425 = arith.constant 32 : index
        %get3A_426 = tpu.vector_load %arg7[%get3A_424, %get3A_425] {strides = array<i32>} : memref<200x128xf32, #tpu.memory_space<vmem>>, vector<1x16xf32>,
        %get3A_427 = vector.shape_cast %get3A_426 : vector<1x16xf32> to vector<16xf32>
        %add3A_428 = arith.addf %get3A_423, %get3A_427 : vector<16xf32>
        %swap3A_429 = arith.constant 0 : i32
        %swap3A_430 = arith.constant 0 : i32
        %swap3A_431 = tpu.memref_slice %arg8[%scan3A_218, %swap3A_429, %swap3A_430] : memref<3x200x128xf32, #tpu.memory_space<vmem>> -> memref<1x200x128xf32, #tpu.memory_space<vmem>>
        %swap3A_432 = tpu.memref_squeeze %swap3A_431 : memref<1x200x128xf32, #tpu.memory_space<vmem>> -> memref<200x128xf32, #tpu.memory_space<vmem>>
        %swap3A_433 = arith.index_cast %add3A_373 : i32 to index
        %swap3A_434 = arith.constant 32 : index
        %swap3A_435 = tpu.vector_load %swap3A_432[%swap3A_433, %swap3A_434] {strides = array<i32>} : memref<200x128xf32, #tpu.memory_space<vmem>>, vector<1x16xf32>,
        %swap3A_436 = vector.shape_cast %swap3A_435 : vector<1x16xf32> to vector<16xf32>
        %swap3A_437 = vector.shape_cast %add3A_428 : vector<16xf32> to vector<1x16xf32>
        tpu.vector_store %swap3A_432[%swap3A_433, %swap3A_434], %swap3A_437 {strides = array<i32>} : memref<200x128xf32, #tpu.memory_space<vmem>>, vector<1x16xf32>,
        %get3A_438 = arith.constant 0 : i32
        %get3A_439 = arith.constant 0 : i32
        %get3A_440 = tpu.memref_slice %arg8[%scan3A_218, %get3A_438, %get3A_439] : memref<3x200x128xf32, #tpu.memory_space<vmem>> -> memref<1x200x128xf32, #tpu.memory_space<vmem>>
        %get3A_441 = tpu.memref_squeeze %get3A_440 : memref<1x200x128xf32, #tpu.memory_space<vmem>> -> memref<200x128xf32, #tpu.memory_space<vmem>>
        %get3A_442 = arith.index_cast %add3A_373 : i32 to index
        %get3A_443 = arith.constant 48 : index
        %get3A_444 = tpu.vector_load %get3A_441[%get3A_442, %get3A_443] {strides = array<i32>} : memref<200x128xf32, #tpu.memory_space<vmem>>, vector<1x16xf32>,
        %get3A_445 = vector.shape_cast %get3A_444 : vector<1x16xf32> to vector<16xf32>
        %get3A_446 = arith.index_cast %add3A_373 : i32 to index
        %get3A_447 = arith.constant 48 : index
        %get3A_448 = tpu.vector_load %arg7[%get3A_446, %get3A_447] {strides = array<i32>} : memref<200x128xf32, #tpu.memory_space<vmem>>, vector<1x16xf32>,
        %get3A_449 = vector.shape_cast %get3A_448 : vector<1x16xf32> to vector<16xf32>
        %add3A_450 = arith.addf %get3A_445, %get3A_449 : vector<16xf32>
        %swap3A_451 = arith.constant 0 : i32
        %swap3A_452 = arith.constant 0 : i32
        %swap3A_453 = tpu.memref_slice %arg8[%scan3A_218, %swap3A_451, %swap3A_452] : memref<3x200x128xf32, #tpu.memory_space<vmem>> -> memref<1x200x128xf32, #tpu.memory_space<vmem>>
        %swap3A_454 = tpu.memref_squeeze %swap3A_453 : memref<1x200x128xf32, #tpu.memory_space<vmem>> -> memref<200x128xf32, #tpu.memory_space<vmem>>
        %swap3A_455 = arith.index_cast %add3A_373 : i32 to index
        %swap3A_456 = arith.constant 48 : index
        %swap3A_457 = tpu.vector_load %swap3A_454[%swap3A_455, %swap3A_456] {strides = array<i32>} : memref<200x128xf32, #tpu.memory_space<vmem>>, vector<1x16xf32>,
        %swap3A_458 = vector.shape_cast %swap3A_457 : vector<1x16xf32> to vector<16xf32>
        %swap3A_459 = vector.shape_cast %add3A_450 : vector<16xf32> to vector<1x16xf32>
        tpu.vector_store %swap3A_454[%swap3A_455, %swap3A_456], %swap3A_459 {strides = array<i32>} : memref<200x128xf32, #tpu.memory_space<vmem>>, vector<1x16xf32>,
        %get3A_460 = arith.constant 0 : i32
        %get3A_461 = arith.constant 0 : i32
        %get3A_462 = tpu.memref_slice %arg8[%scan3A_218, %get3A_460, %get3A_461] : memref<3x200x128xf32, #tpu.memory_space<vmem>> -> memref<1x200x128xf32, #tpu.memory_space<vmem>>
        %get3A_463 = tpu.memref_squeeze %get3A_462 : memref<1x200x128xf32, #tpu.memory_space<vmem>> -> memref<200x128xf32, #tpu.memory_space<vmem>>
        %get3A_464 = arith.index_cast %add3A_373 : i32 to index
        %get3A_465 = arith.constant 64 : index
        %get3A_466 = tpu.vector_load %get3A_463[%get3A_464, %get3A_465] {strides = array<i32>} : memref<200x128xf32, #tpu.memory_space<vmem>>, vector<1x16xf32>,
        %get3A_467 = vector.shape_cast %get3A_466 : vector<1x16xf32> to vector<16xf32>
        %get3A_468 = arith.index_cast %add3A_373 : i32 to index
        %get3A_469 = arith.constant 64 : index
        %get3A_470 = tpu.vector_load %arg7[%get3A_468, %get3A_469] {strides = array<i32>} : memref<200x128xf32, #tpu.memory_space<vmem>>, vector<1x16xf32>,
        %get3A_471 = vector.shape_cast %get3A_470 : vector<1x16xf32> to vector<16xf32>
        %add3A_472 = arith.addf %get3A_467, %get3A_471 : vector<16xf32>
        %swap3A_473 = arith.constant 0 : i32
        %swap3A_474 = arith.constant 0 : i32
        %swap3A_475 = tpu.memref_slice %arg8[%scan3A_218, %swap3A_473, %swap3A_474] : memref<3x200x128xf32, #tpu.memory_space<vmem>> -> memref<1x200x128xf32, #tpu.memory_space<vmem>>
        %swap3A_476 = tpu.memref_squeeze %swap3A_475 : memref<1x200x128xf32, #tpu.memory_space<vmem>> -> memref<200x128xf32, #tpu.memory_space<vmem>>
        %swap3A_477 = arith.index_cast %add3A_373 : i32 to index
        %swap3A_478 = arith.constant 64 : index
        %swap3A_479 = tpu.vector_load %swap3A_476[%swap3A_477, %swap3A_478] {strides = array<i32>} : memref<200x128xf32, #tpu.memory_space<vmem>>, vector<1x16xf32>,
        %swap3A_480 = vector.shape_cast %swap3A_479 : vector<1x16xf32> to vector<16xf32>
        %swap3A_481 = vector.shape_cast %add3A_472 : vector<16xf32> to vector<1x16xf32>
        tpu.vector_store %swap3A_476[%swap3A_477, %swap3A_478], %swap3A_481 {strides = array<i32>} : memref<200x128xf32, #tpu.memory_space<vmem>>, vector<1x16xf32>,
        %get3A_482 = arith.constant 0 : i32
        %get3A_483 = arith.constant 0 : i32
        %get3A_484 = tpu.memref_slice %arg8[%scan3A_218, %get3A_482, %get3A_483] : memref<3x200x128xf32, #tpu.memory_space<vmem>> -> memref<1x200x128xf32, #tpu.memory_space<vmem>>
        %get3A_485 = tpu.memref_squeeze %get3A_484 : memref<1x200x128xf32, #tpu.memory_space<vmem>> -> memref<200x128xf32, #tpu.memory_space<vmem>>
        %get3A_486 = arith.index_cast %add3A_373 : i32 to index
        %get3A_487 = arith.constant 80 : index
        %get3A_488 = tpu.vector_load %get3A_485[%get3A_486, %get3A_487] {strides = array<i32>} : memref<200x128xf32, #tpu.memory_space<vmem>>, vector<1x16xf32>,
        %get3A_489 = vector.shape_cast %get3A_488 : vector<1x16xf32> to vector<16xf32>
        %get3A_490 = arith.index_cast %add3A_373 : i32 to index
        %get3A_491 = arith.constant 80 : index
        %get3A_492 = tpu.vector_load %arg7[%get3A_490, %get3A_491] {strides = array<i32>} : memref<200x128xf32, #tpu.memory_space<vmem>>, vector<1x16xf32>,
        %get3A_493 = vector.shape_cast %get3A_492 : vector<1x16xf32> to vector<16xf32>
        %add3A_494 = arith.addf %get3A_489, %get3A_493 : vector<16xf32>
        %swap3A_495 = arith.constant 0 : i32
        %swap3A_496 = arith.constant 0 : i32
        %swap3A_497 = tpu.memref_slice %arg8[%scan3A_218, %swap3A_495, %swap3A_496] : memref<3x200x128xf32, #tpu.memory_space<vmem>> -> memref<1x200x128xf32, #tpu.memory_space<vmem>>
        %swap3A_498 = tpu.memref_squeeze %swap3A_497 : memref<1x200x128xf32, #tpu.memory_space<vmem>> -> memref<200x128xf32, #tpu.memory_space<vmem>>
        %swap3A_499 = arith.index_cast %add3A_373 : i32 to index
        %swap3A_500 = arith.constant 80 : index
        %swap3A_501 = tpu.vector_load %swap3A_498[%swap3A_499, %swap3A_500] {strides = array<i32>} : memref<200x128xf32, #tpu.memory_space<vmem>>, vector<1x16xf32>,
        %swap3A_502 = vector.shape_cast %swap3A_501 : vector<1x16xf32> to vector<16xf32>
        %swap3A_503 = vector.shape_cast %add3A_494 : vector<16xf32> to vector<1x16xf32>
        tpu.vector_store %swap3A_498[%swap3A_499, %swap3A_500], %swap3A_503 {strides = array<i32>} : memref<200x128xf32, #tpu.memory_space<vmem>>, vector<1x16xf32>,
        %get3A_504 = arith.constant 0 : i32
        %get3A_505 = arith.constant 0 : i32
        %get3A_506 = tpu.memref_slice %arg8[%scan3A_218, %get3A_504, %get3A_505] : memref<3x200x128xf32, #tpu.memory_space<vmem>> -> memref<1x200x128xf32, #tpu.memory_space<vmem>>
        %get3A_507 = tpu.memref_squeeze %get3A_506 : memref<1x200x128xf32, #tpu.memory_space<vmem>> -> memref<200x128xf32, #tpu.memory_space<vmem>>
        %get3A_508 = arith.index_cast %add3A_373 : i32 to index
        %get3A_509 = arith.constant 96 : index
        %get3A_510 = tpu.vector_load %get3A_507[%get3A_508, %get3A_509] {strides = array<i32>} : memref<200x128xf32, #tpu.memory_space<vmem>>, vector<1x16xf32>,
        %get3A_511 = vector.shape_cast %get3A_510 : vector<1x16xf32> to vector<16xf32>
        %get3A_512 = arith.index_cast %add3A_373 : i32 to index
        %get3A_513 = arith.constant 96 : index
        %get3A_514 = tpu.vector_load %arg7[%get3A_512, %get3A_513] {strides = array<i32>} : memref<200x128xf32, #tpu.memory_space<vmem>>, vector<1x16xf32>,
        %get3A_515 = vector.shape_cast %get3A_514 : vector<1x16xf32> to vector<16xf32>
        %add3A_516 = arith.addf %get3A_511, %get3A_515 : vector<16xf32>
        %swap3A_517 = arith.constant 0 : i32
        %swap3A_518 = arith.constant 0 : i32
        %swap3A_519 = tpu.memref_slice %arg8[%scan3A_218, %swap3A_517, %swap3A_518] : memref<3x200x128xf32, #tpu.memory_space<vmem>> -> memref<1x200x128xf32, #tpu.memory_space<vmem>>
        %swap3A_520 = tpu.memref_squeeze %swap3A_519 : memref<1x200x128xf32, #tpu.memory_space<vmem>> -> memref<200x128xf32, #tpu.memory_space<vmem>>
        %swap3A_521 = arith.index_cast %add3A_373 : i32 to index
        %swap3A_522 = arith.constant 96 : index
        %swap3A_523 = tpu.vector_load %swap3A_520[%swap3A_521, %swap3A_522] {strides = array<i32>} : memref<200x128xf32, #tpu.memory_space<vmem>>, vector<1x16xf32>,
        %swap3A_524 = vector.shape_cast %swap3A_523 : vector<1x16xf32> to vector<16xf32>
        %swap3A_525 = vector.shape_cast %add3A_516 : vector<16xf32> to vector<1x16xf32>
        tpu.vector_store %swap3A_520[%swap3A_521, %swap3A_522], %swap3A_525 {strides = array<i32>} : memref<200x128xf32, #tpu.memory_space<vmem>>, vector<1x16xf32>,
        %get3A_526 = arith.constant 0 : i32
        %get3A_527 = arith.constant 0 : i32
        %get3A_528 = tpu.memref_slice %arg8[%scan3A_218, %get3A_526, %get3A_527] : memref<3x200x128xf32, #tpu.memory_space<vmem>> -> memref<1x200x128xf32, #tpu.memory_space<vmem>>
        %get3A_529 = tpu.memref_squeeze %get3A_528 : memref<1x200x128xf32, #tpu.memory_space<vmem>> -> memref<200x128xf32, #tpu.memory_space<vmem>>
        %get3A_530 = arith.index_cast %add3A_373 : i32 to index
        %get3A_531 = arith.constant 112 : index
        %get3A_532 = tpu.vector_load %get3A_529[%get3A_530, %get3A_531] {strides = array<i32>} : memref<200x128xf32, #tpu.memory_space<vmem>>, vector<1x16xf32>,
        %get3A_533 = vector.shape_cast %get3A_532 : vector<1x16xf32> to vector<16xf32>
        %get3A_534 = arith.index_cast %add3A_373 : i32 to index
        %get3A_535 = arith.constant 112 : index
        %get3A_536 = tpu.vector_load %arg7[%get3A_534, %get3A_535] {strides = array<i32>} : memref<200x128xf32, #tpu.memory_space<vmem>>, vector<1x16xf32>,
        %get3A_537 = vector.shape_cast %get3A_536 : vector<1x16xf32> to vector<16xf32>
        %add3A_538 = arith.addf %get3A_533, %get3A_537 : vector<16xf32>
        %swap3A_539 = arith.constant 0 : i32
        %swap3A_540 = arith.constant 0 : i32
        %swap3A_541 = tpu.memref_slice %arg8[%scan3A_218, %swap3A_539, %swap3A_540] : memref<3x200x128xf32, #tpu.memory_space<vmem>> -> memref<1x200x128xf32, #tpu.memory_space<vmem>>
        %swap3A_542 = tpu.memref_squeeze %swap3A_541 : memref<1x200x128xf32, #tpu.memory_space<vmem>> -> memref<200x128xf32, #tpu.memory_space<vmem>>
        %swap3A_543 = arith.index_cast %add3A_373 : i32 to index
        %swap3A_544 = arith.constant 112 : index
        %swap3A_545 = tpu.vector_load %swap3A_542[%swap3A_543, %swap3A_544] {strides = array<i32>} : memref<200x128xf32, #tpu.memory_space<vmem>>, vector<1x16xf32>,
        %swap3A_546 = vector.shape_cast %swap3A_545 : vector<1x16xf32> to vector<16xf32>
        %swap3A_547 = vector.shape_cast %add3A_538 : vector<16xf32> to vector<1x16xf32>
        tpu.vector_store %swap3A_542[%swap3A_543, %swap3A_544], %swap3A_547 {strides = array<i32>} : memref<200x128xf32, #tpu.memory_space<vmem>>, vector<1x16xf32>,
        %add3A_548 = arith.constant 1 : i32
        %add3A_549 = arith.addi %mul3A_371, %add3A_548 : i32
        %get3A_550 = arith.constant 0 : i32
        %get3A_551 = arith.constant 0 : i32
        %get3A_552 = tpu.memref_slice %arg8[%scan3A_218, %get3A_550, %get3A_551] : memref<3x200x128xf32, #tpu.memory_space<vmem>> -> memref<1x200x128xf32, #tpu.memory_space<vmem>>
        %get3A_553 = tpu.memref_squeeze %get3A_552 : memref<1x200x128xf32, #tpu.memory_space<vmem>> -> memref<200x128xf32, #tpu.memory_space<vmem>>
        %get3A_554 = arith.index_cast %add3A_549 : i32 to index
        %get3A_555 = arith.constant 0 : index
        %get3A_556 = tpu.vector_load %get3A_553[%get3A_554, %get3A_555] {strides = array<i32>} : memref<200x128xf32, #tpu.memory_space<vmem>>, vector<1x16xf32>,
        %get3A_557 = vector.shape_cast %get3A_556 : vector<1x16xf32> to vector<16xf32>
        %get3A_558 = arith.index_cast %add3A_549 : i32 to index
        %get3A_559 = arith.constant 0 : index
        %get3A_560 = tpu.vector_load %arg7[%get3A_558, %get3A_559] {strides = array<i32>} : memref<200x128xf32, #tpu.memory_space<vmem>>, vector<1x16xf32>,
        %get3A_561 = vector.shape_cast %get3A_560 : vector<1x16xf32> to vector<16xf32>
        %add3A_562 = arith.addf %get3A_557, %get3A_561 : vector<16xf32>
        %swap3A_563 = arith.constant 0 : i32
        %swap3A_564 = arith.constant 0 : i32
        %swap3A_565 = tpu.memref_slice %arg8[%scan3A_218, %swap3A_563, %swap3A_564] : memref<3x200x128xf32, #tpu.memory_space<vmem>> -> memref<1x200x128xf32, #tpu.memory_space<vmem>>
        %swap3A_566 = tpu.memref_squeeze %swap3A_565 : memref<1x200x128xf32, #tpu.memory_space<vmem>> -> memref<200x128xf32, #tpu.memory_space<vmem>>
        %swap3A_567 = arith.index_cast %add3A_549 : i32 to index
        %swap3A_568 = arith.constant 0 : index
        %swap3A_569 = tpu.vector_load %swap3A_566[%swap3A_567, %swap3A_568] {strides = array<i32>} : memref<200x128xf32, #tpu.memory_space<vmem>>, vector<1x16xf32>,
        %swap3A_570 = vector.shape_cast %swap3A_569 : vector<1x16xf32> to vector<16xf32>
        %swap3A_571 = vector.shape_cast %add3A_562 : vector<16xf32> to vector<1x16xf32>
        tpu.vector_store %swap3A_566[%swap3A_567, %swap3A_568], %swap3A_571 {strides = array<i32>} : memref<200x128xf32, #tpu.memory_space<vmem>>, vector<1x16xf32>,
        %get3A_572 = arith.constant 0 : i32
        %get3A_573 = arith.constant 0 : i32
        %get3A_574 = tpu.memref_slice %arg8[%scan3A_218, %get3A_572, %get3A_573] : memref<3x200x128xf32, #tpu.memory_space<vmem>> -> memref<1x200x128xf32, #tpu.memory_space<vmem>>
        %get3A_575 = tpu.memref_squeeze %get3A_574 : memref<1x200x128xf32, #tpu.memory_space<vmem>> -> memref<200x128xf32, #tpu.memory_space<vmem>>
        %get3A_576 = arith.index_cast %add3A_549 : i32 to index
        %get3A_577 = arith.constant 16 : index
        %get3A_578 = tpu.vector_load %get3A_575[%get3A_576, %get3A_577] {strides = array<i32>} : memref<200x128xf32, #tpu.memory_space<vmem>>, vector<1x16xf32>,
        %get3A_579 = vector.shape_cast %get3A_578 : vector<1x16xf32> to vector<16xf32>
        %get3A_580 = arith.index_cast %add3A_549 : i32 to index
        %get3A_581 = arith.constant 16 : index
        %get3A_582 = tpu.vector_load %arg7[%get3A_580, %get3A_581] {strides = array<i32>} : memref<200x128xf32, #tpu.memory_space<vmem>>, vector<1x16xf32>,
        %get3A_583 = vector.shape_cast %get3A_582 : vector<1x16xf32> to vector<16xf32>
        %add3A_584 = arith.addf %get3A_579, %get3A_583 : vector<16xf32>
        %swap3A_585 = arith.constant 0 : i32
        %swap3A_586 = arith.constant 0 : i32
        %swap3A_587 = tpu.memref_slice %arg8[%scan3A_218, %swap3A_585, %swap3A_586] : memref<3x200x128xf32, #tpu.memory_space<vmem>> -> memref<1x200x128xf32, #tpu.memory_space<vmem>>
        %swap3A_588 = tpu.memref_squeeze %swap3A_587 : memref<1x200x128xf32, #tpu.memory_space<vmem>> -> memref<200x128xf32, #tpu.memory_space<vmem>>
        %swap3A_589 = arith.index_cast %add3A_549 : i32 to index
        %swap3A_590 = arith.constant 16 : index
        %swap3A_591 = tpu.vector_load %swap3A_588[%swap3A_589, %swap3A_590] {strides = array<i32>} : memref<200x128xf32, #tpu.memory_space<vmem>>, vector<1x16xf32>,
        %swap3A_592 = vector.shape_cast %swap3A_591 : vector<1x16xf32> to vector<16xf32>
        %swap3A_593 = vector.shape_cast %add3A_584 : vector<16xf32> to vector<1x16xf32>
        tpu.vector_store %swap3A_588[%swap3A_589, %swap3A_590], %swap3A_593 {strides = array<i32>} : memref<200x128xf32, #tpu.memory_space<vmem>>, vector<1x16xf32>,
        %get3A_594 = arith.constant 0 : i32
        %get3A_595 = arith.constant 0 : i32
        %get3A_596 = tpu.memref_slice %arg8[%scan3A_218, %get3A_594, %get3A_595] : memref<3x200x128xf32, #tpu.memory_space<vmem>> -> memref<1x200x128xf32, #tpu.memory_space<vmem>>
        %get3A_597 = tpu.memref_squeeze %get3A_596 : memref<1x200x128xf32, #tpu.memory_space<vmem>> -> memref<200x128xf32, #tpu.memory_space<vmem>>
        %get3A_598 = arith.index_cast %add3A_549 : i32 to index
        %get3A_599 = arith.constant 32 : index
        %get3A_600 = tpu.vector_load %get3A_597[%get3A_598, %get3A_599] {strides = array<i32>} : memref<200x128xf32, #tpu.memory_space<vmem>>, vector<1x16xf32>,
        %get3A_601 = vector.shape_cast %get3A_600 : vector<1x16xf32> to vector<16xf32>
        %get3A_602 = arith.index_cast %add3A_549 : i32 to index
        %get3A_603 = arith.constant 32 : index
        %get3A_604 = tpu.vector_load %arg7[%get3A_602, %get3A_603] {strides = array<i32>} : memref<200x128xf32, #tpu.memory_space<vmem>>, vector<1x16xf32>,
        %get3A_605 = vector.shape_cast %get3A_604 : vector<1x16xf32> to vector<16xf32>
        %add3A_606 = arith.addf %get3A_601, %get3A_605 : vector<16xf32>
        %swap3A_607 = arith.constant 0 : i32
        %swap3A_608 = arith.constant 0 : i32
        %swap3A_609 = tpu.memref_slice %arg8[%scan3A_218, %swap3A_607, %swap3A_608] : memref<3x200x128xf32, #tpu.memory_space<vmem>> -> memref<1x200x128xf32, #tpu.memory_space<vmem>>
        %swap3A_610 = tpu.memref_squeeze %swap3A_609 : memref<1x200x128xf32, #tpu.memory_space<vmem>> -> memref<200x128xf32, #tpu.memory_space<vmem>>
        %swap3A_611 = arith.index_cast %add3A_549 : i32 to index
        %swap3A_612 = arith.constant 32 : index
        %swap3A_613 = tpu.vector_load %swap3A_610[%swap3A_611, %swap3A_612] {strides = array<i32>} : memref<200x128xf32, #tpu.memory_space<vmem>>, vector<1x16xf32>,
        %swap3A_614 = vector.shape_cast %swap3A_613 : vector<1x16xf32> to vector<16xf32>
        %swap3A_615 = vector.shape_cast %add3A_606 : vector<16xf32> to vector<1x16xf32>
        tpu.vector_store %swap3A_610[%swap3A_611, %swap3A_612], %swap3A_615 {strides = array<i32>} : memref<200x128xf32, #tpu.memory_space<vmem>>, vector<1x16xf32>,
        %get3A_616 = arith.constant 0 : i32
        %get3A_617 = arith.constant 0 : i32
        %get3A_618 = tpu.memref_slice %arg8[%scan3A_218, %get3A_616, %get3A_617] : memref<3x200x128xf32, #tpu.memory_space<vmem>> -> memref<1x200x128xf32, #tpu.memory_space<vmem>>
        %get3A_619 = tpu.memref_squeeze %get3A_618 : memref<1x200x128xf32, #tpu.memory_space<vmem>> -> memref<200x128xf32, #tpu.memory_space<vmem>>
        %get3A_620 = arith.index_cast %add3A_549 : i32 to index
        %get3A_621 = arith.constant 48 : index
        %get3A_622 = tpu.vector_load %get3A_619[%get3A_620, %get3A_621] {strides = array<i32>} : memref<200x128xf32, #tpu.memory_space<vmem>>, vector<1x16xf32>,
        %get3A_623 = vector.shape_cast %get3A_622 : vector<1x16xf32> to vector<16xf32>
        %get3A_624 = arith.index_cast %add3A_549 : i32 to index
        %get3A_625 = arith.constant 48 : index
        %get3A_626 = tpu.vector_load %arg7[%get3A_624, %get3A_625] {strides = array<i32>} : memref<200x128xf32, #tpu.memory_space<vmem>>, vector<1x16xf32>,
        %get3A_627 = vector.shape_cast %get3A_626 : vector<1x16xf32> to vector<16xf32>
        %add3A_628 = arith.addf %get3A_623, %get3A_627 : vector<16xf32>
        %swap3A_629 = arith.constant 0 : i32
        %swap3A_630 = arith.constant 0 : i32
        %swap3A_631 = tpu.memref_slice %arg8[%scan3A_218, %swap3A_629, %swap3A_630] : memref<3x200x128xf32, #tpu.memory_space<vmem>> -> memref<1x200x128xf32, #tpu.memory_space<vmem>>
        %swap3A_632 = tpu.memref_squeeze %swap3A_631 : memref<1x200x128xf32, #tpu.memory_space<vmem>> -> memref<200x128xf32, #tpu.memory_space<vmem>>
        %swap3A_633 = arith.index_cast %add3A_549 : i32 to index
        %swap3A_634 = arith.constant 48 : index
        %swap3A_635 = tpu.vector_load %swap3A_632[%swap3A_633, %swap3A_634] {strides = array<i32>} : memref<200x128xf32, #tpu.memory_space<vmem>>, vector<1x16xf32>,
        %swap3A_636 = vector.shape_cast %swap3A_635 : vector<1x16xf32> to vector<16xf32>
        %swap3A_637 = vector.shape_cast %add3A_628 : vector<16xf32> to vector<1x16xf32>
        tpu.vector_store %swap3A_632[%swap3A_633, %swap3A_634], %swap3A_637 {strides = array<i32>} : memref<200x128xf32, #tpu.memory_space<vmem>>, vector<1x16xf32>,
        %get3A_638 = arith.constant 0 : i32
        %get3A_639 = arith.constant 0 : i32
        %get3A_640 = tpu.memref_slice %arg8[%scan3A_218, %get3A_638, %get3A_639] : memref<3x200x128xf32, #tpu.memory_space<vmem>> -> memref<1x200x128xf32, #tpu.memory_space<vmem>>
        %get3A_641 = tpu.memref_squeeze %get3A_640 : memref<1x200x128xf32, #tpu.memory_space<vmem>> -> memref<200x128xf32, #tpu.memory_space<vmem>>
        %get3A_642 = arith.index_cast %add3A_549 : i32 to index
        %get3A_643 = arith.constant 64 : index
        %get3A_644 = tpu.vector_load %get3A_641[%get3A_642, %get3A_643] {strides = array<i32>} : memref<200x128xf32, #tpu.memory_space<vmem>>, vector<1x16xf32>,
        %get3A_645 = vector.shape_cast %get3A_644 : vector<1x16xf32> to vector<16xf32>
        %get3A_646 = arith.index_cast %add3A_549 : i32 to index
        %get3A_647 = arith.constant 64 : index
        %get3A_648 = tpu.vector_load %arg7[%get3A_646, %get3A_647] {strides = array<i32>} : memref<200x128xf32, #tpu.memory_space<vmem>>, vector<1x16xf32>,
        %get3A_649 = vector.shape_cast %get3A_648 : vector<1x16xf32> to vector<16xf32>
        %add3A_650 = arith.addf %get3A_645, %get3A_649 : vector<16xf32>
        %swap3A_651 = arith.constant 0 : i32
        %swap3A_652 = arith.constant 0 : i32
        %swap3A_653 = tpu.memref_slice %arg8[%scan3A_218, %swap3A_651, %swap3A_652] : memref<3x200x128xf32, #tpu.memory_space<vmem>> -> memref<1x200x128xf32, #tpu.memory_space<vmem>>
        %swap3A_654 = tpu.memref_squeeze %swap3A_653 : memref<1x200x128xf32, #tpu.memory_space<vmem>> -> memref<200x128xf32, #tpu.memory_space<vmem>>
        %swap3A_655 = arith.index_cast %add3A_549 : i32 to index
        %swap3A_656 = arith.constant 64 : index
        %swap3A_657 = tpu.vector_load %swap3A_654[%swap3A_655, %swap3A_656] {strides = array<i32>} : memref<200x128xf32, #tpu.memory_space<vmem>>, vector<1x16xf32>,
        %swap3A_658 = vector.shape_cast %swap3A_657 : vector<1x16xf32> to vector<16xf32>
        %swap3A_659 = vector.shape_cast %add3A_650 : vector<16xf32> to vector<1x16xf32>
        tpu.vector_store %swap3A_654[%swap3A_655, %swap3A_656], %swap3A_659 {strides = array<i32>} : memref<200x128xf32, #tpu.memory_space<vmem>>, vector<1x16xf32>,
        %get3A_660 = arith.constant 0 : i32
        %get3A_661 = arith.constant 0 : i32
        %get3A_662 = tpu.memref_slice %arg8[%scan3A_218, %get3A_660, %get3A_661] : memref<3x200x128xf32, #tpu.memory_space<vmem>> -> memref<1x200x128xf32, #tpu.memory_space<vmem>>
        %get3A_663 = tpu.memref_squeeze %get3A_662 : memref<1x200x128xf32, #tpu.memory_space<vmem>> -> memref<200x128xf32, #tpu.memory_space<vmem>>
        %get3A_664 = arith.index_cast %add3A_549 : i32 to index
        %get3A_665 = arith.constant 80 : index
        %get3A_666 = tpu.vector_load %get3A_663[%get3A_664, %get3A_665] {strides = array<i32>} : memref<200x128xf32, #tpu.memory_space<vmem>>, vector<1x16xf32>,
        %get3A_667 = vector.shape_cast %get3A_666 : vector<1x16xf32> to vector<16xf32>
        %get3A_668 = arith.index_cast %add3A_549 : i32 to index
        %get3A_669 = arith.constant 80 : index
        %get3A_670 = tpu.vector_load %arg7[%get3A_668, %get3A_669] {strides = array<i32>} : memref<200x128xf32, #tpu.memory_space<vmem>>, vector<1x16xf32>,
        %get3A_671 = vector.shape_cast %get3A_670 : vector<1x16xf32> to vector<16xf32>
        %add3A_672 = arith.addf %get3A_667, %get3A_671 : vector<16xf32>
        %swap3A_673 = arith.constant 0 : i32
        %swap3A_674 = arith.constant 0 : i32
        %swap3A_675 = tpu.memref_slice %arg8[%scan3A_218, %swap3A_673, %swap3A_674] : memref<3x200x128xf32, #tpu.memory_space<vmem>> -> memref<1x200x128xf32, #tpu.memory_space<vmem>>
        %swap3A_676 = tpu.memref_squeeze %swap3A_675 : memref<1x200x128xf32, #tpu.memory_space<vmem>> -> memref<200x128xf32, #tpu.memory_space<vmem>>
        %swap3A_677 = arith.index_cast %add3A_549 : i32 to index
        %swap3A_678 = arith.constant 80 : index
        %swap3A_679 = tpu.vector_load %swap3A_676[%swap3A_677, %swap3A_678] {strides = array<i32>} : memref<200x128xf32, #tpu.memory_space<vmem>>, vector<1x16xf32>,
        %swap3A_680 = vector.shape_cast %swap3A_679 : vector<1x16xf32> to vector<16xf32>
        %swap3A_681 = vector.shape_cast %add3A_672 : vector<16xf32> to vector<1x16xf32>
        tpu.vector_store %swap3A_676[%swap3A_677, %swap3A_678], %swap3A_681 {strides = array<i32>} : memref<200x128xf32, #tpu.memory_space<vmem>>, vector<1x16xf32>,
        %get3A_682 = arith.constant 0 : i32
        %get3A_683 = arith.constant 0 : i32
        %get3A_684 = tpu.memref_slice %arg8[%scan3A_218, %get3A_682, %get3A_683] : memref<3x200x128xf32, #tpu.memory_space<vmem>> -> memref<1x200x128xf32, #tpu.memory_space<vmem>>
        %get3A_685 = tpu.memref_squeeze %get3A_684 : memref<1x200x128xf32, #tpu.memory_space<vmem>> -> memref<200x128xf32, #tpu.memory_space<vmem>>
        %get3A_686 = arith.index_cast %add3A_549 : i32 to index
        %get3A_687 = arith.constant 96 : index
        %get3A_688 = tpu.vector_load %get3A_685[%get3A_686, %get3A_687] {strides = array<i32>} : memref<200x128xf32, #tpu.memory_space<vmem>>, vector<1x16xf32>,
        %get3A_689 = vector.shape_cast %get3A_688 : vector<1x16xf32> to vector<16xf32>
        %get3A_690 = arith.index_cast %add3A_549 : i32 to index
        %get3A_691 = arith.constant 96 : index
        %get3A_692 = tpu.vector_load %arg7[%get3A_690, %get3A_691] {strides = array<i32>} : memref<200x128xf32, #tpu.memory_space<vmem>>, vector<1x16xf32>,
        %get3A_693 = vector.shape_cast %get3A_692 : vector<1x16xf32> to vector<16xf32>
        %add3A_694 = arith.addf %get3A_689, %get3A_693 : vector<16xf32>
        %swap3A_695 = arith.constant 0 : i32
        %swap3A_696 = arith.constant 0 : i32
        %swap3A_697 = tpu.memref_slice %arg8[%scan3A_218, %swap3A_695, %swap3A_696] : memref<3x200x128xf32, #tpu.memory_space<vmem>> -> memref<1x200x128xf32, #tpu.memory_space<vmem>>
        %swap3A_698 = tpu.memref_squeeze %swap3A_697 : memref<1x200x128xf32, #tpu.memory_space<vmem>> -> memref<200x128xf32, #tpu.memory_space<vmem>>
        %swap3A_699 = arith.index_cast %add3A_549 : i32 to index
        %swap3A_700 = arith.constant 96 : index
        %swap3A_701 = tpu.vector_load %swap3A_698[%swap3A_699, %swap3A_700] {strides = array<i32>} : memref<200x128xf32, #tpu.memory_space<vmem>>, vector<1x16xf32>,
        %swap3A_702 = vector.shape_cast %swap3A_701 : vector<1x16xf32> to vector<16xf32>
        %swap3A_703 = vector.shape_cast %add3A_694 : vector<16xf32> to vector<1x16xf32>
        tpu.vector_store %swap3A_698[%swap3A_699, %swap3A_700], %swap3A_703 {strides = array<i32>} : memref<200x128xf32, #tpu.memory_space<vmem>>, vector<1x16xf32>,
        %get3A_704 = arith.constant 0 : i32
        %get3A_705 = arith.constant 0 : i32
        %get3A_706 = tpu.memref_slice %arg8[%scan3A_218, %get3A_704, %get3A_705] : memref<3x200x128xf32, #tpu.memory_space<vmem>> -> memref<1x200x128xf32, #tpu.memory_space<vmem>>
        %get3A_707 = tpu.memref_squeeze %get3A_706 : memref<1x200x128xf32, #tpu.memory_space<vmem>> -> memref<200x128xf32, #tpu.memory_space<vmem>>
        %get3A_708 = arith.index_cast %add3A_549 : i32 to index
        %get3A_709 = arith.constant 112 : index
        %get3A_710 = tpu.vector_load %get3A_707[%get3A_708, %get3A_709] {strides = array<i32>} : memref<200x128xf32, #tpu.memory_space<vmem>>, vector<1x16xf32>,
        %get3A_711 = vector.shape_cast %get3A_710 : vector<1x16xf32> to vector<16xf32>
        %get3A_712 = arith.index_cast %add3A_549 : i32 to index
        %get3A_713 = arith.constant 112 : index
        %get3A_714 = tpu.vector_load %arg7[%get3A_712, %get3A_713] {strides = array<i32>} : memref<200x128xf32, #tpu.memory_space<vmem>>, vector<1x16xf32>,
        %get3A_715 = vector.shape_cast %get3A_714 : vector<1x16xf32> to vector<16xf32>
        %add3A_716 = arith.addf %get3A_711, %get3A_715 : vector<16xf32>
        %swap3A_717 = arith.constant 0 : i32
        %swap3A_718 = arith.constant 0 : i32
        %swap3A_719 = tpu.memref_slice %arg8[%scan3A_218, %swap3A_717, %swap3A_718] : memref<3x200x128xf32, #tpu.memory_space<vmem>> -> memref<1x200x128xf32, #tpu.memory_space<vmem>>
        %swap3A_720 = tpu.memref_squeeze %swap3A_719 : memref<1x200x128xf32, #tpu.memory_space<vmem>> -> memref<200x128xf32, #tpu.memory_space<vmem>>
        %swap3A_721 = arith.index_cast %add3A_549 : i32 to index
        %swap3A_722 = arith.constant 112 : index
        %swap3A_723 = tpu.vector_load %swap3A_720[%swap3A_721, %swap3A_722] {strides = array<i32>} : memref<200x128xf32, #tpu.memory_space<vmem>>, vector<1x16xf32>,
        %swap3A_724 = vector.shape_cast %swap3A_723 : vector<1x16xf32> to vector<16xf32>
        %swap3A_725 = vector.shape_cast %add3A_716 : vector<16xf32> to vector<1x16xf32>
        tpu.vector_store %swap3A_720[%swap3A_721, %swap3A_722], %swap3A_725 {strides = array<i32>} : memref<200x128xf32, #tpu.memory_space<vmem>>, vector<1x16xf32>,
        %add3A_726 = arith.constant 2 : i32
        %add3A_727 = arith.addi %mul3A_371, %add3A_726 : i32
        %get3A_728 = arith.constant 0 : i32
        %get3A_729 = arith.constant 0 : i32
        %get3A_730 = tpu.memref_slice %arg8[%scan3A_218, %get3A_728, %get3A_729] : memref<3x200x128xf32, #tpu.memory_space<vmem>> -> memref<1x200x128xf32, #tpu.memory_space<vmem>>
        %get3A_731 = tpu.memref_squeeze %get3A_730 : memref<1x200x128xf32, #tpu.memory_space<vmem>> -> memref<200x128xf32, #tpu.memory_space<vmem>>
        %get3A_732 = arith.index_cast %add3A_727 : i32 to index
        %get3A_733 = arith.constant 0 : index
        %get3A_734 = tpu.vector_load %get3A_731[%get3A_732, %get3A_733] {strides = array<i32>} : memref<200x128xf32, #tpu.memory_space<vmem>>, vector<1x16xf32>,
        %get3A_735 = vector.shape_cast %get3A_734 : vector<1x16xf32> to vector<16xf32>
        %get3A_736 = arith.index_cast %add3A_727 : i32 to index
        %get3A_737 = arith.constant 0 : index
        %get3A_738 = tpu.vector_load %arg7[%get3A_736, %get3A_737] {strides = array<i32>} : memref<200x128xf32, #tpu.memory_space<vmem>>, vector<1x16xf32>,
        %get3A_739 = vector.shape_cast %get3A_738 : vector<1x16xf32> to vector<16xf32>
        %add3A_740 = arith.addf %get3A_735, %get3A_739 : vector<16xf32>
        %swap3A_741 = arith.constant 0 : i32
        %swap3A_742 = arith.constant 0 : i32
        %swap3A_743 = tpu.memref_slice %arg8[%scan3A_218, %swap3A_741, %swap3A_742] : memref<3x200x128xf32, #tpu.memory_space<vmem>> -> memref<1x200x128xf32, #tpu.memory_space<vmem>>
        %swap3A_744 = tpu.memref_squeeze %swap3A_743 : memref<1x200x128xf32, #tpu.memory_space<vmem>> -> memref<200x128xf32, #tpu.memory_space<vmem>>
        %swap3A_745 = arith.index_cast %add3A_727 : i32 to index
        %swap3A_746 = arith.constant 0 : index
        %swap3A_747 = tpu.vector_load %swap3A_744[%swap3A_745, %swap3A_746] {strides = array<i32>} : memref<200x128xf32, #tpu.memory_space<vmem>>, vector<1x16xf32>,
        %swap3A_748 = vector.shape_cast %swap3A_747 : vector<1x16xf32> to vector<16xf32>
        %swap3A_749 = vector.shape_cast %add3A_740 : vector<16xf32> to vector<1x16xf32>
        tpu.vector_store %swap3A_744[%swap3A_745, %swap3A_746], %swap3A_749 {strides = array<i32>} : memref<200x128xf32, #tpu.memory_space<vmem>>, vector<1x16xf32>,
        %get3A_750 = arith.constant 0 : i32
        %get3A_751 = arith.constant 0 : i32
        %get3A_752 = tpu.memref_slice %arg8[%scan3A_218, %get3A_750, %get3A_751] : memref<3x200x128xf32, #tpu.memory_space<vmem>> -> memref<1x200x128xf32, #tpu.memory_space<vmem>>
        %get3A_753 = tpu.memref_squeeze %get3A_752 : memref<1x200x128xf32, #tpu.memory_space<vmem>> -> memref<200x128xf32, #tpu.memory_space<vmem>>
        %get3A_754 = arith.index_cast %add3A_727 : i32 to index
        %get3A_755 = arith.constant 16 : index
        %get3A_756 = tpu.vector_load %get3A_753[%get3A_754, %get3A_755] {strides = array<i32>} : memref<200x128xf32, #tpu.memory_space<vmem>>, vector<1x16xf32>,
        %get3A_757 = vector.shape_cast %get3A_756 : vector<1x16xf32> to vector<16xf32>
        %get3A_758 = arith.index_cast %add3A_727 : i32 to index
        %get3A_759 = arith.constant 16 : index
        %get3A_760 = tpu.vector_load %arg7[%get3A_758, %get3A_759] {strides = array<i32>} : memref<200x128xf32, #tpu.memory_space<vmem>>, vector<1x16xf32>,
        %get3A_761 = vector.shape_cast %get3A_760 : vector<1x16xf32> to vector<16xf32>
        %add3A_762 = arith.addf %get3A_757, %get3A_761 : vector<16xf32>
        %swap3A_763 = arith.constant 0 : i32
        %swap3A_764 = arith.constant 0 : i32
        %swap3A_765 = tpu.memref_slice %arg8[%scan3A_218, %swap3A_763, %swap3A_764] : memref<3x200x128xf32, #tpu.memory_space<vmem>> -> memref<1x200x128xf32, #tpu.memory_space<vmem>>
        %swap3A_766 = tpu.memref_squeeze %swap3A_765 : memref<1x200x128xf32, #tpu.memory_space<vmem>> -> memref<200x128xf32, #tpu.memory_space<vmem>>
        %swap3A_767 = arith.index_cast %add3A_727 : i32 to index
        %swap3A_768 = arith.constant 16 : index
        %swap3A_769 = tpu.vector_load %swap3A_766[%swap3A_767, %swap3A_768] {strides = array<i32>} : memref<200x128xf32, #tpu.memory_space<vmem>>, vector<1x16xf32>,
        %swap3A_770 = vector.shape_cast %swap3A_769 : vector<1x16xf32> to vector<16xf32>
        %swap3A_771 = vector.shape_cast %add3A_762 : vector<16xf32> to vector<1x16xf32>
        tpu.vector_store %swap3A_766[%swap3A_767, %swap3A_768], %swap3A_771 {strides = array<i32>} : memref<200x128xf32, #tpu.memory_space<vmem>>, vector<1x16xf32>,
        %get3A_772 = arith.constant 0 : i32
        %get3A_773 = arith.constant 0 : i32
        %get3A_774 = tpu.memref_slice %arg8[%scan3A_218, %get3A_772, %get3A_773] : memref<3x200x128xf32, #tpu.memory_space<vmem>> -> memref<1x200x128xf32, #tpu.memory_space<vmem>>
        %get3A_775 = tpu.memref_squeeze %get3A_774 : memref<1x200x128xf32, #tpu.memory_space<vmem>> -> memref<200x128xf32, #tpu.memory_space<vmem>>
        %get3A_776 = arith.index_cast %add3A_727 : i32 to index
        %get3A_777 = arith.constant 32 : index
        %get3A_778 = tpu.vector_load %get3A_775[%get3A_776, %get3A_777] {strides = array<i32>} : memref<200x128xf32, #tpu.memory_space<vmem>>, vector<1x16xf32>,
        %get3A_779 = vector.shape_cast %get3A_778 : vector<1x16xf32> to vector<16xf32>
        %get3A_780 = arith.index_cast %add3A_727 : i32 to index
        %get3A_781 = arith.constant 32 : index
        %get3A_782 = tpu.vector_load %arg7[%get3A_780, %get3A_781] {strides = array<i32>} : memref<200x128xf32, #tpu.memory_space<vmem>>, vector<1x16xf32>,
        %get3A_783 = vector.shape_cast %get3A_782 : vector<1x16xf32> to vector<16xf32>
        %add3A_784 = arith.addf %get3A_779, %get3A_783 : vector<16xf32>
        %swap3A_785 = arith.constant 0 : i32
        %swap3A_786 = arith.constant 0 : i32
        %swap3A_787 = tpu.memref_slice %arg8[%scan3A_218, %swap3A_785, %swap3A_786] : memref<3x200x128xf32, #tpu.memory_space<vmem>> -> memref<1x200x128xf32, #tpu.memory_space<vmem>>
        %swap3A_788 = tpu.memref_squeeze %swap3A_787 : memref<1x200x128xf32, #tpu.memory_space<vmem>> -> memref<200x128xf32, #tpu.memory_space<vmem>>
        %swap3A_789 = arith.index_cast %add3A_727 : i32 to index
        %swap3A_790 = arith.constant 32 : index
        %swap3A_791 = tpu.vector_load %swap3A_788[%swap3A_789, %swap3A_790] {strides = array<i32>} : memref<200x128xf32, #tpu.memory_space<vmem>>, vector<1x16xf32>,
        %swap3A_792 = vector.shape_cast %swap3A_791 : vector<1x16xf32> to vector<16xf32>
        %swap3A_793 = vector.shape_cast %add3A_784 : vector<16xf32> to vector<1x16xf32>
        tpu.vector_store %swap3A_788[%swap3A_789, %swap3A_790], %swap3A_793 {strides = array<i32>} : memref<200x128xf32, #tpu.memory_space<vmem>>, vector<1x16xf32>,
        %get3A_794 = arith.constant 0 : i32
        %get3A_795 = arith.constant 0 : i32
        %get3A_796 = tpu.memref_slice %arg8[%scan3A_218, %get3A_794, %get3A_795] : memref<3x200x128xf32, #tpu.memory_space<vmem>> -> memref<1x200x128xf32, #tpu.memory_space<vmem>>
        %get3A_797 = tpu.memref_squeeze %get3A_796 : memref<1x200x128xf32, #tpu.memory_space<vmem>> -> memref<200x128xf32, #tpu.memory_space<vmem>>
        %get3A_798 = arith.index_cast %add3A_727 : i32 to index
        %get3A_799 = arith.constant 48 : index
        %get3A_800 = tpu.vector_load %get3A_797[%get3A_798, %get3A_799] {strides = array<i32>} : memref<200x128xf32, #tpu.memory_space<vmem>>, vector<1x16xf32>,
        %get3A_801 = vector.shape_cast %get3A_800 : vector<1x16xf32> to vector<16xf32>
        %get3A_802 = arith.index_cast %add3A_727 : i32 to index
        %get3A_803 = arith.constant 48 : index
        %get3A_804 = tpu.vector_load %arg7[%get3A_802, %get3A_803] {strides = array<i32>} : memref<200x128xf32, #tpu.memory_space<vmem>>, vector<1x16xf32>,
        %get3A_805 = vector.shape_cast %get3A_804 : vector<1x16xf32> to vector<16xf32>
        %add3A_806 = arith.addf %get3A_801, %get3A_805 : vector<16xf32>
        %swap3A_807 = arith.constant 0 : i32
        %swap3A_808 = arith.constant 0 : i32
        %swap3A_809 = tpu.memref_slice %arg8[%scan3A_218, %swap3A_807, %swap3A_808] : memref<3x200x128xf32, #tpu.memory_space<vmem>> -> memref<1x200x128xf32, #tpu.memory_space<vmem>>
        %swap3A_810 = tpu.memref_squeeze %swap3A_809 : memref<1x200x128xf32, #tpu.memory_space<vmem>> -> memref<200x128xf32, #tpu.memory_space<vmem>>
        %swap3A_811 = arith.index_cast %add3A_727 : i32 to index
        %swap3A_812 = arith.constant 48 : index
        %swap3A_813 = tpu.vector_load %swap3A_810[%swap3A_811, %swap3A_812] {strides = array<i32>} : memref<200x128xf32, #tpu.memory_space<vmem>>, vector<1x16xf32>,
        %swap3A_814 = vector.shape_cast %swap3A_813 : vector<1x16xf32> to vector<16xf32>
        %swap3A_815 = vector.shape_cast %add3A_806 : vector<16xf32> to vector<1x16xf32>
        tpu.vector_store %swap3A_810[%swap3A_811, %swap3A_812], %swap3A_815 {strides = array<i32>} : memref<200x128xf32, #tpu.memory_space<vmem>>, vector<1x16xf32>,
        %get3A_816 = arith.constant 0 : i32
        %get3A_817 = arith.constant 0 : i32
        %get3A_818 = tpu.memref_slice %arg8[%scan3A_218, %get3A_816, %get3A_817] : memref<3x200x128xf32, #tpu.memory_space<vmem>> -> memref<1x200x128xf32, #tpu.memory_space<vmem>>
        %get3A_819 = tpu.memref_squeeze %get3A_818 : memref<1x200x128xf32, #tpu.memory_space<vmem>> -> memref<200x128xf32, #tpu.memory_space<vmem>>
        %get3A_820 = arith.index_cast %add3A_727 : i32 to index
        %get3A_821 = arith.constant 64 : index
        %get3A_822 = tpu.vector_load %get3A_819[%get3A_820, %get3A_821] {strides = array<i32>} : memref<200x128xf32, #tpu.memory_space<vmem>>, vector<1x16xf32>,
        %get3A_823 = vector.shape_cast %get3A_822 : vector<1x16xf32> to vector<16xf32>
        %get3A_824 = arith.index_cast %add3A_727 : i32 to index
        %get3A_825 = arith.constant 64 : index
        %get3A_826 = tpu.vector_load %arg7[%get3A_824, %get3A_825] {strides = array<i32>} : memref<200x128xf32, #tpu.memory_space<vmem>>, vector<1x16xf32>,
        %get3A_827 = vector.shape_cast %get3A_826 : vector<1x16xf32> to vector<16xf32>
        %add3A_828 = arith.addf %get3A_823, %get3A_827 : vector<16xf32>
        %swap3A_829 = arith.constant 0 : i32
        %swap3A_830 = arith.constant 0 : i32
        %swap3A_831 = tpu.memref_slice %arg8[%scan3A_218, %swap3A_829, %swap3A_830] : memref<3x200x128xf32, #tpu.memory_space<vmem>> -> memref<1x200x128xf32, #tpu.memory_space<vmem>>
        %swap3A_832 = tpu.memref_squeeze %swap3A_831 : memref<1x200x128xf32, #tpu.memory_space<vmem>> -> memref<200x128xf32, #tpu.memory_space<vmem>>
        %swap3A_833 = arith.index_cast %add3A_727 : i32 to index
        %swap3A_834 = arith.constant 64 : index
        %swap3A_835 = tpu.vector_load %swap3A_832[%swap3A_833, %swap3A_834] {strides = array<i32>} : memref<200x128xf32, #tpu.memory_space<vmem>>, vector<1x16xf32>,
        %swap3A_836 = vector.shape_cast %swap3A_835 : vector<1x16xf32> to vector<16xf32>
        %swap3A_837 = vector.shape_cast %add3A_828 : vector<16xf32> to vector<1x16xf32>
        tpu.vector_store %swap3A_832[%swap3A_833, %swap3A_834], %swap3A_837 {strides = array<i32>} : memref<200x128xf32, #tpu.memory_space<vmem>>, vector<1x16xf32>,
        %get3A_838 = arith.constant 0 : i32
        %get3A_839 = arith.constant 0 : i32
        %get3A_840 = tpu.memref_slice %arg8[%scan3A_218, %get3A_838, %get3A_839] : memref<3x200x128xf32, #tpu.memory_space<vmem>> -> memref<1x200x128xf32, #tpu.memory_space<vmem>>
        %get3A_841 = tpu.memref_squeeze %get3A_840 : memref<1x200x128xf32, #tpu.memory_space<vmem>> -> memref<200x128xf32, #tpu.memory_space<vmem>>
        %get3A_842 = arith.index_cast %add3A_727 : i32 to index
        %get3A_843 = arith.constant 80 : index
        %get3A_844 = tpu.vector_load %get3A_841[%get3A_842, %get3A_843] {strides = array<i32>} : memref<200x128xf32, #tpu.memory_space<vmem>>, vector<1x16xf32>,
        %get3A_845 = vector.shape_cast %get3A_844 : vector<1x16xf32> to vector<16xf32>
        %get3A_846 = arith.index_cast %add3A_727 : i32 to index
        %get3A_847 = arith.constant 80 : index
        %get3A_848 = tpu.vector_load %arg7[%get3A_846, %get3A_847] {strides = array<i32>} : memref<200x128xf32, #tpu.memory_space<vmem>>, vector<1x16xf32>,
        %get3A_849 = vector.shape_cast %get3A_848 : vector<1x16xf32> to vector<16xf32>
        %add3A_850 = arith.addf %get3A_845, %get3A_849 : vector<16xf32>
        %swap3A_851 = arith.constant 0 : i32
        %swap3A_852 = arith.constant 0 : i32
        %swap3A_853 = tpu.memref_slice %arg8[%scan3A_218, %swap3A_851, %swap3A_852] : memref<3x200x128xf32, #tpu.memory_space<vmem>> -> memref<1x200x128xf32, #tpu.memory_space<vmem>>
        %swap3A_854 = tpu.memref_squeeze %swap3A_853 : memref<1x200x128xf32, #tpu.memory_space<vmem>> -> memref<200x128xf32, #tpu.memory_space<vmem>>
        %swap3A_855 = arith.index_cast %add3A_727 : i32 to index
        %swap3A_856 = arith.constant 80 : index
        %swap3A_857 = tpu.vector_load %swap3A_854[%swap3A_855, %swap3A_856] {strides = array<i32>} : memref<200x128xf32, #tpu.memory_space<vmem>>, vector<1x16xf32>,
        %swap3A_858 = vector.shape_cast %swap3A_857 : vector<1x16xf32> to vector<16xf32>
        %swap3A_859 = vector.shape_cast %add3A_850 : vector<16xf32> to vector<1x16xf32>
        tpu.vector_store %swap3A_854[%swap3A_855, %swap3A_856], %swap3A_859 {strides = array<i32>} : memref<200x128xf32, #tpu.memory_space<vmem>>, vector<1x16xf32>,
        %get3A_860 = arith.constant 0 : i32
        %get3A_861 = arith.constant 0 : i32
        %get3A_862 = tpu.memref_slice %arg8[%scan3A_218, %get3A_860, %get3A_861] : memref<3x200x128xf32, #tpu.memory_space<vmem>> -> memref<1x200x128xf32, #tpu.memory_space<vmem>>
        %get3A_863 = tpu.memref_squeeze %get3A_862 : memref<1x200x128xf32, #tpu.memory_space<vmem>> -> memref<200x128xf32, #tpu.memory_space<vmem>>
        %get3A_864 = arith.index_cast %add3A_727 : i32 to index
        %get3A_865 = arith.constant 96 : index
        %get3A_866 = tpu.vector_load %get3A_863[%get3A_864, %get3A_865] {strides = array<i32>} : memref<200x128xf32, #tpu.memory_space<vmem>>, vector<1x16xf32>,
        %get3A_867 = vector.shape_cast %get3A_866 : vector<1x16xf32> to vector<16xf32>
        %get3A_868 = arith.index_cast %add3A_727 : i32 to index
        %get3A_869 = arith.constant 96 : index
        %get3A_870 = tpu.vector_load %arg7[%get3A_868, %get3A_869] {strides = array<i32>} : memref<200x128xf32, #tpu.memory_space<vmem>>, vector<1x16xf32>,
        %get3A_871 = vector.shape_cast %get3A_870 : vector<1x16xf32> to vector<16xf32>
        %add3A_872 = arith.addf %get3A_867, %get3A_871 : vector<16xf32>
        %swap3A_873 = arith.constant 0 : i32
        %swap3A_874 = arith.constant 0 : i32
        %swap3A_875 = tpu.memref_slice %arg8[%scan3A_218, %swap3A_873, %swap3A_874] : memref<3x200x128xf32, #tpu.memory_space<vmem>> -> memref<1x200x128xf32, #tpu.memory_space<vmem>>
        %swap3A_876 = tpu.memref_squeeze %swap3A_875 : memref<1x200x128xf32, #tpu.memory_space<vmem>> -> memref<200x128xf32, #tpu.memory_space<vmem>>
        %swap3A_877 = arith.index_cast %add3A_727 : i32 to index
        %swap3A_878 = arith.constant 96 : index
        %swap3A_879 = tpu.vector_load %swap3A_876[%swap3A_877, %swap3A_878] {strides = array<i32>} : memref<200x128xf32, #tpu.memory_space<vmem>>, vector<1x16xf32>,
        %swap3A_880 = vector.shape_cast %swap3A_879 : vector<1x16xf32> to vector<16xf32>
        %swap3A_881 = vector.shape_cast %add3A_872 : vector<16xf32> to vector<1x16xf32>
        tpu.vector_store %swap3A_876[%swap3A_877, %swap3A_878], %swap3A_881 {strides = array<i32>} : memref<200x128xf32, #tpu.memory_space<vmem>>, vector<1x16xf32>,
        %get3A_882 = arith.constant 0 : i32
        %get3A_883 = arith.constant 0 : i32
        %get3A_884 = tpu.memref_slice %arg8[%scan3A_218, %get3A_882, %get3A_883] : memref<3x200x128xf32, #tpu.memory_space<vmem>> -> memref<1x200x128xf32, #tpu.memory_space<vmem>>
        %get3A_885 = tpu.memref_squeeze %get3A_884 : memref<1x200x128xf32, #tpu.memory_space<vmem>> -> memref<200x128xf32, #tpu.memory_space<vmem>>
        %get3A_886 = arith.index_cast %add3A_727 : i32 to index
        %get3A_887 = arith.constant 112 : index
        %get3A_888 = tpu.vector_load %get3A_885[%get3A_886, %get3A_887] {strides = array<i32>} : memref<200x128xf32, #tpu.memory_space<vmem>>, vector<1x16xf32>,
        %get3A_889 = vector.shape_cast %get3A_888 : vector<1x16xf32> to vector<16xf32>
        %get3A_890 = arith.index_cast %add3A_727 : i32 to index
        %get3A_891 = arith.constant 112 : index
        %get3A_892 = tpu.vector_load %arg7[%get3A_890, %get3A_891] {strides = array<i32>} : memref<200x128xf32, #tpu.memory_space<vmem>>, vector<1x16xf32>,
        %get3A_893 = vector.shape_cast %get3A_892 : vector<1x16xf32> to vector<16xf32>
        %add3A_894 = arith.addf %get3A_889, %get3A_893 : vector<16xf32>
        %swap3A_895 = arith.constant 0 : i32
        %swap3A_896 = arith.constant 0 : i32
        %swap3A_897 = tpu.memref_slice %arg8[%scan3A_218, %swap3A_895, %swap3A_896] : memref<3x200x128xf32, #tpu.memory_space<vmem>> -> memref<1x200x128xf32, #tpu.memory_space<vmem>>
        %swap3A_898 = tpu.memref_squeeze %swap3A_897 : memref<1x200x128xf32, #tpu.memory_space<vmem>> -> memref<200x128xf32, #tpu.memory_space<vmem>>
        %swap3A_899 = arith.index_cast %add3A_727 : i32 to index
        %swap3A_900 = arith.constant 112 : index
        %swap3A_901 = tpu.vector_load %swap3A_898[%swap3A_899, %swap3A_900] {strides = array<i32>} : memref<200x128xf32, #tpu.memory_space<vmem>>, vector<1x16xf32>,
        %swap3A_902 = vector.shape_cast %swap3A_901 : vector<1x16xf32> to vector<16xf32>
        %swap3A_903 = vector.shape_cast %add3A_894 : vector<16xf32> to vector<1x16xf32>
        tpu.vector_store %swap3A_898[%swap3A_899, %swap3A_900], %swap3A_903 {strides = array<i32>} : memref<200x128xf32, #tpu.memory_space<vmem>>, vector<1x16xf32>,
        %add3A_904 = arith.constant 3 : i32
        %add3A_905 = arith.addi %mul3A_371, %add3A_904 : i32
        %get3A_906 = arith.constant 0 : i32
        %get3A_907 = arith.constant 0 : i32
        %get3A_908 = tpu.memref_slice %arg8[%scan3A_218, %get3A_906, %get3A_907] : memref<3x200x128xf32, #tpu.memory_space<vmem>> -> memref<1x200x128xf32, #tpu.memory_space<vmem>>
        %get3A_909 = tpu.memref_squeeze %get3A_908 : memref<1x200x128xf32, #tpu.memory_space<vmem>> -> memref<200x128xf32, #tpu.memory_space<vmem>>
        %get3A_910 = arith.index_cast %add3A_905 : i32 to index
        %get3A_911 = arith.constant 0 : index
        %get3A_912 = tpu.vector_load %get3A_909[%get3A_910, %get3A_911] {strides = array<i32>} : memref<200x128xf32, #tpu.memory_space<vmem>>, vector<1x16xf32>,
        %get3A_913 = vector.shape_cast %get3A_912 : vector<1x16xf32> to vector<16xf32>
        %get3A_914 = arith.index_cast %add3A_905 : i32 to index
        %get3A_915 = arith.constant 0 : index
        %get3A_916 = tpu.vector_load %arg7[%get3A_914, %get3A_915] {strides = array<i32>} : memref<200x128xf32, #tpu.memory_space<vmem>>, vector<1x16xf32>,
        %get3A_917 = vector.shape_cast %get3A_916 : vector<1x16xf32> to vector<16xf32>
        %add3A_918 = arith.addf %get3A_913, %get3A_917 : vector<16xf32>
        %swap3A_919 = arith.constant 0 : i32
        %swap3A_920 = arith.constant 0 : i32
        %swap3A_921 = tpu.memref_slice %arg8[%scan3A_218, %swap3A_919, %swap3A_920] : memref<3x200x128xf32, #tpu.memory_space<vmem>> -> memref<1x200x128xf32, #tpu.memory_space<vmem>>
        %swap3A_922 = tpu.memref_squeeze %swap3A_921 : memref<1x200x128xf32, #tpu.memory_space<vmem>> -> memref<200x128xf32, #tpu.memory_space<vmem>>
        %swap3A_923 = arith.index_cast %add3A_905 : i32 to index
        %swap3A_924 = arith.constant 0 : index
        %swap3A_925 = tpu.vector_load %swap3A_922[%swap3A_923, %swap3A_924] {strides = array<i32>} : memref<200x128xf32, #tpu.memory_space<vmem>>, vector<1x16xf32>,
        %swap3A_926 = vector.shape_cast %swap3A_925 : vector<1x16xf32> to vector<16xf32>
        %swap3A_927 = vector.shape_cast %add3A_918 : vector<16xf32> to vector<1x16xf32>
        tpu.vector_store %swap3A_922[%swap3A_923, %swap3A_924], %swap3A_927 {strides = array<i32>} : memref<200x128xf32, #tpu.memory_space<vmem>>, vector<1x16xf32>,
        %get3A_928 = arith.constant 0 : i32
        %get3A_929 = arith.constant 0 : i32
        %get3A_930 = tpu.memref_slice %arg8[%scan3A_218, %get3A_928, %get3A_929] : memref<3x200x128xf32, #tpu.memory_space<vmem>> -> memref<1x200x128xf32, #tpu.memory_space<vmem>>
        %get3A_931 = tpu.memref_squeeze %get3A_930 : memref<1x200x128xf32, #tpu.memory_space<vmem>> -> memref<200x128xf32, #tpu.memory_space<vmem>>
        %get3A_932 = arith.index_cast %add3A_905 : i32 to index
        %get3A_933 = arith.constant 16 : index
        %get3A_934 = tpu.vector_load %get3A_931[%get3A_932, %get3A_933] {strides = array<i32>} : memref<200x128xf32, #tpu.memory_space<vmem>>, vector<1x16xf32>,
        %get3A_935 = vector.shape_cast %get3A_934 : vector<1x16xf32> to vector<16xf32>
        %get3A_936 = arith.index_cast %add3A_905 : i32 to index
        %get3A_937 = arith.constant 16 : index
        %get3A_938 = tpu.vector_load %arg7[%get3A_936, %get3A_937] {strides = array<i32>} : memref<200x128xf32, #tpu.memory_space<vmem>>, vector<1x16xf32>,
        %get3A_939 = vector.shape_cast %get3A_938 : vector<1x16xf32> to vector<16xf32>
        %add3A_940 = arith.addf %get3A_935, %get3A_939 : vector<16xf32>
        %swap3A_941 = arith.constant 0 : i32
        %swap3A_942 = arith.constant 0 : i32
        %swap3A_943 = tpu.memref_slice %arg8[%scan3A_218, %swap3A_941, %swap3A_942] : memref<3x200x128xf32, #tpu.memory_space<vmem>> -> memref<1x200x128xf32, #tpu.memory_space<vmem>>
        %swap3A_944 = tpu.memref_squeeze %swap3A_943 : memref<1x200x128xf32, #tpu.memory_space<vmem>> -> memref<200x128xf32, #tpu.memory_space<vmem>>
        %swap3A_945 = arith.index_cast %add3A_905 : i32 to index
        %swap3A_946 = arith.constant 16 : index
        %swap3A_947 = tpu.vector_load %swap3A_944[%swap3A_945, %swap3A_946] {strides = array<i32>} : memref<200x128xf32, #tpu.memory_space<vmem>>, vector<1x16xf32>,
        %swap3A_948 = vector.shape_cast %swap3A_947 : vector<1x16xf32> to vector<16xf32>
        %swap3A_949 = vector.shape_cast %add3A_940 : vector<16xf32> to vector<1x16xf32>
        tpu.vector_store %swap3A_944[%swap3A_945, %swap3A_946], %swap3A_949 {strides = array<i32>} : memref<200x128xf32, #tpu.memory_space<vmem>>, vector<1x16xf32>,
        %get3A_950 = arith.constant 0 : i32
        %get3A_951 = arith.constant 0 : i32
        %get3A_952 = tpu.memref_slice %arg8[%scan3A_218, %get3A_950, %get3A_951] : memref<3x200x128xf32, #tpu.memory_space<vmem>> -> memref<1x200x128xf32, #tpu.memory_space<vmem>>
        %get3A_953 = tpu.memref_squeeze %get3A_952 : memref<1x200x128xf32, #tpu.memory_space<vmem>> -> memref<200x128xf32, #tpu.memory_space<vmem>>
        %get3A_954 = arith.index_cast %add3A_905 : i32 to index
        %get3A_955 = arith.constant 32 : index
        %get3A_956 = tpu.vector_load %get3A_953[%get3A_954, %get3A_955] {strides = array<i32>} : memref<200x128xf32, #tpu.memory_space<vmem>>, vector<1x16xf32>,
        %get3A_957 = vector.shape_cast %get3A_956 : vector<1x16xf32> to vector<16xf32>
        %get3A_958 = arith.index_cast %add3A_905 : i32 to index
        %get3A_959 = arith.constant 32 : index
        %get3A_960 = tpu.vector_load %arg7[%get3A_958, %get3A_959] {strides = array<i32>} : memref<200x128xf32, #tpu.memory_space<vmem>>, vector<1x16xf32>,
        %get3A_961 = vector.shape_cast %get3A_960 : vector<1x16xf32> to vector<16xf32>
        %add3A_962 = arith.addf %get3A_957, %get3A_961 : vector<16xf32>
        %swap3A_963 = arith.constant 0 : i32
        %swap3A_964 = arith.constant 0 : i32
        %swap3A_965 = tpu.memref_slice %arg8[%scan3A_218, %swap3A_963, %swap3A_964] : memref<3x200x128xf32, #tpu.memory_space<vmem>> -> memref<1x200x128xf32, #tpu.memory_space<vmem>>
        %swap3A_966 = tpu.memref_squeeze %swap3A_965 : memref<1x200x128xf32, #tpu.memory_space<vmem>> -> memref<200x128xf32, #tpu.memory_space<vmem>>
        %swap3A_967 = arith.index_cast %add3A_905 : i32 to index
        %swap3A_968 = arith.constant 32 : index
        %swap3A_969 = tpu.vector_load %swap3A_966[%swap3A_967, %swap3A_968] {strides = array<i32>} : memref<200x128xf32, #tpu.memory_space<vmem>>, vector<1x16xf32>,
        %swap3A_970 = vector.shape_cast %swap3A_969 : vector<1x16xf32> to vector<16xf32>
        %swap3A_971 = vector.shape_cast %add3A_962 : vector<16xf32> to vector<1x16xf32>
        tpu.vector_store %swap3A_966[%swap3A_967, %swap3A_968], %swap3A_971 {strides = array<i32>} : memref<200x128xf32, #tpu.memory_space<vmem>>, vector<1x16xf32>,
        %get3A_972 = arith.constant 0 : i32
        %get3A_973 = arith.constant 0 : i32
        %get3A_974 = tpu.memref_slice %arg8[%scan3A_218, %get3A_972, %get3A_973] : memref<3x200x128xf32, #tpu.memory_space<vmem>> -> memref<1x200x128xf32, #tpu.memory_space<vmem>>
        %get3A_975 = tpu.memref_squeeze %get3A_974 : memref<1x200x128xf32, #tpu.memory_space<vmem>> -> memref<200x128xf32, #tpu.memory_space<vmem>>
        %get3A_976 = arith.index_cast %add3A_905 : i32 to index
        %get3A_977 = arith.constant 48 : index
        %get3A_978 = tpu.vector_load %get3A_975[%get3A_976, %get3A_977] {strides = array<i32>} : memref<200x128xf32, #tpu.memory_space<vmem>>, vector<1x16xf32>,
        %get3A_979 = vector.shape_cast %get3A_978 : vector<1x16xf32> to vector<16xf32>
        %get3A_980 = arith.index_cast %add3A_905 : i32 to index
        %get3A_981 = arith.constant 48 : index
        %get3A_982 = tpu.vector_load %arg7[%get3A_980, %get3A_981] {strides = array<i32>} : memref<200x128xf32, #tpu.memory_space<vmem>>, vector<1x16xf32>,
        %get3A_983 = vector.shape_cast %get3A_982 : vector<1x16xf32> to vector<16xf32>
        %add3A_984 = arith.addf %get3A_979, %get3A_983 : vector<16xf32>
        %swap3A_985 = arith.constant 0 : i32
        %swap3A_986 = arith.constant 0 : i32
        %swap3A_987 = tpu.memref_slice %arg8[%scan3A_218, %swap3A_985, %swap3A_986] : memref<3x200x128xf32, #tpu.memory_space<vmem>> -> memref<1x200x128xf32, #tpu.memory_space<vmem>>
        %swap3A_988 = tpu.memref_squeeze %swap3A_987 : memref<1x200x128xf32, #tpu.memory_space<vmem>> -> memref<200x128xf32, #tpu.memory_space<vmem>>
        %swap3A_989 = arith.index_cast %add3A_905 : i32 to index
        %swap3A_990 = arith.constant 48 : index
        %swap3A_991 = tpu.vector_load %swap3A_988[%swap3A_989, %swap3A_990] {strides = array<i32>} : memref<200x128xf32, #tpu.memory_space<vmem>>, vector<1x16xf32>,
        %swap3A_992 = vector.shape_cast %swap3A_991 : vector<1x16xf32> to vector<16xf32>
        %swap3A_993 = vector.shape_cast %add3A_984 : vector<16xf32> to vector<1x16xf32>
        tpu.vector_store %swap3A_988[%swap3A_989, %swap3A_990], %swap3A_993 {strides = array<i32>} : memref<200x128xf32, #tpu.memory_space<vmem>>, vector<1x16xf32>,
        %get3A_994 = arith.constant 0 : i32
        %get3A_995 = arith.constant 0 : i32
        %get3A_996 = tpu.memref_slice %arg8[%scan3A_218, %get3A_994, %get3A_995] : memref<3x200x128xf32, #tpu.memory_space<vmem>> -> memref<1x200x128xf32, #tpu.memory_space<vmem>>
        %get3A_997 = tpu.memref_squeeze %get3A_996 : memref<1x200x128xf32, #tpu.memory_space<vmem>> -> memref<200x128xf32, #tpu.memory_space<vmem>>
        %get3A_998 = arith.index_cast %add3A_905 : i32 to index
        %get3A_999 = arith.constant 64 : index
        %get3A_1000 = tpu.vector_load %get3A_997[%get3A_998, %get3A_999] {strides = array<i32>} : memref<200x128xf32, #tpu.memory_space<vmem>>, vector<1x16xf32>,
        %get3A_1001 = vector.shape_cast %get3A_1000 : vector<1x16xf32> to vector<16xf32>
        %get3A_1002 = arith.index_cast %add3A_905 : i32 to index
        %get3A_1003 = arith.constant 64 : index
        %get3A_1004 = tpu.vector_load %arg7[%get3A_1002, %get3A_1003] {strides = array<i32>} : memref<200x128xf32, #tpu.memory_space<vmem>>, vector<1x16xf32>,
        %get3A_1005 = vector.shape_cast %get3A_1004 : vector<1x16xf32> to vector<16xf32>
        %add3A_1006 = arith.addf %get3A_1001, %get3A_1005 : vector<16xf32>
        %swap3A_1007 = arith.constant 0 : i32
        %swap3A_1008 = arith.constant 0 : i32
        %swap3A_1009 = tpu.memref_slice %arg8[%scan3A_218, %swap3A_1007, %swap3A_1008] : memref<3x200x128xf32, #tpu.memory_space<vmem>> -> memref<1x200x128xf32, #tpu.memory_space<vmem>>
        %swap3A_1010 = tpu.memref_squeeze %swap3A_1009 : memref<1x200x128xf32, #tpu.memory_space<vmem>> -> memref<200x128xf32, #tpu.memory_space<vmem>>
        %swap3A_1011 = arith.index_cast %add3A_905 : i32 to index
        %swap3A_1012 = arith.constant 64 : index
        %swap3A_1013 = tpu.vector_load %swap3A_1010[%swap3A_1011, %swap3A_1012] {strides = array<i32>} : memref<200x128xf32, #tpu.memory_space<vmem>>, vector<1x16xf32>,
        %swap3A_1014 = vector.shape_cast %swap3A_1013 : vector<1x16xf32> to vector<16xf32>
        %swap3A_1015 = vector.shape_cast %add3A_1006 : vector<16xf32> to vector<1x16xf32>
        tpu.vector_store %swap3A_1010[%swap3A_1011, %swap3A_1012], %swap3A_1015 {strides = array<i32>} : memref<200x128xf32, #tpu.memory_space<vmem>>, vector<1x16xf32>,
        %get3A_1016 = arith.constant 0 : i32
        %get3A_1017 = arith.constant 0 : i32
        %get3A_1018 = tpu.memref_slice %arg8[%scan3A_218, %get3A_1016, %get3A_1017] : memref<3x200x128xf32, #tpu.memory_space<vmem>> -> memref<1x200x128xf32, #tpu.memory_space<vmem>>
        %get3A_1019 = tpu.memref_squeeze %get3A_1018 : memref<1x200x128xf32, #tpu.memory_space<vmem>> -> memref<200x128xf32, #tpu.memory_space<vmem>>
        %get3A_1020 = arith.index_cast %add3A_905 : i32 to index
        %get3A_1021 = arith.constant 80 : index
        %get3A_1022 = tpu.vector_load %get3A_1019[%get3A_1020, %get3A_1021] {strides = array<i32>} : memref<200x128xf32, #tpu.memory_space<vmem>>, vector<1x16xf32>,
        %get3A_1023 = vector.shape_cast %get3A_1022 : vector<1x16xf32> to vector<16xf32>
        %get3A_1024 = arith.index_cast %add3A_905 : i32 to index
        %get3A_1025 = arith.constant 80 : index
        %get3A_1026 = tpu.vector_load %arg7[%get3A_1024, %get3A_1025] {strides = array<i32>} : memref<200x128xf32, #tpu.memory_space<vmem>>, vector<1x16xf32>,
        %get3A_1027 = vector.shape_cast %get3A_1026 : vector<1x16xf32> to vector<16xf32>
        %add3A_1028 = arith.addf %get3A_1023, %get3A_1027 : vector<16xf32>
        %swap3A_1029 = arith.constant 0 : i32
        %swap3A_1030 = arith.constant 0 : i32
        %swap3A_1031 = tpu.memref_slice %arg8[%scan3A_218, %swap3A_1029, %swap3A_1030] : memref<3x200x128xf32, #tpu.memory_space<vmem>> -> memref<1x200x128xf32, #tpu.memory_space<vmem>>
        %swap3A_1032 = tpu.memref_squeeze %swap3A_1031 : memref<1x200x128xf32, #tpu.memory_space<vmem>> -> memref<200x128xf32, #tpu.memory_space<vmem>>
        %swap3A_1033 = arith.index_cast %add3A_905 : i32 to index
        %swap3A_1034 = arith.constant 80 : index
        %swap3A_1035 = tpu.vector_load %swap3A_1032[%swap3A_1033, %swap3A_1034] {strides = array<i32>} : memref<200x128xf32, #tpu.memory_space<vmem>>, vector<1x16xf32>,
        %swap3A_1036 = vector.shape_cast %swap3A_1035 : vector<1x16xf32> to vector<16xf32>
        %swap3A_1037 = vector.shape_cast %add3A_1028 : vector<16xf32> to vector<1x16xf32>
        tpu.vector_store %swap3A_1032[%swap3A_1033, %swap3A_1034], %swap3A_1037 {strides = array<i32>} : memref<200x128xf32, #tpu.memory_space<vmem>>, vector<1x16xf32>,
        %get3A_1038 = arith.constant 0 : i32
        %get3A_1039 = arith.constant 0 : i32
        %get3A_1040 = tpu.memref_slice %arg8[%scan3A_218, %get3A_1038, %get3A_1039] : memref<3x200x128xf32, #tpu.memory_space<vmem>> -> memref<1x200x128xf32, #tpu.memory_space<vmem>>
        %get3A_1041 = tpu.memref_squeeze %get3A_1040 : memref<1x200x128xf32, #tpu.memory_space<vmem>> -> memref<200x128xf32, #tpu.memory_space<vmem>>
        %get3A_1042 = arith.index_cast %add3A_905 : i32 to index
        %get3A_1043 = arith.constant 96 : index
        %get3A_1044 = tpu.vector_load %get3A_1041[%get3A_1042, %get3A_1043] {strides = array<i32>} : memref<200x128xf32, #tpu.memory_space<vmem>>, vector<1x16xf32>,
        %get3A_1045 = vector.shape_cast %get3A_1044 : vector<1x16xf32> to vector<16xf32>
        %get3A_1046 = arith.index_cast %add3A_905 : i32 to index
        %get3A_1047 = arith.constant 96 : index
        %get3A_1048 = tpu.vector_load %arg7[%get3A_1046, %get3A_1047] {strides = array<i32>} : memref<200x128xf32, #tpu.memory_space<vmem>>, vector<1x16xf32>,
        %get3A_1049 = vector.shape_cast %get3A_1048 : vector<1x16xf32> to vector<16xf32>
        %add3A_1050 = arith.addf %get3A_1045, %get3A_1049 : vector<16xf32>
        %swap3A_1051 = arith.constant 0 : i32
        %swap3A_1052 = arith.constant 0 : i32
        %swap3A_1053 = tpu.memref_slice %arg8[%scan3A_218, %swap3A_1051, %swap3A_1052] : memref<3x200x128xf32, #tpu.memory_space<vmem>> -> memref<1x200x128xf32, #tpu.memory_space<vmem>>
        %swap3A_1054 = tpu.memref_squeeze %swap3A_1053 : memref<1x200x128xf32, #tpu.memory_space<vmem>> -> memref<200x128xf32, #tpu.memory_space<vmem>>
        %swap3A_1055 = arith.index_cast %add3A_905 : i32 to index
        %swap3A_1056 = arith.constant 96 : index
        %swap3A_1057 = tpu.vector_load %swap3A_1054[%swap3A_1055, %swap3A_1056] {strides = array<i32>} : memref<200x128xf32, #tpu.memory_space<vmem>>, vector<1x16xf32>,
        %swap3A_1058 = vector.shape_cast %swap3A_1057 : vector<1x16xf32> to vector<16xf32>
        %swap3A_1059 = vector.shape_cast %add3A_1050 : vector<16xf32> to vector<1x16xf32>
        tpu.vector_store %swap3A_1054[%swap3A_1055, %swap3A_1056], %swap3A_1059 {strides = array<i32>} : memref<200x128xf32, #tpu.memory_space<vmem>>, vector<1x16xf32>,
        %get3A_1060 = arith.constant 0 : i32
        %get3A_1061 = arith.constant 0 : i32
        %get3A_1062 = tpu.memref_slice %arg8[%scan3A_218, %get3A_1060, %get3A_1061] : memref<3x200x128xf32, #tpu.memory_space<vmem>> -> memref<1x200x128xf32, #tpu.memory_space<vmem>>
        %get3A_1063 = tpu.memref_squeeze %get3A_1062 : memref<1x200x128xf32, #tpu.memory_space<vmem>> -> memref<200x128xf32, #tpu.memory_space<vmem>>
        %get3A_1064 = arith.index_cast %add3A_905 : i32 to index
        %get3A_1065 = arith.constant 112 : index
        %get3A_1066 = tpu.vector_load %get3A_1063[%get3A_1064, %get3A_1065] {strides = array<i32>} : memref<200x128xf32, #tpu.memory_space<vmem>>, vector<1x16xf32>,
        %get3A_1067 = vector.shape_cast %get3A_1066 : vector<1x16xf32> to vector<16xf32>
        %get3A_1068 = arith.index_cast %add3A_905 : i32 to index
        %get3A_1069 = arith.constant 112 : index
        %get3A_1070 = tpu.vector_load %arg7[%get3A_1068, %get3A_1069] {strides = array<i32>} : memref<200x128xf32, #tpu.memory_space<vmem>>, vector<1x16xf32>,
        %get3A_1071 = vector.shape_cast %get3A_1070 : vector<1x16xf32> to vector<16xf32>
        %add3A_1072 = arith.addf %get3A_1067, %get3A_1071 : vector<16xf32>
        %swap3A_1073 = arith.constant 0 : i32
        %swap3A_1074 = arith.constant 0 : i32
        %swap3A_1075 = tpu.memref_slice %arg8[%scan3A_218, %swap3A_1073, %swap3A_1074] : memref<3x200x128xf32, #tpu.memory_space<vmem>> -> memref<1x200x128xf32, #tpu.memory_space<vmem>>
        %swap3A_1076 = tpu.memref_squeeze %swap3A_1075 : memref<1x200x128xf32, #tpu.memory_space<vmem>> -> memref<200x128xf32, #tpu.memory_space<vmem>>
        %swap3A_1077 = arith.index_cast %add3A_905 : i32 to index
        %swap3A_1078 = arith.constant 112 : index
        %swap3A_1079 = tpu.vector_load %swap3A_1076[%swap3A_1077, %swap3A_1078] {strides = array<i32>} : memref<200x128xf32, #tpu.memory_space<vmem>>, vector<1x16xf32>,
        %swap3A_1080 = vector.shape_cast %swap3A_1079 : vector<1x16xf32> to vector<16xf32>
        %swap3A_1081 = vector.shape_cast %add3A_1072 : vector<16xf32> to vector<1x16xf32>
        tpu.vector_store %swap3A_1076[%swap3A_1077, %swap3A_1078], %swap3A_1081 {strides = array<i32>} : memref<200x128xf32, #tpu.memory_space<vmem>>, vector<1x16xf32>,
      }
      %scan3A_223 = arith.constant 50 : i32
      %ge3A = arith.constant 1 : i32
      %ge3A_224 = arith.cmpi sge, %add3A_199, %ge3A : i32
      %convert_element_type3A = arith.extui %ge3A_224 : i1 to i32
      %cond3A = arith.constant 0 : i32
      %cond3A_225 = arith.cmpi ne, %convert_element_type3A, %cond3A : i32
      scf.if %cond3A_225 {
        %dma_wait3A_369 = arith.constant 2 : i32
        %dma_wait3A_370 = arith.constant 2 : i32
        %dma_wait3A_371 = arith.constant 0 : i32
        %dma_wait3A_372 = arith.constant 0 : i32
        %dma_wait3A_373 = tpu.memref_slice %arg8[%dma_wait3A_369, %dma_wait3A_371, %dma_wait3A_372] : memref<3x200x128xf32, #tpu.memory_space<vmem>> -> memref<1x200x128xf32, #tpu.memory_space<vmem>>
        %dma_wait3A_374 = tpu.memref_squeeze %dma_wait3A_373 : memref<1x200x128xf32, #tpu.memory_space<vmem>> -> memref<200x128xf32, #tpu.memory_space<vmem>>
        %dma_wait3A_375 = arith.constant 0 : i32
        %dma_wait3A_376 = arith.constant 0 : i32
        %dma_wait3A_377 = tpu.memref_slice %arg5[%dma_wait3A_375, %dma_wait3A_376] : memref<819200x128xf32, #tpu.memory_space<hbm>> -> memref<200x128xf32, #tpu.memory_space<hbm>>
        %dma_wait3A_378 = tpu.memref_slice %arg10[%dma_wait3A_370] : memref<3x!tpu.dma_semaphore, #tpu.memory_space<semaphore_mem>> -> memref<1x!tpu.dma_semaphore, #tpu.memory_space<semaphore_mem>>
        %dma_wait3A_379 = tpu.memref_squeeze %dma_wait3A_378 : memref<1x!tpu.dma_semaphore, #tpu.memory_space<semaphore_mem>> -> memref<!tpu.dma_semaphore, #tpu.memory_space<semaphore_mem>>
        %dma_wait3A_380 = arith.constant 0 : i32
        %dma_wait3A_381 = arith.constant 0 : i32
        %dma_wait3A_382 = tpu.memref_slice %arg5[%dma_wait3A_380, %dma_wait3A_381] : memref<819200x128xf32, #tpu.memory_space<hbm>> -> memref<200x128xf32, #tpu.memory_space<hbm>>
        %dma_wait3A_383 = arith.constant 0 : i32
        %dma_wait3A_384 = arith.constant 0 : i32
        %dma_wait3A_385 = tpu.memref_slice %arg8[%dma_wait3A_369, %dma_wait3A_383, %dma_wait3A_384] : memref<3x200x128xf32, #tpu.memory_space<vmem>> -> memref<1x200x128xf32, #tpu.memory_space<vmem>>
        %dma_wait3A_386 = tpu.memref_squeeze %dma_wait3A_385 : memref<1x200x128xf32, #tpu.memory_space<vmem>> -> memref<200x128xf32, #tpu.memory_space<vmem>>
        tpu.wait_dma2 semaphore(%dma_wait3A_379 : memref<!tpu.dma_semaphore, #tpu.memory_space<semaphore_mem>>) src(%dma_wait3A_386 : memref<200x128xf32, #tpu.memory_space<vmem>>) dst(%dma_wait3A_382 : memref<200x128xf32, #tpu.memory_space<hbm>>)
      } else {
      }
      %add3A_226 = arith.constant 2 : i32
      %add3A_227 = arith.addi %add3A_199, %add3A_226 : i32
      %lt3A = arith.constant 128 : i32
      %lt3A_228 = arith.cmpi slt, %add3A_227, %lt3A : i32
      %convert_element_type3A_229 = arith.extui %lt3A_228 : i1 to i32
      %cond3A_230 = arith.constant 0 : i32
      %cond3A_231 = arith.cmpi ne, %convert_element_type3A_229, %cond3A_230 : i32
      scf.if %cond3A_231 {
        %add3A_369 = arith.constant 2 : i32
        %add3A_370 = arith.addi %add3A_199, %add3A_369 : i32
        %mul3A_371 = arith.constant 200 : i32
        %mul3A_372 = arith.muli %add3A_370, %mul3A_371 : i32
        %dma_start3A_373 = arith.constant 2 : i32
        %dma_start3A_374 = arith.constant 2 : i32
        %dma_start3A_375 = arith.constant 0 : i32
        %dma_start3A_376 = arith.constant 0 : i32
        %dma_start3A_377 = tpu.memref_slice %arg8[%dma_start3A_373, %dma_start3A_375, %dma_start3A_376] : memref<3x200x128xf32, #tpu.memory_space<vmem>> -> memref<1x128x128xf32, #tpu.memory_space<vmem>>
        %dma_start3A_378 = tpu.memref_squeeze %dma_start3A_377 : memref<1x128x128xf32, #tpu.memory_space<vmem>> -> memref<128x128xf32, #tpu.memory_space<vmem>>
        %dma_start3A_379 = tpu.memref_slice %arg6[%mul3A_372] : memref<25600xi32, #tpu.memory_space<vmem>> -> memref<128xi32, #tpu.memory_space<vmem>>
        %dma_start3A_380 = arith.constant 0 : i32
        %dma_start3A_381 = arith.constant 0 : i32
        %dma_start3A_382 = tpu.memref_slice %arg3[%dma_start3A_380, %dma_start3A_381] : memref<100000x128xf32, #tpu.memory_space<hbm>> -> memref<100000x128xf32, #tpu.memory_space<hbm>>
        %dma_start3A_383 = tpu.memref_slice %arg9[%dma_start3A_374] : memref<3x!tpu.dma_semaphore, #tpu.memory_space<semaphore_mem>> -> memref<1x!tpu.dma_semaphore, #tpu.memory_space<semaphore_mem>>
        %dma_start3A_384 = tpu.memref_squeeze %dma_start3A_383 : memref<1x!tpu.dma_semaphore, #tpu.memory_space<semaphore_mem>> -> memref<!tpu.dma_semaphore, #tpu.memory_space<semaphore_mem>>
        tpu.enqueue_indirect_dma source(%dma_start3A_382 : memref<100000x128xf32, #tpu.memory_space<hbm>>) target(%dma_start3A_378 : memref<128x128xf32, #tpu.memory_space<vmem>>) offsets(%dma_start3A_379 : memref<128xi32, #tpu.memory_space<vmem>>) semaphore(%dma_start3A_384 : memref<!tpu.dma_semaphore, #tpu.memory_space<semaphore_mem>>)
        %add3A_385 = arith.constant 128 : i32
        %add3A_386 = arith.addi %mul3A_372, %add3A_385 : i32
        %dma_start3A_387 = arith.constant 2 : i32
        %dma_start3A_388 = arith.constant 2 : i32
        %dma_start3A_389 = arith.constant 128 : i32
        %dma_start3A_390 = arith.constant 0 : i32
        %dma_start3A_391 = tpu.memref_slice %arg8[%dma_start3A_387, %dma_start3A_389, %dma_start3A_390] : memref<3x200x128xf32, #tpu.memory_space<vmem>> -> memref<1x72x128xf32, #tpu.memory_space<vmem>>
        %dma_start3A_392 = tpu.memref_squeeze %dma_start3A_391 : memref<1x72x128xf32, #tpu.memory_space<vmem>> -> memref<72x128xf32, #tpu.memory_space<vmem>>
        %dma_start3A_393 = tpu.memref_slice %arg6[%add3A_386] : memref<25600xi32, #tpu.memory_space<vmem>> -> memref<72xi32, #tpu.memory_space<vmem>>
        %dma_start3A_394 = arith.constant 0 : i32
        %dma_start3A_395 = arith.constant 0 : i32
        %dma_start3A_396 = tpu.memref_slice %arg3[%dma_start3A_394, %dma_start3A_395] : memref<100000x128xf32, #tpu.memory_space<hbm>> -> memref<100000x128xf32, #tpu.memory_space<hbm>>
        %dma_start3A_397 = tpu.memref_slice %arg9[%dma_start3A_388] : memref<3x!tpu.dma_semaphore, #tpu.memory_space<semaphore_mem>> -> memref<1x!tpu.dma_semaphore, #tpu.memory_space<semaphore_mem>>
        %dma_start3A_398 = tpu.memref_squeeze %dma_start3A_397 : memref<1x!tpu.dma_semaphore, #tpu.memory_space<semaphore_mem>> -> memref<!tpu.dma_semaphore, #tpu.memory_space<semaphore_mem>>
        tpu.enqueue_indirect_dma source(%dma_start3A_396 : memref<100000x128xf32, #tpu.memory_space<hbm>>) target(%dma_start3A_392 : memref<72x128xf32, #tpu.memory_space<vmem>>) offsets(%dma_start3A_393 : memref<72xi32, #tpu.memory_space<vmem>>) semaphore(%dma_start3A_398 : memref<!tpu.dma_semaphore, #tpu.memory_space<semaphore_mem>>)
      } else {
      }
      %mul3A_232 = arith.constant 200 : i32
      %mul3A_233 = arith.muli %add3A_199, %mul3A_232 : i32
      %add3A_234 = arith.addi %mul3A_2, %mul3A_233 : i32
      %dma_start3A_235 = arith.constant 0 : i32
      %dma_start3A_236 = arith.constant 0 : i32
      %dma_start3A_237 = arith.constant 0 : i32
      %dma_start3A_238 = arith.constant 0 : i32
      %dma_start3A_239 = tpu.memref_slice %arg8[%dma_start3A_235, %dma_start3A_237, %dma_start3A_238] : memref<3x200x128xf32, #tpu.memory_space<vmem>> -> memref<1x200x128xf32, #tpu.memory_space<vmem>>
      %dma_start3A_240 = tpu.memref_squeeze %dma_start3A_239 : memref<1x200x128xf32, #tpu.memory_space<vmem>> -> memref<200x128xf32, #tpu.memory_space<vmem>>
      %dma_start3A_241 = arith.constant 0 : i32
      %dma_start3A_242 = tpu.memref_slice %arg5[%add3A_234, %dma_start3A_241] : memref<819200x128xf32, #tpu.memory_space<hbm>> -> memref<200x128xf32, #tpu.memory_space<hbm>>
      %dma_start3A_243 = tpu.memref_slice %arg10[%dma_start3A_236] : memref<3x!tpu.dma_semaphore, #tpu.memory_space<semaphore_mem>> -> memref<1x!tpu.dma_semaphore, #tpu.memory_space<semaphore_mem>>
      %dma_start3A_244 = tpu.memref_squeeze %dma_start3A_243 : memref<1x!tpu.dma_semaphore, #tpu.memory_space<semaphore_mem>> -> memref<!tpu.dma_semaphore, #tpu.memory_space<semaphore_mem>>
      %dma_start3A_245 = arith.constant 0 : i32
      %dma_start3A_246 = tpu.memref_slice %arg5[%add3A_234, %dma_start3A_245] : memref<819200x128xf32, #tpu.memory_space<hbm>> -> memref<200x128xf32, #tpu.memory_space<hbm>>
      %dma_start3A_247 = arith.constant 0 : i32
      %dma_start3A_248 = arith.constant 0 : i32
      %dma_start3A_249 = tpu.memref_slice %arg8[%dma_start3A_235, %dma_start3A_247, %dma_start3A_248] : memref<3x200x128xf32, #tpu.memory_space<vmem>> -> memref<1x200x128xf32, #tpu.memory_space<vmem>>
      %dma_start3A_250 = tpu.memref_squeeze %dma_start3A_249 : memref<1x200x128xf32, #tpu.memory_space<vmem>> -> memref<200x128xf32, #tpu.memory_space<vmem>>
      tpu.enqueue_dma source(%dma_start3A_250 : memref<200x128xf32, #tpu.memory_space<vmem>>) target(%dma_start3A_246 : memref<200x128xf32, #tpu.memory_space<hbm>>) target_semaphore(%dma_start3A_244 : memref<!tpu.dma_semaphore, #tpu.memory_space<semaphore_mem>>)
      %mul3A_251 = arith.constant 3 : i32
      %mul3A_252 = arith.muli %scan3A_195, %mul3A_251 : i32
      %add3A_253 = arith.constant 1 : i32
      %add3A_254 = arith.addi %mul3A_252, %add3A_253 : i32
      %dma_wait3A_255 = arith.constant 1 : i32
      %dma_wait3A_256 = arith.constant 1 : i32
      %dma_wait3A_257 = arith.constant 0 : i32
      %dma_wait3A_258 = arith.constant 0 : i32
      %dma_wait3A_259 = tpu.memref_slice %arg8[%dma_wait3A_255, %dma_wait3A_257, %dma_wait3A_258] : memref<3x200x128xf32, #tpu.memory_space<vmem>> -> memref<1x200x128xf32, #tpu.memory_space<vmem>>
      %dma_wait3A_260 = tpu.memref_squeeze %dma_wait3A_259 : memref<1x200x128xf32, #tpu.memory_space<vmem>> -> memref<200x128xf32, #tpu.memory_space<vmem>>
      %dma_wait3A_261 = arith.constant 0 : i32
      %dma_wait3A_262 = arith.constant 0 : i32
      %dma_wait3A_263 = tpu.memref_slice %arg3[%dma_wait3A_261, %dma_wait3A_262] : memref<100000x128xf32, #tpu.memory_space<hbm>> -> memref<200x128xf32, #tpu.memory_space<hbm>>
      %dma_wait3A_264 = tpu.memref_slice %arg9[%dma_wait3A_256] : memref<3x!tpu.dma_semaphore, #tpu.memory_space<semaphore_mem>> -> memref<1x!tpu.dma_semaphore, #tpu.memory_space<semaphore_mem>>
      %dma_wait3A_265 = tpu.memref_squeeze %dma_wait3A_264 : memref<1x!tpu.dma_semaphore, #tpu.memory_space<semaphore_mem>> -> memref<!tpu.dma_semaphore, #tpu.memory_space<semaphore_mem>>
      %dma_wait3A_266 = arith.constant 0 : i32
      %dma_wait3A_267 = arith.constant 0 : i32
      %dma_wait3A_268 = tpu.memref_slice %arg8[%dma_wait3A_255, %dma_wait3A_266, %dma_wait3A_267] : memref<3x200x128xf32, #tpu.memory_space<vmem>> -> memref<1x200x128xf32, #tpu.memory_space<vmem>>
      %dma_wait3A_269 = tpu.memref_squeeze %dma_wait3A_268 : memref<1x200x128xf32, #tpu.memory_space<vmem>> -> memref<200x128xf32, #tpu.memory_space<vmem>>
      %dma_wait3A_270 = arith.constant 0 : i32
      %dma_wait3A_271 = arith.constant 0 : i32
      %dma_wait3A_272 = tpu.memref_slice %arg3[%dma_wait3A_270, %dma_wait3A_271] : memref<100000x128xf32, #tpu.memory_space<hbm>> -> memref<200x128xf32, #tpu.memory_space<hbm>>
      tpu.wait_dma2 semaphore(%dma_wait3A_265 : memref<!tpu.dma_semaphore, #tpu.memory_space<semaphore_mem>>) src(%dma_wait3A_272 : memref<200x128xf32, #tpu.memory_space<hbm>>) dst(%dma_wait3A_269 : memref<200x128xf32, #tpu.memory_space<vmem>>)
      %scan3A_273 = arith.constant 1 : i32
      %scan3A_274 = arith.constant 0 : i32
      %scan3A_275 = arith.constant 50 : i32
      %scan3A_276 = arith.addi %scan3A_274, %scan3A_275 : i32
      %scan3A_277 = arith.constant 1 : i32
      scf.for %scan3A_369 = %scan3A_274 to %scan3A_276 step %scan3A_277  : i32 {
        %mul3A_370 = arith.constant 4 : i32
        %mul3A_371 = arith.muli %scan3A_369, %mul3A_370 : i32
        %add3A_372 = arith.constant 0 : i32
        %add3A_373 = arith.addi %mul3A_371, %add3A_372 : i32
        %get3A = arith.constant 0 : i32
        %get3A_374 = arith.constant 0 : i32
        %get3A_375 = tpu.memref_slice %arg8[%scan3A_273, %get3A, %get3A_374] : memref<3x200x128xf32, #tpu.memory_space<vmem>> -> memref<1x200x128xf32, #tpu.memory_space<vmem>>
        %get3A_376 = tpu.memref_squeeze %get3A_375 : memref<1x200x128xf32, #tpu.memory_space<vmem>> -> memref<200x128xf32, #tpu.memory_space<vmem>>
        %get3A_377 = arith.index_cast %add3A_373 : i32 to index
        %get3A_378 = arith.constant 0 : index
        %get3A_379 = tpu.vector_load %get3A_376[%get3A_377, %get3A_378] {strides = array<i32>} : memref<200x128xf32, #tpu.memory_space<vmem>>, vector<1x16xf32>,
        %get3A_380 = vector.shape_cast %get3A_379 : vector<1x16xf32> to vector<16xf32>
        %get3A_381 = arith.index_cast %add3A_373 : i32 to index
        %get3A_382 = arith.constant 0 : index
        %get3A_383 = tpu.vector_load %arg7[%get3A_381, %get3A_382] {strides = array<i32>} : memref<200x128xf32, #tpu.memory_space<vmem>>, vector<1x16xf32>,
        %get3A_384 = vector.shape_cast %get3A_383 : vector<1x16xf32> to vector<16xf32>
        %add3A_385 = arith.addf %get3A_380, %get3A_384 : vector<16xf32>
        %swap3A = arith.constant 0 : i32
        %swap3A_386 = arith.constant 0 : i32
        %swap3A_387 = tpu.memref_slice %arg8[%scan3A_273, %swap3A, %swap3A_386] : memref<3x200x128xf32, #tpu.memory_space<vmem>> -> memref<1x200x128xf32, #tpu.memory_space<vmem>>
        %swap3A_388 = tpu.memref_squeeze %swap3A_387 : memref<1x200x128xf32, #tpu.memory_space<vmem>> -> memref<200x128xf32, #tpu.memory_space<vmem>>
        %swap3A_389 = arith.index_cast %add3A_373 : i32 to index
        %swap3A_390 = arith.constant 0 : index
        %swap3A_391 = tpu.vector_load %swap3A_388[%swap3A_389, %swap3A_390] {strides = array<i32>} : memref<200x128xf32, #tpu.memory_space<vmem>>, vector<1x16xf32>,
        %swap3A_392 = vector.shape_cast %swap3A_391 : vector<1x16xf32> to vector<16xf32>
        %swap3A_393 = vector.shape_cast %add3A_385 : vector<16xf32> to vector<1x16xf32>
        tpu.vector_store %swap3A_388[%swap3A_389, %swap3A_390], %swap3A_393 {strides = array<i32>} : memref<200x128xf32, #tpu.memory_space<vmem>>, vector<1x16xf32>,
        %get3A_394 = arith.constant 0 : i32
        %get3A_395 = arith.constant 0 : i32
        %get3A_396 = tpu.memref_slice %arg8[%scan3A_273, %get3A_394, %get3A_395] : memref<3x200x128xf32, #tpu.memory_space<vmem>> -> memref<1x200x128xf32, #tpu.memory_space<vmem>>
        %get3A_397 = tpu.memref_squeeze %get3A_396 : memref<1x200x128xf32, #tpu.memory_space<vmem>> -> memref<200x128xf32, #tpu.memory_space<vmem>>
        %get3A_398 = arith.index_cast %add3A_373 : i32 to index
        %get3A_399 = arith.constant 16 : index
        %get3A_400 = tpu.vector_load %get3A_397[%get3A_398, %get3A_399] {strides = array<i32>} : memref<200x128xf32, #tpu.memory_space<vmem>>, vector<1x16xf32>,
        %get3A_401 = vector.shape_cast %get3A_400 : vector<1x16xf32> to vector<16xf32>
        %get3A_402 = arith.index_cast %add3A_373 : i32 to index
        %get3A_403 = arith.constant 16 : index
        %get3A_404 = tpu.vector_load %arg7[%get3A_402, %get3A_403] {strides = array<i32>} : memref<200x128xf32, #tpu.memory_space<vmem>>, vector<1x16xf32>,
        %get3A_405 = vector.shape_cast %get3A_404 : vector<1x16xf32> to vector<16xf32>
        %add3A_406 = arith.addf %get3A_401, %get3A_405 : vector<16xf32>
        %swap3A_407 = arith.constant 0 : i32
        %swap3A_408 = arith.constant 0 : i32
        %swap3A_409 = tpu.memref_slice %arg8[%scan3A_273, %swap3A_407, %swap3A_408] : memref<3x200x128xf32, #tpu.memory_space<vmem>> -> memref<1x200x128xf32, #tpu.memory_space<vmem>>
        %swap3A_410 = tpu.memref_squeeze %swap3A_409 : memref<1x200x128xf32, #tpu.memory_space<vmem>> -> memref<200x128xf32, #tpu.memory_space<vmem>>
        %swap3A_411 = arith.index_cast %add3A_373 : i32 to index
        %swap3A_412 = arith.constant 16 : index
        %swap3A_413 = tpu.vector_load %swap3A_410[%swap3A_411, %swap3A_412] {strides = array<i32>} : memref<200x128xf32, #tpu.memory_space<vmem>>, vector<1x16xf32>,
        %swap3A_414 = vector.shape_cast %swap3A_413 : vector<1x16xf32> to vector<16xf32>
        %swap3A_415 = vector.shape_cast %add3A_406 : vector<16xf32> to vector<1x16xf32>
        tpu.vector_store %swap3A_410[%swap3A_411, %swap3A_412], %swap3A_415 {strides = array<i32>} : memref<200x128xf32, #tpu.memory_space<vmem>>, vector<1x16xf32>,
        %get3A_416 = arith.constant 0 : i32
        %get3A_417 = arith.constant 0 : i32
        %get3A_418 = tpu.memref_slice %arg8[%scan3A_273, %get3A_416, %get3A_417] : memref<3x200x128xf32, #tpu.memory_space<vmem>> -> memref<1x200x128xf32, #tpu.memory_space<vmem>>
        %get3A_419 = tpu.memref_squeeze %get3A_418 : memref<1x200x128xf32, #tpu.memory_space<vmem>> -> memref<200x128xf32, #tpu.memory_space<vmem>>
        %get3A_420 = arith.index_cast %add3A_373 : i32 to index
        %get3A_421 = arith.constant 32 : index
        %get3A_422 = tpu.vector_load %get3A_419[%get3A_420, %get3A_421] {strides = array<i32>} : memref<200x128xf32, #tpu.memory_space<vmem>>, vector<1x16xf32>,
        %get3A_423 = vector.shape_cast %get3A_422 : vector<1x16xf32> to vector<16xf32>
        %get3A_424 = arith.index_cast %add3A_373 : i32 to index
        %get3A_425 = arith.constant 32 : index
        %get3A_426 = tpu.vector_load %arg7[%get3A_424, %get3A_425] {strides = array<i32>} : memref<200x128xf32, #tpu.memory_space<vmem>>, vector<1x16xf32>,
        %get3A_427 = vector.shape_cast %get3A_426 : vector<1x16xf32> to vector<16xf32>
        %add3A_428 = arith.addf %get3A_423, %get3A_427 : vector<16xf32>
        %swap3A_429 = arith.constant 0 : i32
        %swap3A_430 = arith.constant 0 : i32
        %swap3A_431 = tpu.memref_slice %arg8[%scan3A_273, %swap3A_429, %swap3A_430] : memref<3x200x128xf32, #tpu.memory_space<vmem>> -> memref<1x200x128xf32, #tpu.memory_space<vmem>>
        %swap3A_432 = tpu.memref_squeeze %swap3A_431 : memref<1x200x128xf32, #tpu.memory_space<vmem>> -> memref<200x128xf32, #tpu.memory_space<vmem>>
        %swap3A_433 = arith.index_cast %add3A_373 : i32 to index
        %swap3A_434 = arith.constant 32 : index
        %swap3A_435 = tpu.vector_load %swap3A_432[%swap3A_433, %swap3A_434] {strides = array<i32>} : memref<200x128xf32, #tpu.memory_space<vmem>>, vector<1x16xf32>,
        %swap3A_436 = vector.shape_cast %swap3A_435 : vector<1x16xf32> to vector<16xf32>
        %swap3A_437 = vector.shape_cast %add3A_428 : vector<16xf32> to vector<1x16xf32>
        tpu.vector_store %swap3A_432[%swap3A_433, %swap3A_434], %swap3A_437 {strides = array<i32>} : memref<200x128xf32, #tpu.memory_space<vmem>>, vector<1x16xf32>,
        %get3A_438 = arith.constant 0 : i32
        %get3A_439 = arith.constant 0 : i32
        %get3A_440 = tpu.memref_slice %arg8[%scan3A_273, %get3A_438, %get3A_439] : memref<3x200x128xf32, #tpu.memory_space<vmem>> -> memref<1x200x128xf32, #tpu.memory_space<vmem>>
        %get3A_441 = tpu.memref_squeeze %get3A_440 : memref<1x200x128xf32, #tpu.memory_space<vmem>> -> memref<200x128xf32, #tpu.memory_space<vmem>>
        %get3A_442 = arith.index_cast %add3A_373 : i32 to index
        %get3A_443 = arith.constant 48 : index
        %get3A_444 = tpu.vector_load %get3A_441[%get3A_442, %get3A_443] {strides = array<i32>} : memref<200x128xf32, #tpu.memory_space<vmem>>, vector<1x16xf32>,
        %get3A_445 = vector.shape_cast %get3A_444 : vector<1x16xf32> to vector<16xf32>
        %get3A_446 = arith.index_cast %add3A_373 : i32 to index
        %get3A_447 = arith.constant 48 : index
        %get3A_448 = tpu.vector_load %arg7[%get3A_446, %get3A_447] {strides = array<i32>} : memref<200x128xf32, #tpu.memory_space<vmem>>, vector<1x16xf32>,
        %get3A_449 = vector.shape_cast %get3A_448 : vector<1x16xf32> to vector<16xf32>
        %add3A_450 = arith.addf %get3A_445, %get3A_449 : vector<16xf32>
        %swap3A_451 = arith.constant 0 : i32
        %swap3A_452 = arith.constant 0 : i32
        %swap3A_453 = tpu.memref_slice %arg8[%scan3A_273, %swap3A_451, %swap3A_452] : memref<3x200x128xf32, #tpu.memory_space<vmem>> -> memref<1x200x128xf32, #tpu.memory_space<vmem>>
        %swap3A_454 = tpu.memref_squeeze %swap3A_453 : memref<1x200x128xf32, #tpu.memory_space<vmem>> -> memref<200x128xf32, #tpu.memory_space<vmem>>
        %swap3A_455 = arith.index_cast %add3A_373 : i32 to index
        %swap3A_456 = arith.constant 48 : index
        %swap3A_457 = tpu.vector_load %swap3A_454[%swap3A_455, %swap3A_456] {strides = array<i32>} : memref<200x128xf32, #tpu.memory_space<vmem>>, vector<1x16xf32>,
        %swap3A_458 = vector.shape_cast %swap3A_457 : vector<1x16xf32> to vector<16xf32>
        %swap3A_459 = vector.shape_cast %add3A_450 : vector<16xf32> to vector<1x16xf32>
        tpu.vector_store %swap3A_454[%swap3A_455, %swap3A_456], %swap3A_459 {strides = array<i32>} : memref<200x128xf32, #tpu.memory_space<vmem>>, vector<1x16xf32>,
        %get3A_460 = arith.constant 0 : i32
        %get3A_461 = arith.constant 0 : i32
        %get3A_462 = tpu.memref_slice %arg8[%scan3A_273, %get3A_460, %get3A_461] : memref<3x200x128xf32, #tpu.memory_space<vmem>> -> memref<1x200x128xf32, #tpu.memory_space<vmem>>
        %get3A_463 = tpu.memref_squeeze %get3A_462 : memref<1x200x128xf32, #tpu.memory_space<vmem>> -> memref<200x128xf32, #tpu.memory_space<vmem>>
        %get3A_464 = arith.index_cast %add3A_373 : i32 to index
        %get3A_465 = arith.constant 64 : index
        %get3A_466 = tpu.vector_load %get3A_463[%get3A_464, %get3A_465] {strides = array<i32>} : memref<200x128xf32, #tpu.memory_space<vmem>>, vector<1x16xf32>,
        %get3A_467 = vector.shape_cast %get3A_466 : vector<1x16xf32> to vector<16xf32>
        %get3A_468 = arith.index_cast %add3A_373 : i32 to index
        %get3A_469 = arith.constant 64 : index
        %get3A_470 = tpu.vector_load %arg7[%get3A_468, %get3A_469] {strides = array<i32>} : memref<200x128xf32, #tpu.memory_space<vmem>>, vector<1x16xf32>,
        %get3A_471 = vector.shape_cast %get3A_470 : vector<1x16xf32> to vector<16xf32>
        %add3A_472 = arith.addf %get3A_467, %get3A_471 : vector<16xf32>
        %swap3A_473 = arith.constant 0 : i32
        %swap3A_474 = arith.constant 0 : i32
        %swap3A_475 = tpu.memref_slice %arg8[%scan3A_273, %swap3A_473, %swap3A_474] : memref<3x200x128xf32, #tpu.memory_space<vmem>> -> memref<1x200x128xf32, #tpu.memory_space<vmem>>
        %swap3A_476 = tpu.memref_squeeze %swap3A_475 : memref<1x200x128xf32, #tpu.memory_space<vmem>> -> memref<200x128xf32, #tpu.memory_space<vmem>>
        %swap3A_477 = arith.index_cast %add3A_373 : i32 to index
        %swap3A_478 = arith.constant 64 : index
        %swap3A_479 = tpu.vector_load %swap3A_476[%swap3A_477, %swap3A_478] {strides = array<i32>} : memref<200x128xf32, #tpu.memory_space<vmem>>, vector<1x16xf32>,
        %swap3A_480 = vector.shape_cast %swap3A_479 : vector<1x16xf32> to vector<16xf32>
        %swap3A_481 = vector.shape_cast %add3A_472 : vector<16xf32> to vector<1x16xf32>
        tpu.vector_store %swap3A_476[%swap3A_477, %swap3A_478], %swap3A_481 {strides = array<i32>} : memref<200x128xf32, #tpu.memory_space<vmem>>, vector<1x16xf32>,
        %get3A_482 = arith.constant 0 : i32
        %get3A_483 = arith.constant 0 : i32
        %get3A_484 = tpu.memref_slice %arg8[%scan3A_273, %get3A_482, %get3A_483] : memref<3x200x128xf32, #tpu.memory_space<vmem>> -> memref<1x200x128xf32, #tpu.memory_space<vmem>>
        %get3A_485 = tpu.memref_squeeze %get3A_484 : memref<1x200x128xf32, #tpu.memory_space<vmem>> -> memref<200x128xf32, #tpu.memory_space<vmem>>
        %get3A_486 = arith.index_cast %add3A_373 : i32 to index
        %get3A_487 = arith.constant 80 : index
        %get3A_488 = tpu.vector_load %get3A_485[%get3A_486, %get3A_487] {strides = array<i32>} : memref<200x128xf32, #tpu.memory_space<vmem>>, vector<1x16xf32>,
        %get3A_489 = vector.shape_cast %get3A_488 : vector<1x16xf32> to vector<16xf32>
        %get3A_490 = arith.index_cast %add3A_373 : i32 to index
        %get3A_491 = arith.constant 80 : index
        %get3A_492 = tpu.vector_load %arg7[%get3A_490, %get3A_491] {strides = array<i32>} : memref<200x128xf32, #tpu.memory_space<vmem>>, vector<1x16xf32>,
        %get3A_493 = vector.shape_cast %get3A_492 : vector<1x16xf32> to vector<16xf32>
        %add3A_494 = arith.addf %get3A_489, %get3A_493 : vector<16xf32>
        %swap3A_495 = arith.constant 0 : i32
        %swap3A_496 = arith.constant 0 : i32
        %swap3A_497 = tpu.memref_slice %arg8[%scan3A_273, %swap3A_495, %swap3A_496] : memref<3x200x128xf32, #tpu.memory_space<vmem>> -> memref<1x200x128xf32, #tpu.memory_space<vmem>>
        %swap3A_498 = tpu.memref_squeeze %swap3A_497 : memref<1x200x128xf32, #tpu.memory_space<vmem>> -> memref<200x128xf32, #tpu.memory_space<vmem>>
        %swap3A_499 = arith.index_cast %add3A_373 : i32 to index
        %swap3A_500 = arith.constant 80 : index
        %swap3A_501 = tpu.vector_load %swap3A_498[%swap3A_499, %swap3A_500] {strides = array<i32>} : memref<200x128xf32, #tpu.memory_space<vmem>>, vector<1x16xf32>,
        %swap3A_502 = vector.shape_cast %swap3A_501 : vector<1x16xf32> to vector<16xf32>
        %swap3A_503 = vector.shape_cast %add3A_494 : vector<16xf32> to vector<1x16xf32>
        tpu.vector_store %swap3A_498[%swap3A_499, %swap3A_500], %swap3A_503 {strides = array<i32>} : memref<200x128xf32, #tpu.memory_space<vmem>>, vector<1x16xf32>,
        %get3A_504 = arith.constant 0 : i32
        %get3A_505 = arith.constant 0 : i32
        %get3A_506 = tpu.memref_slice %arg8[%scan3A_273, %get3A_504, %get3A_505] : memref<3x200x128xf32, #tpu.memory_space<vmem>> -> memref<1x200x128xf32, #tpu.memory_space<vmem>>
        %get3A_507 = tpu.memref_squeeze %get3A_506 : memref<1x200x128xf32, #tpu.memory_space<vmem>> -> memref<200x128xf32, #tpu.memory_space<vmem>>
        %get3A_508 = arith.index_cast %add3A_373 : i32 to index
        %get3A_509 = arith.constant 96 : index
        %get3A_510 = tpu.vector_load %get3A_507[%get3A_508, %get3A_509] {strides = array<i32>} : memref<200x128xf32, #tpu.memory_space<vmem>>, vector<1x16xf32>,
        %get3A_511 = vector.shape_cast %get3A_510 : vector<1x16xf32> to vector<16xf32>
        %get3A_512 = arith.index_cast %add3A_373 : i32 to index
        %get3A_513 = arith.constant 96 : index
        %get3A_514 = tpu.vector_load %arg7[%get3A_512, %get3A_513] {strides = array<i32>} : memref<200x128xf32, #tpu.memory_space<vmem>>, vector<1x16xf32>,
        %get3A_515 = vector.shape_cast %get3A_514 : vector<1x16xf32> to vector<16xf32>
        %add3A_516 = arith.addf %get3A_511, %get3A_515 : vector<16xf32>
        %swap3A_517 = arith.constant 0 : i32
        %swap3A_518 = arith.constant 0 : i32
        %swap3A_519 = tpu.memref_slice %arg8[%scan3A_273, %swap3A_517, %swap3A_518] : memref<3x200x128xf32, #tpu.memory_space<vmem>> -> memref<1x200x128xf32, #tpu.memory_space<vmem>>
        %swap3A_520 = tpu.memref_squeeze %swap3A_519 : memref<1x200x128xf32, #tpu.memory_space<vmem>> -> memref<200x128xf32, #tpu.memory_space<vmem>>
        %swap3A_521 = arith.index_cast %add3A_373 : i32 to index
        %swap3A_522 = arith.constant 96 : index
        %swap3A_523 = tpu.vector_load %swap3A_520[%swap3A_521, %swap3A_522] {strides = array<i32>} : memref<200x128xf32, #tpu.memory_space<vmem>>, vector<1x16xf32>,
        %swap3A_524 = vector.shape_cast %swap3A_523 : vector<1x16xf32> to vector<16xf32>
        %swap3A_525 = vector.shape_cast %add3A_516 : vector<16xf32> to vector<1x16xf32>
        tpu.vector_store %swap3A_520[%swap3A_521, %swap3A_522], %swap3A_525 {strides = array<i32>} : memref<200x128xf32, #tpu.memory_space<vmem>>, vector<1x16xf32>,
        %get3A_526 = arith.constant 0 : i32
        %get3A_527 = arith.constant 0 : i32
        %get3A_528 = tpu.memref_slice %arg8[%scan3A_273, %get3A_526, %get3A_527] : memref<3x200x128xf32, #tpu.memory_space<vmem>> -> memref<1x200x128xf32, #tpu.memory_space<vmem>>
        %get3A_529 = tpu.memref_squeeze %get3A_528 : memref<1x200x128xf32, #tpu.memory_space<vmem>> -> memref<200x128xf32, #tpu.memory_space<vmem>>
        %get3A_530 = arith.index_cast %add3A_373 : i32 to index
        %get3A_531 = arith.constant 112 : index
        %get3A_532 = tpu.vector_load %get3A_529[%get3A_530, %get3A_531] {strides = array<i32>} : memref<200x128xf32, #tpu.memory_space<vmem>>, vector<1x16xf32>,
        %get3A_533 = vector.shape_cast %get3A_532 : vector<1x16xf32> to vector<16xf32>
        %get3A_534 = arith.index_cast %add3A_373 : i32 to index
        %get3A_535 = arith.constant 112 : index
        %get3A_536 = tpu.vector_load %arg7[%get3A_534, %get3A_535] {strides = array<i32>} : memref<200x128xf32, #tpu.memory_space<vmem>>, vector<1x16xf32>,
        %get3A_537 = vector.shape_cast %get3A_536 : vector<1x16xf32> to vector<16xf32>
        %add3A_538 = arith.addf %get3A_533, %get3A_537 : vector<16xf32>
        %swap3A_539 = arith.constant 0 : i32
        %swap3A_540 = arith.constant 0 : i32
        %swap3A_541 = tpu.memref_slice %arg8[%scan3A_273, %swap3A_539, %swap3A_540] : memref<3x200x128xf32, #tpu.memory_space<vmem>> -> memref<1x200x128xf32, #tpu.memory_space<vmem>>
        %swap3A_542 = tpu.memref_squeeze %swap3A_541 : memref<1x200x128xf32, #tpu.memory_space<vmem>> -> memref<200x128xf32, #tpu.memory_space<vmem>>
        %swap3A_543 = arith.index_cast %add3A_373 : i32 to index
        %swap3A_544 = arith.constant 112 : index
        %swap3A_545 = tpu.vector_load %swap3A_542[%swap3A_543, %swap3A_544] {strides = array<i32>} : memref<200x128xf32, #tpu.memory_space<vmem>>, vector<1x16xf32>,
        %swap3A_546 = vector.shape_cast %swap3A_545 : vector<1x16xf32> to vector<16xf32>
        %swap3A_547 = vector.shape_cast %add3A_538 : vector<16xf32> to vector<1x16xf32>
        tpu.vector_store %swap3A_542[%swap3A_543, %swap3A_544], %swap3A_547 {strides = array<i32>} : memref<200x128xf32, #tpu.memory_space<vmem>>, vector<1x16xf32>,
        %add3A_548 = arith.constant 1 : i32
        %add3A_549 = arith.addi %mul3A_371, %add3A_548 : i32
        %get3A_550 = arith.constant 0 : i32
        %get3A_551 = arith.constant 0 : i32
        %get3A_552 = tpu.memref_slice %arg8[%scan3A_273, %get3A_550, %get3A_551] : memref<3x200x128xf32, #tpu.memory_space<vmem>> -> memref<1x200x128xf32, #tpu.memory_space<vmem>>
        %get3A_553 = tpu.memref_squeeze %get3A_552 : memref<1x200x128xf32, #tpu.memory_space<vmem>> -> memref<200x128xf32, #tpu.memory_space<vmem>>
        %get3A_554 = arith.index_cast %add3A_549 : i32 to index
        %get3A_555 = arith.constant 0 : index
        %get3A_556 = tpu.vector_load %get3A_553[%get3A_554, %get3A_555] {strides = array<i32>} : memref<200x128xf32, #tpu.memory_space<vmem>>, vector<1x16xf32>,
        %get3A_557 = vector.shape_cast %get3A_556 : vector<1x16xf32> to vector<16xf32>
        %get3A_558 = arith.index_cast %add3A_549 : i32 to index
        %get3A_559 = arith.constant 0 : index
        %get3A_560 = tpu.vector_load %arg7[%get3A_558, %get3A_559] {strides = array<i32>} : memref<200x128xf32, #tpu.memory_space<vmem>>, vector<1x16xf32>,
        %get3A_561 = vector.shape_cast %get3A_560 : vector<1x16xf32> to vector<16xf32>
        %add3A_562 = arith.addf %get3A_557, %get3A_561 : vector<16xf32>
        %swap3A_563 = arith.constant 0 : i32
        %swap3A_564 = arith.constant 0 : i32
        %swap3A_565 = tpu.memref_slice %arg8[%scan3A_273, %swap3A_563, %swap3A_564] : memref<3x200x128xf32, #tpu.memory_space<vmem>> -> memref<1x200x128xf32, #tpu.memory_space<vmem>>
        %swap3A_566 = tpu.memref_squeeze %swap3A_565 : memref<1x200x128xf32, #tpu.memory_space<vmem>> -> memref<200x128xf32, #tpu.memory_space<vmem>>
        %swap3A_567 = arith.index_cast %add3A_549 : i32 to index
        %swap3A_568 = arith.constant 0 : index
        %swap3A_569 = tpu.vector_load %swap3A_566[%swap3A_567, %swap3A_568] {strides = array<i32>} : memref<200x128xf32, #tpu.memory_space<vmem>>, vector<1x16xf32>,
        %swap3A_570 = vector.shape_cast %swap3A_569 : vector<1x16xf32> to vector<16xf32>
        %swap3A_571 = vector.shape_cast %add3A_562 : vector<16xf32> to vector<1x16xf32>
        tpu.vector_store %swap3A_566[%swap3A_567, %swap3A_568], %swap3A_571 {strides = array<i32>} : memref<200x128xf32, #tpu.memory_space<vmem>>, vector<1x16xf32>,
        %get3A_572 = arith.constant 0 : i32
        %get3A_573 = arith.constant 0 : i32
        %get3A_574 = tpu.memref_slice %arg8[%scan3A_273, %get3A_572, %get3A_573] : memref<3x200x128xf32, #tpu.memory_space<vmem>> -> memref<1x200x128xf32, #tpu.memory_space<vmem>>
        %get3A_575 = tpu.memref_squeeze %get3A_574 : memref<1x200x128xf32, #tpu.memory_space<vmem>> -> memref<200x128xf32, #tpu.memory_space<vmem>>
        %get3A_576 = arith.index_cast %add3A_549 : i32 to index
        %get3A_577 = arith.constant 16 : index
        %get3A_578 = tpu.vector_load %get3A_575[%get3A_576, %get3A_577] {strides = array<i32>} : memref<200x128xf32, #tpu.memory_space<vmem>>, vector<1x16xf32>,
        %get3A_579 = vector.shape_cast %get3A_578 : vector<1x16xf32> to vector<16xf32>
        %get3A_580 = arith.index_cast %add3A_549 : i32 to index
        %get3A_581 = arith.constant 16 : index
        %get3A_582 = tpu.vector_load %arg7[%get3A_580, %get3A_581] {strides = array<i32>} : memref<200x128xf32, #tpu.memory_space<vmem>>, vector<1x16xf32>,
        %get3A_583 = vector.shape_cast %get3A_582 : vector<1x16xf32> to vector<16xf32>
        %add3A_584 = arith.addf %get3A_579, %get3A_583 : vector<16xf32>
        %swap3A_585 = arith.constant 0 : i32
        %swap3A_586 = arith.constant 0 : i32
        %swap3A_587 = tpu.memref_slice %arg8[%scan3A_273, %swap3A_585, %swap3A_586] : memref<3x200x128xf32, #tpu.memory_space<vmem>> -> memref<1x200x128xf32, #tpu.memory_space<vmem>>
        %swap3A_588 = tpu.memref_squeeze %swap3A_587 : memref<1x200x128xf32, #tpu.memory_space<vmem>> -> memref<200x128xf32, #tpu.memory_space<vmem>>
        %swap3A_589 = arith.index_cast %add3A_549 : i32 to index
        %swap3A_590 = arith.constant 16 : index
        %swap3A_591 = tpu.vector_load %swap3A_588[%swap3A_589, %swap3A_590] {strides = array<i32>} : memref<200x128xf32, #tpu.memory_space<vmem>>, vector<1x16xf32>,
        %swap3A_592 = vector.shape_cast %swap3A_591 : vector<1x16xf32> to vector<16xf32>
        %swap3A_593 = vector.shape_cast %add3A_584 : vector<16xf32> to vector<1x16xf32>
        tpu.vector_store %swap3A_588[%swap3A_589, %swap3A_590], %swap3A_593 {strides = array<i32>} : memref<200x128xf32, #tpu.memory_space<vmem>>, vector<1x16xf32>,
        %get3A_594 = arith.constant 0 : i32
        %get3A_595 = arith.constant 0 : i32
        %get3A_596 = tpu.memref_slice %arg8[%scan3A_273, %get3A_594, %get3A_595] : memref<3x200x128xf32, #tpu.memory_space<vmem>> -> memref<1x200x128xf32, #tpu.memory_space<vmem>>
        %get3A_597 = tpu.memref_squeeze %get3A_596 : memref<1x200x128xf32, #tpu.memory_space<vmem>> -> memref<200x128xf32, #tpu.memory_space<vmem>>
        %get3A_598 = arith.index_cast %add3A_549 : i32 to index
        %get3A_599 = arith.constant 32 : index
        %get3A_600 = tpu.vector_load %get3A_597[%get3A_598, %get3A_599] {strides = array<i32>} : memref<200x128xf32, #tpu.memory_space<vmem>>, vector<1x16xf32>,
        %get3A_601 = vector.shape_cast %get3A_600 : vector<1x16xf32> to vector<16xf32>
        %get3A_602 = arith.index_cast %add3A_549 : i32 to index
        %get3A_603 = arith.constant 32 : index
        %get3A_604 = tpu.vector_load %arg7[%get3A_602, %get3A_603] {strides = array<i32>} : memref<200x128xf32, #tpu.memory_space<vmem>>, vector<1x16xf32>,
        %get3A_605 = vector.shape_cast %get3A_604 : vector<1x16xf32> to vector<16xf32>
        %add3A_606 = arith.addf %get3A_601, %get3A_605 : vector<16xf32>
        %swap3A_607 = arith.constant 0 : i32
        %swap3A_608 = arith.constant 0 : i32
        %swap3A_609 = tpu.memref_slice %arg8[%scan3A_273, %swap3A_607, %swap3A_608] : memref<3x200x128xf32, #tpu.memory_space<vmem>> -> memref<1x200x128xf32, #tpu.memory_space<vmem>>
        %swap3A_610 = tpu.memref_squeeze %swap3A_609 : memref<1x200x128xf32, #tpu.memory_space<vmem>> -> memref<200x128xf32, #tpu.memory_space<vmem>>
        %swap3A_611 = arith.index_cast %add3A_549 : i32 to index
        %swap3A_612 = arith.constant 32 : index
        %swap3A_613 = tpu.vector_load %swap3A_610[%swap3A_611, %swap3A_612] {strides = array<i32>} : memref<200x128xf32, #tpu.memory_space<vmem>>, vector<1x16xf32>,
        %swap3A_614 = vector.shape_cast %swap3A_613 : vector<1x16xf32> to vector<16xf32>
        %swap3A_615 = vector.shape_cast %add3A_606 : vector<16xf32> to vector<1x16xf32>
        tpu.vector_store %swap3A_610[%swap3A_611, %swap3A_612], %swap3A_615 {strides = array<i32>} : memref<200x128xf32, #tpu.memory_space<vmem>>, vector<1x16xf32>,
        %get3A_616 = arith.constant 0 : i32
        %get3A_617 = arith.constant 0 : i32
        %get3A_618 = tpu.memref_slice %arg8[%scan3A_273, %get3A_616, %get3A_617] : memref<3x200x128xf32, #tpu.memory_space<vmem>> -> memref<1x200x128xf32, #tpu.memory_space<vmem>>
        %get3A_619 = tpu.memref_squeeze %get3A_618 : memref<1x200x128xf32, #tpu.memory_space<vmem>> -> memref<200x128xf32, #tpu.memory_space<vmem>>
        %get3A_620 = arith.index_cast %add3A_549 : i32 to index
        %get3A_621 = arith.constant 48 : index
        %get3A_622 = tpu.vector_load %get3A_619[%get3A_620, %get3A_621] {strides = array<i32>} : memref<200x128xf32, #tpu.memory_space<vmem>>, vector<1x16xf32>,
        %get3A_623 = vector.shape_cast %get3A_622 : vector<1x16xf32> to vector<16xf32>
        %get3A_624 = arith.index_cast %add3A_549 : i32 to index
        %get3A_625 = arith.constant 48 : index
        %get3A_626 = tpu.vector_load %arg7[%get3A_624, %get3A_625] {strides = array<i32>} : memref<200x128xf32, #tpu.memory_space<vmem>>, vector<1x16xf32>,
        %get3A_627 = vector.shape_cast %get3A_626 : vector<1x16xf32> to vector<16xf32>
        %add3A_628 = arith.addf %get3A_623, %get3A_627 : vector<16xf32>
        %swap3A_629 = arith.constant 0 : i32
        %swap3A_630 = arith.constant 0 : i32
        %swap3A_631 = tpu.memref_slice %arg8[%scan3A_273, %swap3A_629, %swap3A_630] : memref<3x200x128xf32, #tpu.memory_space<vmem>> -> memref<1x200x128xf32, #tpu.memory_space<vmem>>
        %swap3A_632 = tpu.memref_squeeze %swap3A_631 : memref<1x200x128xf32, #tpu.memory_space<vmem>> -> memref<200x128xf32, #tpu.memory_space<vmem>>
        %swap3A_633 = arith.index_cast %add3A_549 : i32 to index
        %swap3A_634 = arith.constant 48 : index
        %swap3A_635 = tpu.vector_load %swap3A_632[%swap3A_633, %swap3A_634] {strides = array<i32>} : memref<200x128xf32, #tpu.memory_space<vmem>>, vector<1x16xf32>,
        %swap3A_636 = vector.shape_cast %swap3A_635 : vector<1x16xf32> to vector<16xf32>
        %swap3A_637 = vector.shape_cast %add3A_628 : vector<16xf32> to vector<1x16xf32>
        tpu.vector_store %swap3A_632[%swap3A_633, %swap3A_634], %swap3A_637 {strides = array<i32>} : memref<200x128xf32, #tpu.memory_space<vmem>>, vector<1x16xf32>,
        %get3A_638 = arith.constant 0 : i32
        %get3A_639 = arith.constant 0 : i32
        %get3A_640 = tpu.memref_slice %arg8[%scan3A_273, %get3A_638, %get3A_639] : memref<3x200x128xf32, #tpu.memory_space<vmem>> -> memref<1x200x128xf32, #tpu.memory_space<vmem>>
        %get3A_641 = tpu.memref_squeeze %get3A_640 : memref<1x200x128xf32, #tpu.memory_space<vmem>> -> memref<200x128xf32, #tpu.memory_space<vmem>>
        %get3A_642 = arith.index_cast %add3A_549 : i32 to index
        %get3A_643 = arith.constant 64 : index
        %get3A_644 = tpu.vector_load %get3A_641[%get3A_642, %get3A_643] {strides = array<i32>} : memref<200x128xf32, #tpu.memory_space<vmem>>, vector<1x16xf32>,
        %get3A_645 = vector.shape_cast %get3A_644 : vector<1x16xf32> to vector<16xf32>
        %get3A_646 = arith.index_cast %add3A_549 : i32 to index
        %get3A_647 = arith.constant 64 : index
        %get3A_648 = tpu.vector_load %arg7[%get3A_646, %get3A_647] {strides = array<i32>} : memref<200x128xf32, #tpu.memory_space<vmem>>, vector<1x16xf32>,
        %get3A_649 = vector.shape_cast %get3A_648 : vector<1x16xf32> to vector<16xf32>
        %add3A_650 = arith.addf %get3A_645, %get3A_649 : vector<16xf32>
        %swap3A_651 = arith.constant 0 : i32
        %swap3A_652 = arith.constant 0 : i32
        %swap3A_653 = tpu.memref_slice %arg8[%scan3A_273, %swap3A_651, %swap3A_652] : memref<3x200x128xf32, #tpu.memory_space<vmem>> -> memref<1x200x128xf32, #tpu.memory_space<vmem>>
        %swap3A_654 = tpu.memref_squeeze %swap3A_653 : memref<1x200x128xf32, #tpu.memory_space<vmem>> -> memref<200x128xf32, #tpu.memory_space<vmem>>
        %swap3A_655 = arith.index_cast %add3A_549 : i32 to index
        %swap3A_656 = arith.constant 64 : index
        %swap3A_657 = tpu.vector_load %swap3A_654[%swap3A_655, %swap3A_656] {strides = array<i32>} : memref<200x128xf32, #tpu.memory_space<vmem>>, vector<1x16xf32>,
        %swap3A_658 = vector.shape_cast %swap3A_657 : vector<1x16xf32> to vector<16xf32>
        %swap3A_659 = vector.shape_cast %add3A_650 : vector<16xf32> to vector<1x16xf32>
        tpu.vector_store %swap3A_654[%swap3A_655, %swap3A_656], %swap3A_659 {strides = array<i32>} : memref<200x128xf32, #tpu.memory_space<vmem>>, vector<1x16xf32>,
        %get3A_660 = arith.constant 0 : i32
        %get3A_661 = arith.constant 0 : i32
        %get3A_662 = tpu.memref_slice %arg8[%scan3A_273, %get3A_660, %get3A_661] : memref<3x200x128xf32, #tpu.memory_space<vmem>> -> memref<1x200x128xf32, #tpu.memory_space<vmem>>
        %get3A_663 = tpu.memref_squeeze %get3A_662 : memref<1x200x128xf32, #tpu.memory_space<vmem>> -> memref<200x128xf32, #tpu.memory_space<vmem>>
        %get3A_664 = arith.index_cast %add3A_549 : i32 to index
        %get3A_665 = arith.constant 80 : index
        %get3A_666 = tpu.vector_load %get3A_663[%get3A_664, %get3A_665] {strides = array<i32>} : memref<200x128xf32, #tpu.memory_space<vmem>>, vector<1x16xf32>,
        %get3A_667 = vector.shape_cast %get3A_666 : vector<1x16xf32> to vector<16xf32>
        %get3A_668 = arith.index_cast %add3A_549 : i32 to index
        %get3A_669 = arith.constant 80 : index
        %get3A_670 = tpu.vector_load %arg7[%get3A_668, %get3A_669] {strides = array<i32>} : memref<200x128xf32, #tpu.memory_space<vmem>>, vector<1x16xf32>,
        %get3A_671 = vector.shape_cast %get3A_670 : vector<1x16xf32> to vector<16xf32>
        %add3A_672 = arith.addf %get3A_667, %get3A_671 : vector<16xf32>
        %swap3A_673 = arith.constant 0 : i32
        %swap3A_674 = arith.constant 0 : i32
        %swap3A_675 = tpu.memref_slice %arg8[%scan3A_273, %swap3A_673, %swap3A_674] : memref<3x200x128xf32, #tpu.memory_space<vmem>> -> memref<1x200x128xf32, #tpu.memory_space<vmem>>
        %swap3A_676 = tpu.memref_squeeze %swap3A_675 : memref<1x200x128xf32, #tpu.memory_space<vmem>> -> memref<200x128xf32, #tpu.memory_space<vmem>>
        %swap3A_677 = arith.index_cast %add3A_549 : i32 to index
        %swap3A_678 = arith.constant 80 : index
        %swap3A_679 = tpu.vector_load %swap3A_676[%swap3A_677, %swap3A_678] {strides = array<i32>} : memref<200x128xf32, #tpu.memory_space<vmem>>, vector<1x16xf32>,
        %swap3A_680 = vector.shape_cast %swap3A_679 : vector<1x16xf32> to vector<16xf32>
        %swap3A_681 = vector.shape_cast %add3A_672 : vector<16xf32> to vector<1x16xf32>
        tpu.vector_store %swap3A_676[%swap3A_677, %swap3A_678], %swap3A_681 {strides = array<i32>} : memref<200x128xf32, #tpu.memory_space<vmem>>, vector<1x16xf32>,
        %get3A_682 = arith.constant 0 : i32
        %get3A_683 = arith.constant 0 : i32
        %get3A_684 = tpu.memref_slice %arg8[%scan3A_273, %get3A_682, %get3A_683] : memref<3x200x128xf32, #tpu.memory_space<vmem>> -> memref<1x200x128xf32, #tpu.memory_space<vmem>>
        %get3A_685 = tpu.memref_squeeze %get3A_684 : memref<1x200x128xf32, #tpu.memory_space<vmem>> -> memref<200x128xf32, #tpu.memory_space<vmem>>
        %get3A_686 = arith.index_cast %add3A_549 : i32 to index
        %get3A_687 = arith.constant 96 : index
        %get3A_688 = tpu.vector_load %get3A_685[%get3A_686, %get3A_687] {strides = array<i32>} : memref<200x128xf32, #tpu.memory_space<vmem>>, vector<1x16xf32>,
        %get3A_689 = vector.shape_cast %get3A_688 : vector<1x16xf32> to vector<16xf32>
        %get3A_690 = arith.index_cast %add3A_549 : i32 to index
        %get3A_691 = arith.constant 96 : index
        %get3A_692 = tpu.vector_load %arg7[%get3A_690, %get3A_691] {strides = array<i32>} : memref<200x128xf32, #tpu.memory_space<vmem>>, vector<1x16xf32>,
        %get3A_693 = vector.shape_cast %get3A_692 : vector<1x16xf32> to vector<16xf32>
        %add3A_694 = arith.addf %get3A_689, %get3A_693 : vector<16xf32>
        %swap3A_695 = arith.constant 0 : i32
        %swap3A_696 = arith.constant 0 : i32
        %swap3A_697 = tpu.memref_slice %arg8[%scan3A_273, %swap3A_695, %swap3A_696] : memref<3x200x128xf32, #tpu.memory_space<vmem>> -> memref<1x200x128xf32, #tpu.memory_space<vmem>>
        %swap3A_698 = tpu.memref_squeeze %swap3A_697 : memref<1x200x128xf32, #tpu.memory_space<vmem>> -> memref<200x128xf32, #tpu.memory_space<vmem>>
        %swap3A_699 = arith.index_cast %add3A_549 : i32 to index
        %swap3A_700 = arith.constant 96 : index
        %swap3A_701 = tpu.vector_load %swap3A_698[%swap3A_699, %swap3A_700] {strides = array<i32>} : memref<200x128xf32, #tpu.memory_space<vmem>>, vector<1x16xf32>,
        %swap3A_702 = vector.shape_cast %swap3A_701 : vector<1x16xf32> to vector<16xf32>
        %swap3A_703 = vector.shape_cast %add3A_694 : vector<16xf32> to vector<1x16xf32>
        tpu.vector_store %swap3A_698[%swap3A_699, %swap3A_700], %swap3A_703 {strides = array<i32>} : memref<200x128xf32, #tpu.memory_space<vmem>>, vector<1x16xf32>,
        %get3A_704 = arith.constant 0 : i32
        %get3A_705 = arith.constant 0 : i32
        %get3A_706 = tpu.memref_slice %arg8[%scan3A_273, %get3A_704, %get3A_705] : memref<3x200x128xf32, #tpu.memory_space<vmem>> -> memref<1x200x128xf32, #tpu.memory_space<vmem>>
        %get3A_707 = tpu.memref_squeeze %get3A_706 : memref<1x200x128xf32, #tpu.memory_space<vmem>> -> memref<200x128xf32, #tpu.memory_space<vmem>>
        %get3A_708 = arith.index_cast %add3A_549 : i32 to index
        %get3A_709 = arith.constant 112 : index
        %get3A_710 = tpu.vector_load %get3A_707[%get3A_708, %get3A_709] {strides = array<i32>} : memref<200x128xf32, #tpu.memory_space<vmem>>, vector<1x16xf32>,
        %get3A_711 = vector.shape_cast %get3A_710 : vector<1x16xf32> to vector<16xf32>
        %get3A_712 = arith.index_cast %add3A_549 : i32 to index
        %get3A_713 = arith.constant 112 : index
        %get3A_714 = tpu.vector_load %arg7[%get3A_712, %get3A_713] {strides = array<i32>} : memref<200x128xf32, #tpu.memory_space<vmem>>, vector<1x16xf32>,
        %get3A_715 = vector.shape_cast %get3A_714 : vector<1x16xf32> to vector<16xf32>
        %add3A_716 = arith.addf %get3A_711, %get3A_715 : vector<16xf32>
        %swap3A_717 = arith.constant 0 : i32
        %swap3A_718 = arith.constant 0 : i32
        %swap3A_719 = tpu.memref_slice %arg8[%scan3A_273, %swap3A_717, %swap3A_718] : memref<3x200x128xf32, #tpu.memory_space<vmem>> -> memref<1x200x128xf32, #tpu.memory_space<vmem>>
        %swap3A_720 = tpu.memref_squeeze %swap3A_719 : memref<1x200x128xf32, #tpu.memory_space<vmem>> -> memref<200x128xf32, #tpu.memory_space<vmem>>
        %swap3A_721 = arith.index_cast %add3A_549 : i32 to index
        %swap3A_722 = arith.constant 112 : index
        %swap3A_723 = tpu.vector_load %swap3A_720[%swap3A_721, %swap3A_722] {strides = array<i32>} : memref<200x128xf32, #tpu.memory_space<vmem>>, vector<1x16xf32>,
        %swap3A_724 = vector.shape_cast %swap3A_723 : vector<1x16xf32> to vector<16xf32>
        %swap3A_725 = vector.shape_cast %add3A_716 : vector<16xf32> to vector<1x16xf32>
        tpu.vector_store %swap3A_720[%swap3A_721, %swap3A_722], %swap3A_725 {strides = array<i32>} : memref<200x128xf32, #tpu.memory_space<vmem>>, vector<1x16xf32>,
        %add3A_726 = arith.constant 2 : i32
        %add3A_727 = arith.addi %mul3A_371, %add3A_726 : i32
        %get3A_728 = arith.constant 0 : i32
        %get3A_729 = arith.constant 0 : i32
        %get3A_730 = tpu.memref_slice %arg8[%scan3A_273, %get3A_728, %get3A_729] : memref<3x200x128xf32, #tpu.memory_space<vmem>> -> memref<1x200x128xf32, #tpu.memory_space<vmem>>
        %get3A_731 = tpu.memref_squeeze %get3A_730 : memref<1x200x128xf32, #tpu.memory_space<vmem>> -> memref<200x128xf32, #tpu.memory_space<vmem>>
        %get3A_732 = arith.index_cast %add3A_727 : i32 to index
        %get3A_733 = arith.constant 0 : index
        %get3A_734 = tpu.vector_load %get3A_731[%get3A_732, %get3A_733] {strides = array<i32>} : memref<200x128xf32, #tpu.memory_space<vmem>>, vector<1x16xf32>,
        %get3A_735 = vector.shape_cast %get3A_734 : vector<1x16xf32> to vector<16xf32>
        %get3A_736 = arith.index_cast %add3A_727 : i32 to index
        %get3A_737 = arith.constant 0 : index
        %get3A_738 = tpu.vector_load %arg7[%get3A_736, %get3A_737] {strides = array<i32>} : memref<200x128xf32, #tpu.memory_space<vmem>>, vector<1x16xf32>,
        %get3A_739 = vector.shape_cast %get3A_738 : vector<1x16xf32> to vector<16xf32>
        %add3A_740 = arith.addf %get3A_735, %get3A_739 : vector<16xf32>
        %swap3A_741 = arith.constant 0 : i32
        %swap3A_742 = arith.constant 0 : i32
        %swap3A_743 = tpu.memref_slice %arg8[%scan3A_273, %swap3A_741, %swap3A_742] : memref<3x200x128xf32, #tpu.memory_space<vmem>> -> memref<1x200x128xf32, #tpu.memory_space<vmem>>
        %swap3A_744 = tpu.memref_squeeze %swap3A_743 : memref<1x200x128xf32, #tpu.memory_space<vmem>> -> memref<200x128xf32, #tpu.memory_space<vmem>>
        %swap3A_745 = arith.index_cast %add3A_727 : i32 to index
        %swap3A_746 = arith.constant 0 : index
        %swap3A_747 = tpu.vector_load %swap3A_744[%swap3A_745, %swap3A_746] {strides = array<i32>} : memref<200x128xf32, #tpu.memory_space<vmem>>, vector<1x16xf32>,
        %swap3A_748 = vector.shape_cast %swap3A_747 : vector<1x16xf32> to vector<16xf32>
        %swap3A_749 = vector.shape_cast %add3A_740 : vector<16xf32> to vector<1x16xf32>
        tpu.vector_store %swap3A_744[%swap3A_745, %swap3A_746], %swap3A_749 {strides = array<i32>} : memref<200x128xf32, #tpu.memory_space<vmem>>, vector<1x16xf32>,
        %get3A_750 = arith.constant 0 : i32
        %get3A_751 = arith.constant 0 : i32
        %get3A_752 = tpu.memref_slice %arg8[%scan3A_273, %get3A_750, %get3A_751] : memref<3x200x128xf32, #tpu.memory_space<vmem>> -> memref<1x200x128xf32, #tpu.memory_space<vmem>>
        %get3A_753 = tpu.memref_squeeze %get3A_752 : memref<1x200x128xf32, #tpu.memory_space<vmem>> -> memref<200x128xf32, #tpu.memory_space<vmem>>
        %get3A_754 = arith.index_cast %add3A_727 : i32 to index
        %get3A_755 = arith.constant 16 : index
        %get3A_756 = tpu.vector_load %get3A_753[%get3A_754, %get3A_755] {strides = array<i32>} : memref<200x128xf32, #tpu.memory_space<vmem>>, vector<1x16xf32>,
        %get3A_757 = vector.shape_cast %get3A_756 : vector<1x16xf32> to vector<16xf32>
        %get3A_758 = arith.index_cast %add3A_727 : i32 to index
        %get3A_759 = arith.constant 16 : index
        %get3A_760 = tpu.vector_load %arg7[%get3A_758, %get3A_759] {strides = array<i32>} : memref<200x128xf32, #tpu.memory_space<vmem>>, vector<1x16xf32>,
        %get3A_761 = vector.shape_cast %get3A_760 : vector<1x16xf32> to vector<16xf32>
        %add3A_762 = arith.addf %get3A_757, %get3A_761 : vector<16xf32>
        %swap3A_763 = arith.constant 0 : i32
        %swap3A_764 = arith.constant 0 : i32
        %swap3A_765 = tpu.memref_slice %arg8[%scan3A_273, %swap3A_763, %swap3A_764] : memref<3x200x128xf32, #tpu.memory_space<vmem>> -> memref<1x200x128xf32, #tpu.memory_space<vmem>>
        %swap3A_766 = tpu.memref_squeeze %swap3A_765 : memref<1x200x128xf32, #tpu.memory_space<vmem>> -> memref<200x128xf32, #tpu.memory_space<vmem>>
        %swap3A_767 = arith.index_cast %add3A_727 : i32 to index
        %swap3A_768 = arith.constant 16 : index
        %swap3A_769 = tpu.vector_load %swap3A_766[%swap3A_767, %swap3A_768] {strides = array<i32>} : memref<200x128xf32, #tpu.memory_space<vmem>>, vector<1x16xf32>,
        %swap3A_770 = vector.shape_cast %swap3A_769 : vector<1x16xf32> to vector<16xf32>
        %swap3A_771 = vector.shape_cast %add3A_762 : vector<16xf32> to vector<1x16xf32>
        tpu.vector_store %swap3A_766[%swap3A_767, %swap3A_768], %swap3A_771 {strides = array<i32>} : memref<200x128xf32, #tpu.memory_space<vmem>>, vector<1x16xf32>,
        %get3A_772 = arith.constant 0 : i32
        %get3A_773 = arith.constant 0 : i32
        %get3A_774 = tpu.memref_slice %arg8[%scan3A_273, %get3A_772, %get3A_773] : memref<3x200x128xf32, #tpu.memory_space<vmem>> -> memref<1x200x128xf32, #tpu.memory_space<vmem>>
        %get3A_775 = tpu.memref_squeeze %get3A_774 : memref<1x200x128xf32, #tpu.memory_space<vmem>> -> memref<200x128xf32, #tpu.memory_space<vmem>>
        %get3A_776 = arith.index_cast %add3A_727 : i32 to index
        %get3A_777 = arith.constant 32 : index
        %get3A_778 = tpu.vector_load %get3A_775[%get3A_776, %get3A_777] {strides = array<i32>} : memref<200x128xf32, #tpu.memory_space<vmem>>, vector<1x16xf32>,
        %get3A_779 = vector.shape_cast %get3A_778 : vector<1x16xf32> to vector<16xf32>
        %get3A_780 = arith.index_cast %add3A_727 : i32 to index
        %get3A_781 = arith.constant 32 : index
        %get3A_782 = tpu.vector_load %arg7[%get3A_780, %get3A_781] {strides = array<i32>} : memref<200x128xf32, #tpu.memory_space<vmem>>, vector<1x16xf32>,
        %get3A_783 = vector.shape_cast %get3A_782 : vector<1x16xf32> to vector<16xf32>
        %add3A_784 = arith.addf %get3A_779, %get3A_783 : vector<16xf32>
        %swap3A_785 = arith.constant 0 : i32
        %swap3A_786 = arith.constant 0 : i32
        %swap3A_787 = tpu.memref_slice %arg8[%scan3A_273, %swap3A_785, %swap3A_786] : memref<3x200x128xf32, #tpu.memory_space<vmem>> -> memref<1x200x128xf32, #tpu.memory_space<vmem>>
        %swap3A_788 = tpu.memref_squeeze %swap3A_787 : memref<1x200x128xf32, #tpu.memory_space<vmem>> -> memref<200x128xf32, #tpu.memory_space<vmem>>
        %swap3A_789 = arith.index_cast %add3A_727 : i32 to index
        %swap3A_790 = arith.constant 32 : index
        %swap3A_791 = tpu.vector_load %swap3A_788[%swap3A_789, %swap3A_790] {strides = array<i32>} : memref<200x128xf32, #tpu.memory_space<vmem>>, vector<1x16xf32>,
        %swap3A_792 = vector.shape_cast %swap3A_791 : vector<1x16xf32> to vector<16xf32>
        %swap3A_793 = vector.shape_cast %add3A_784 : vector<16xf32> to vector<1x16xf32>
        tpu.vector_store %swap3A_788[%swap3A_789, %swap3A_790], %swap3A_793 {strides = array<i32>} : memref<200x128xf32, #tpu.memory_space<vmem>>, vector<1x16xf32>,
        %get3A_794 = arith.constant 0 : i32
        %get3A_795 = arith.constant 0 : i32
        %get3A_796 = tpu.memref_slice %arg8[%scan3A_273, %get3A_794, %get3A_795] : memref<3x200x128xf32, #tpu.memory_space<vmem>> -> memref<1x200x128xf32, #tpu.memory_space<vmem>>
        %get3A_797 = tpu.memref_squeeze %get3A_796 : memref<1x200x128xf32, #tpu.memory_space<vmem>> -> memref<200x128xf32, #tpu.memory_space<vmem>>
        %get3A_798 = arith.index_cast %add3A_727 : i32 to index
        %get3A_799 = arith.constant 48 : index
        %get3A_800 = tpu.vector_load %get3A_797[%get3A_798, %get3A_799] {strides = array<i32>} : memref<200x128xf32, #tpu.memory_space<vmem>>, vector<1x16xf32>,
        %get3A_801 = vector.shape_cast %get3A_800 : vector<1x16xf32> to vector<16xf32>
        %get3A_802 = arith.index_cast %add3A_727 : i32 to index
        %get3A_803 = arith.constant 48 : index
        %get3A_804 = tpu.vector_load %arg7[%get3A_802, %get3A_803] {strides = array<i32>} : memref<200x128xf32, #tpu.memory_space<vmem>>, vector<1x16xf32>,
        %get3A_805 = vector.shape_cast %get3A_804 : vector<1x16xf32> to vector<16xf32>
        %add3A_806 = arith.addf %get3A_801, %get3A_805 : vector<16xf32>
        %swap3A_807 = arith.constant 0 : i32
        %swap3A_808 = arith.constant 0 : i32
        %swap3A_809 = tpu.memref_slice %arg8[%scan3A_273, %swap3A_807, %swap3A_808] : memref<3x200x128xf32, #tpu.memory_space<vmem>> -> memref<1x200x128xf32, #tpu.memory_space<vmem>>
        %swap3A_810 = tpu.memref_squeeze %swap3A_809 : memref<1x200x128xf32, #tpu.memory_space<vmem>> -> memref<200x128xf32, #tpu.memory_space<vmem>>
        %swap3A_811 = arith.index_cast %add3A_727 : i32 to index
        %swap3A_812 = arith.constant 48 : index
        %swap3A_813 = tpu.vector_load %swap3A_810[%swap3A_811, %swap3A_812] {strides = array<i32>} : memref<200x128xf32, #tpu.memory_space<vmem>>, vector<1x16xf32>,
        %swap3A_814 = vector.shape_cast %swap3A_813 : vector<1x16xf32> to vector<16xf32>
        %swap3A_815 = vector.shape_cast %add3A_806 : vector<16xf32> to vector<1x16xf32>
        tpu.vector_store %swap3A_810[%swap3A_811, %swap3A_812], %swap3A_815 {strides = array<i32>} : memref<200x128xf32, #tpu.memory_space<vmem>>, vector<1x16xf32>,
        %get3A_816 = arith.constant 0 : i32
        %get3A_817 = arith.constant 0 : i32
        %get3A_818 = tpu.memref_slice %arg8[%scan3A_273, %get3A_816, %get3A_817] : memref<3x200x128xf32, #tpu.memory_space<vmem>> -> memref<1x200x128xf32, #tpu.memory_space<vmem>>
        %get3A_819 = tpu.memref_squeeze %get3A_818 : memref<1x200x128xf32, #tpu.memory_space<vmem>> -> memref<200x128xf32, #tpu.memory_space<vmem>>
        %get3A_820 = arith.index_cast %add3A_727 : i32 to index
        %get3A_821 = arith.constant 64 : index
        %get3A_822 = tpu.vector_load %get3A_819[%get3A_820, %get3A_821] {strides = array<i32>} : memref<200x128xf32, #tpu.memory_space<vmem>>, vector<1x16xf32>,
        %get3A_823 = vector.shape_cast %get3A_822 : vector<1x16xf32> to vector<16xf32>
        %get3A_824 = arith.index_cast %add3A_727 : i32 to index
        %get3A_825 = arith.constant 64 : index
        %get3A_826 = tpu.vector_load %arg7[%get3A_824, %get3A_825] {strides = array<i32>} : memref<200x128xf32, #tpu.memory_space<vmem>>, vector<1x16xf32>,
        %get3A_827 = vector.shape_cast %get3A_826 : vector<1x16xf32> to vector<16xf32>
        %add3A_828 = arith.addf %get3A_823, %get3A_827 : vector<16xf32>
        %swap3A_829 = arith.constant 0 : i32
        %swap3A_830 = arith.constant 0 : i32
        %swap3A_831 = tpu.memref_slice %arg8[%scan3A_273, %swap3A_829, %swap3A_830] : memref<3x200x128xf32, #tpu.memory_space<vmem>> -> memref<1x200x128xf32, #tpu.memory_space<vmem>>
        %swap3A_832 = tpu.memref_squeeze %swap3A_831 : memref<1x200x128xf32, #tpu.memory_space<vmem>> -> memref<200x128xf32, #tpu.memory_space<vmem>>
        %swap3A_833 = arith.index_cast %add3A_727 : i32 to index
        %swap3A_834 = arith.constant 64 : index
        %swap3A_835 = tpu.vector_load %swap3A_832[%swap3A_833, %swap3A_834] {strides = array<i32>} : memref<200x128xf32, #tpu.memory_space<vmem>>, vector<1x16xf32>,
        %swap3A_836 = vector.shape_cast %swap3A_835 : vector<1x16xf32> to vector<16xf32>
        %swap3A_837 = vector.shape_cast %add3A_828 : vector<16xf32> to vector<1x16xf32>
        tpu.vector_store %swap3A_832[%swap3A_833, %swap3A_834], %swap3A_837 {strides = array<i32>} : memref<200x128xf32, #tpu.memory_space<vmem>>, vector<1x16xf32>,
        %get3A_838 = arith.constant 0 : i32
        %get3A_839 = arith.constant 0 : i32
        %get3A_840 = tpu.memref_slice %arg8[%scan3A_273, %get3A_838, %get3A_839] : memref<3x200x128xf32, #tpu.memory_space<vmem>> -> memref<1x200x128xf32, #tpu.memory_space<vmem>>
        %get3A_841 = tpu.memref_squeeze %get3A_840 : memref<1x200x128xf32, #tpu.memory_space<vmem>> -> memref<200x128xf32, #tpu.memory_space<vmem>>
        %get3A_842 = arith.index_cast %add3A_727 : i32 to index
        %get3A_843 = arith.constant 80 : index
        %get3A_844 = tpu.vector_load %get3A_841[%get3A_842, %get3A_843] {strides = array<i32>} : memref<200x128xf32, #tpu.memory_space<vmem>>, vector<1x16xf32>,
        %get3A_845 = vector.shape_cast %get3A_844 : vector<1x16xf32> to vector<16xf32>
        %get3A_846 = arith.index_cast %add3A_727 : i32 to index
        %get3A_847 = arith.constant 80 : index
        %get3A_848 = tpu.vector_load %arg7[%get3A_846, %get3A_847] {strides = array<i32>} : memref<200x128xf32, #tpu.memory_space<vmem>>, vector<1x16xf32>,
        %get3A_849 = vector.shape_cast %get3A_848 : vector<1x16xf32> to vector<16xf32>
        %add3A_850 = arith.addf %get3A_845, %get3A_849 : vector<16xf32>
        %swap3A_851 = arith.constant 0 : i32
        %swap3A_852 = arith.constant 0 : i32
        %swap3A_853 = tpu.memref_slice %arg8[%scan3A_273, %swap3A_851, %swap3A_852] : memref<3x200x128xf32, #tpu.memory_space<vmem>> -> memref<1x200x128xf32, #tpu.memory_space<vmem>>
        %swap3A_854 = tpu.memref_squeeze %swap3A_853 : memref<1x200x128xf32, #tpu.memory_space<vmem>> -> memref<200x128xf32, #tpu.memory_space<vmem>>
        %swap3A_855 = arith.index_cast %add3A_727 : i32 to index
        %swap3A_856 = arith.constant 80 : index
        %swap3A_857 = tpu.vector_load %swap3A_854[%swap3A_855, %swap3A_856] {strides = array<i32>} : memref<200x128xf32, #tpu.memory_space<vmem>>, vector<1x16xf32>,
        %swap3A_858 = vector.shape_cast %swap3A_857 : vector<1x16xf32> to vector<16xf32>
        %swap3A_859 = vector.shape_cast %add3A_850 : vector<16xf32> to vector<1x16xf32>
        tpu.vector_store %swap3A_854[%swap3A_855, %swap3A_856], %swap3A_859 {strides = array<i32>} : memref<200x128xf32, #tpu.memory_space<vmem>>, vector<1x16xf32>,
        %get3A_860 = arith.constant 0 : i32
        %get3A_861 = arith.constant 0 : i32
        %get3A_862 = tpu.memref_slice %arg8[%scan3A_273, %get3A_860, %get3A_861] : memref<3x200x128xf32, #tpu.memory_space<vmem>> -> memref<1x200x128xf32, #tpu.memory_space<vmem>>
        %get3A_863 = tpu.memref_squeeze %get3A_862 : memref<1x200x128xf32, #tpu.memory_space<vmem>> -> memref<200x128xf32, #tpu.memory_space<vmem>>
        %get3A_864 = arith.index_cast %add3A_727 : i32 to index
        %get3A_865 = arith.constant 96 : index
        %get3A_866 = tpu.vector_load %get3A_863[%get3A_864, %get3A_865] {strides = array<i32>} : memref<200x128xf32, #tpu.memory_space<vmem>>, vector<1x16xf32>,
        %get3A_867 = vector.shape_cast %get3A_866 : vector<1x16xf32> to vector<16xf32>
        %get3A_868 = arith.index_cast %add3A_727 : i32 to index
        %get3A_869 = arith.constant 96 : index
        %get3A_870 = tpu.vector_load %arg7[%get3A_868, %get3A_869] {strides = array<i32>} : memref<200x128xf32, #tpu.memory_space<vmem>>, vector<1x16xf32>,
        %get3A_871 = vector.shape_cast %get3A_870 : vector<1x16xf32> to vector<16xf32>
        %add3A_872 = arith.addf %get3A_867, %get3A_871 : vector<16xf32>
        %swap3A_873 = arith.constant 0 : i32
        %swap3A_874 = arith.constant 0 : i32
        %swap3A_875 = tpu.memref_slice %arg8[%scan3A_273, %swap3A_873, %swap3A_874] : memref<3x200x128xf32, #tpu.memory_space<vmem>> -> memref<1x200x128xf32, #tpu.memory_space<vmem>>
        %swap3A_876 = tpu.memref_squeeze %swap3A_875 : memref<1x200x128xf32, #tpu.memory_space<vmem>> -> memref<200x128xf32, #tpu.memory_space<vmem>>
        %swap3A_877 = arith.index_cast %add3A_727 : i32 to index
        %swap3A_878 = arith.constant 96 : index
        %swap3A_879 = tpu.vector_load %swap3A_876[%swap3A_877, %swap3A_878] {strides = array<i32>} : memref<200x128xf32, #tpu.memory_space<vmem>>, vector<1x16xf32>,
        %swap3A_880 = vector.shape_cast %swap3A_879 : vector<1x16xf32> to vector<16xf32>
        %swap3A_881 = vector.shape_cast %add3A_872 : vector<16xf32> to vector<1x16xf32>
        tpu.vector_store %swap3A_876[%swap3A_877, %swap3A_878], %swap3A_881 {strides = array<i32>} : memref<200x128xf32, #tpu.memory_space<vmem>>, vector<1x16xf32>,
        %get3A_882 = arith.constant 0 : i32
        %get3A_883 = arith.constant 0 : i32
        %get3A_884 = tpu.memref_slice %arg8[%scan3A_273, %get3A_882, %get3A_883] : memref<3x200x128xf32, #tpu.memory_space<vmem>> -> memref<1x200x128xf32, #tpu.memory_space<vmem>>
        %get3A_885 = tpu.memref_squeeze %get3A_884 : memref<1x200x128xf32, #tpu.memory_space<vmem>> -> memref<200x128xf32, #tpu.memory_space<vmem>>
        %get3A_886 = arith.index_cast %add3A_727 : i32 to index
        %get3A_887 = arith.constant 112 : index
        %get3A_888 = tpu.vector_load %get3A_885[%get3A_886, %get3A_887] {strides = array<i32>} : memref<200x128xf32, #tpu.memory_space<vmem>>, vector<1x16xf32>,
        %get3A_889 = vector.shape_cast %get3A_888 : vector<1x16xf32> to vector<16xf32>
        %get3A_890 = arith.index_cast %add3A_727 : i32 to index
        %get3A_891 = arith.constant 112 : index
        %get3A_892 = tpu.vector_load %arg7[%get3A_890, %get3A_891] {strides = array<i32>} : memref<200x128xf32, #tpu.memory_space<vmem>>, vector<1x16xf32>,
        %get3A_893 = vector.shape_cast %get3A_892 : vector<1x16xf32> to vector<16xf32>
        %add3A_894 = arith.addf %get3A_889, %get3A_893 : vector<16xf32>
        %swap3A_895 = arith.constant 0 : i32
        %swap3A_896 = arith.constant 0 : i32
        %swap3A_897 = tpu.memref_slice %arg8[%scan3A_273, %swap3A_895, %swap3A_896] : memref<3x200x128xf32, #tpu.memory_space<vmem>> -> memref<1x200x128xf32, #tpu.memory_space<vmem>>
        %swap3A_898 = tpu.memref_squeeze %swap3A_897 : memref<1x200x128xf32, #tpu.memory_space<vmem>> -> memref<200x128xf32, #tpu.memory_space<vmem>>
        %swap3A_899 = arith.index_cast %add3A_727 : i32 to index
        %swap3A_900 = arith.constant 112 : index
        %swap3A_901 = tpu.vector_load %swap3A_898[%swap3A_899, %swap3A_900] {strides = array<i32>} : memref<200x128xf32, #tpu.memory_space<vmem>>, vector<1x16xf32>,
        %swap3A_902 = vector.shape_cast %swap3A_901 : vector<1x16xf32> to vector<16xf32>
        %swap3A_903 = vector.shape_cast %add3A_894 : vector<16xf32> to vector<1x16xf32>
        tpu.vector_store %swap3A_898[%swap3A_899, %swap3A_900], %swap3A_903 {strides = array<i32>} : memref<200x128xf32, #tpu.memory_space<vmem>>, vector<1x16xf32>,
        %add3A_904 = arith.constant 3 : i32
        %add3A_905 = arith.addi %mul3A_371, %add3A_904 : i32
        %get3A_906 = arith.constant 0 : i32
        %get3A_907 = arith.constant 0 : i32
        %get3A_908 = tpu.memref_slice %arg8[%scan3A_273, %get3A_906, %get3A_907] : memref<3x200x128xf32, #tpu.memory_space<vmem>> -> memref<1x200x128xf32, #tpu.memory_space<vmem>>
        %get3A_909 = tpu.memref_squeeze %get3A_908 : memref<1x200x128xf32, #tpu.memory_space<vmem>> -> memref<200x128xf32, #tpu.memory_space<vmem>>
        %get3A_910 = arith.index_cast %add3A_905 : i32 to index
        %get3A_911 = arith.constant 0 : index
        %get3A_912 = tpu.vector_load %get3A_909[%get3A_910, %get3A_911] {strides = array<i32>} : memref<200x128xf32, #tpu.memory_space<vmem>>, vector<1x16xf32>,
        %get3A_913 = vector.shape_cast %get3A_912 : vector<1x16xf32> to vector<16xf32>
        %get3A_914 = arith.index_cast %add3A_905 : i32 to index
        %get3A_915 = arith.constant 0 : index
        %get3A_916 = tpu.vector_load %arg7[%get3A_914, %get3A_915] {strides = array<i32>} : memref<200x128xf32, #tpu.memory_space<vmem>>, vector<1x16xf32>,
        %get3A_917 = vector.shape_cast %get3A_916 : vector<1x16xf32> to vector<16xf32>
        %add3A_918 = arith.addf %get3A_913, %get3A_917 : vector<16xf32>
        %swap3A_919 = arith.constant 0 : i32
        %swap3A_920 = arith.constant 0 : i32
        %swap3A_921 = tpu.memref_slice %arg8[%scan3A_273, %swap3A_919, %swap3A_920] : memref<3x200x128xf32, #tpu.memory_space<vmem>> -> memref<1x200x128xf32, #tpu.memory_space<vmem>>
        %swap3A_922 = tpu.memref_squeeze %swap3A_921 : memref<1x200x128xf32, #tpu.memory_space<vmem>> -> memref<200x128xf32, #tpu.memory_space<vmem>>
        %swap3A_923 = arith.index_cast %add3A_905 : i32 to index
        %swap3A_924 = arith.constant 0 : index
        %swap3A_925 = tpu.vector_load %swap3A_922[%swap3A_923, %swap3A_924] {strides = array<i32>} : memref<200x128xf32, #tpu.memory_space<vmem>>, vector<1x16xf32>,
        %swap3A_926 = vector.shape_cast %swap3A_925 : vector<1x16xf32> to vector<16xf32>
        %swap3A_927 = vector.shape_cast %add3A_918 : vector<16xf32> to vector<1x16xf32>
        tpu.vector_store %swap3A_922[%swap3A_923, %swap3A_924], %swap3A_927 {strides = array<i32>} : memref<200x128xf32, #tpu.memory_space<vmem>>, vector<1x16xf32>,
        %get3A_928 = arith.constant 0 : i32
        %get3A_929 = arith.constant 0 : i32
        %get3A_930 = tpu.memref_slice %arg8[%scan3A_273, %get3A_928, %get3A_929] : memref<3x200x128xf32, #tpu.memory_space<vmem>> -> memref<1x200x128xf32, #tpu.memory_space<vmem>>
        %get3A_931 = tpu.memref_squeeze %get3A_930 : memref<1x200x128xf32, #tpu.memory_space<vmem>> -> memref<200x128xf32, #tpu.memory_space<vmem>>
        %get3A_932 = arith.index_cast %add3A_905 : i32 to index
        %get3A_933 = arith.constant 16 : index
        %get3A_934 = tpu.vector_load %get3A_931[%get3A_932, %get3A_933] {strides = array<i32>} : memref<200x128xf32, #tpu.memory_space<vmem>>, vector<1x16xf32>,
        %get3A_935 = vector.shape_cast %get3A_934 : vector<1x16xf32> to vector<16xf32>
        %get3A_936 = arith.index_cast %add3A_905 : i32 to index
        %get3A_937 = arith.constant 16 : index
        %get3A_938 = tpu.vector_load %arg7[%get3A_936, %get3A_937] {strides = array<i32>} : memref<200x128xf32, #tpu.memory_space<vmem>>, vector<1x16xf32>,
        %get3A_939 = vector.shape_cast %get3A_938 : vector<1x16xf32> to vector<16xf32>
        %add3A_940 = arith.addf %get3A_935, %get3A_939 : vector<16xf32>
        %swap3A_941 = arith.constant 0 : i32
        %swap3A_942 = arith.constant 0 : i32
        %swap3A_943 = tpu.memref_slice %arg8[%scan3A_273, %swap3A_941, %swap3A_942] : memref<3x200x128xf32, #tpu.memory_space<vmem>> -> memref<1x200x128xf32, #tpu.memory_space<vmem>>
        %swap3A_944 = tpu.memref_squeeze %swap3A_943 : memref<1x200x128xf32, #tpu.memory_space<vmem>> -> memref<200x128xf32, #tpu.memory_space<vmem>>
        %swap3A_945 = arith.index_cast %add3A_905 : i32 to index
        %swap3A_946 = arith.constant 16 : index
        %swap3A_947 = tpu.vector_load %swap3A_944[%swap3A_945, %swap3A_946] {strides = array<i32>} : memref<200x128xf32, #tpu.memory_space<vmem>>, vector<1x16xf32>,
        %swap3A_948 = vector.shape_cast %swap3A_947 : vector<1x16xf32> to vector<16xf32>
        %swap3A_949 = vector.shape_cast %add3A_940 : vector<16xf32> to vector<1x16xf32>
        tpu.vector_store %swap3A_944[%swap3A_945, %swap3A_946], %swap3A_949 {strides = array<i32>} : memref<200x128xf32, #tpu.memory_space<vmem>>, vector<1x16xf32>,
        %get3A_950 = arith.constant 0 : i32
        %get3A_951 = arith.constant 0 : i32
        %get3A_952 = tpu.memref_slice %arg8[%scan3A_273, %get3A_950, %get3A_951] : memref<3x200x128xf32, #tpu.memory_space<vmem>> -> memref<1x200x128xf32, #tpu.memory_space<vmem>>
        %get3A_953 = tpu.memref_squeeze %get3A_952 : memref<1x200x128xf32, #tpu.memory_space<vmem>> -> memref<200x128xf32, #tpu.memory_space<vmem>>
        %get3A_954 = arith.index_cast %add3A_905 : i32 to index
        %get3A_955 = arith.constant 32 : index
        %get3A_956 = tpu.vector_load %get3A_953[%get3A_954, %get3A_955] {strides = array<i32>} : memref<200x128xf32, #tpu.memory_space<vmem>>, vector<1x16xf32>,
        %get3A_957 = vector.shape_cast %get3A_956 : vector<1x16xf32> to vector<16xf32>
        %get3A_958 = arith.index_cast %add3A_905 : i32 to index
        %get3A_959 = arith.constant 32 : index
        %get3A_960 = tpu.vector_load %arg7[%get3A_958, %get3A_959] {strides = array<i32>} : memref<200x128xf32, #tpu.memory_space<vmem>>, vector<1x16xf32>,
        %get3A_961 = vector.shape_cast %get3A_960 : vector<1x16xf32> to vector<16xf32>
        %add3A_962 = arith.addf %get3A_957, %get3A_961 : vector<16xf32>
        %swap3A_963 = arith.constant 0 : i32
        %swap3A_964 = arith.constant 0 : i32
        %swap3A_965 = tpu.memref_slice %arg8[%scan3A_273, %swap3A_963, %swap3A_964] : memref<3x200x128xf32, #tpu.memory_space<vmem>> -> memref<1x200x128xf32, #tpu.memory_space<vmem>>
        %swap3A_966 = tpu.memref_squeeze %swap3A_965 : memref<1x200x128xf32, #tpu.memory_space<vmem>> -> memref<200x128xf32, #tpu.memory_space<vmem>>
        %swap3A_967 = arith.index_cast %add3A_905 : i32 to index
        %swap3A_968 = arith.constant 32 : index
        %swap3A_969 = tpu.vector_load %swap3A_966[%swap3A_967, %swap3A_968] {strides = array<i32>} : memref<200x128xf32, #tpu.memory_space<vmem>>, vector<1x16xf32>,
        %swap3A_970 = vector.shape_cast %swap3A_969 : vector<1x16xf32> to vector<16xf32>
        %swap3A_971 = vector.shape_cast %add3A_962 : vector<16xf32> to vector<1x16xf32>
        tpu.vector_store %swap3A_966[%swap3A_967, %swap3A_968], %swap3A_971 {strides = array<i32>} : memref<200x128xf32, #tpu.memory_space<vmem>>, vector<1x16xf32>,
        %get3A_972 = arith.constant 0 : i32
        %get3A_973 = arith.constant 0 : i32
        %get3A_974 = tpu.memref_slice %arg8[%scan3A_273, %get3A_972, %get3A_973] : memref<3x200x128xf32, #tpu.memory_space<vmem>> -> memref<1x200x128xf32, #tpu.memory_space<vmem>>
        %get3A_975 = tpu.memref_squeeze %get3A_974 : memref<1x200x128xf32, #tpu.memory_space<vmem>> -> memref<200x128xf32, #tpu.memory_space<vmem>>
        %get3A_976 = arith.index_cast %add3A_905 : i32 to index
        %get3A_977 = arith.constant 48 : index
        %get3A_978 = tpu.vector_load %get3A_975[%get3A_976, %get3A_977] {strides = array<i32>} : memref<200x128xf32, #tpu.memory_space<vmem>>, vector<1x16xf32>,
        %get3A_979 = vector.shape_cast %get3A_978 : vector<1x16xf32> to vector<16xf32>
        %get3A_980 = arith.index_cast %add3A_905 : i32 to index
        %get3A_981 = arith.constant 48 : index
        %get3A_982 = tpu.vector_load %arg7[%get3A_980, %get3A_981] {strides = array<i32>} : memref<200x128xf32, #tpu.memory_space<vmem>>, vector<1x16xf32>,
        %get3A_983 = vector.shape_cast %get3A_982 : vector<1x16xf32> to vector<16xf32>
        %add3A_984 = arith.addf %get3A_979, %get3A_983 : vector<16xf32>
        %swap3A_985 = arith.constant 0 : i32
        %swap3A_986 = arith.constant 0 : i32
        %swap3A_987 = tpu.memref_slice %arg8[%scan3A_273, %swap3A_985, %swap3A_986] : memref<3x200x128xf32, #tpu.memory_space<vmem>> -> memref<1x200x128xf32, #tpu.memory_space<vmem>>
        %swap3A_988 = tpu.memref_squeeze %swap3A_987 : memref<1x200x128xf32, #tpu.memory_space<vmem>> -> memref<200x128xf32, #tpu.memory_space<vmem>>
        %swap3A_989 = arith.index_cast %add3A_905 : i32 to index
        %swap3A_990 = arith.constant 48 : index
        %swap3A_991 = tpu.vector_load %swap3A_988[%swap3A_989, %swap3A_990] {strides = array<i32>} : memref<200x128xf32, #tpu.memory_space<vmem>>, vector<1x16xf32>,
        %swap3A_992 = vector.shape_cast %swap3A_991 : vector<1x16xf32> to vector<16xf32>
        %swap3A_993 = vector.shape_cast %add3A_984 : vector<16xf32> to vector<1x16xf32>
        tpu.vector_store %swap3A_988[%swap3A_989, %swap3A_990], %swap3A_993 {strides = array<i32>} : memref<200x128xf32, #tpu.memory_space<vmem>>, vector<1x16xf32>,
        %get3A_994 = arith.constant 0 : i32
        %get3A_995 = arith.constant 0 : i32
        %get3A_996 = tpu.memref_slice %arg8[%scan3A_273, %get3A_994, %get3A_995] : memref<3x200x128xf32, #tpu.memory_space<vmem>> -> memref<1x200x128xf32, #tpu.memory_space<vmem>>
        %get3A_997 = tpu.memref_squeeze %get3A_996 : memref<1x200x128xf32, #tpu.memory_space<vmem>> -> memref<200x128xf32, #tpu.memory_space<vmem>>
        %get3A_998 = arith.index_cast %add3A_905 : i32 to index
        %get3A_999 = arith.constant 64 : index
        %get3A_1000 = tpu.vector_load %get3A_997[%get3A_998, %get3A_999] {strides = array<i32>} : memref<200x128xf32, #tpu.memory_space<vmem>>, vector<1x16xf32>,
        %get3A_1001 = vector.shape_cast %get3A_1000 : vector<1x16xf32> to vector<16xf32>
        %get3A_1002 = arith.index_cast %add3A_905 : i32 to index
        %get3A_1003 = arith.constant 64 : index
        %get3A_1004 = tpu.vector_load %arg7[%get3A_1002, %get3A_1003] {strides = array<i32>} : memref<200x128xf32, #tpu.memory_space<vmem>>, vector<1x16xf32>,
        %get3A_1005 = vector.shape_cast %get3A_1004 : vector<1x16xf32> to vector<16xf32>
        %add3A_1006 = arith.addf %get3A_1001, %get3A_1005 : vector<16xf32>
        %swap3A_1007 = arith.constant 0 : i32
        %swap3A_1008 = arith.constant 0 : i32
        %swap3A_1009 = tpu.memref_slice %arg8[%scan3A_273, %swap3A_1007, %swap3A_1008] : memref<3x200x128xf32, #tpu.memory_space<vmem>> -> memref<1x200x128xf32, #tpu.memory_space<vmem>>
        %swap3A_1010 = tpu.memref_squeeze %swap3A_1009 : memref<1x200x128xf32, #tpu.memory_space<vmem>> -> memref<200x128xf32, #tpu.memory_space<vmem>>
        %swap3A_1011 = arith.index_cast %add3A_905 : i32 to index
        %swap3A_1012 = arith.constant 64 : index
        %swap3A_1013 = tpu.vector_load %swap3A_1010[%swap3A_1011, %swap3A_1012] {strides = array<i32>} : memref<200x128xf32, #tpu.memory_space<vmem>>, vector<1x16xf32>,
        %swap3A_1014 = vector.shape_cast %swap3A_1013 : vector<1x16xf32> to vector<16xf32>
        %swap3A_1015 = vector.shape_cast %add3A_1006 : vector<16xf32> to vector<1x16xf32>
        tpu.vector_store %swap3A_1010[%swap3A_1011, %swap3A_1012], %swap3A_1015 {strides = array<i32>} : memref<200x128xf32, #tpu.memory_space<vmem>>, vector<1x16xf32>,
        %get3A_1016 = arith.constant 0 : i32
        %get3A_1017 = arith.constant 0 : i32
        %get3A_1018 = tpu.memref_slice %arg8[%scan3A_273, %get3A_1016, %get3A_1017] : memref<3x200x128xf32, #tpu.memory_space<vmem>> -> memref<1x200x128xf32, #tpu.memory_space<vmem>>
        %get3A_1019 = tpu.memref_squeeze %get3A_1018 : memref<1x200x128xf32, #tpu.memory_space<vmem>> -> memref<200x128xf32, #tpu.memory_space<vmem>>
        %get3A_1020 = arith.index_cast %add3A_905 : i32 to index
        %get3A_1021 = arith.constant 80 : index
        %get3A_1022 = tpu.vector_load %get3A_1019[%get3A_1020, %get3A_1021] {strides = array<i32>} : memref<200x128xf32, #tpu.memory_space<vmem>>, vector<1x16xf32>,
        %get3A_1023 = vector.shape_cast %get3A_1022 : vector<1x16xf32> to vector<16xf32>
        %get3A_1024 = arith.index_cast %add3A_905 : i32 to index
        %get3A_1025 = arith.constant 80 : index
        %get3A_1026 = tpu.vector_load %arg7[%get3A_1024, %get3A_1025] {strides = array<i32>} : memref<200x128xf32, #tpu.memory_space<vmem>>, vector<1x16xf32>,
        %get3A_1027 = vector.shape_cast %get3A_1026 : vector<1x16xf32> to vector<16xf32>
        %add3A_1028 = arith.addf %get3A_1023, %get3A_1027 : vector<16xf32>
        %swap3A_1029 = arith.constant 0 : i32
        %swap3A_1030 = arith.constant 0 : i32
        %swap3A_1031 = tpu.memref_slice %arg8[%scan3A_273, %swap3A_1029, %swap3A_1030] : memref<3x200x128xf32, #tpu.memory_space<vmem>> -> memref<1x200x128xf32, #tpu.memory_space<vmem>>
        %swap3A_1032 = tpu.memref_squeeze %swap3A_1031 : memref<1x200x128xf32, #tpu.memory_space<vmem>> -> memref<200x128xf32, #tpu.memory_space<vmem>>
        %swap3A_1033 = arith.index_cast %add3A_905 : i32 to index
        %swap3A_1034 = arith.constant 80 : index
        %swap3A_1035 = tpu.vector_load %swap3A_1032[%swap3A_1033, %swap3A_1034] {strides = array<i32>} : memref<200x128xf32, #tpu.memory_space<vmem>>, vector<1x16xf32>,
        %swap3A_1036 = vector.shape_cast %swap3A_1035 : vector<1x16xf32> to vector<16xf32>
        %swap3A_1037 = vector.shape_cast %add3A_1028 : vector<16xf32> to vector<1x16xf32>
        tpu.vector_store %swap3A_1032[%swap3A_1033, %swap3A_1034], %swap3A_1037 {strides = array<i32>} : memref<200x128xf32, #tpu.memory_space<vmem>>, vector<1x16xf32>,
        %get3A_1038 = arith.constant 0 : i32
        %get3A_1039 = arith.constant 0 : i32
        %get3A_1040 = tpu.memref_slice %arg8[%scan3A_273, %get3A_1038, %get3A_1039] : memref<3x200x128xf32, #tpu.memory_space<vmem>> -> memref<1x200x128xf32, #tpu.memory_space<vmem>>
        %get3A_1041 = tpu.memref_squeeze %get3A_1040 : memref<1x200x128xf32, #tpu.memory_space<vmem>> -> memref<200x128xf32, #tpu.memory_space<vmem>>
        %get3A_1042 = arith.index_cast %add3A_905 : i32 to index
        %get3A_1043 = arith.constant 96 : index
        %get3A_1044 = tpu.vector_load %get3A_1041[%get3A_1042, %get3A_1043] {strides = array<i32>} : memref<200x128xf32, #tpu.memory_space<vmem>>, vector<1x16xf32>,
        %get3A_1045 = vector.shape_cast %get3A_1044 : vector<1x16xf32> to vector<16xf32>
        %get3A_1046 = arith.index_cast %add3A_905 : i32 to index
        %get3A_1047 = arith.constant 96 : index
        %get3A_1048 = tpu.vector_load %arg7[%get3A_1046, %get3A_1047] {strides = array<i32>} : memref<200x128xf32, #tpu.memory_space<vmem>>, vector<1x16xf32>,
        %get3A_1049 = vector.shape_cast %get3A_1048 : vector<1x16xf32> to vector<16xf32>
        %add3A_1050 = arith.addf %get3A_1045, %get3A_1049 : vector<16xf32>
        %swap3A_1051 = arith.constant 0 : i32
        %swap3A_1052 = arith.constant 0 : i32
        %swap3A_1053 = tpu.memref_slice %arg8[%scan3A_273, %swap3A_1051, %swap3A_1052] : memref<3x200x128xf32, #tpu.memory_space<vmem>> -> memref<1x200x128xf32, #tpu.memory_space<vmem>>
        %swap3A_1054 = tpu.memref_squeeze %swap3A_1053 : memref<1x200x128xf32, #tpu.memory_space<vmem>> -> memref<200x128xf32, #tpu.memory_space<vmem>>
        %swap3A_1055 = arith.index_cast %add3A_905 : i32 to index
        %swap3A_1056 = arith.constant 96 : index
        %swap3A_1057 = tpu.vector_load %swap3A_1054[%swap3A_1055, %swap3A_1056] {strides = array<i32>} : memref<200x128xf32, #tpu.memory_space<vmem>>, vector<1x16xf32>,
        %swap3A_1058 = vector.shape_cast %swap3A_1057 : vector<1x16xf32> to vector<16xf32>
        %swap3A_1059 = vector.shape_cast %add3A_1050 : vector<16xf32> to vector<1x16xf32>
        tpu.vector_store %swap3A_1054[%swap3A_1055, %swap3A_1056], %swap3A_1059 {strides = array<i32>} : memref<200x128xf32, #tpu.memory_space<vmem>>, vector<1x16xf32>,
        %get3A_1060 = arith.constant 0 : i32
        %get3A_1061 = arith.constant 0 : i32
        %get3A_1062 = tpu.memref_slice %arg8[%scan3A_273, %get3A_1060, %get3A_1061] : memref<3x200x128xf32, #tpu.memory_space<vmem>> -> memref<1x200x128xf32, #tpu.memory_space<vmem>>
        %get3A_1063 = tpu.memref_squeeze %get3A_1062 : memref<1x200x128xf32, #tpu.memory_space<vmem>> -> memref<200x128xf32, #tpu.memory_space<vmem>>
        %get3A_1064 = arith.index_cast %add3A_905 : i32 to index
        %get3A_1065 = arith.constant 112 : index
        %get3A_1066 = tpu.vector_load %get3A_1063[%get3A_1064, %get3A_1065] {strides = array<i32>} : memref<200x128xf32, #tpu.memory_space<vmem>>, vector<1x16xf32>,
        %get3A_1067 = vector.shape_cast %get3A_1066 : vector<1x16xf32> to vector<16xf32>
        %get3A_1068 = arith.index_cast %add3A_905 : i32 to index
        %get3A_1069 = arith.constant 112 : index
        %get3A_1070 = tpu.vector_load %arg7[%get3A_1068, %get3A_1069] {strides = array<i32>} : memref<200x128xf32, #tpu.memory_space<vmem>>, vector<1x16xf32>,
        %get3A_1071 = vector.shape_cast %get3A_1070 : vector<1x16xf32> to vector<16xf32>
        %add3A_1072 = arith.addf %get3A_1067, %get3A_1071 : vector<16xf32>
        %swap3A_1073 = arith.constant 0 : i32
        %swap3A_1074 = arith.constant 0 : i32
        %swap3A_1075 = tpu.memref_slice %arg8[%scan3A_273, %swap3A_1073, %swap3A_1074] : memref<3x200x128xf32, #tpu.memory_space<vmem>> -> memref<1x200x128xf32, #tpu.memory_space<vmem>>
        %swap3A_1076 = tpu.memref_squeeze %swap3A_1075 : memref<1x200x128xf32, #tpu.memory_space<vmem>> -> memref<200x128xf32, #tpu.memory_space<vmem>>
        %swap3A_1077 = arith.index_cast %add3A_905 : i32 to index
        %swap3A_1078 = arith.constant 112 : index
        %swap3A_1079 = tpu.vector_load %swap3A_1076[%swap3A_1077, %swap3A_1078] {strides = array<i32>} : memref<200x128xf32, #tpu.memory_space<vmem>>, vector<1x16xf32>,
        %swap3A_1080 = vector.shape_cast %swap3A_1079 : vector<1x16xf32> to vector<16xf32>
        %swap3A_1081 = vector.shape_cast %add3A_1072 : vector<16xf32> to vector<1x16xf32>
        tpu.vector_store %swap3A_1076[%swap3A_1077, %swap3A_1078], %swap3A_1081 {strides = array<i32>} : memref<200x128xf32, #tpu.memory_space<vmem>>, vector<1x16xf32>,
      }
      %scan3A_278 = arith.constant 50 : i32
      %ge3A_279 = arith.constant 1 : i32
      %ge3A_280 = arith.cmpi sge, %add3A_254, %ge3A_279 : i32
      %convert_element_type3A_281 = arith.extui %ge3A_280 : i1 to i32
      %cond3A_282 = arith.constant 0 : i32
      %cond3A_283 = arith.cmpi ne, %convert_element_type3A_281, %cond3A_282 : i32
      scf.if %cond3A_283 {
        %dma_wait3A_369 = arith.constant 0 : i32
        %dma_wait3A_370 = arith.constant 0 : i32
        %dma_wait3A_371 = arith.constant 0 : i32
        %dma_wait3A_372 = arith.constant 0 : i32
        %dma_wait3A_373 = tpu.memref_slice %arg8[%dma_wait3A_369, %dma_wait3A_371, %dma_wait3A_372] : memref<3x200x128xf32, #tpu.memory_space<vmem>> -> memref<1x200x128xf32, #tpu.memory_space<vmem>>
        %dma_wait3A_374 = tpu.memref_squeeze %dma_wait3A_373 : memref<1x200x128xf32, #tpu.memory_space<vmem>> -> memref<200x128xf32, #tpu.memory_space<vmem>>
        %dma_wait3A_375 = arith.constant 0 : i32
        %dma_wait3A_376 = arith.constant 0 : i32
        %dma_wait3A_377 = tpu.memref_slice %arg5[%dma_wait3A_375, %dma_wait3A_376] : memref<819200x128xf32, #tpu.memory_space<hbm>> -> memref<200x128xf32, #tpu.memory_space<hbm>>
        %dma_wait3A_378 = tpu.memref_slice %arg10[%dma_wait3A_370] : memref<3x!tpu.dma_semaphore, #tpu.memory_space<semaphore_mem>> -> memref<1x!tpu.dma_semaphore, #tpu.memory_space<semaphore_mem>>
        %dma_wait3A_379 = tpu.memref_squeeze %dma_wait3A_378 : memref<1x!tpu.dma_semaphore, #tpu.memory_space<semaphore_mem>> -> memref<!tpu.dma_semaphore, #tpu.memory_space<semaphore_mem>>
        %dma_wait3A_380 = arith.constant 0 : i32
        %dma_wait3A_381 = arith.constant 0 : i32
        %dma_wait3A_382 = tpu.memref_slice %arg5[%dma_wait3A_380, %dma_wait3A_381] : memref<819200x128xf32, #tpu.memory_space<hbm>> -> memref<200x128xf32, #tpu.memory_space<hbm>>
        %dma_wait3A_383 = arith.constant 0 : i32
        %dma_wait3A_384 = arith.constant 0 : i32
        %dma_wait3A_385 = tpu.memref_slice %arg8[%dma_wait3A_369, %dma_wait3A_383, %dma_wait3A_384] : memref<3x200x128xf32, #tpu.memory_space<vmem>> -> memref<1x200x128xf32, #tpu.memory_space<vmem>>
        %dma_wait3A_386 = tpu.memref_squeeze %dma_wait3A_385 : memref<1x200x128xf32, #tpu.memory_space<vmem>> -> memref<200x128xf32, #tpu.memory_space<vmem>>
        tpu.wait_dma2 semaphore(%dma_wait3A_379 : memref<!tpu.dma_semaphore, #tpu.memory_space<semaphore_mem>>) src(%dma_wait3A_386 : memref<200x128xf32, #tpu.memory_space<vmem>>) dst(%dma_wait3A_382 : memref<200x128xf32, #tpu.memory_space<hbm>>)
      } else {
      }
      %add3A_284 = arith.constant 2 : i32
      %add3A_285 = arith.addi %add3A_254, %add3A_284 : i32
      %lt3A_286 = arith.constant 128 : i32
      %lt3A_287 = arith.cmpi slt, %add3A_285, %lt3A_286 : i32
      %convert_element_type3A_288 = arith.extui %lt3A_287 : i1 to i32
      %cond3A_289 = arith.constant 0 : i32
      %cond3A_290 = arith.cmpi ne, %convert_element_type3A_288, %cond3A_289 : i32
      scf.if %cond3A_290 {
        %add3A_369 = arith.constant 2 : i32
        %add3A_370 = arith.addi %add3A_254, %add3A_369 : i32
        %mul3A_371 = arith.constant 200 : i32
        %mul3A_372 = arith.muli %add3A_370, %mul3A_371 : i32
        %dma_start3A_373 = arith.constant 0 : i32
        %dma_start3A_374 = arith.constant 0 : i32
        %dma_start3A_375 = arith.constant 0 : i32
        %dma_start3A_376 = arith.constant 0 : i32
        %dma_start3A_377 = tpu.memref_slice %arg8[%dma_start3A_373, %dma_start3A_375, %dma_start3A_376] : memref<3x200x128xf32, #tpu.memory_space<vmem>> -> memref<1x128x128xf32, #tpu.memory_space<vmem>>
        %dma_start3A_378 = tpu.memref_squeeze %dma_start3A_377 : memref<1x128x128xf32, #tpu.memory_space<vmem>> -> memref<128x128xf32, #tpu.memory_space<vmem>>
        %dma_start3A_379 = tpu.memref_slice %arg6[%mul3A_372] : memref<25600xi32, #tpu.memory_space<vmem>> -> memref<128xi32, #tpu.memory_space<vmem>>
        %dma_start3A_380 = arith.constant 0 : i32
        %dma_start3A_381 = arith.constant 0 : i32
        %dma_start3A_382 = tpu.memref_slice %arg3[%dma_start3A_380, %dma_start3A_381] : memref<100000x128xf32, #tpu.memory_space<hbm>> -> memref<100000x128xf32, #tpu.memory_space<hbm>>
        %dma_start3A_383 = tpu.memref_slice %arg9[%dma_start3A_374] : memref<3x!tpu.dma_semaphore, #tpu.memory_space<semaphore_mem>> -> memref<1x!tpu.dma_semaphore, #tpu.memory_space<semaphore_mem>>
        %dma_start3A_384 = tpu.memref_squeeze %dma_start3A_383 : memref<1x!tpu.dma_semaphore, #tpu.memory_space<semaphore_mem>> -> memref<!tpu.dma_semaphore, #tpu.memory_space<semaphore_mem>>
        tpu.enqueue_indirect_dma source(%dma_start3A_382 : memref<100000x128xf32, #tpu.memory_space<hbm>>) target(%dma_start3A_378 : memref<128x128xf32, #tpu.memory_space<vmem>>) offsets(%dma_start3A_379 : memref<128xi32, #tpu.memory_space<vmem>>) semaphore(%dma_start3A_384 : memref<!tpu.dma_semaphore, #tpu.memory_space<semaphore_mem>>)
        %add3A_385 = arith.constant 128 : i32
        %add3A_386 = arith.addi %mul3A_372, %add3A_385 : i32
        %dma_start3A_387 = arith.constant 0 : i32
        %dma_start3A_388 = arith.constant 0 : i32
        %dma_start3A_389 = arith.constant 128 : i32
        %dma_start3A_390 = arith.constant 0 : i32
        %dma_start3A_391 = tpu.memref_slice %arg8[%dma_start3A_387, %dma_start3A_389, %dma_start3A_390] : memref<3x200x128xf32, #tpu.memory_space<vmem>> -> memref<1x72x128xf32, #tpu.memory_space<vmem>>
        %dma_start3A_392 = tpu.memref_squeeze %dma_start3A_391 : memref<1x72x128xf32, #tpu.memory_space<vmem>> -> memref<72x128xf32, #tpu.memory_space<vmem>>
        %dma_start3A_393 = tpu.memref_slice %arg6[%add3A_386] : memref<25600xi32, #tpu.memory_space<vmem>> -> memref<72xi32, #tpu.memory_space<vmem>>
        %dma_start3A_394 = arith.constant 0 : i32
        %dma_start3A_395 = arith.constant 0 : i32
        %dma_start3A_396 = tpu.memref_slice %arg3[%dma_start3A_394, %dma_start3A_395] : memref<100000x128xf32, #tpu.memory_space<hbm>> -> memref<100000x128xf32, #tpu.memory_space<hbm>>
        %dma_start3A_397 = tpu.memref_slice %arg9[%dma_start3A_388] : memref<3x!tpu.dma_semaphore, #tpu.memory_space<semaphore_mem>> -> memref<1x!tpu.dma_semaphore, #tpu.memory_space<semaphore_mem>>
        %dma_start3A_398 = tpu.memref_squeeze %dma_start3A_397 : memref<1x!tpu.dma_semaphore, #tpu.memory_space<semaphore_mem>> -> memref<!tpu.dma_semaphore, #tpu.memory_space<semaphore_mem>>
        tpu.enqueue_indirect_dma source(%dma_start3A_396 : memref<100000x128xf32, #tpu.memory_space<hbm>>) target(%dma_start3A_392 : memref<72x128xf32, #tpu.memory_space<vmem>>) offsets(%dma_start3A_393 : memref<72xi32, #tpu.memory_space<vmem>>) semaphore(%dma_start3A_398 : memref<!tpu.dma_semaphore, #tpu.memory_space<semaphore_mem>>)
      } else {
      }
      %mul3A_291 = arith.constant 200 : i32
      %mul3A_292 = arith.muli %add3A_254, %mul3A_291 : i32
      %add3A_293 = arith.addi %mul3A_2, %mul3A_292 : i32
      %dma_start3A_294 = arith.constant 1 : i32
      %dma_start3A_295 = arith.constant 1 : i32
      %dma_start3A_296 = arith.constant 0 : i32
      %dma_start3A_297 = arith.constant 0 : i32
      %dma_start3A_298 = tpu.memref_slice %arg8[%dma_start3A_294, %dma_start3A_296, %dma_start3A_297] : memref<3x200x128xf32, #tpu.memory_space<vmem>> -> memref<1x200x128xf32, #tpu.memory_space<vmem>>
      %dma_start3A_299 = tpu.memref_squeeze %dma_start3A_298 : memref<1x200x128xf32, #tpu.memory_space<vmem>> -> memref<200x128xf32, #tpu.memory_space<vmem>>
      %dma_start3A_300 = arith.constant 0 : i32
      %dma_start3A_301 = tpu.memref_slice %arg5[%add3A_293, %dma_start3A_300] : memref<819200x128xf32, #tpu.memory_space<hbm>> -> memref<200x128xf32, #tpu.memory_space<hbm>>
      %dma_start3A_302 = tpu.memref_slice %arg10[%dma_start3A_295] : memref<3x!tpu.dma_semaphore, #tpu.memory_space<semaphore_mem>> -> memref<1x!tpu.dma_semaphore, #tpu.memory_space<semaphore_mem>>
      %dma_start3A_303 = tpu.memref_squeeze %dma_start3A_302 : memref<1x!tpu.dma_semaphore, #tpu.memory_space<semaphore_mem>> -> memref<!tpu.dma_semaphore, #tpu.memory_space<semaphore_mem>>
      %dma_start3A_304 = arith.constant 0 : i32
      %dma_start3A_305 = tpu.memref_slice %arg5[%add3A_293, %dma_start3A_304] : memref<819200x128xf32, #tpu.memory_space<hbm>> -> memref<200x128xf32, #tpu.memory_space<hbm>>
      %dma_start3A_306 = arith.constant 0 : i32
      %dma_start3A_307 = arith.constant 0 : i32
      %dma_start3A_308 = tpu.memref_slice %arg8[%dma_start3A_294, %dma_start3A_306, %dma_start3A_307] : memref<3x200x128xf32, #tpu.memory_space<vmem>> -> memref<1x200x128xf32, #tpu.memory_space<vmem>>
      %dma_start3A_309 = tpu.memref_squeeze %dma_start3A_308 : memref<1x200x128xf32, #tpu.memory_space<vmem>> -> memref<200x128xf32, #tpu.memory_space<vmem>>
      tpu.enqueue_dma source(%dma_start3A_309 : memref<200x128xf32, #tpu.memory_space<vmem>>) target(%dma_start3A_305 : memref<200x128xf32, #tpu.memory_space<hbm>>) target_semaphore(%dma_start3A_303 : memref<!tpu.dma_semaphore, #tpu.memory_space<semaphore_mem>>)
      %mul3A_310 = arith.constant 3 : i32
      %mul3A_311 = arith.muli %scan3A_195, %mul3A_310 : i32
      %add3A_312 = arith.constant 2 : i32
      %add3A_313 = arith.addi %mul3A_311, %add3A_312 : i32
      %dma_wait3A_314 = arith.constant 2 : i32
      %dma_wait3A_315 = arith.constant 2 : i32
      %dma_wait3A_316 = arith.constant 0 : i32
      %dma_wait3A_317 = arith.constant 0 : i32
      %dma_wait3A_318 = tpu.memref_slice %arg8[%dma_wait3A_314, %dma_wait3A_316, %dma_wait3A_317] : memref<3x200x128xf32, #tpu.memory_space<vmem>> -> memref<1x200x128xf32, #tpu.memory_space<vmem>>
      %dma_wait3A_319 = tpu.memref_squeeze %dma_wait3A_318 : memref<1x200x128xf32, #tpu.memory_space<vmem>> -> memref<200x128xf32, #tpu.memory_space<vmem>>
      %dma_wait3A_320 = arith.constant 0 : i32
      %dma_wait3A_321 = arith.constant 0 : i32
      %dma_wait3A_322 = tpu.memref_slice %arg3[%dma_wait3A_320, %dma_wait3A_321] : memref<100000x128xf32, #tpu.memory_space<hbm>> -> memref<200x128xf32, #tpu.memory_space<hbm>>
      %dma_wait3A_323 = tpu.memref_slice %arg9[%dma_wait3A_315] : memref<3x!tpu.dma_semaphore, #tpu.memory_space<semaphore_mem>> -> memref<1x!tpu.dma_semaphore, #tpu.memory_space<semaphore_mem>>
      %dma_wait3A_324 = tpu.memref_squeeze %dma_wait3A_323 : memref<1x!tpu.dma_semaphore, #tpu.memory_space<semaphore_mem>> -> memref<!tpu.dma_semaphore, #tpu.memory_space<semaphore_mem>>
      %dma_wait3A_325 = arith.constant 0 : i32
      %dma_wait3A_326 = arith.constant 0 : i32
      %dma_wait3A_327 = tpu.memref_slice %arg8[%dma_wait3A_314, %dma_wait3A_325, %dma_wait3A_326] : memref<3x200x128xf32, #tpu.memory_space<vmem>> -> memref<1x200x128xf32, #tpu.memory_space<vmem>>
      %dma_wait3A_328 = tpu.memref_squeeze %dma_wait3A_327 : memref<1x200x128xf32, #tpu.memory_space<vmem>> -> memref<200x128xf32, #tpu.memory_space<vmem>>
      %dma_wait3A_329 = arith.constant 0 : i32
      %dma_wait3A_330 = arith.constant 0 : i32
      %dma_wait3A_331 = tpu.memref_slice %arg3[%dma_wait3A_329, %dma_wait3A_330] : memref<100000x128xf32, #tpu.memory_space<hbm>> -> memref<200x128xf32, #tpu.memory_space<hbm>>
      tpu.wait_dma2 semaphore(%dma_wait3A_324 : memref<!tpu.dma_semaphore, #tpu.memory_space<semaphore_mem>>) src(%dma_wait3A_331 : memref<200x128xf32, #tpu.memory_space<hbm>>) dst(%dma_wait3A_328 : memref<200x128xf32, #tpu.memory_space<vmem>>)
      %scan3A_332 = arith.constant 2 : i32
      %scan3A_333 = arith.constant 0 : i32
      %scan3A_334 = arith.constant 50 : i32
      %scan3A_335 = arith.addi %scan3A_333, %scan3A_334 : i32
      %scan3A_336 = arith.constant 1 : i32
      scf.for %scan3A_369 = %scan3A_333 to %scan3A_335 step %scan3A_336  : i32 {
        %mul3A_370 = arith.constant 4 : i32
        %mul3A_371 = arith.muli %scan3A_369, %mul3A_370 : i32
        %add3A_372 = arith.constant 0 : i32
        %add3A_373 = arith.addi %mul3A_371, %add3A_372 : i32
        %get3A = arith.constant 0 : i32
        %get3A_374 = arith.constant 0 : i32
        %get3A_375 = tpu.memref_slice %arg8[%scan3A_332, %get3A, %get3A_374] : memref<3x200x128xf32, #tpu.memory_space<vmem>> -> memref<1x200x128xf32, #tpu.memory_space<vmem>>
        %get3A_376 = tpu.memref_squeeze %get3A_375 : memref<1x200x128xf32, #tpu.memory_space<vmem>> -> memref<200x128xf32, #tpu.memory_space<vmem>>
        %get3A_377 = arith.index_cast %add3A_373 : i32 to index
        %get3A_378 = arith.constant 0 : index
        %get3A_379 = tpu.vector_load %get3A_376[%get3A_377, %get3A_378] {strides = array<i32>} : memref<200x128xf32, #tpu.memory_space<vmem>>, vector<1x16xf32>,
        %get3A_380 = vector.shape_cast %get3A_379 : vector<1x16xf32> to vector<16xf32>
        %get3A_381 = arith.index_cast %add3A_373 : i32 to index
        %get3A_382 = arith.constant 0 : index
        %get3A_383 = tpu.vector_load %arg7[%get3A_381, %get3A_382] {strides = array<i32>} : memref<200x128xf32, #tpu.memory_space<vmem>>, vector<1x16xf32>,
        %get3A_384 = vector.shape_cast %get3A_383 : vector<1x16xf32> to vector<16xf32>
        %add3A_385 = arith.addf %get3A_380, %get3A_384 : vector<16xf32>
        %swap3A = arith.constant 0 : i32
        %swap3A_386 = arith.constant 0 : i32
        %swap3A_387 = tpu.memref_slice %arg8[%scan3A_332, %swap3A, %swap3A_386] : memref<3x200x128xf32, #tpu.memory_space<vmem>> -> memref<1x200x128xf32, #tpu.memory_space<vmem>>
        %swap3A_388 = tpu.memref_squeeze %swap3A_387 : memref<1x200x128xf32, #tpu.memory_space<vmem>> -> memref<200x128xf32, #tpu.memory_space<vmem>>
        %swap3A_389 = arith.index_cast %add3A_373 : i32 to index
        %swap3A_390 = arith.constant 0 : index
        %swap3A_391 = tpu.vector_load %swap3A_388[%swap3A_389, %swap3A_390] {strides = array<i32>} : memref<200x128xf32, #tpu.memory_space<vmem>>, vector<1x16xf32>,
        %swap3A_392 = vector.shape_cast %swap3A_391 : vector<1x16xf32> to vector<16xf32>
        %swap3A_393 = vector.shape_cast %add3A_385 : vector<16xf32> to vector<1x16xf32>
        tpu.vector_store %swap3A_388[%swap3A_389, %swap3A_390], %swap3A_393 {strides = array<i32>} : memref<200x128xf32, #tpu.memory_space<vmem>>, vector<1x16xf32>,
        %get3A_394 = arith.constant 0 : i32
        %get3A_395 = arith.constant 0 : i32
        %get3A_396 = tpu.memref_slice %arg8[%scan3A_332, %get3A_394, %get3A_395] : memref<3x200x128xf32, #tpu.memory_space<vmem>> -> memref<1x200x128xf32, #tpu.memory_space<vmem>>
        %get3A_397 = tpu.memref_squeeze %get3A_396 : memref<1x200x128xf32, #tpu.memory_space<vmem>> -> memref<200x128xf32, #tpu.memory_space<vmem>>
        %get3A_398 = arith.index_cast %add3A_373 : i32 to index
        %get3A_399 = arith.constant 16 : index
        %get3A_400 = tpu.vector_load %get3A_397[%get3A_398, %get3A_399] {strides = array<i32>} : memref<200x128xf32, #tpu.memory_space<vmem>>, vector<1x16xf32>,
        %get3A_401 = vector.shape_cast %get3A_400 : vector<1x16xf32> to vector<16xf32>
        %get3A_402 = arith.index_cast %add3A_373 : i32 to index
        %get3A_403 = arith.constant 16 : index
        %get3A_404 = tpu.vector_load %arg7[%get3A_402, %get3A_403] {strides = array<i32>} : memref<200x128xf32, #tpu.memory_space<vmem>>, vector<1x16xf32>,
        %get3A_405 = vector.shape_cast %get3A_404 : vector<1x16xf32> to vector<16xf32>
        %add3A_406 = arith.addf %get3A_401, %get3A_405 : vector<16xf32>
        %swap3A_407 = arith.constant 0 : i32
        %swap3A_408 = arith.constant 0 : i32
        %swap3A_409 = tpu.memref_slice %arg8[%scan3A_332, %swap3A_407, %swap3A_408] : memref<3x200x128xf32, #tpu.memory_space<vmem>> -> memref<1x200x128xf32, #tpu.memory_space<vmem>>
        %swap3A_410 = tpu.memref_squeeze %swap3A_409 : memref<1x200x128xf32, #tpu.memory_space<vmem>> -> memref<200x128xf32, #tpu.memory_space<vmem>>
        %swap3A_411 = arith.index_cast %add3A_373 : i32 to index
        %swap3A_412 = arith.constant 16 : index
        %swap3A_413 = tpu.vector_load %swap3A_410[%swap3A_411, %swap3A_412] {strides = array<i32>} : memref<200x128xf32, #tpu.memory_space<vmem>>, vector<1x16xf32>,
        %swap3A_414 = vector.shape_cast %swap3A_413 : vector<1x16xf32> to vector<16xf32>
        %swap3A_415 = vector.shape_cast %add3A_406 : vector<16xf32> to vector<1x16xf32>
        tpu.vector_store %swap3A_410[%swap3A_411, %swap3A_412], %swap3A_415 {strides = array<i32>} : memref<200x128xf32, #tpu.memory_space<vmem>>, vector<1x16xf32>,
        %get3A_416 = arith.constant 0 : i32
        %get3A_417 = arith.constant 0 : i32
        %get3A_418 = tpu.memref_slice %arg8[%scan3A_332, %get3A_416, %get3A_417] : memref<3x200x128xf32, #tpu.memory_space<vmem>> -> memref<1x200x128xf32, #tpu.memory_space<vmem>>
        %get3A_419 = tpu.memref_squeeze %get3A_418 : memref<1x200x128xf32, #tpu.memory_space<vmem>> -> memref<200x128xf32, #tpu.memory_space<vmem>>
        %get3A_420 = arith.index_cast %add3A_373 : i32 to index
        %get3A_421 = arith.constant 32 : index
        %get3A_422 = tpu.vector_load %get3A_419[%get3A_420, %get3A_421] {strides = array<i32>} : memref<200x128xf32, #tpu.memory_space<vmem>>, vector<1x16xf32>,
        %get3A_423 = vector.shape_cast %get3A_422 : vector<1x16xf32> to vector<16xf32>
        %get3A_424 = arith.index_cast %add3A_373 : i32 to index
        %get3A_425 = arith.constant 32 : index
        %get3A_426 = tpu.vector_load %arg7[%get3A_424, %get3A_425] {strides = array<i32>} : memref<200x128xf32, #tpu.memory_space<vmem>>, vector<1x16xf32>,
        %get3A_427 = vector.shape_cast %get3A_426 : vector<1x16xf32> to vector<16xf32>
        %add3A_428 = arith.addf %get3A_423, %get3A_427 : vector<16xf32>
        %swap3A_429 = arith.constant 0 : i32
        %swap3A_430 = arith.constant 0 : i32
        %swap3A_431 = tpu.memref_slice %arg8[%scan3A_332, %swap3A_429, %swap3A_430] : memref<3x200x128xf32, #tpu.memory_space<vmem>> -> memref<1x200x128xf32, #tpu.memory_space<vmem>>
        %swap3A_432 = tpu.memref_squeeze %swap3A_431 : memref<1x200x128xf32, #tpu.memory_space<vmem>> -> memref<200x128xf32, #tpu.memory_space<vmem>>
        %swap3A_433 = arith.index_cast %add3A_373 : i32 to index
        %swap3A_434 = arith.constant 32 : index
        %swap3A_435 = tpu.vector_load %swap3A_432[%swap3A_433, %swap3A_434] {strides = array<i32>} : memref<200x128xf32, #tpu.memory_space<vmem>>, vector<1x16xf32>,
        %swap3A_436 = vector.shape_cast %swap3A_435 : vector<1x16xf32> to vector<16xf32>
        %swap3A_437 = vector.shape_cast %add3A_428 : vector<16xf32> to vector<1x16xf32>
        tpu.vector_store %swap3A_432[%swap3A_433, %swap3A_434], %swap3A_437 {strides = array<i32>} : memref<200x128xf32, #tpu.memory_space<vmem>>, vector<1x16xf32>,
        %get3A_438 = arith.constant 0 : i32
        %get3A_439 = arith.constant 0 : i32
        %get3A_440 = tpu.memref_slice %arg8[%scan3A_332, %get3A_438, %get3A_439] : memref<3x200x128xf32, #tpu.memory_space<vmem>> -> memref<1x200x128xf32, #tpu.memory_space<vmem>>
        %get3A_441 = tpu.memref_squeeze %get3A_440 : memref<1x200x128xf32, #tpu.memory_space<vmem>> -> memref<200x128xf32, #tpu.memory_space<vmem>>
        %get3A_442 = arith.index_cast %add3A_373 : i32 to index
        %get3A_443 = arith.constant 48 : index
        %get3A_444 = tpu.vector_load %get3A_441[%get3A_442, %get3A_443] {strides = array<i32>} : memref<200x128xf32, #tpu.memory_space<vmem>>, vector<1x16xf32>,
        %get3A_445 = vector.shape_cast %get3A_444 : vector<1x16xf32> to vector<16xf32>
        %get3A_446 = arith.index_cast %add3A_373 : i32 to index
        %get3A_447 = arith.constant 48 : index
        %get3A_448 = tpu.vector_load %arg7[%get3A_446, %get3A_447] {strides = array<i32>} : memref<200x128xf32, #tpu.memory_space<vmem>>, vector<1x16xf32>,
        %get3A_449 = vector.shape_cast %get3A_448 : vector<1x16xf32> to vector<16xf32>
        %add3A_450 = arith.addf %get3A_445, %get3A_449 : vector<16xf32>
        %swap3A_451 = arith.constant 0 : i32
        %swap3A_452 = arith.constant 0 : i32
        %swap3A_453 = tpu.memref_slice %arg8[%scan3A_332, %swap3A_451, %swap3A_452] : memref<3x200x128xf32, #tpu.memory_space<vmem>> -> memref<1x200x128xf32, #tpu.memory_space<vmem>>
        %swap3A_454 = tpu.memref_squeeze %swap3A_453 : memref<1x200x128xf32, #tpu.memory_space<vmem>> -> memref<200x128xf32, #tpu.memory_space<vmem>>
        %swap3A_455 = arith.index_cast %add3A_373 : i32 to index
        %swap3A_456 = arith.constant 48 : index
        %swap3A_457 = tpu.vector_load %swap3A_454[%swap3A_455, %swap3A_456] {strides = array<i32>} : memref<200x128xf32, #tpu.memory_space<vmem>>, vector<1x16xf32>,
        %swap3A_458 = vector.shape_cast %swap3A_457 : vector<1x16xf32> to vector<16xf32>
        %swap3A_459 = vector.shape_cast %add3A_450 : vector<16xf32> to vector<1x16xf32>
        tpu.vector_store %swap3A_454[%swap3A_455, %swap3A_456], %swap3A_459 {strides = array<i32>} : memref<200x128xf32, #tpu.memory_space<vmem>>, vector<1x16xf32>,
        %get3A_460 = arith.constant 0 : i32
        %get3A_461 = arith.constant 0 : i32
        %get3A_462 = tpu.memref_slice %arg8[%scan3A_332, %get3A_460, %get3A_461] : memref<3x200x128xf32, #tpu.memory_space<vmem>> -> memref<1x200x128xf32, #tpu.memory_space<vmem>>
        %get3A_463 = tpu.memref_squeeze %get3A_462 : memref<1x200x128xf32, #tpu.memory_space<vmem>> -> memref<200x128xf32, #tpu.memory_space<vmem>>
        %get3A_464 = arith.index_cast %add3A_373 : i32 to index
        %get3A_465 = arith.constant 64 : index
        %get3A_466 = tpu.vector_load %get3A_463[%get3A_464, %get3A_465] {strides = array<i32>} : memref<200x128xf32, #tpu.memory_space<vmem>>, vector<1x16xf32>,
        %get3A_467 = vector.shape_cast %get3A_466 : vector<1x16xf32> to vector<16xf32>
        %get3A_468 = arith.index_cast %add3A_373 : i32 to index
        %get3A_469 = arith.constant 64 : index
        %get3A_470 = tpu.vector_load %arg7[%get3A_468, %get3A_469] {strides = array<i32>} : memref<200x128xf32, #tpu.memory_space<vmem>>, vector<1x16xf32>,
        %get3A_471 = vector.shape_cast %get3A_470 : vector<1x16xf32> to vector<16xf32>
        %add3A_472 = arith.addf %get3A_467, %get3A_471 : vector<16xf32>
        %swap3A_473 = arith.constant 0 : i32
        %swap3A_474 = arith.constant 0 : i32
        %swap3A_475 = tpu.memref_slice %arg8[%scan3A_332, %swap3A_473, %swap3A_474] : memref<3x200x128xf32, #tpu.memory_space<vmem>> -> memref<1x200x128xf32, #tpu.memory_space<vmem>>
        %swap3A_476 = tpu.memref_squeeze %swap3A_475 : memref<1x200x128xf32, #tpu.memory_space<vmem>> -> memref<200x128xf32, #tpu.memory_space<vmem>>
        %swap3A_477 = arith.index_cast %add3A_373 : i32 to index
        %swap3A_478 = arith.constant 64 : index
        %swap3A_479 = tpu.vector_load %swap3A_476[%swap3A_477, %swap3A_478] {strides = array<i32>} : memref<200x128xf32, #tpu.memory_space<vmem>>, vector<1x16xf32>,
        %swap3A_480 = vector.shape_cast %swap3A_479 : vector<1x16xf32> to vector<16xf32>
        %swap3A_481 = vector.shape_cast %add3A_472 : vector<16xf32> to vector<1x16xf32>
        tpu.vector_store %swap3A_476[%swap3A_477, %swap3A_478], %swap3A_481 {strides = array<i32>} : memref<200x128xf32, #tpu.memory_space<vmem>>, vector<1x16xf32>,
        %get3A_482 = arith.constant 0 : i32
        %get3A_483 = arith.constant 0 : i32
        %get3A_484 = tpu.memref_slice %arg8[%scan3A_332, %get3A_482, %get3A_483] : memref<3x200x128xf32, #tpu.memory_space<vmem>> -> memref<1x200x128xf32, #tpu.memory_space<vmem>>
        %get3A_485 = tpu.memref_squeeze %get3A_484 : memref<1x200x128xf32, #tpu.memory_space<vmem>> -> memref<200x128xf32, #tpu.memory_space<vmem>>
        %get3A_486 = arith.index_cast %add3A_373 : i32 to index
        %get3A_487 = arith.constant 80 : index
        %get3A_488 = tpu.vector_load %get3A_485[%get3A_486, %get3A_487] {strides = array<i32>} : memref<200x128xf32, #tpu.memory_space<vmem>>, vector<1x16xf32>,
        %get3A_489 = vector.shape_cast %get3A_488 : vector<1x16xf32> to vector<16xf32>
        %get3A_490 = arith.index_cast %add3A_373 : i32 to index
        %get3A_491 = arith.constant 80 : index
        %get3A_492 = tpu.vector_load %arg7[%get3A_490, %get3A_491] {strides = array<i32>} : memref<200x128xf32, #tpu.memory_space<vmem>>, vector<1x16xf32>,
        %get3A_493 = vector.shape_cast %get3A_492 : vector<1x16xf32> to vector<16xf32>
        %add3A_494 = arith.addf %get3A_489, %get3A_493 : vector<16xf32>
        %swap3A_495 = arith.constant 0 : i32
        %swap3A_496 = arith.constant 0 : i32
        %swap3A_497 = tpu.memref_slice %arg8[%scan3A_332, %swap3A_495, %swap3A_496] : memref<3x200x128xf32, #tpu.memory_space<vmem>> -> memref<1x200x128xf32, #tpu.memory_space<vmem>>
        %swap3A_498 = tpu.memref_squeeze %swap3A_497 : memref<1x200x128xf32, #tpu.memory_space<vmem>> -> memref<200x128xf32, #tpu.memory_space<vmem>>
        %swap3A_499 = arith.index_cast %add3A_373 : i32 to index
        %swap3A_500 = arith.constant 80 : index
        %swap3A_501 = tpu.vector_load %swap3A_498[%swap3A_499, %swap3A_500] {strides = array<i32>} : memref<200x128xf32, #tpu.memory_space<vmem>>, vector<1x16xf32>,
        %swap3A_502 = vector.shape_cast %swap3A_501 : vector<1x16xf32> to vector<16xf32>
        %swap3A_503 = vector.shape_cast %add3A_494 : vector<16xf32> to vector<1x16xf32>
        tpu.vector_store %swap3A_498[%swap3A_499, %swap3A_500], %swap3A_503 {strides = array<i32>} : memref<200x128xf32, #tpu.memory_space<vmem>>, vector<1x16xf32>,
        %get3A_504 = arith.constant 0 : i32
        %get3A_505 = arith.constant 0 : i32
        %get3A_506 = tpu.memref_slice %arg8[%scan3A_332, %get3A_504, %get3A_505] : memref<3x200x128xf32, #tpu.memory_space<vmem>> -> memref<1x200x128xf32, #tpu.memory_space<vmem>>
        %get3A_507 = tpu.memref_squeeze %get3A_506 : memref<1x200x128xf32, #tpu.memory_space<vmem>> -> memref<200x128xf32, #tpu.memory_space<vmem>>
        %get3A_508 = arith.index_cast %add3A_373 : i32 to index
        %get3A_509 = arith.constant 96 : index
        %get3A_510 = tpu.vector_load %get3A_507[%get3A_508, %get3A_509] {strides = array<i32>} : memref<200x128xf32, #tpu.memory_space<vmem>>, vector<1x16xf32>,
        %get3A_511 = vector.shape_cast %get3A_510 : vector<1x16xf32> to vector<16xf32>
        %get3A_512 = arith.index_cast %add3A_373 : i32 to index
        %get3A_513 = arith.constant 96 : index
        %get3A_514 = tpu.vector_load %arg7[%get3A_512, %get3A_513] {strides = array<i32>} : memref<200x128xf32, #tpu.memory_space<vmem>>, vector<1x16xf32>,
        %get3A_515 = vector.shape_cast %get3A_514 : vector<1x16xf32> to vector<16xf32>
        %add3A_516 = arith.addf %get3A_511, %get3A_515 : vector<16xf32>
        %swap3A_517 = arith.constant 0 : i32
        %swap3A_518 = arith.constant 0 : i32
        %swap3A_519 = tpu.memref_slice %arg8[%scan3A_332, %swap3A_517, %swap3A_518] : memref<3x200x128xf32, #tpu.memory_space<vmem>> -> memref<1x200x128xf32, #tpu.memory_space<vmem>>
        %swap3A_520 = tpu.memref_squeeze %swap3A_519 : memref<1x200x128xf32, #tpu.memory_space<vmem>> -> memref<200x128xf32, #tpu.memory_space<vmem>>
        %swap3A_521 = arith.index_cast %add3A_373 : i32 to index
        %swap3A_522 = arith.constant 96 : index
        %swap3A_523 = tpu.vector_load %swap3A_520[%swap3A_521, %swap3A_522] {strides = array<i32>} : memref<200x128xf32, #tpu.memory_space<vmem>>, vector<1x16xf32>,
        %swap3A_524 = vector.shape_cast %swap3A_523 : vector<1x16xf32> to vector<16xf32>
        %swap3A_525 = vector.shape_cast %add3A_516 : vector<16xf32> to vector<1x16xf32>
        tpu.vector_store %swap3A_520[%swap3A_521, %swap3A_522], %swap3A_525 {strides = array<i32>} : memref<200x128xf32, #tpu.memory_space<vmem>>, vector<1x16xf32>,
        %get3A_526 = arith.constant 0 : i32
        %get3A_527 = arith.constant 0 : i32
        %get3A_528 = tpu.memref_slice %arg8[%scan3A_332, %get3A_526, %get3A_527] : memref<3x200x128xf32, #tpu.memory_space<vmem>> -> memref<1x200x128xf32, #tpu.memory_space<vmem>>
        %get3A_529 = tpu.memref_squeeze %get3A_528 : memref<1x200x128xf32, #tpu.memory_space<vmem>> -> memref<200x128xf32, #tpu.memory_space<vmem>>
        %get3A_530 = arith.index_cast %add3A_373 : i32 to index
        %get3A_531 = arith.constant 112 : index
        %get3A_532 = tpu.vector_load %get3A_529[%get3A_530, %get3A_531] {strides = array<i32>} : memref<200x128xf32, #tpu.memory_space<vmem>>, vector<1x16xf32>,
        %get3A_533 = vector.shape_cast %get3A_532 : vector<1x16xf32> to vector<16xf32>
        %get3A_534 = arith.index_cast %add3A_373 : i32 to index
        %get3A_535 = arith.constant 112 : index
        %get3A_536 = tpu.vector_load %arg7[%get3A_534, %get3A_535] {strides = array<i32>} : memref<200x128xf32, #tpu.memory_space<vmem>>, vector<1x16xf32>,
        %get3A_537 = vector.shape_cast %get3A_536 : vector<1x16xf32> to vector<16xf32>
        %add3A_538 = arith.addf %get3A_533, %get3A_537 : vector<16xf32>
        %swap3A_539 = arith.constant 0 : i32
        %swap3A_540 = arith.constant 0 : i32
        %swap3A_541 = tpu.memref_slice %arg8[%scan3A_332, %swap3A_539, %swap3A_540] : memref<3x200x128xf32, #tpu.memory_space<vmem>> -> memref<1x200x128xf32, #tpu.memory_space<vmem>>
        %swap3A_542 = tpu.memref_squeeze %swap3A_541 : memref<1x200x128xf32, #tpu.memory_space<vmem>> -> memref<200x128xf32, #tpu.memory_space<vmem>>
        %swap3A_543 = arith.index_cast %add3A_373 : i32 to index
        %swap3A_544 = arith.constant 112 : index
        %swap3A_545 = tpu.vector_load %swap3A_542[%swap3A_543, %swap3A_544] {strides = array<i32>} : memref<200x128xf32, #tpu.memory_space<vmem>>, vector<1x16xf32>,
        %swap3A_546 = vector.shape_cast %swap3A_545 : vector<1x16xf32> to vector<16xf32>
        %swap3A_547 = vector.shape_cast %add3A_538 : vector<16xf32> to vector<1x16xf32>
        tpu.vector_store %swap3A_542[%swap3A_543, %swap3A_544], %swap3A_547 {strides = array<i32>} : memref<200x128xf32, #tpu.memory_space<vmem>>, vector<1x16xf32>,
        %add3A_548 = arith.constant 1 : i32
        %add3A_549 = arith.addi %mul3A_371, %add3A_548 : i32
        %get3A_550 = arith.constant 0 : i32
        %get3A_551 = arith.constant 0 : i32
        %get3A_552 = tpu.memref_slice %arg8[%scan3A_332, %get3A_550, %get3A_551] : memref<3x200x128xf32, #tpu.memory_space<vmem>> -> memref<1x200x128xf32, #tpu.memory_space<vmem>>
        %get3A_553 = tpu.memref_squeeze %get3A_552 : memref<1x200x128xf32, #tpu.memory_space<vmem>> -> memref<200x128xf32, #tpu.memory_space<vmem>>
        %get3A_554 = arith.index_cast %add3A_549 : i32 to index
        %get3A_555 = arith.constant 0 : index
        %get3A_556 = tpu.vector_load %get3A_553[%get3A_554, %get3A_555] {strides = array<i32>} : memref<200x128xf32, #tpu.memory_space<vmem>>, vector<1x16xf32>,
        %get3A_557 = vector.shape_cast %get3A_556 : vector<1x16xf32> to vector<16xf32>
        %get3A_558 = arith.index_cast %add3A_549 : i32 to index
        %get3A_559 = arith.constant 0 : index
        %get3A_560 = tpu.vector_load %arg7[%get3A_558, %get3A_559] {strides = array<i32>} : memref<200x128xf32, #tpu.memory_space<vmem>>, vector<1x16xf32>,
        %get3A_561 = vector.shape_cast %get3A_560 : vector<1x16xf32> to vector<16xf32>
        %add3A_562 = arith.addf %get3A_557, %get3A_561 : vector<16xf32>
        %swap3A_563 = arith.constant 0 : i32
        %swap3A_564 = arith.constant 0 : i32
        %swap3A_565 = tpu.memref_slice %arg8[%scan3A_332, %swap3A_563, %swap3A_564] : memref<3x200x128xf32, #tpu.memory_space<vmem>> -> memref<1x200x128xf32, #tpu.memory_space<vmem>>
        %swap3A_566 = tpu.memref_squeeze %swap3A_565 : memref<1x200x128xf32, #tpu.memory_space<vmem>> -> memref<200x128xf32, #tpu.memory_space<vmem>>
        %swap3A_567 = arith.index_cast %add3A_549 : i32 to index
        %swap3A_568 = arith.constant 0 : index
        %swap3A_569 = tpu.vector_load %swap3A_566[%swap3A_567, %swap3A_568] {strides = array<i32>} : memref<200x128xf32, #tpu.memory_space<vmem>>, vector<1x16xf32>,
        %swap3A_570 = vector.shape_cast %swap3A_569 : vector<1x16xf32> to vector<16xf32>
        %swap3A_571 = vector.shape_cast %add3A_562 : vector<16xf32> to vector<1x16xf32>
        tpu.vector_store %swap3A_566[%swap3A_567, %swap3A_568], %swap3A_571 {strides = array<i32>} : memref<200x128xf32, #tpu.memory_space<vmem>>, vector<1x16xf32>,
        %get3A_572 = arith.constant 0 : i32
        %get3A_573 = arith.constant 0 : i32
        %get3A_574 = tpu.memref_slice %arg8[%scan3A_332, %get3A_572, %get3A_573] : memref<3x200x128xf32, #tpu.memory_space<vmem>> -> memref<1x200x128xf32, #tpu.memory_space<vmem>>
        %get3A_575 = tpu.memref_squeeze %get3A_574 : memref<1x200x128xf32, #tpu.memory_space<vmem>> -> memref<200x128xf32, #tpu.memory_space<vmem>>
        %get3A_576 = arith.index_cast %add3A_549 : i32 to index
        %get3A_577 = arith.constant 16 : index
        %get3A_578 = tpu.vector_load %get3A_575[%get3A_576, %get3A_577] {strides = array<i32>} : memref<200x128xf32, #tpu.memory_space<vmem>>, vector<1x16xf32>,
        %get3A_579 = vector.shape_cast %get3A_578 : vector<1x16xf32> to vector<16xf32>
        %get3A_580 = arith.index_cast %add3A_549 : i32 to index
        %get3A_581 = arith.constant 16 : index
        %get3A_582 = tpu.vector_load %arg7[%get3A_580, %get3A_581] {strides = array<i32>} : memref<200x128xf32, #tpu.memory_space<vmem>>, vector<1x16xf32>,
        %get3A_583 = vector.shape_cast %get3A_582 : vector<1x16xf32> to vector<16xf32>
        %add3A_584 = arith.addf %get3A_579, %get3A_583 : vector<16xf32>
        %swap3A_585 = arith.constant 0 : i32
        %swap3A_586 = arith.constant 0 : i32
        %swap3A_587 = tpu.memref_slice %arg8[%scan3A_332, %swap3A_585, %swap3A_586] : memref<3x200x128xf32, #tpu.memory_space<vmem>> -> memref<1x200x128xf32, #tpu.memory_space<vmem>>
        %swap3A_588 = tpu.memref_squeeze %swap3A_587 : memref<1x200x128xf32, #tpu.memory_space<vmem>> -> memref<200x128xf32, #tpu.memory_space<vmem>>
        %swap3A_589 = arith.index_cast %add3A_549 : i32 to index
        %swap3A_590 = arith.constant 16 : index
        %swap3A_591 = tpu.vector_load %swap3A_588[%swap3A_589, %swap3A_590] {strides = array<i32>} : memref<200x128xf32, #tpu.memory_space<vmem>>, vector<1x16xf32>,
        %swap3A_592 = vector.shape_cast %swap3A_591 : vector<1x16xf32> to vector<16xf32>
        %swap3A_593 = vector.shape_cast %add3A_584 : vector<16xf32> to vector<1x16xf32>
        tpu.vector_store %swap3A_588[%swap3A_589, %swap3A_590], %swap3A_593 {strides = array<i32>} : memref<200x128xf32, #tpu.memory_space<vmem>>, vector<1x16xf32>,
        %get3A_594 = arith.constant 0 : i32
        %get3A_595 = arith.constant 0 : i32
        %get3A_596 = tpu.memref_slice %arg8[%scan3A_332, %get3A_594, %get3A_595] : memref<3x200x128xf32, #tpu.memory_space<vmem>> -> memref<1x200x128xf32, #tpu.memory_space<vmem>>
        %get3A_597 = tpu.memref_squeeze %get3A_596 : memref<1x200x128xf32, #tpu.memory_space<vmem>> -> memref<200x128xf32, #tpu.memory_space<vmem>>
        %get3A_598 = arith.index_cast %add3A_549 : i32 to index
        %get3A_599 = arith.constant 32 : index
        %get3A_600 = tpu.vector_load %get3A_597[%get3A_598, %get3A_599] {strides = array<i32>} : memref<200x128xf32, #tpu.memory_space<vmem>>, vector<1x16xf32>,
        %get3A_601 = vector.shape_cast %get3A_600 : vector<1x16xf32> to vector<16xf32>
        %get3A_602 = arith.index_cast %add3A_549 : i32 to index
        %get3A_603 = arith.constant 32 : index
        %get3A_604 = tpu.vector_load %arg7[%get3A_602, %get3A_603] {strides = array<i32>} : memref<200x128xf32, #tpu.memory_space<vmem>>, vector<1x16xf32>,
        %get3A_605 = vector.shape_cast %get3A_604 : vector<1x16xf32> to vector<16xf32>
        %add3A_606 = arith.addf %get3A_601, %get3A_605 : vector<16xf32>
        %swap3A_607 = arith.constant 0 : i32
        %swap3A_608 = arith.constant 0 : i32
        %swap3A_609 = tpu.memref_slice %arg8[%scan3A_332, %swap3A_607, %swap3A_608] : memref<3x200x128xf32, #tpu.memory_space<vmem>> -> memref<1x200x128xf32, #tpu.memory_space<vmem>>
        %swap3A_610 = tpu.memref_squeeze %swap3A_609 : memref<1x200x128xf32, #tpu.memory_space<vmem>> -> memref<200x128xf32, #tpu.memory_space<vmem>>
        %swap3A_611 = arith.index_cast %add3A_549 : i32 to index
        %swap3A_612 = arith.constant 32 : index
        %swap3A_613 = tpu.vector_load %swap3A_610[%swap3A_611, %swap3A_612] {strides = array<i32>} : memref<200x128xf32, #tpu.memory_space<vmem>>, vector<1x16xf32>,
        %swap3A_614 = vector.shape_cast %swap3A_613 : vector<1x16xf32> to vector<16xf32>
        %swap3A_615 = vector.shape_cast %add3A_606 : vector<16xf32> to vector<1x16xf32>
        tpu.vector_store %swap3A_610[%swap3A_611, %swap3A_612], %swap3A_615 {strides = array<i32>} : memref<200x128xf32, #tpu.memory_space<vmem>>, vector<1x16xf32>,
        %get3A_616 = arith.constant 0 : i32
        %get3A_617 = arith.constant 0 : i32
        %get3A_618 = tpu.memref_slice %arg8[%scan3A_332, %get3A_616, %get3A_617] : memref<3x200x128xf32, #tpu.memory_space<vmem>> -> memref<1x200x128xf32, #tpu.memory_space<vmem>>
        %get3A_619 = tpu.memref_squeeze %get3A_618 : memref<1x200x128xf32, #tpu.memory_space<vmem>> -> memref<200x128xf32, #tpu.memory_space<vmem>>
        %get3A_620 = arith.index_cast %add3A_549 : i32 to index
        %get3A_621 = arith.constant 48 : index
        %get3A_622 = tpu.vector_load %get3A_619[%get3A_620, %get3A_621] {strides = array<i32>} : memref<200x128xf32, #tpu.memory_space<vmem>>, vector<1x16xf32>,
        %get3A_623 = vector.shape_cast %get3A_622 : vector<1x16xf32> to vector<16xf32>
        %get3A_624 = arith.index_cast %add3A_549 : i32 to index
        %get3A_625 = arith.constant 48 : index
        %get3A_626 = tpu.vector_load %arg7[%get3A_624, %get3A_625] {strides = array<i32>} : memref<200x128xf32, #tpu.memory_space<vmem>>, vector<1x16xf32>,
        %get3A_627 = vector.shape_cast %get3A_626 : vector<1x16xf32> to vector<16xf32>
        %add3A_628 = arith.addf %get3A_623, %get3A_627 : vector<16xf32>
        %swap3A_629 = arith.constant 0 : i32
        %swap3A_630 = arith.constant 0 : i32
        %swap3A_631 = tpu.memref_slice %arg8[%scan3A_332, %swap3A_629, %swap3A_630] : memref<3x200x128xf32, #tpu.memory_space<vmem>> -> memref<1x200x128xf32, #tpu.memory_space<vmem>>
        %swap3A_632 = tpu.memref_squeeze %swap3A_631 : memref<1x200x128xf32, #tpu.memory_space<vmem>> -> memref<200x128xf32, #tpu.memory_space<vmem>>
        %swap3A_633 = arith.index_cast %add3A_549 : i32 to index
        %swap3A_634 = arith.constant 48 : index
        %swap3A_635 = tpu.vector_load %swap3A_632[%swap3A_633, %swap3A_634] {strides = array<i32>} : memref<200x128xf32, #tpu.memory_space<vmem>>, vector<1x16xf32>,
        %swap3A_636 = vector.shape_cast %swap3A_635 : vector<1x16xf32> to vector<16xf32>
        %swap3A_637 = vector.shape_cast %add3A_628 : vector<16xf32> to vector<1x16xf32>
        tpu.vector_store %swap3A_632[%swap3A_633, %swap3A_634], %swap3A_637 {strides = array<i32>} : memref<200x128xf32, #tpu.memory_space<vmem>>, vector<1x16xf32>,
        %get3A_638 = arith.constant 0 : i32
        %get3A_639 = arith.constant 0 : i32
        %get3A_640 = tpu.memref_slice %arg8[%scan3A_332, %get3A_638, %get3A_639] : memref<3x200x128xf32, #tpu.memory_space<vmem>> -> memref<1x200x128xf32, #tpu.memory_space<vmem>>
        %get3A_641 = tpu.memref_squeeze %get3A_640 : memref<1x200x128xf32, #tpu.memory_space<vmem>> -> memref<200x128xf32, #tpu.memory_space<vmem>>
        %get3A_642 = arith.index_cast %add3A_549 : i32 to index
        %get3A_643 = arith.constant 64 : index
        %get3A_644 = tpu.vector_load %get3A_641[%get3A_642, %get3A_643] {strides = array<i32>} : memref<200x128xf32, #tpu.memory_space<vmem>>, vector<1x16xf32>,
        %get3A_645 = vector.shape_cast %get3A_644 : vector<1x16xf32> to vector<16xf32>
        %get3A_646 = arith.index_cast %add3A_549 : i32 to index
        %get3A_647 = arith.constant 64 : index
        %get3A_648 = tpu.vector_load %arg7[%get3A_646, %get3A_647] {strides = array<i32>} : memref<200x128xf32, #tpu.memory_space<vmem>>, vector<1x16xf32>,
        %get3A_649 = vector.shape_cast %get3A_648 : vector<1x16xf32> to vector<16xf32>
        %add3A_650 = arith.addf %get3A_645, %get3A_649 : vector<16xf32>
        %swap3A_651 = arith.constant 0 : i32
        %swap3A_652 = arith.constant 0 : i32
        %swap3A_653 = tpu.memref_slice %arg8[%scan3A_332, %swap3A_651, %swap3A_652] : memref<3x200x128xf32, #tpu.memory_space<vmem>> -> memref<1x200x128xf32, #tpu.memory_space<vmem>>
        %swap3A_654 = tpu.memref_squeeze %swap3A_653 : memref<1x200x128xf32, #tpu.memory_space<vmem>> -> memref<200x128xf32, #tpu.memory_space<vmem>>
        %swap3A_655 = arith.index_cast %add3A_549 : i32 to index
        %swap3A_656 = arith.constant 64 : index
        %swap3A_657 = tpu.vector_load %swap3A_654[%swap3A_655, %swap3A_656] {strides = array<i32>} : memref<200x128xf32, #tpu.memory_space<vmem>>, vector<1x16xf32>,
        %swap3A_658 = vector.shape_cast %swap3A_657 : vector<1x16xf32> to vector<16xf32>
        %swap3A_659 = vector.shape_cast %add3A_650 : vector<16xf32> to vector<1x16xf32>
        tpu.vector_store %swap3A_654[%swap3A_655, %swap3A_656], %swap3A_659 {strides = array<i32>} : memref<200x128xf32, #tpu.memory_space<vmem>>, vector<1x16xf32>,
        %get3A_660 = arith.constant 0 : i32
        %get3A_661 = arith.constant 0 : i32
        %get3A_662 = tpu.memref_slice %arg8[%scan3A_332, %get3A_660, %get3A_661] : memref<3x200x128xf32, #tpu.memory_space<vmem>> -> memref<1x200x128xf32, #tpu.memory_space<vmem>>
        %get3A_663 = tpu.memref_squeeze %get3A_662 : memref<1x200x128xf32, #tpu.memory_space<vmem>> -> memref<200x128xf32, #tpu.memory_space<vmem>>
        %get3A_664 = arith.index_cast %add3A_549 : i32 to index
        %get3A_665 = arith.constant 80 : index
        %get3A_666 = tpu.vector_load %get3A_663[%get3A_664, %get3A_665] {strides = array<i32>} : memref<200x128xf32, #tpu.memory_space<vmem>>, vector<1x16xf32>,
        %get3A_667 = vector.shape_cast %get3A_666 : vector<1x16xf32> to vector<16xf32>
        %get3A_668 = arith.index_cast %add3A_549 : i32 to index
        %get3A_669 = arith.constant 80 : index
        %get3A_670 = tpu.vector_load %arg7[%get3A_668, %get3A_669] {strides = array<i32>} : memref<200x128xf32, #tpu.memory_space<vmem>>, vector<1x16xf32>,
        %get3A_671 = vector.shape_cast %get3A_670 : vector<1x16xf32> to vector<16xf32>
        %add3A_672 = arith.addf %get3A_667, %get3A_671 : vector<16xf32>
        %swap3A_673 = arith.constant 0 : i32
        %swap3A_674 = arith.constant 0 : i32
        %swap3A_675 = tpu.memref_slice %arg8[%scan3A_332, %swap3A_673, %swap3A_674] : memref<3x200x128xf32, #tpu.memory_space<vmem>> -> memref<1x200x128xf32, #tpu.memory_space<vmem>>
        %swap3A_676 = tpu.memref_squeeze %swap3A_675 : memref<1x200x128xf32, #tpu.memory_space<vmem>> -> memref<200x128xf32, #tpu.memory_space<vmem>>
        %swap3A_677 = arith.index_cast %add3A_549 : i32 to index
        %swap3A_678 = arith.constant 80 : index
        %swap3A_679 = tpu.vector_load %swap3A_676[%swap3A_677, %swap3A_678] {strides = array<i32>} : memref<200x128xf32, #tpu.memory_space<vmem>>, vector<1x16xf32>,
        %swap3A_680 = vector.shape_cast %swap3A_679 : vector<1x16xf32> to vector<16xf32>
        %swap3A_681 = vector.shape_cast %add3A_672 : vector<16xf32> to vector<1x16xf32>
        tpu.vector_store %swap3A_676[%swap3A_677, %swap3A_678], %swap3A_681 {strides = array<i32>} : memref<200x128xf32, #tpu.memory_space<vmem>>, vector<1x16xf32>,
        %get3A_682 = arith.constant 0 : i32
        %get3A_683 = arith.constant 0 : i32
        %get3A_684 = tpu.memref_slice %arg8[%scan3A_332, %get3A_682, %get3A_683] : memref<3x200x128xf32, #tpu.memory_space<vmem>> -> memref<1x200x128xf32, #tpu.memory_space<vmem>>
        %get3A_685 = tpu.memref_squeeze %get3A_684 : memref<1x200x128xf32, #tpu.memory_space<vmem>> -> memref<200x128xf32, #tpu.memory_space<vmem>>
        %get3A_686 = arith.index_cast %add3A_549 : i32 to index
        %get3A_687 = arith.constant 96 : index
        %get3A_688 = tpu.vector_load %get3A_685[%get3A_686, %get3A_687] {strides = array<i32>} : memref<200x128xf32, #tpu.memory_space<vmem>>, vector<1x16xf32>,
        %get3A_689 = vector.shape_cast %get3A_688 : vector<1x16xf32> to vector<16xf32>
        %get3A_690 = arith.index_cast %add3A_549 : i32 to index
        %get3A_691 = arith.constant 96 : index
        %get3A_692 = tpu.vector_load %arg7[%get3A_690, %get3A_691] {strides = array<i32>} : memref<200x128xf32, #tpu.memory_space<vmem>>, vector<1x16xf32>,
        %get3A_693 = vector.shape_cast %get3A_692 : vector<1x16xf32> to vector<16xf32>
        %add3A_694 = arith.addf %get3A_689, %get3A_693 : vector<16xf32>
        %swap3A_695 = arith.constant 0 : i32
        %swap3A_696 = arith.constant 0 : i32
        %swap3A_697 = tpu.memref_slice %arg8[%scan3A_332, %swap3A_695, %swap3A_696] : memref<3x200x128xf32, #tpu.memory_space<vmem>> -> memref<1x200x128xf32, #tpu.memory_space<vmem>>
        %swap3A_698 = tpu.memref_squeeze %swap3A_697 : memref<1x200x128xf32, #tpu.memory_space<vmem>> -> memref<200x128xf32, #tpu.memory_space<vmem>>
        %swap3A_699 = arith.index_cast %add3A_549 : i32 to index
        %swap3A_700 = arith.constant 96 : index
        %swap3A_701 = tpu.vector_load %swap3A_698[%swap3A_699, %swap3A_700] {strides = array<i32>} : memref<200x128xf32, #tpu.memory_space<vmem>>, vector<1x16xf32>,
        %swap3A_702 = vector.shape_cast %swap3A_701 : vector<1x16xf32> to vector<16xf32>
        %swap3A_703 = vector.shape_cast %add3A_694 : vector<16xf32> to vector<1x16xf32>
        tpu.vector_store %swap3A_698[%swap3A_699, %swap3A_700], %swap3A_703 {strides = array<i32>} : memref<200x128xf32, #tpu.memory_space<vmem>>, vector<1x16xf32>,
        %get3A_704 = arith.constant 0 : i32
        %get3A_705 = arith.constant 0 : i32
        %get3A_706 = tpu.memref_slice %arg8[%scan3A_332, %get3A_704, %get3A_705] : memref<3x200x128xf32, #tpu.memory_space<vmem>> -> memref<1x200x128xf32, #tpu.memory_space<vmem>>
        %get3A_707 = tpu.memref_squeeze %get3A_706 : memref<1x200x128xf32, #tpu.memory_space<vmem>> -> memref<200x128xf32, #tpu.memory_space<vmem>>
        %get3A_708 = arith.index_cast %add3A_549 : i32 to index
        %get3A_709 = arith.constant 112 : index
        %get3A_710 = tpu.vector_load %get3A_707[%get3A_708, %get3A_709] {strides = array<i32>} : memref<200x128xf32, #tpu.memory_space<vmem>>, vector<1x16xf32>,
        %get3A_711 = vector.shape_cast %get3A_710 : vector<1x16xf32> to vector<16xf32>
        %get3A_712 = arith.index_cast %add3A_549 : i32 to index
        %get3A_713 = arith.constant 112 : index
        %get3A_714 = tpu.vector_load %arg7[%get3A_712, %get3A_713] {strides = array<i32>} : memref<200x128xf32, #tpu.memory_space<vmem>>, vector<1x16xf32>,
        %get3A_715 = vector.shape_cast %get3A_714 : vector<1x16xf32> to vector<16xf32>
        %add3A_716 = arith.addf %get3A_711, %get3A_715 : vector<16xf32>
        %swap3A_717 = arith.constant 0 : i32
        %swap3A_718 = arith.constant 0 : i32
        %swap3A_719 = tpu.memref_slice %arg8[%scan3A_332, %swap3A_717, %swap3A_718] : memref<3x200x128xf32, #tpu.memory_space<vmem>> -> memref<1x200x128xf32, #tpu.memory_space<vmem>>
        %swap3A_720 = tpu.memref_squeeze %swap3A_719 : memref<1x200x128xf32, #tpu.memory_space<vmem>> -> memref<200x128xf32, #tpu.memory_space<vmem>>
        %swap3A_721 = arith.index_cast %add3A_549 : i32 to index
        %swap3A_722 = arith.constant 112 : index
        %swap3A_723 = tpu.vector_load %swap3A_720[%swap3A_721, %swap3A_722] {strides = array<i32>} : memref<200x128xf32, #tpu.memory_space<vmem>>, vector<1x16xf32>,
        %swap3A_724 = vector.shape_cast %swap3A_723 : vector<1x16xf32> to vector<16xf32>
        %swap3A_725 = vector.shape_cast %add3A_716 : vector<16xf32> to vector<1x16xf32>
        tpu.vector_store %swap3A_720[%swap3A_721, %swap3A_722], %swap3A_725 {strides = array<i32>} : memref<200x128xf32, #tpu.memory_space<vmem>>, vector<1x16xf32>,
        %add3A_726 = arith.constant 2 : i32
        %add3A_727 = arith.addi %mul3A_371, %add3A_726 : i32
        %get3A_728 = arith.constant 0 : i32
        %get3A_729 = arith.constant 0 : i32
        %get3A_730 = tpu.memref_slice %arg8[%scan3A_332, %get3A_728, %get3A_729] : memref<3x200x128xf32, #tpu.memory_space<vmem>> -> memref<1x200x128xf32, #tpu.memory_space<vmem>>
        %get3A_731 = tpu.memref_squeeze %get3A_730 : memref<1x200x128xf32, #tpu.memory_space<vmem>> -> memref<200x128xf32, #tpu.memory_space<vmem>>
        %get3A_732 = arith.index_cast %add3A_727 : i32 to index
        %get3A_733 = arith.constant 0 : index
        %get3A_734 = tpu.vector_load %get3A_731[%get3A_732, %get3A_733] {strides = array<i32>} : memref<200x128xf32, #tpu.memory_space<vmem>>, vector<1x16xf32>,
        %get3A_735 = vector.shape_cast %get3A_734 : vector<1x16xf32> to vector<16xf32>
        %get3A_736 = arith.index_cast %add3A_727 : i32 to index
        %get3A_737 = arith.constant 0 : index
        %get3A_738 = tpu.vector_load %arg7[%get3A_736, %get3A_737] {strides = array<i32>} : memref<200x128xf32, #tpu.memory_space<vmem>>, vector<1x16xf32>,
        %get3A_739 = vector.shape_cast %get3A_738 : vector<1x16xf32> to vector<16xf32>
        %add3A_740 = arith.addf %get3A_735, %get3A_739 : vector<16xf32>
        %swap3A_741 = arith.constant 0 : i32
        %swap3A_742 = arith.constant 0 : i32
        %swap3A_743 = tpu.memref_slice %arg8[%scan3A_332, %swap3A_741, %swap3A_742] : memref<3x200x128xf32, #tpu.memory_space<vmem>> -> memref<1x200x128xf32, #tpu.memory_space<vmem>>
        %swap3A_744 = tpu.memref_squeeze %swap3A_743 : memref<1x200x128xf32, #tpu.memory_space<vmem>> -> memref<200x128xf32, #tpu.memory_space<vmem>>
        %swap3A_745 = arith.index_cast %add3A_727 : i32 to index
        %swap3A_746 = arith.constant 0 : index
        %swap3A_747 = tpu.vector_load %swap3A_744[%swap3A_745, %swap3A_746] {strides = array<i32>} : memref<200x128xf32, #tpu.memory_space<vmem>>, vector<1x16xf32>,
        %swap3A_748 = vector.shape_cast %swap3A_747 : vector<1x16xf32> to vector<16xf32>
        %swap3A_749 = vector.shape_cast %add3A_740 : vector<16xf32> to vector<1x16xf32>
        tpu.vector_store %swap3A_744[%swap3A_745, %swap3A_746], %swap3A_749 {strides = array<i32>} : memref<200x128xf32, #tpu.memory_space<vmem>>, vector<1x16xf32>,
        %get3A_750 = arith.constant 0 : i32
        %get3A_751 = arith.constant 0 : i32
        %get3A_752 = tpu.memref_slice %arg8[%scan3A_332, %get3A_750, %get3A_751] : memref<3x200x128xf32, #tpu.memory_space<vmem>> -> memref<1x200x128xf32, #tpu.memory_space<vmem>>
        %get3A_753 = tpu.memref_squeeze %get3A_752 : memref<1x200x128xf32, #tpu.memory_space<vmem>> -> memref<200x128xf32, #tpu.memory_space<vmem>>
        %get3A_754 = arith.index_cast %add3A_727 : i32 to index
        %get3A_755 = arith.constant 16 : index
        %get3A_756 = tpu.vector_load %get3A_753[%get3A_754, %get3A_755] {strides = array<i32>} : memref<200x128xf32, #tpu.memory_space<vmem>>, vector<1x16xf32>,
        %get3A_757 = vector.shape_cast %get3A_756 : vector<1x16xf32> to vector<16xf32>
        %get3A_758 = arith.index_cast %add3A_727 : i32 to index
        %get3A_759 = arith.constant 16 : index
        %get3A_760 = tpu.vector_load %arg7[%get3A_758, %get3A_759] {strides = array<i32>} : memref<200x128xf32, #tpu.memory_space<vmem>>, vector<1x16xf32>,
        %get3A_761 = vector.shape_cast %get3A_760 : vector<1x16xf32> to vector<16xf32>
        %add3A_762 = arith.addf %get3A_757, %get3A_761 : vector<16xf32>
        %swap3A_763 = arith.constant 0 : i32
        %swap3A_764 = arith.constant 0 : i32
        %swap3A_765 = tpu.memref_slice %arg8[%scan3A_332, %swap3A_763, %swap3A_764] : memref<3x200x128xf32, #tpu.memory_space<vmem>> -> memref<1x200x128xf32, #tpu.memory_space<vmem>>
        %swap3A_766 = tpu.memref_squeeze %swap3A_765 : memref<1x200x128xf32, #tpu.memory_space<vmem>> -> memref<200x128xf32, #tpu.memory_space<vmem>>
        %swap3A_767 = arith.index_cast %add3A_727 : i32 to index
        %swap3A_768 = arith.constant 16 : index
        %swap3A_769 = tpu.vector_load %swap3A_766[%swap3A_767, %swap3A_768] {strides = array<i32>} : memref<200x128xf32, #tpu.memory_space<vmem>>, vector<1x16xf32>,
        %swap3A_770 = vector.shape_cast %swap3A_769 : vector<1x16xf32> to vector<16xf32>
        %swap3A_771 = vector.shape_cast %add3A_762 : vector<16xf32> to vector<1x16xf32>
        tpu.vector_store %swap3A_766[%swap3A_767, %swap3A_768], %swap3A_771 {strides = array<i32>} : memref<200x128xf32, #tpu.memory_space<vmem>>, vector<1x16xf32>,
        %get3A_772 = arith.constant 0 : i32
        %get3A_773 = arith.constant 0 : i32
        %get3A_774 = tpu.memref_slice %arg8[%scan3A_332, %get3A_772, %get3A_773] : memref<3x200x128xf32, #tpu.memory_space<vmem>> -> memref<1x200x128xf32, #tpu.memory_space<vmem>>
        %get3A_775 = tpu.memref_squeeze %get3A_774 : memref<1x200x128xf32, #tpu.memory_space<vmem>> -> memref<200x128xf32, #tpu.memory_space<vmem>>
        %get3A_776 = arith.index_cast %add3A_727 : i32 to index
        %get3A_777 = arith.constant 32 : index
        %get3A_778 = tpu.vector_load %get3A_775[%get3A_776, %get3A_777] {strides = array<i32>} : memref<200x128xf32, #tpu.memory_space<vmem>>, vector<1x16xf32>,
        %get3A_779 = vector.shape_cast %get3A_778 : vector<1x16xf32> to vector<16xf32>
        %get3A_780 = arith.index_cast %add3A_727 : i32 to index
        %get3A_781 = arith.constant 32 : index
        %get3A_782 = tpu.vector_load %arg7[%get3A_780, %get3A_781] {strides = array<i32>} : memref<200x128xf32, #tpu.memory_space<vmem>>, vector<1x16xf32>,
        %get3A_783 = vector.shape_cast %get3A_782 : vector<1x16xf32> to vector<16xf32>
        %add3A_784 = arith.addf %get3A_779, %get3A_783 : vector<16xf32>
        %swap3A_785 = arith.constant 0 : i32
        %swap3A_786 = arith.constant 0 : i32
        %swap3A_787 = tpu.memref_slice %arg8[%scan3A_332, %swap3A_785, %swap3A_786] : memref<3x200x128xf32, #tpu.memory_space<vmem>> -> memref<1x200x128xf32, #tpu.memory_space<vmem>>
        %swap3A_788 = tpu.memref_squeeze %swap3A_787 : memref<1x200x128xf32, #tpu.memory_space<vmem>> -> memref<200x128xf32, #tpu.memory_space<vmem>>
        %swap3A_789 = arith.index_cast %add3A_727 : i32 to index
        %swap3A_790 = arith.constant 32 : index
        %swap3A_791 = tpu.vector_load %swap3A_788[%swap3A_789, %swap3A_790] {strides = array<i32>} : memref<200x128xf32, #tpu.memory_space<vmem>>, vector<1x16xf32>,
        %swap3A_792 = vector.shape_cast %swap3A_791 : vector<1x16xf32> to vector<16xf32>
        %swap3A_793 = vector.shape_cast %add3A_784 : vector<16xf32> to vector<1x16xf32>
        tpu.vector_store %swap3A_788[%swap3A_789, %swap3A_790], %swap3A_793 {strides = array<i32>} : memref<200x128xf32, #tpu.memory_space<vmem>>, vector<1x16xf32>,
        %get3A_794 = arith.constant 0 : i32
        %get3A_795 = arith.constant 0 : i32
        %get3A_796 = tpu.memref_slice %arg8[%scan3A_332, %get3A_794, %get3A_795] : memref<3x200x128xf32, #tpu.memory_space<vmem>> -> memref<1x200x128xf32, #tpu.memory_space<vmem>>
        %get3A_797 = tpu.memref_squeeze %get3A_796 : memref<1x200x128xf32, #tpu.memory_space<vmem>> -> memref<200x128xf32, #tpu.memory_space<vmem>>
        %get3A_798 = arith.index_cast %add3A_727 : i32 to index
        %get3A_799 = arith.constant 48 : index
        %get3A_800 = tpu.vector_load %get3A_797[%get3A_798, %get3A_799] {strides = array<i32>} : memref<200x128xf32, #tpu.memory_space<vmem>>, vector<1x16xf32>,
        %get3A_801 = vector.shape_cast %get3A_800 : vector<1x16xf32> to vector<16xf32>
        %get3A_802 = arith.index_cast %add3A_727 : i32 to index
        %get3A_803 = arith.constant 48 : index
        %get3A_804 = tpu.vector_load %arg7[%get3A_802, %get3A_803] {strides = array<i32>} : memref<200x128xf32, #tpu.memory_space<vmem>>, vector<1x16xf32>,
        %get3A_805 = vector.shape_cast %get3A_804 : vector<1x16xf32> to vector<16xf32>
        %add3A_806 = arith.addf %get3A_801, %get3A_805 : vector<16xf32>
        %swap3A_807 = arith.constant 0 : i32
        %swap3A_808 = arith.constant 0 : i32
        %swap3A_809 = tpu.memref_slice %arg8[%scan3A_332, %swap3A_807, %swap3A_808] : memref<3x200x128xf32, #tpu.memory_space<vmem>> -> memref<1x200x128xf32, #tpu.memory_space<vmem>>
        %swap3A_810 = tpu.memref_squeeze %swap3A_809 : memref<1x200x128xf32, #tpu.memory_space<vmem>> -> memref<200x128xf32, #tpu.memory_space<vmem>>
        %swap3A_811 = arith.index_cast %add3A_727 : i32 to index
        %swap3A_812 = arith.constant 48 : index
        %swap3A_813 = tpu.vector_load %swap3A_810[%swap3A_811, %swap3A_812] {strides = array<i32>} : memref<200x128xf32, #tpu.memory_space<vmem>>, vector<1x16xf32>,
        %swap3A_814 = vector.shape_cast %swap3A_813 : vector<1x16xf32> to vector<16xf32>
        %swap3A_815 = vector.shape_cast %add3A_806 : vector<16xf32> to vector<1x16xf32>
        tpu.vector_store %swap3A_810[%swap3A_811, %swap3A_812], %swap3A_815 {strides = array<i32>} : memref<200x128xf32, #tpu.memory_space<vmem>>, vector<1x16xf32>,
        %get3A_816 = arith.constant 0 : i32
        %get3A_817 = arith.constant 0 : i32
        %get3A_818 = tpu.memref_slice %arg8[%scan3A_332, %get3A_816, %get3A_817] : memref<3x200x128xf32, #tpu.memory_space<vmem>> -> memref<1x200x128xf32, #tpu.memory_space<vmem>>
        %get3A_819 = tpu.memref_squeeze %get3A_818 : memref<1x200x128xf32, #tpu.memory_space<vmem>> -> memref<200x128xf32, #tpu.memory_space<vmem>>
        %get3A_820 = arith.index_cast %add3A_727 : i32 to index
        %get3A_821 = arith.constant 64 : index
        %get3A_822 = tpu.vector_load %get3A_819[%get3A_820, %get3A_821] {strides = array<i32>} : memref<200x128xf32, #tpu.memory_space<vmem>>, vector<1x16xf32>,
        %get3A_823 = vector.shape_cast %get3A_822 : vector<1x16xf32> to vector<16xf32>
        %get3A_824 = arith.index_cast %add3A_727 : i32 to index
        %get3A_825 = arith.constant 64 : index
        %get3A_826 = tpu.vector_load %arg7[%get3A_824, %get3A_825] {strides = array<i32>} : memref<200x128xf32, #tpu.memory_space<vmem>>, vector<1x16xf32>,
        %get3A_827 = vector.shape_cast %get3A_826 : vector<1x16xf32> to vector<16xf32>
        %add3A_828 = arith.addf %get3A_823, %get3A_827 : vector<16xf32>
        %swap3A_829 = arith.constant 0 : i32
        %swap3A_830 = arith.constant 0 : i32
        %swap3A_831 = tpu.memref_slice %arg8[%scan3A_332, %swap3A_829, %swap3A_830] : memref<3x200x128xf32, #tpu.memory_space<vmem>> -> memref<1x200x128xf32, #tpu.memory_space<vmem>>
        %swap3A_832 = tpu.memref_squeeze %swap3A_831 : memref<1x200x128xf32, #tpu.memory_space<vmem>> -> memref<200x128xf32, #tpu.memory_space<vmem>>
        %swap3A_833 = arith.index_cast %add3A_727 : i32 to index
        %swap3A_834 = arith.constant 64 : index
        %swap3A_835 = tpu.vector_load %swap3A_832[%swap3A_833, %swap3A_834] {strides = array<i32>} : memref<200x128xf32, #tpu.memory_space<vmem>>, vector<1x16xf32>,
        %swap3A_836 = vector.shape_cast %swap3A_835 : vector<1x16xf32> to vector<16xf32>
        %swap3A_837 = vector.shape_cast %add3A_828 : vector<16xf32> to vector<1x16xf32>
        tpu.vector_store %swap3A_832[%swap3A_833, %swap3A_834], %swap3A_837 {strides = array<i32>} : memref<200x128xf32, #tpu.memory_space<vmem>>, vector<1x16xf32>,
        %get3A_838 = arith.constant 0 : i32
        %get3A_839 = arith.constant 0 : i32
        %get3A_840 = tpu.memref_slice %arg8[%scan3A_332, %get3A_838, %get3A_839] : memref<3x200x128xf32, #tpu.memory_space<vmem>> -> memref<1x200x128xf32, #tpu.memory_space<vmem>>
        %get3A_841 = tpu.memref_squeeze %get3A_840 : memref<1x200x128xf32, #tpu.memory_space<vmem>> -> memref<200x128xf32, #tpu.memory_space<vmem>>
        %get3A_842 = arith.index_cast %add3A_727 : i32 to index
        %get3A_843 = arith.constant 80 : index
        %get3A_844 = tpu.vector_load %get3A_841[%get3A_842, %get3A_843] {strides = array<i32>} : memref<200x128xf32, #tpu.memory_space<vmem>>, vector<1x16xf32>,
        %get3A_845 = vector.shape_cast %get3A_844 : vector<1x16xf32> to vector<16xf32>
        %get3A_846 = arith.index_cast %add3A_727 : i32 to index
        %get3A_847 = arith.constant 80 : index
        %get3A_848 = tpu.vector_load %arg7[%get3A_846, %get3A_847] {strides = array<i32>} : memref<200x128xf32, #tpu.memory_space<vmem>>, vector<1x16xf32>,
        %get3A_849 = vector.shape_cast %get3A_848 : vector<1x16xf32> to vector<16xf32>
        %add3A_850 = arith.addf %get3A_845, %get3A_849 : vector<16xf32>
        %swap3A_851 = arith.constant 0 : i32
        %swap3A_852 = arith.constant 0 : i32
        %swap3A_853 = tpu.memref_slice %arg8[%scan3A_332, %swap3A_851, %swap3A_852] : memref<3x200x128xf32, #tpu.memory_space<vmem>> -> memref<1x200x128xf32, #tpu.memory_space<vmem>>
        %swap3A_854 = tpu.memref_squeeze %swap3A_853 : memref<1x200x128xf32, #tpu.memory_space<vmem>> -> memref<200x128xf32, #tpu.memory_space<vmem>>
        %swap3A_855 = arith.index_cast %add3A_727 : i32 to index
        %swap3A_856 = arith.constant 80 : index
        %swap3A_857 = tpu.vector_load %swap3A_854[%swap3A_855, %swap3A_856] {strides = array<i32>} : memref<200x128xf32, #tpu.memory_space<vmem>>, vector<1x16xf32>,
        %swap3A_858 = vector.shape_cast %swap3A_857 : vector<1x16xf32> to vector<16xf32>
        %swap3A_859 = vector.shape_cast %add3A_850 : vector<16xf32> to vector<1x16xf32>
        tpu.vector_store %swap3A_854[%swap3A_855, %swap3A_856], %swap3A_859 {strides = array<i32>} : memref<200x128xf32, #tpu.memory_space<vmem>>, vector<1x16xf32>,
        %get3A_860 = arith.constant 0 : i32
        %get3A_861 = arith.constant 0 : i32
        %get3A_862 = tpu.memref_slice %arg8[%scan3A_332, %get3A_860, %get3A_861] : memref<3x200x128xf32, #tpu.memory_space<vmem>> -> memref<1x200x128xf32, #tpu.memory_space<vmem>>
        %get3A_863 = tpu.memref_squeeze %get3A_862 : memref<1x200x128xf32, #tpu.memory_space<vmem>> -> memref<200x128xf32, #tpu.memory_space<vmem>>
        %get3A_864 = arith.index_cast %add3A_727 : i32 to index
        %get3A_865 = arith.constant 96 : index
        %get3A_866 = tpu.vector_load %get3A_863[%get3A_864, %get3A_865] {strides = array<i32>} : memref<200x128xf32, #tpu.memory_space<vmem>>, vector<1x16xf32>,
        %get3A_867 = vector.shape_cast %get3A_866 : vector<1x16xf32> to vector<16xf32>
        %get3A_868 = arith.index_cast %add3A_727 : i32 to index
        %get3A_869 = arith.constant 96 : index
        %get3A_870 = tpu.vector_load %arg7[%get3A_868, %get3A_869] {strides = array<i32>} : memref<200x128xf32, #tpu.memory_space<vmem>>, vector<1x16xf32>,
        %get3A_871 = vector.shape_cast %get3A_870 : vector<1x16xf32> to vector<16xf32>
        %add3A_872 = arith.addf %get3A_867, %get3A_871 : vector<16xf32>
        %swap3A_873 = arith.constant 0 : i32
        %swap3A_874 = arith.constant 0 : i32
        %swap3A_875 = tpu.memref_slice %arg8[%scan3A_332, %swap3A_873, %swap3A_874] : memref<3x200x128xf32, #tpu.memory_space<vmem>> -> memref<1x200x128xf32, #tpu.memory_space<vmem>>
        %swap3A_876 = tpu.memref_squeeze %swap3A_875 : memref<1x200x128xf32, #tpu.memory_space<vmem>> -> memref<200x128xf32, #tpu.memory_space<vmem>>
        %swap3A_877 = arith.index_cast %add3A_727 : i32 to index
        %swap3A_878 = arith.constant 96 : index
        %swap3A_879 = tpu.vector_load %swap3A_876[%swap3A_877, %swap3A_878] {strides = array<i32>} : memref<200x128xf32, #tpu.memory_space<vmem>>, vector<1x16xf32>,
        %swap3A_880 = vector.shape_cast %swap3A_879 : vector<1x16xf32> to vector<16xf32>
        %swap3A_881 = vector.shape_cast %add3A_872 : vector<16xf32> to vector<1x16xf32>
        tpu.vector_store %swap3A_876[%swap3A_877, %swap3A_878], %swap3A_881 {strides = array<i32>} : memref<200x128xf32, #tpu.memory_space<vmem>>, vector<1x16xf32>,
        %get3A_882 = arith.constant 0 : i32
        %get3A_883 = arith.constant 0 : i32
        %get3A_884 = tpu.memref_slice %arg8[%scan3A_332, %get3A_882, %get3A_883] : memref<3x200x128xf32, #tpu.memory_space<vmem>> -> memref<1x200x128xf32, #tpu.memory_space<vmem>>
        %get3A_885 = tpu.memref_squeeze %get3A_884 : memref<1x200x128xf32, #tpu.memory_space<vmem>> -> memref<200x128xf32, #tpu.memory_space<vmem>>
        %get3A_886 = arith.index_cast %add3A_727 : i32 to index
        %get3A_887 = arith.constant 112 : index
        %get3A_888 = tpu.vector_load %get3A_885[%get3A_886, %get3A_887] {strides = array<i32>} : memref<200x128xf32, #tpu.memory_space<vmem>>, vector<1x16xf32>,
        %get3A_889 = vector.shape_cast %get3A_888 : vector<1x16xf32> to vector<16xf32>
        %get3A_890 = arith.index_cast %add3A_727 : i32 to index
        %get3A_891 = arith.constant 112 : index
        %get3A_892 = tpu.vector_load %arg7[%get3A_890, %get3A_891] {strides = array<i32>} : memref<200x128xf32, #tpu.memory_space<vmem>>, vector<1x16xf32>,
        %get3A_893 = vector.shape_cast %get3A_892 : vector<1x16xf32> to vector<16xf32>
        %add3A_894 = arith.addf %get3A_889, %get3A_893 : vector<16xf32>
        %swap3A_895 = arith.constant 0 : i32
        %swap3A_896 = arith.constant 0 : i32
        %swap3A_897 = tpu.memref_slice %arg8[%scan3A_332, %swap3A_895, %swap3A_896] : memref<3x200x128xf32, #tpu.memory_space<vmem>> -> memref<1x200x128xf32, #tpu.memory_space<vmem>>
        %swap3A_898 = tpu.memref_squeeze %swap3A_897 : memref<1x200x128xf32, #tpu.memory_space<vmem>> -> memref<200x128xf32, #tpu.memory_space<vmem>>
        %swap3A_899 = arith.index_cast %add3A_727 : i32 to index
        %swap3A_900 = arith.constant 112 : index
        %swap3A_901 = tpu.vector_load %swap3A_898[%swap3A_899, %swap3A_900] {strides = array<i32>} : memref<200x128xf32, #tpu.memory_space<vmem>>, vector<1x16xf32>,
        %swap3A_902 = vector.shape_cast %swap3A_901 : vector<1x16xf32> to vector<16xf32>
        %swap3A_903 = vector.shape_cast %add3A_894 : vector<16xf32> to vector<1x16xf32>
        tpu.vector_store %swap3A_898[%swap3A_899, %swap3A_900], %swap3A_903 {strides = array<i32>} : memref<200x128xf32, #tpu.memory_space<vmem>>, vector<1x16xf32>,
        %add3A_904 = arith.constant 3 : i32
        %add3A_905 = arith.addi %mul3A_371, %add3A_904 : i32
        %get3A_906 = arith.constant 0 : i32
        %get3A_907 = arith.constant 0 : i32
        %get3A_908 = tpu.memref_slice %arg8[%scan3A_332, %get3A_906, %get3A_907] : memref<3x200x128xf32, #tpu.memory_space<vmem>> -> memref<1x200x128xf32, #tpu.memory_space<vmem>>
        %get3A_909 = tpu.memref_squeeze %get3A_908 : memref<1x200x128xf32, #tpu.memory_space<vmem>> -> memref<200x128xf32, #tpu.memory_space<vmem>>
        %get3A_910 = arith.index_cast %add3A_905 : i32 to index
        %get3A_911 = arith.constant 0 : index
        %get3A_912 = tpu.vector_load %get3A_909[%get3A_910, %get3A_911] {strides = array<i32>} : memref<200x128xf32, #tpu.memory_space<vmem>>, vector<1x16xf32>,
        %get3A_913 = vector.shape_cast %get3A_912 : vector<1x16xf32> to vector<16xf32>
        %get3A_914 = arith.index_cast %add3A_905 : i32 to index
        %get3A_915 = arith.constant 0 : index
        %get3A_916 = tpu.vector_load %arg7[%get3A_914, %get3A_915] {strides = array<i32>} : memref<200x128xf32, #tpu.memory_space<vmem>>, vector<1x16xf32>,
        %get3A_917 = vector.shape_cast %get3A_916 : vector<1x16xf32> to vector<16xf32>
        %add3A_918 = arith.addf %get3A_913, %get3A_917 : vector<16xf32>
        %swap3A_919 = arith.constant 0 : i32
        %swap3A_920 = arith.constant 0 : i32
        %swap3A_921 = tpu.memref_slice %arg8[%scan3A_332, %swap3A_919, %swap3A_920] : memref<3x200x128xf32, #tpu.memory_space<vmem>> -> memref<1x200x128xf32, #tpu.memory_space<vmem>>
        %swap3A_922 = tpu.memref_squeeze %swap3A_921 : memref<1x200x128xf32, #tpu.memory_space<vmem>> -> memref<200x128xf32, #tpu.memory_space<vmem>>
        %swap3A_923 = arith.index_cast %add3A_905 : i32 to index
        %swap3A_924 = arith.constant 0 : index
        %swap3A_925 = tpu.vector_load %swap3A_922[%swap3A_923, %swap3A_924] {strides = array<i32>} : memref<200x128xf32, #tpu.memory_space<vmem>>, vector<1x16xf32>,
        %swap3A_926 = vector.shape_cast %swap3A_925 : vector<1x16xf32> to vector<16xf32>
        %swap3A_927 = vector.shape_cast %add3A_918 : vector<16xf32> to vector<1x16xf32>
        tpu.vector_store %swap3A_922[%swap3A_923, %swap3A_924], %swap3A_927 {strides = array<i32>} : memref<200x128xf32, #tpu.memory_space<vmem>>, vector<1x16xf32>,
        %get3A_928 = arith.constant 0 : i32
        %get3A_929 = arith.constant 0 : i32
        %get3A_930 = tpu.memref_slice %arg8[%scan3A_332, %get3A_928, %get3A_929] : memref<3x200x128xf32, #tpu.memory_space<vmem>> -> memref<1x200x128xf32, #tpu.memory_space<vmem>>
        %get3A_931 = tpu.memref_squeeze %get3A_930 : memref<1x200x128xf32, #tpu.memory_space<vmem>> -> memref<200x128xf32, #tpu.memory_space<vmem>>
        %get3A_932 = arith.index_cast %add3A_905 : i32 to index
        %get3A_933 = arith.constant 16 : index
        %get3A_934 = tpu.vector_load %get3A_931[%get3A_932, %get3A_933] {strides = array<i32>} : memref<200x128xf32, #tpu.memory_space<vmem>>, vector<1x16xf32>,
        %get3A_935 = vector.shape_cast %get3A_934 : vector<1x16xf32> to vector<16xf32>
        %get3A_936 = arith.index_cast %add3A_905 : i32 to index
        %get3A_937 = arith.constant 16 : index
        %get3A_938 = tpu.vector_load %arg7[%get3A_936, %get3A_937] {strides = array<i32>} : memref<200x128xf32, #tpu.memory_space<vmem>>, vector<1x16xf32>,
        %get3A_939 = vector.shape_cast %get3A_938 : vector<1x16xf32> to vector<16xf32>
        %add3A_940 = arith.addf %get3A_935, %get3A_939 : vector<16xf32>
        %swap3A_941 = arith.constant 0 : i32
        %swap3A_942 = arith.constant 0 : i32
        %swap3A_943 = tpu.memref_slice %arg8[%scan3A_332, %swap3A_941, %swap3A_942] : memref<3x200x128xf32, #tpu.memory_space<vmem>> -> memref<1x200x128xf32, #tpu.memory_space<vmem>>
        %swap3A_944 = tpu.memref_squeeze %swap3A_943 : memref<1x200x128xf32, #tpu.memory_space<vmem>> -> memref<200x128xf32, #tpu.memory_space<vmem>>
        %swap3A_945 = arith.index_cast %add3A_905 : i32 to index
        %swap3A_946 = arith.constant 16 : index
        %swap3A_947 = tpu.vector_load %swap3A_944[%swap3A_945, %swap3A_946] {strides = array<i32>} : memref<200x128xf32, #tpu.memory_space<vmem>>, vector<1x16xf32>,
        %swap3A_948 = vector.shape_cast %swap3A_947 : vector<1x16xf32> to vector<16xf32>
        %swap3A_949 = vector.shape_cast %add3A_940 : vector<16xf32> to vector<1x16xf32>
        tpu.vector_store %swap3A_944[%swap3A_945, %swap3A_946], %swap3A_949 {strides = array<i32>} : memref<200x128xf32, #tpu.memory_space<vmem>>, vector<1x16xf32>,
        %get3A_950 = arith.constant 0 : i32
        %get3A_951 = arith.constant 0 : i32
        %get3A_952 = tpu.memref_slice %arg8[%scan3A_332, %get3A_950, %get3A_951] : memref<3x200x128xf32, #tpu.memory_space<vmem>> -> memref<1x200x128xf32, #tpu.memory_space<vmem>>
        %get3A_953 = tpu.memref_squeeze %get3A_952 : memref<1x200x128xf32, #tpu.memory_space<vmem>> -> memref<200x128xf32, #tpu.memory_space<vmem>>
        %get3A_954 = arith.index_cast %add3A_905 : i32 to index
        %get3A_955 = arith.constant 32 : index
        %get3A_956 = tpu.vector_load %get3A_953[%get3A_954, %get3A_955] {strides = array<i32>} : memref<200x128xf32, #tpu.memory_space<vmem>>, vector<1x16xf32>,
        %get3A_957 = vector.shape_cast %get3A_956 : vector<1x16xf32> to vector<16xf32>
        %get3A_958 = arith.index_cast %add3A_905 : i32 to index
        %get3A_959 = arith.constant 32 : index
        %get3A_960 = tpu.vector_load %arg7[%get3A_958, %get3A_959] {strides = array<i32>} : memref<200x128xf32, #tpu.memory_space<vmem>>, vector<1x16xf32>,
        %get3A_961 = vector.shape_cast %get3A_960 : vector<1x16xf32> to vector<16xf32>
        %add3A_962 = arith.addf %get3A_957, %get3A_961 : vector<16xf32>
        %swap3A_963 = arith.constant 0 : i32
        %swap3A_964 = arith.constant 0 : i32
        %swap3A_965 = tpu.memref_slice %arg8[%scan3A_332, %swap3A_963, %swap3A_964] : memref<3x200x128xf32, #tpu.memory_space<vmem>> -> memref<1x200x128xf32, #tpu.memory_space<vmem>>
        %swap3A_966 = tpu.memref_squeeze %swap3A_965 : memref<1x200x128xf32, #tpu.memory_space<vmem>> -> memref<200x128xf32, #tpu.memory_space<vmem>>
        %swap3A_967 = arith.index_cast %add3A_905 : i32 to index
        %swap3A_968 = arith.constant 32 : index
        %swap3A_969 = tpu.vector_load %swap3A_966[%swap3A_967, %swap3A_968] {strides = array<i32>} : memref<200x128xf32, #tpu.memory_space<vmem>>, vector<1x16xf32>,
        %swap3A_970 = vector.shape_cast %swap3A_969 : vector<1x16xf32> to vector<16xf32>
        %swap3A_971 = vector.shape_cast %add3A_962 : vector<16xf32> to vector<1x16xf32>
        tpu.vector_store %swap3A_966[%swap3A_967, %swap3A_968], %swap3A_971 {strides = array<i32>} : memref<200x128xf32, #tpu.memory_space<vmem>>, vector<1x16xf32>,
        %get3A_972 = arith.constant 0 : i32
        %get3A_973 = arith.constant 0 : i32
        %get3A_974 = tpu.memref_slice %arg8[%scan3A_332, %get3A_972, %get3A_973] : memref<3x200x128xf32, #tpu.memory_space<vmem>> -> memref<1x200x128xf32, #tpu.memory_space<vmem>>
        %get3A_975 = tpu.memref_squeeze %get3A_974 : memref<1x200x128xf32, #tpu.memory_space<vmem>> -> memref<200x128xf32, #tpu.memory_space<vmem>>
        %get3A_976 = arith.index_cast %add3A_905 : i32 to index
        %get3A_977 = arith.constant 48 : index
        %get3A_978 = tpu.vector_load %get3A_975[%get3A_976, %get3A_977] {strides = array<i32>} : memref<200x128xf32, #tpu.memory_space<vmem>>, vector<1x16xf32>,
        %get3A_979 = vector.shape_cast %get3A_978 : vector<1x16xf32> to vector<16xf32>
        %get3A_980 = arith.index_cast %add3A_905 : i32 to index
        %get3A_981 = arith.constant 48 : index
        %get3A_982 = tpu.vector_load %arg7[%get3A_980, %get3A_981] {strides = array<i32>} : memref<200x128xf32, #tpu.memory_space<vmem>>, vector<1x16xf32>,
        %get3A_983 = vector.shape_cast %get3A_982 : vector<1x16xf32> to vector<16xf32>
        %add3A_984 = arith.addf %get3A_979, %get3A_983 : vector<16xf32>
        %swap3A_985 = arith.constant 0 : i32
        %swap3A_986 = arith.constant 0 : i32
        %swap3A_987 = tpu.memref_slice %arg8[%scan3A_332, %swap3A_985, %swap3A_986] : memref<3x200x128xf32, #tpu.memory_space<vmem>> -> memref<1x200x128xf32, #tpu.memory_space<vmem>>
        %swap3A_988 = tpu.memref_squeeze %swap3A_987 : memref<1x200x128xf32, #tpu.memory_space<vmem>> -> memref<200x128xf32, #tpu.memory_space<vmem>>
        %swap3A_989 = arith.index_cast %add3A_905 : i32 to index
        %swap3A_990 = arith.constant 48 : index
        %swap3A_991 = tpu.vector_load %swap3A_988[%swap3A_989, %swap3A_990] {strides = array<i32>} : memref<200x128xf32, #tpu.memory_space<vmem>>, vector<1x16xf32>,
        %swap3A_992 = vector.shape_cast %swap3A_991 : vector<1x16xf32> to vector<16xf32>
        %swap3A_993 = vector.shape_cast %add3A_984 : vector<16xf32> to vector<1x16xf32>
        tpu.vector_store %swap3A_988[%swap3A_989, %swap3A_990], %swap3A_993 {strides = array<i32>} : memref<200x128xf32, #tpu.memory_space<vmem>>, vector<1x16xf32>,
        %get3A_994 = arith.constant 0 : i32
        %get3A_995 = arith.constant 0 : i32
        %get3A_996 = tpu.memref_slice %arg8[%scan3A_332, %get3A_994, %get3A_995] : memref<3x200x128xf32, #tpu.memory_space<vmem>> -> memref<1x200x128xf32, #tpu.memory_space<vmem>>
        %get3A_997 = tpu.memref_squeeze %get3A_996 : memref<1x200x128xf32, #tpu.memory_space<vmem>> -> memref<200x128xf32, #tpu.memory_space<vmem>>
        %get3A_998 = arith.index_cast %add3A_905 : i32 to index
        %get3A_999 = arith.constant 64 : index
        %get3A_1000 = tpu.vector_load %get3A_997[%get3A_998, %get3A_999] {strides = array<i32>} : memref<200x128xf32, #tpu.memory_space<vmem>>, vector<1x16xf32>,
        %get3A_1001 = vector.shape_cast %get3A_1000 : vector<1x16xf32> to vector<16xf32>
        %get3A_1002 = arith.index_cast %add3A_905 : i32 to index
        %get3A_1003 = arith.constant 64 : index
        %get3A_1004 = tpu.vector_load %arg7[%get3A_1002, %get3A_1003] {strides = array<i32>} : memref<200x128xf32, #tpu.memory_space<vmem>>, vector<1x16xf32>,
        %get3A_1005 = vector.shape_cast %get3A_1004 : vector<1x16xf32> to vector<16xf32>
        %add3A_1006 = arith.addf %get3A_1001, %get3A_1005 : vector<16xf32>
        %swap3A_1007 = arith.constant 0 : i32
        %swap3A_1008 = arith.constant 0 : i32
        %swap3A_1009 = tpu.memref_slice %arg8[%scan3A_332, %swap3A_1007, %swap3A_1008] : memref<3x200x128xf32, #tpu.memory_space<vmem>> -> memref<1x200x128xf32, #tpu.memory_space<vmem>>
        %swap3A_1010 = tpu.memref_squeeze %swap3A_1009 : memref<1x200x128xf32, #tpu.memory_space<vmem>> -> memref<200x128xf32, #tpu.memory_space<vmem>>
        %swap3A_1011 = arith.index_cast %add3A_905 : i32 to index
        %swap3A_1012 = arith.constant 64 : index
        %swap3A_1013 = tpu.vector_load %swap3A_1010[%swap3A_1011, %swap3A_1012] {strides = array<i32>} : memref<200x128xf32, #tpu.memory_space<vmem>>, vector<1x16xf32>,
        %swap3A_1014 = vector.shape_cast %swap3A_1013 : vector<1x16xf32> to vector<16xf32>
        %swap3A_1015 = vector.shape_cast %add3A_1006 : vector<16xf32> to vector<1x16xf32>
        tpu.vector_store %swap3A_1010[%swap3A_1011, %swap3A_1012], %swap3A_1015 {strides = array<i32>} : memref<200x128xf32, #tpu.memory_space<vmem>>, vector<1x16xf32>,
        %get3A_1016 = arith.constant 0 : i32
        %get3A_1017 = arith.constant 0 : i32
        %get3A_1018 = tpu.memref_slice %arg8[%scan3A_332, %get3A_1016, %get3A_1017] : memref<3x200x128xf32, #tpu.memory_space<vmem>> -> memref<1x200x128xf32, #tpu.memory_space<vmem>>
        %get3A_1019 = tpu.memref_squeeze %get3A_1018 : memref<1x200x128xf32, #tpu.memory_space<vmem>> -> memref<200x128xf32, #tpu.memory_space<vmem>>
        %get3A_1020 = arith.index_cast %add3A_905 : i32 to index
        %get3A_1021 = arith.constant 80 : index
        %get3A_1022 = tpu.vector_load %get3A_1019[%get3A_1020, %get3A_1021] {strides = array<i32>} : memref<200x128xf32, #tpu.memory_space<vmem>>, vector<1x16xf32>,
        %get3A_1023 = vector.shape_cast %get3A_1022 : vector<1x16xf32> to vector<16xf32>
        %get3A_1024 = arith.index_cast %add3A_905 : i32 to index
        %get3A_1025 = arith.constant 80 : index
        %get3A_1026 = tpu.vector_load %arg7[%get3A_1024, %get3A_1025] {strides = array<i32>} : memref<200x128xf32, #tpu.memory_space<vmem>>, vector<1x16xf32>,
        %get3A_1027 = vector.shape_cast %get3A_1026 : vector<1x16xf32> to vector<16xf32>
        %add3A_1028 = arith.addf %get3A_1023, %get3A_1027 : vector<16xf32>
        %swap3A_1029 = arith.constant 0 : i32
        %swap3A_1030 = arith.constant 0 : i32
        %swap3A_1031 = tpu.memref_slice %arg8[%scan3A_332, %swap3A_1029, %swap3A_1030] : memref<3x200x128xf32, #tpu.memory_space<vmem>> -> memref<1x200x128xf32, #tpu.memory_space<vmem>>
        %swap3A_1032 = tpu.memref_squeeze %swap3A_1031 : memref<1x200x128xf32, #tpu.memory_space<vmem>> -> memref<200x128xf32, #tpu.memory_space<vmem>>
        %swap3A_1033 = arith.index_cast %add3A_905 : i32 to index
        %swap3A_1034 = arith.constant 80 : index
        %swap3A_1035 = tpu.vector_load %swap3A_1032[%swap3A_1033, %swap3A_1034] {strides = array<i32>} : memref<200x128xf32, #tpu.memory_space<vmem>>, vector<1x16xf32>,
        %swap3A_1036 = vector.shape_cast %swap3A_1035 : vector<1x16xf32> to vector<16xf32>
        %swap3A_1037 = vector.shape_cast %add3A_1028 : vector<16xf32> to vector<1x16xf32>
        tpu.vector_store %swap3A_1032[%swap3A_1033, %swap3A_1034], %swap3A_1037 {strides = array<i32>} : memref<200x128xf32, #tpu.memory_space<vmem>>, vector<1x16xf32>,
        %get3A_1038 = arith.constant 0 : i32
        %get3A_1039 = arith.constant 0 : i32
        %get3A_1040 = tpu.memref_slice %arg8[%scan3A_332, %get3A_1038, %get3A_1039] : memref<3x200x128xf32, #tpu.memory_space<vmem>> -> memref<1x200x128xf32, #tpu.memory_space<vmem>>
        %get3A_1041 = tpu.memref_squeeze %get3A_1040 : memref<1x200x128xf32, #tpu.memory_space<vmem>> -> memref<200x128xf32, #tpu.memory_space<vmem>>
        %get3A_1042 = arith.index_cast %add3A_905 : i32 to index
        %get3A_1043 = arith.constant 96 : index
        %get3A_1044 = tpu.vector_load %get3A_1041[%get3A_1042, %get3A_1043] {strides = array<i32>} : memref<200x128xf32, #tpu.memory_space<vmem>>, vector<1x16xf32>,
        %get3A_1045 = vector.shape_cast %get3A_1044 : vector<1x16xf32> to vector<16xf32>
        %get3A_1046 = arith.index_cast %add3A_905 : i32 to index
        %get3A_1047 = arith.constant 96 : index
        %get3A_1048 = tpu.vector_load %arg7[%get3A_1046, %get3A_1047] {strides = array<i32>} : memref<200x128xf32, #tpu.memory_space<vmem>>, vector<1x16xf32>,
        %get3A_1049 = vector.shape_cast %get3A_1048 : vector<1x16xf32> to vector<16xf32>
        %add3A_1050 = arith.addf %get3A_1045, %get3A_1049 : vector<16xf32>
        %swap3A_1051 = arith.constant 0 : i32
        %swap3A_1052 = arith.constant 0 : i32
        %swap3A_1053 = tpu.memref_slice %arg8[%scan3A_332, %swap3A_1051, %swap3A_1052] : memref<3x200x128xf32, #tpu.memory_space<vmem>> -> memref<1x200x128xf32, #tpu.memory_space<vmem>>
        %swap3A_1054 = tpu.memref_squeeze %swap3A_1053 : memref<1x200x128xf32, #tpu.memory_space<vmem>> -> memref<200x128xf32, #tpu.memory_space<vmem>>
        %swap3A_1055 = arith.index_cast %add3A_905 : i32 to index
        %swap3A_1056 = arith.constant 96 : index
        %swap3A_1057 = tpu.vector_load %swap3A_1054[%swap3A_1055, %swap3A_1056] {strides = array<i32>} : memref<200x128xf32, #tpu.memory_space<vmem>>, vector<1x16xf32>,
        %swap3A_1058 = vector.shape_cast %swap3A_1057 : vector<1x16xf32> to vector<16xf32>
        %swap3A_1059 = vector.shape_cast %add3A_1050 : vector<16xf32> to vector<1x16xf32>
        tpu.vector_store %swap3A_1054[%swap3A_1055, %swap3A_1056], %swap3A_1059 {strides = array<i32>} : memref<200x128xf32, #tpu.memory_space<vmem>>, vector<1x16xf32>,
        %get3A_1060 = arith.constant 0 : i32
        %get3A_1061 = arith.constant 0 : i32
        %get3A_1062 = tpu.memref_slice %arg8[%scan3A_332, %get3A_1060, %get3A_1061] : memref<3x200x128xf32, #tpu.memory_space<vmem>> -> memref<1x200x128xf32, #tpu.memory_space<vmem>>
        %get3A_1063 = tpu.memref_squeeze %get3A_1062 : memref<1x200x128xf32, #tpu.memory_space<vmem>> -> memref<200x128xf32, #tpu.memory_space<vmem>>
        %get3A_1064 = arith.index_cast %add3A_905 : i32 to index
        %get3A_1065 = arith.constant 112 : index
        %get3A_1066 = tpu.vector_load %get3A_1063[%get3A_1064, %get3A_1065] {strides = array<i32>} : memref<200x128xf32, #tpu.memory_space<vmem>>, vector<1x16xf32>,
        %get3A_1067 = vector.shape_cast %get3A_1066 : vector<1x16xf32> to vector<16xf32>
        %get3A_1068 = arith.index_cast %add3A_905 : i32 to index
        %get3A_1069 = arith.constant 112 : index
        %get3A_1070 = tpu.vector_load %arg7[%get3A_1068, %get3A_1069] {strides = array<i32>} : memref<200x128xf32, #tpu.memory_space<vmem>>, vector<1x16xf32>,
        %get3A_1071 = vector.shape_cast %get3A_1070 : vector<1x16xf32> to vector<16xf32>
        %add3A_1072 = arith.addf %get3A_1067, %get3A_1071 : vector<16xf32>
        %swap3A_1073 = arith.constant 0 : i32
        %swap3A_1074 = arith.constant 0 : i32
        %swap3A_1075 = tpu.memref_slice %arg8[%scan3A_332, %swap3A_1073, %swap3A_1074] : memref<3x200x128xf32, #tpu.memory_space<vmem>> -> memref<1x200x128xf32, #tpu.memory_space<vmem>>
        %swap3A_1076 = tpu.memref_squeeze %swap3A_1075 : memref<1x200x128xf32, #tpu.memory_space<vmem>> -> memref<200x128xf32, #tpu.memory_space<vmem>>
        %swap3A_1077 = arith.index_cast %add3A_905 : i32 to index
        %swap3A_1078 = arith.constant 112 : index
        %swap3A_1079 = tpu.vector_load %swap3A_1076[%swap3A_1077, %swap3A_1078] {strides = array<i32>} : memref<200x128xf32, #tpu.memory_space<vmem>>, vector<1x16xf32>,
        %swap3A_1080 = vector.shape_cast %swap3A_1079 : vector<1x16xf32> to vector<16xf32>
        %swap3A_1081 = vector.shape_cast %add3A_1072 : vector<16xf32> to vector<1x16xf32>
        tpu.vector_store %swap3A_1076[%swap3A_1077, %swap3A_1078], %swap3A_1081 {strides = array<i32>} : memref<200x128xf32, #tpu.memory_space<vmem>>, vector<1x16xf32>,
      }
      %scan3A_337 = arith.constant 50 : i32
      %ge3A_338 = arith.constant 1 : i32
      %ge3A_339 = arith.cmpi sge, %add3A_313, %ge3A_338 : i32
      %convert_element_type3A_340 = arith.extui %ge3A_339 : i1 to i32
      %cond3A_341 = arith.constant 0 : i32
      %cond3A_342 = arith.cmpi ne, %convert_element_type3A_340, %cond3A_341 : i32
      scf.if %cond3A_342 {
        %dma_wait3A_369 = arith.constant 1 : i32
        %dma_wait3A_370 = arith.constant 1 : i32
        %dma_wait3A_371 = arith.constant 0 : i32
        %dma_wait3A_372 = arith.constant 0 : i32
        %dma_wait3A_373 = tpu.memref_slice %arg8[%dma_wait3A_369, %dma_wait3A_371, %dma_wait3A_372] : memref<3x200x128xf32, #tpu.memory_space<vmem>> -> memref<1x200x128xf32, #tpu.memory_space<vmem>>
        %dma_wait3A_374 = tpu.memref_squeeze %dma_wait3A_373 : memref<1x200x128xf32, #tpu.memory_space<vmem>> -> memref<200x128xf32, #tpu.memory_space<vmem>>
        %dma_wait3A_375 = arith.constant 0 : i32
        %dma_wait3A_376 = arith.constant 0 : i32
        %dma_wait3A_377 = tpu.memref_slice %arg5[%dma_wait3A_375, %dma_wait3A_376] : memref<819200x128xf32, #tpu.memory_space<hbm>> -> memref<200x128xf32, #tpu.memory_space<hbm>>
        %dma_wait3A_378 = tpu.memref_slice %arg10[%dma_wait3A_370] : memref<3x!tpu.dma_semaphore, #tpu.memory_space<semaphore_mem>> -> memref<1x!tpu.dma_semaphore, #tpu.memory_space<semaphore_mem>>
        %dma_wait3A_379 = tpu.memref_squeeze %dma_wait3A_378 : memref<1x!tpu.dma_semaphore, #tpu.memory_space<semaphore_mem>> -> memref<!tpu.dma_semaphore, #tpu.memory_space<semaphore_mem>>
        %dma_wait3A_380 = arith.constant 0 : i32
        %dma_wait3A_381 = arith.constant 0 : i32
        %dma_wait3A_382 = tpu.memref_slice %arg5[%dma_wait3A_380, %dma_wait3A_381] : memref<819200x128xf32, #tpu.memory_space<hbm>> -> memref<200x128xf32, #tpu.memory_space<hbm>>
        %dma_wait3A_383 = arith.constant 0 : i32
        %dma_wait3A_384 = arith.constant 0 : i32
        %dma_wait3A_385 = tpu.memref_slice %arg8[%dma_wait3A_369, %dma_wait3A_383, %dma_wait3A_384] : memref<3x200x128xf32, #tpu.memory_space<vmem>> -> memref<1x200x128xf32, #tpu.memory_space<vmem>>
        %dma_wait3A_386 = tpu.memref_squeeze %dma_wait3A_385 : memref<1x200x128xf32, #tpu.memory_space<vmem>> -> memref<200x128xf32, #tpu.memory_space<vmem>>
        tpu.wait_dma2 semaphore(%dma_wait3A_379 : memref<!tpu.dma_semaphore, #tpu.memory_space<semaphore_mem>>) src(%dma_wait3A_386 : memref<200x128xf32, #tpu.memory_space<vmem>>) dst(%dma_wait3A_382 : memref<200x128xf32, #tpu.memory_space<hbm>>)
      } else {
      }
      %add3A_343 = arith.constant 2 : i32
      %add3A_344 = arith.addi %add3A_313, %add3A_343 : i32
      %lt3A_345 = arith.constant 128 : i32
      %lt3A_346 = arith.cmpi slt, %add3A_344, %lt3A_345 : i32
      %convert_element_type3A_347 = arith.extui %lt3A_346 : i1 to i32
      %cond3A_348 = arith.constant 0 : i32
      %cond3A_349 = arith.cmpi ne, %convert_element_type3A_347, %cond3A_348 : i32
      scf.if %cond3A_349 {
        %add3A_369 = arith.constant 2 : i32
        %add3A_370 = arith.addi %add3A_313, %add3A_369 : i32
        %mul3A_371 = arith.constant 200 : i32
        %mul3A_372 = arith.muli %add3A_370, %mul3A_371 : i32
        %dma_start3A_373 = arith.constant 1 : i32
        %dma_start3A_374 = arith.constant 1 : i32
        %dma_start3A_375 = arith.constant 0 : i32
        %dma_start3A_376 = arith.constant 0 : i32
        %dma_start3A_377 = tpu.memref_slice %arg8[%dma_start3A_373, %dma_start3A_375, %dma_start3A_376] : memref<3x200x128xf32, #tpu.memory_space<vmem>> -> memref<1x128x128xf32, #tpu.memory_space<vmem>>
        %dma_start3A_378 = tpu.memref_squeeze %dma_start3A_377 : memref<1x128x128xf32, #tpu.memory_space<vmem>> -> memref<128x128xf32, #tpu.memory_space<vmem>>
        %dma_start3A_379 = tpu.memref_slice %arg6[%mul3A_372] : memref<25600xi32, #tpu.memory_space<vmem>> -> memref<128xi32, #tpu.memory_space<vmem>>
        %dma_start3A_380 = arith.constant 0 : i32
        %dma_start3A_381 = arith.constant 0 : i32
        %dma_start3A_382 = tpu.memref_slice %arg3[%dma_start3A_380, %dma_start3A_381] : memref<100000x128xf32, #tpu.memory_space<hbm>> -> memref<100000x128xf32, #tpu.memory_space<hbm>>
        %dma_start3A_383 = tpu.memref_slice %arg9[%dma_start3A_374] : memref<3x!tpu.dma_semaphore, #tpu.memory_space<semaphore_mem>> -> memref<1x!tpu.dma_semaphore, #tpu.memory_space<semaphore_mem>>
        %dma_start3A_384 = tpu.memref_squeeze %dma_start3A_383 : memref<1x!tpu.dma_semaphore, #tpu.memory_space<semaphore_mem>> -> memref<!tpu.dma_semaphore, #tpu.memory_space<semaphore_mem>>
        tpu.enqueue_indirect_dma source(%dma_start3A_382 : memref<100000x128xf32, #tpu.memory_space<hbm>>) target(%dma_start3A_378 : memref<128x128xf32, #tpu.memory_space<vmem>>) offsets(%dma_start3A_379 : memref<128xi32, #tpu.memory_space<vmem>>) semaphore(%dma_start3A_384 : memref<!tpu.dma_semaphore, #tpu.memory_space<semaphore_mem>>)
        %add3A_385 = arith.constant 128 : i32
        %add3A_386 = arith.addi %mul3A_372, %add3A_385 : i32
        %dma_start3A_387 = arith.constant 1 : i32
        %dma_start3A_388 = arith.constant 1 : i32
        %dma_start3A_389 = arith.constant 128 : i32
        %dma_start3A_390 = arith.constant 0 : i32
        %dma_start3A_391 = tpu.memref_slice %arg8[%dma_start3A_387, %dma_start3A_389, %dma_start3A_390] : memref<3x200x128xf32, #tpu.memory_space<vmem>> -> memref<1x72x128xf32, #tpu.memory_space<vmem>>
        %dma_start3A_392 = tpu.memref_squeeze %dma_start3A_391 : memref<1x72x128xf32, #tpu.memory_space<vmem>> -> memref<72x128xf32, #tpu.memory_space<vmem>>
        %dma_start3A_393 = tpu.memref_slice %arg6[%add3A_386] : memref<25600xi32, #tpu.memory_space<vmem>> -> memref<72xi32, #tpu.memory_space<vmem>>
        %dma_start3A_394 = arith.constant 0 : i32
        %dma_start3A_395 = arith.constant 0 : i32
        %dma_start3A_396 = tpu.memref_slice %arg3[%dma_start3A_394, %dma_start3A_395] : memref<100000x128xf32, #tpu.memory_space<hbm>> -> memref<100000x128xf32, #tpu.memory_space<hbm>>
        %dma_start3A_397 = tpu.memref_slice %arg9[%dma_start3A_388] : memref<3x!tpu.dma_semaphore, #tpu.memory_space<semaphore_mem>> -> memref<1x!tpu.dma_semaphore, #tpu.memory_space<semaphore_mem>>
        %dma_start3A_398 = tpu.memref_squeeze %dma_start3A_397 : memref<1x!tpu.dma_semaphore, #tpu.memory_space<semaphore_mem>> -> memref<!tpu.dma_semaphore, #tpu.memory_space<semaphore_mem>>
        tpu.enqueue_indirect_dma source(%dma_start3A_396 : memref<100000x128xf32, #tpu.memory_space<hbm>>) target(%dma_start3A_392 : memref<72x128xf32, #tpu.memory_space<vmem>>) offsets(%dma_start3A_393 : memref<72xi32, #tpu.memory_space<vmem>>) semaphore(%dma_start3A_398 : memref<!tpu.dma_semaphore, #tpu.memory_space<semaphore_mem>>)
      } else {
      }
      %mul3A_350 = arith.constant 200 : i32
      %mul3A_351 = arith.muli %add3A_313, %mul3A_350 : i32
      %add3A_352 = arith.addi %mul3A_2, %mul3A_351 : i32
      %dma_start3A_353 = arith.constant 2 : i32
      %dma_start3A_354 = arith.constant 2 : i32
      %dma_start3A_355 = arith.constant 0 : i32
      %dma_start3A_356 = arith.constant 0 : i32
      %dma_start3A_357 = tpu.memref_slice %arg8[%dma_start3A_353, %dma_start3A_355, %dma_start3A_356] : memref<3x200x128xf32, #tpu.memory_space<vmem>> -> memref<1x200x128xf32, #tpu.memory_space<vmem>>
      %dma_start3A_358 = tpu.memref_squeeze %dma_start3A_357 : memref<1x200x128xf32, #tpu.memory_space<vmem>> -> memref<200x128xf32, #tpu.memory_space<vmem>>
      %dma_start3A_359 = arith.constant 0 : i32
      %dma_start3A_360 = tpu.memref_slice %arg5[%add3A_352, %dma_start3A_359] : memref<819200x128xf32, #tpu.memory_space<hbm>> -> memref<200x128xf32, #tpu.memory_space<hbm>>
      %dma_start3A_361 = tpu.memref_slice %arg10[%dma_start3A_354] : memref<3x!tpu.dma_semaphore, #tpu.memory_space<semaphore_mem>> -> memref<1x!tpu.dma_semaphore, #tpu.memory_space<semaphore_mem>>
      %dma_start3A_362 = tpu.memref_squeeze %dma_start3A_361 : memref<1x!tpu.dma_semaphore, #tpu.memory_space<semaphore_mem>> -> memref<!tpu.dma_semaphore, #tpu.memory_space<semaphore_mem>>
      %dma_start3A_363 = arith.constant 0 : i32
      %dma_start3A_364 = tpu.memref_slice %arg5[%add3A_352, %dma_start3A_363] : memref<819200x128xf32, #tpu.memory_space<hbm>> -> memref<200x128xf32, #tpu.memory_space<hbm>>
      %dma_start3A_365 = arith.constant 0 : i32
      %dma_start3A_366 = arith.constant 0 : i32
      %dma_start3A_367 = tpu.memref_slice %arg8[%dma_start3A_353, %dma_start3A_365, %dma_start3A_366] : memref<3x200x128xf32, #tpu.memory_space<vmem>> -> memref<1x200x128xf32, #tpu.memory_space<vmem>>
      %dma_start3A_368 = tpu.memref_squeeze %dma_start3A_367 : memref<1x200x128xf32, #tpu.memory_space<vmem>> -> memref<200x128xf32, #tpu.memory_space<vmem>>
      tpu.enqueue_dma source(%dma_start3A_368 : memref<200x128xf32, #tpu.memory_space<vmem>>) target(%dma_start3A_364 : memref<200x128xf32, #tpu.memory_space<hbm>>) target_semaphore(%dma_start3A_362 : memref<!tpu.dma_semaphore, #tpu.memory_space<semaphore_mem>>)
    }
    %scan3A_57 = arith.constant 42 : i32
    %dma_wait3A = arith.constant 0 : i32
    %dma_wait3A_58 = arith.constant 0 : i32
    %dma_wait3A_59 = arith.constant 0 : i32
    %dma_wait3A_60 = arith.constant 0 : i32
    %dma_wait3A_61 = tpu.memref_slice %arg8[%dma_wait3A, %dma_wait3A_59, %dma_wait3A_60] : memref<3x200x128xf32, #tpu.memory_space<vmem>> -> memref<1x200x128xf32, #tpu.memory_space<vmem>>
    %dma_wait3A_62 = tpu.memref_squeeze %dma_wait3A_61 : memref<1x200x128xf32, #tpu.memory_space<vmem>> -> memref<200x128xf32, #tpu.memory_space<vmem>>
    %dma_wait3A_63 = arith.constant 0 : i32
    %dma_wait3A_64 = arith.constant 0 : i32
    %dma_wait3A_65 = tpu.memref_slice %arg3[%dma_wait3A_63, %dma_wait3A_64] : memref<100000x128xf32, #tpu.memory_space<hbm>> -> memref<200x128xf32, #tpu.memory_space<hbm>>
    %dma_wait3A_66 = tpu.memref_slice %arg9[%dma_wait3A_58] : memref<3x!tpu.dma_semaphore, #tpu.memory_space<semaphore_mem>> -> memref<1x!tpu.dma_semaphore, #tpu.memory_space<semaphore_mem>>
    %dma_wait3A_67 = tpu.memref_squeeze %dma_wait3A_66 : memref<1x!tpu.dma_semaphore, #tpu.memory_space<semaphore_mem>> -> memref<!tpu.dma_semaphore, #tpu.memory_space<semaphore_mem>>
    %dma_wait3A_68 = arith.constant 0 : i32
    %dma_wait3A_69 = arith.constant 0 : i32
    %dma_wait3A_70 = tpu.memref_slice %arg8[%dma_wait3A, %dma_wait3A_68, %dma_wait3A_69] : memref<3x200x128xf32, #tpu.memory_space<vmem>> -> memref<1x200x128xf32, #tpu.memory_space<vmem>>
    %dma_wait3A_71 = tpu.memref_squeeze %dma_wait3A_70 : memref<1x200x128xf32, #tpu.memory_space<vmem>> -> memref<200x128xf32, #tpu.memory_space<vmem>>
    %dma_wait3A_72 = arith.constant 0 : i32
    %dma_wait3A_73 = arith.constant 0 : i32
    %dma_wait3A_74 = tpu.memref_slice %arg3[%dma_wait3A_72, %dma_wait3A_73] : memref<100000x128xf32, #tpu.memory_space<hbm>> -> memref<200x128xf32, #tpu.memory_space<hbm>>
    tpu.wait_dma2 semaphore(%dma_wait3A_67 : memref<!tpu.dma_semaphore, #tpu.memory_space<semaphore_mem>>) src(%dma_wait3A_74 : memref<200x128xf32, #tpu.memory_space<hbm>>) dst(%dma_wait3A_71 : memref<200x128xf32, #tpu.memory_space<vmem>>)
    %scan3A_75 = arith.constant 0 : i32
    %scan3A_76 = arith.constant 0 : i32
    %scan3A_77 = arith.constant 50 : i32
    %scan3A_78 = arith.addi %scan3A_76, %scan3A_77 : i32
    %scan3A_79 = arith.constant 1 : i32
    scf.for %scan3A_195 = %scan3A_76 to %scan3A_78 step %scan3A_79  : i32 {
      %mul3A_196 = arith.constant 4 : i32
      %mul3A_197 = arith.muli %scan3A_195, %mul3A_196 : i32
      %add3A_198 = arith.constant 0 : i32
      %add3A_199 = arith.addi %mul3A_197, %add3A_198 : i32
      %get3A = arith.constant 0 : i32
      %get3A_200 = arith.constant 0 : i32
      %get3A_201 = tpu.memref_slice %arg8[%scan3A_75, %get3A, %get3A_200] : memref<3x200x128xf32, #tpu.memory_space<vmem>> -> memref<1x200x128xf32, #tpu.memory_space<vmem>>
      %get3A_202 = tpu.memref_squeeze %get3A_201 : memref<1x200x128xf32, #tpu.memory_space<vmem>> -> memref<200x128xf32, #tpu.memory_space<vmem>>
      %get3A_203 = arith.index_cast %add3A_199 : i32 to index
      %get3A_204 = arith.constant 0 : index
      %get3A_205 = tpu.vector_load %get3A_202[%get3A_203, %get3A_204] {strides = array<i32>} : memref<200x128xf32, #tpu.memory_space<vmem>>, vector<1x16xf32>,
      %get3A_206 = vector.shape_cast %get3A_205 : vector<1x16xf32> to vector<16xf32>
      %get3A_207 = arith.index_cast %add3A_199 : i32 to index
      %get3A_208 = arith.constant 0 : index
      %get3A_209 = tpu.vector_load %arg7[%get3A_207, %get3A_208] {strides = array<i32>} : memref<200x128xf32, #tpu.memory_space<vmem>>, vector<1x16xf32>,
      %get3A_210 = vector.shape_cast %get3A_209 : vector<1x16xf32> to vector<16xf32>
      %add3A_211 = arith.addf %get3A_206, %get3A_210 : vector<16xf32>
      %swap3A = arith.constant 0 : i32
      %swap3A_212 = arith.constant 0 : i32
      %swap3A_213 = tpu.memref_slice %arg8[%scan3A_75, %swap3A, %swap3A_212] : memref<3x200x128xf32, #tpu.memory_space<vmem>> -> memref<1x200x128xf32, #tpu.memory_space<vmem>>
      %swap3A_214 = tpu.memref_squeeze %swap3A_213 : memref<1x200x128xf32, #tpu.memory_space<vmem>> -> memref<200x128xf32, #tpu.memory_space<vmem>>
      %swap3A_215 = arith.index_cast %add3A_199 : i32 to index
      %swap3A_216 = arith.constant 0 : index
      %swap3A_217 = tpu.vector_load %swap3A_214[%swap3A_215, %swap3A_216] {strides = array<i32>} : memref<200x128xf32, #tpu.memory_space<vmem>>, vector<1x16xf32>,
      %swap3A_218 = vector.shape_cast %swap3A_217 : vector<1x16xf32> to vector<16xf32>
      %swap3A_219 = vector.shape_cast %add3A_211 : vector<16xf32> to vector<1x16xf32>
      tpu.vector_store %swap3A_214[%swap3A_215, %swap3A_216], %swap3A_219 {strides = array<i32>} : memref<200x128xf32, #tpu.memory_space<vmem>>, vector<1x16xf32>,
      %get3A_220 = arith.constant 0 : i32
      %get3A_221 = arith.constant 0 : i32
      %get3A_222 = tpu.memref_slice %arg8[%scan3A_75, %get3A_220, %get3A_221] : memref<3x200x128xf32, #tpu.memory_space<vmem>> -> memref<1x200x128xf32, #tpu.memory_space<vmem>>
      %get3A_223 = tpu.memref_squeeze %get3A_222 : memref<1x200x128xf32, #tpu.memory_space<vmem>> -> memref<200x128xf32, #tpu.memory_space<vmem>>
      %get3A_224 = arith.index_cast %add3A_199 : i32 to index
      %get3A_225 = arith.constant 16 : index
      %get3A_226 = tpu.vector_load %get3A_223[%get3A_224, %get3A_225] {strides = array<i32>} : memref<200x128xf32, #tpu.memory_space<vmem>>, vector<1x16xf32>,
      %get3A_227 = vector.shape_cast %get3A_226 : vector<1x16xf32> to vector<16xf32>
      %get3A_228 = arith.index_cast %add3A_199 : i32 to index
      %get3A_229 = arith.constant 16 : index
      %get3A_230 = tpu.vector_load %arg7[%get3A_228, %get3A_229] {strides = array<i32>} : memref<200x128xf32, #tpu.memory_space<vmem>>, vector<1x16xf32>,
      %get3A_231 = vector.shape_cast %get3A_230 : vector<1x16xf32> to vector<16xf32>
      %add3A_232 = arith.addf %get3A_227, %get3A_231 : vector<16xf32>
      %swap3A_233 = arith.constant 0 : i32
      %swap3A_234 = arith.constant 0 : i32
      %swap3A_235 = tpu.memref_slice %arg8[%scan3A_75, %swap3A_233, %swap3A_234] : memref<3x200x128xf32, #tpu.memory_space<vmem>> -> memref<1x200x128xf32, #tpu.memory_space<vmem>>
      %swap3A_236 = tpu.memref_squeeze %swap3A_235 : memref<1x200x128xf32, #tpu.memory_space<vmem>> -> memref<200x128xf32, #tpu.memory_space<vmem>>
      %swap3A_237 = arith.index_cast %add3A_199 : i32 to index
      %swap3A_238 = arith.constant 16 : index
      %swap3A_239 = tpu.vector_load %swap3A_236[%swap3A_237, %swap3A_238] {strides = array<i32>} : memref<200x128xf32, #tpu.memory_space<vmem>>, vector<1x16xf32>,
      %swap3A_240 = vector.shape_cast %swap3A_239 : vector<1x16xf32> to vector<16xf32>
      %swap3A_241 = vector.shape_cast %add3A_232 : vector<16xf32> to vector<1x16xf32>
      tpu.vector_store %swap3A_236[%swap3A_237, %swap3A_238], %swap3A_241 {strides = array<i32>} : memref<200x128xf32, #tpu.memory_space<vmem>>, vector<1x16xf32>,
      %get3A_242 = arith.constant 0 : i32
      %get3A_243 = arith.constant 0 : i32
      %get3A_244 = tpu.memref_slice %arg8[%scan3A_75, %get3A_242, %get3A_243] : memref<3x200x128xf32, #tpu.memory_space<vmem>> -> memref<1x200x128xf32, #tpu.memory_space<vmem>>
      %get3A_245 = tpu.memref_squeeze %get3A_244 : memref<1x200x128xf32, #tpu.memory_space<vmem>> -> memref<200x128xf32, #tpu.memory_space<vmem>>
      %get3A_246 = arith.index_cast %add3A_199 : i32 to index
      %get3A_247 = arith.constant 32 : index
      %get3A_248 = tpu.vector_load %get3A_245[%get3A_246, %get3A_247] {strides = array<i32>} : memref<200x128xf32, #tpu.memory_space<vmem>>, vector<1x16xf32>,
      %get3A_249 = vector.shape_cast %get3A_248 : vector<1x16xf32> to vector<16xf32>
      %get3A_250 = arith.index_cast %add3A_199 : i32 to index
      %get3A_251 = arith.constant 32 : index
      %get3A_252 = tpu.vector_load %arg7[%get3A_250, %get3A_251] {strides = array<i32>} : memref<200x128xf32, #tpu.memory_space<vmem>>, vector<1x16xf32>,
      %get3A_253 = vector.shape_cast %get3A_252 : vector<1x16xf32> to vector<16xf32>
      %add3A_254 = arith.addf %get3A_249, %get3A_253 : vector<16xf32>
      %swap3A_255 = arith.constant 0 : i32
      %swap3A_256 = arith.constant 0 : i32
      %swap3A_257 = tpu.memref_slice %arg8[%scan3A_75, %swap3A_255, %swap3A_256] : memref<3x200x128xf32, #tpu.memory_space<vmem>> -> memref<1x200x128xf32, #tpu.memory_space<vmem>>
      %swap3A_258 = tpu.memref_squeeze %swap3A_257 : memref<1x200x128xf32, #tpu.memory_space<vmem>> -> memref<200x128xf32, #tpu.memory_space<vmem>>
      %swap3A_259 = arith.index_cast %add3A_199 : i32 to index
      %swap3A_260 = arith.constant 32 : index
      %swap3A_261 = tpu.vector_load %swap3A_258[%swap3A_259, %swap3A_260] {strides = array<i32>} : memref<200x128xf32, #tpu.memory_space<vmem>>, vector<1x16xf32>,
      %swap3A_262 = vector.shape_cast %swap3A_261 : vector<1x16xf32> to vector<16xf32>
      %swap3A_263 = vector.shape_cast %add3A_254 : vector<16xf32> to vector<1x16xf32>
      tpu.vector_store %swap3A_258[%swap3A_259, %swap3A_260], %swap3A_263 {strides = array<i32>} : memref<200x128xf32, #tpu.memory_space<vmem>>, vector<1x16xf32>,
      %get3A_264 = arith.constant 0 : i32
      %get3A_265 = arith.constant 0 : i32
      %get3A_266 = tpu.memref_slice %arg8[%scan3A_75, %get3A_264, %get3A_265] : memref<3x200x128xf32, #tpu.memory_space<vmem>> -> memref<1x200x128xf32, #tpu.memory_space<vmem>>
      %get3A_267 = tpu.memref_squeeze %get3A_266 : memref<1x200x128xf32, #tpu.memory_space<vmem>> -> memref<200x128xf32, #tpu.memory_space<vmem>>
      %get3A_268 = arith.index_cast %add3A_199 : i32 to index
      %get3A_269 = arith.constant 48 : index
      %get3A_270 = tpu.vector_load %get3A_267[%get3A_268, %get3A_269] {strides = array<i32>} : memref<200x128xf32, #tpu.memory_space<vmem>>, vector<1x16xf32>,
      %get3A_271 = vector.shape_cast %get3A_270 : vector<1x16xf32> to vector<16xf32>
      %get3A_272 = arith.index_cast %add3A_199 : i32 to index
      %get3A_273 = arith.constant 48 : index
      %get3A_274 = tpu.vector_load %arg7[%get3A_272, %get3A_273] {strides = array<i32>} : memref<200x128xf32, #tpu.memory_space<vmem>>, vector<1x16xf32>,
      %get3A_275 = vector.shape_cast %get3A_274 : vector<1x16xf32> to vector<16xf32>
      %add3A_276 = arith.addf %get3A_271, %get3A_275 : vector<16xf32>
      %swap3A_277 = arith.constant 0 : i32
      %swap3A_278 = arith.constant 0 : i32
      %swap3A_279 = tpu.memref_slice %arg8[%scan3A_75, %swap3A_277, %swap3A_278] : memref<3x200x128xf32, #tpu.memory_space<vmem>> -> memref<1x200x128xf32, #tpu.memory_space<vmem>>
      %swap3A_280 = tpu.memref_squeeze %swap3A_279 : memref<1x200x128xf32, #tpu.memory_space<vmem>> -> memref<200x128xf32, #tpu.memory_space<vmem>>
      %swap3A_281 = arith.index_cast %add3A_199 : i32 to index
      %swap3A_282 = arith.constant 48 : index
      %swap3A_283 = tpu.vector_load %swap3A_280[%swap3A_281, %swap3A_282] {strides = array<i32>} : memref<200x128xf32, #tpu.memory_space<vmem>>, vector<1x16xf32>,
      %swap3A_284 = vector.shape_cast %swap3A_283 : vector<1x16xf32> to vector<16xf32>
      %swap3A_285 = vector.shape_cast %add3A_276 : vector<16xf32> to vector<1x16xf32>
      tpu.vector_store %swap3A_280[%swap3A_281, %swap3A_282], %swap3A_285 {strides = array<i32>} : memref<200x128xf32, #tpu.memory_space<vmem>>, vector<1x16xf32>,
      %get3A_286 = arith.constant 0 : i32
      %get3A_287 = arith.constant 0 : i32
      %get3A_288 = tpu.memref_slice %arg8[%scan3A_75, %get3A_286, %get3A_287] : memref<3x200x128xf32, #tpu.memory_space<vmem>> -> memref<1x200x128xf32, #tpu.memory_space<vmem>>
      %get3A_289 = tpu.memref_squeeze %get3A_288 : memref<1x200x128xf32, #tpu.memory_space<vmem>> -> memref<200x128xf32, #tpu.memory_space<vmem>>
      %get3A_290 = arith.index_cast %add3A_199 : i32 to index
      %get3A_291 = arith.constant 64 : index
      %get3A_292 = tpu.vector_load %get3A_289[%get3A_290, %get3A_291] {strides = array<i32>} : memref<200x128xf32, #tpu.memory_space<vmem>>, vector<1x16xf32>,
      %get3A_293 = vector.shape_cast %get3A_292 : vector<1x16xf32> to vector<16xf32>
      %get3A_294 = arith.index_cast %add3A_199 : i32 to index
      %get3A_295 = arith.constant 64 : index
      %get3A_296 = tpu.vector_load %arg7[%get3A_294, %get3A_295] {strides = array<i32>} : memref<200x128xf32, #tpu.memory_space<vmem>>, vector<1x16xf32>,
      %get3A_297 = vector.shape_cast %get3A_296 : vector<1x16xf32> to vector<16xf32>
      %add3A_298 = arith.addf %get3A_293, %get3A_297 : vector<16xf32>
      %swap3A_299 = arith.constant 0 : i32
      %swap3A_300 = arith.constant 0 : i32
      %swap3A_301 = tpu.memref_slice %arg8[%scan3A_75, %swap3A_299, %swap3A_300] : memref<3x200x128xf32, #tpu.memory_space<vmem>> -> memref<1x200x128xf32, #tpu.memory_space<vmem>>
      %swap3A_302 = tpu.memref_squeeze %swap3A_301 : memref<1x200x128xf32, #tpu.memory_space<vmem>> -> memref<200x128xf32, #tpu.memory_space<vmem>>
      %swap3A_303 = arith.index_cast %add3A_199 : i32 to index
      %swap3A_304 = arith.constant 64 : index
      %swap3A_305 = tpu.vector_load %swap3A_302[%swap3A_303, %swap3A_304] {strides = array<i32>} : memref<200x128xf32, #tpu.memory_space<vmem>>, vector<1x16xf32>,
      %swap3A_306 = vector.shape_cast %swap3A_305 : vector<1x16xf32> to vector<16xf32>
      %swap3A_307 = vector.shape_cast %add3A_298 : vector<16xf32> to vector<1x16xf32>
      tpu.vector_store %swap3A_302[%swap3A_303, %swap3A_304], %swap3A_307 {strides = array<i32>} : memref<200x128xf32, #tpu.memory_space<vmem>>, vector<1x16xf32>,
      %get3A_308 = arith.constant 0 : i32
      %get3A_309 = arith.constant 0 : i32
      %get3A_310 = tpu.memref_slice %arg8[%scan3A_75, %get3A_308, %get3A_309] : memref<3x200x128xf32, #tpu.memory_space<vmem>> -> memref<1x200x128xf32, #tpu.memory_space<vmem>>
      %get3A_311 = tpu.memref_squeeze %get3A_310 : memref<1x200x128xf32, #tpu.memory_space<vmem>> -> memref<200x128xf32, #tpu.memory_space<vmem>>
      %get3A_312 = arith.index_cast %add3A_199 : i32 to index
      %get3A_313 = arith.constant 80 : index
      %get3A_314 = tpu.vector_load %get3A_311[%get3A_312, %get3A_313] {strides = array<i32>} : memref<200x128xf32, #tpu.memory_space<vmem>>, vector<1x16xf32>,
      %get3A_315 = vector.shape_cast %get3A_314 : vector<1x16xf32> to vector<16xf32>
      %get3A_316 = arith.index_cast %add3A_199 : i32 to index
      %get3A_317 = arith.constant 80 : index
      %get3A_318 = tpu.vector_load %arg7[%get3A_316, %get3A_317] {strides = array<i32>} : memref<200x128xf32, #tpu.memory_space<vmem>>, vector<1x16xf32>,
      %get3A_319 = vector.shape_cast %get3A_318 : vector<1x16xf32> to vector<16xf32>
      %add3A_320 = arith.addf %get3A_315, %get3A_319 : vector<16xf32>
      %swap3A_321 = arith.constant 0 : i32
      %swap3A_322 = arith.constant 0 : i32
      %swap3A_323 = tpu.memref_slice %arg8[%scan3A_75, %swap3A_321, %swap3A_322] : memref<3x200x128xf32, #tpu.memory_space<vmem>> -> memref<1x200x128xf32, #tpu.memory_space<vmem>>
      %swap3A_324 = tpu.memref_squeeze %swap3A_323 : memref<1x200x128xf32, #tpu.memory_space<vmem>> -> memref<200x128xf32, #tpu.memory_space<vmem>>
      %swap3A_325 = arith.index_cast %add3A_199 : i32 to index
      %swap3A_326 = arith.constant 80 : index
      %swap3A_327 = tpu.vector_load %swap3A_324[%swap3A_325, %swap3A_326] {strides = array<i32>} : memref<200x128xf32, #tpu.memory_space<vmem>>, vector<1x16xf32>,
      %swap3A_328 = vector.shape_cast %swap3A_327 : vector<1x16xf32> to vector<16xf32>
      %swap3A_329 = vector.shape_cast %add3A_320 : vector<16xf32> to vector<1x16xf32>
      tpu.vector_store %swap3A_324[%swap3A_325, %swap3A_326], %swap3A_329 {strides = array<i32>} : memref<200x128xf32, #tpu.memory_space<vmem>>, vector<1x16xf32>,
      %get3A_330 = arith.constant 0 : i32
      %get3A_331 = arith.constant 0 : i32
      %get3A_332 = tpu.memref_slice %arg8[%scan3A_75, %get3A_330, %get3A_331] : memref<3x200x128xf32, #tpu.memory_space<vmem>> -> memref<1x200x128xf32, #tpu.memory_space<vmem>>
      %get3A_333 = tpu.memref_squeeze %get3A_332 : memref<1x200x128xf32, #tpu.memory_space<vmem>> -> memref<200x128xf32, #tpu.memory_space<vmem>>
      %get3A_334 = arith.index_cast %add3A_199 : i32 to index
      %get3A_335 = arith.constant 96 : index
      %get3A_336 = tpu.vector_load %get3A_333[%get3A_334, %get3A_335] {strides = array<i32>} : memref<200x128xf32, #tpu.memory_space<vmem>>, vector<1x16xf32>,
      %get3A_337 = vector.shape_cast %get3A_336 : vector<1x16xf32> to vector<16xf32>
      %get3A_338 = arith.index_cast %add3A_199 : i32 to index
      %get3A_339 = arith.constant 96 : index
      %get3A_340 = tpu.vector_load %arg7[%get3A_338, %get3A_339] {strides = array<i32>} : memref<200x128xf32, #tpu.memory_space<vmem>>, vector<1x16xf32>,
      %get3A_341 = vector.shape_cast %get3A_340 : vector<1x16xf32> to vector<16xf32>
      %add3A_342 = arith.addf %get3A_337, %get3A_341 : vector<16xf32>
      %swap3A_343 = arith.constant 0 : i32
      %swap3A_344 = arith.constant 0 : i32
      %swap3A_345 = tpu.memref_slice %arg8[%scan3A_75, %swap3A_343, %swap3A_344] : memref<3x200x128xf32, #tpu.memory_space<vmem>> -> memref<1x200x128xf32, #tpu.memory_space<vmem>>
      %swap3A_346 = tpu.memref_squeeze %swap3A_345 : memref<1x200x128xf32, #tpu.memory_space<vmem>> -> memref<200x128xf32, #tpu.memory_space<vmem>>
      %swap3A_347 = arith.index_cast %add3A_199 : i32 to index
      %swap3A_348 = arith.constant 96 : index
      %swap3A_349 = tpu.vector_load %swap3A_346[%swap3A_347, %swap3A_348] {strides = array<i32>} : memref<200x128xf32, #tpu.memory_space<vmem>>, vector<1x16xf32>,
      %swap3A_350 = vector.shape_cast %swap3A_349 : vector<1x16xf32> to vector<16xf32>
      %swap3A_351 = vector.shape_cast %add3A_342 : vector<16xf32> to vector<1x16xf32>
      tpu.vector_store %swap3A_346[%swap3A_347, %swap3A_348], %swap3A_351 {strides = array<i32>} : memref<200x128xf32, #tpu.memory_space<vmem>>, vector<1x16xf32>,
      %get3A_352 = arith.constant 0 : i32
      %get3A_353 = arith.constant 0 : i32
      %get3A_354 = tpu.memref_slice %arg8[%scan3A_75, %get3A_352, %get3A_353] : memref<3x200x128xf32, #tpu.memory_space<vmem>> -> memref<1x200x128xf32, #tpu.memory_space<vmem>>
      %get3A_355 = tpu.memref_squeeze %get3A_354 : memref<1x200x128xf32, #tpu.memory_space<vmem>> -> memref<200x128xf32, #tpu.memory_space<vmem>>
      %get3A_356 = arith.index_cast %add3A_199 : i32 to index
      %get3A_357 = arith.constant 112 : index
      %get3A_358 = tpu.vector_load %get3A_355[%get3A_356, %get3A_357] {strides = array<i32>} : memref<200x128xf32, #tpu.memory_space<vmem>>, vector<1x16xf32>,
      %get3A_359 = vector.shape_cast %get3A_358 : vector<1x16xf32> to vector<16xf32>
      %get3A_360 = arith.index_cast %add3A_199 : i32 to index
      %get3A_361 = arith.constant 112 : index
      %get3A_362 = tpu.vector_load %arg7[%get3A_360, %get3A_361] {strides = array<i32>} : memref<200x128xf32, #tpu.memory_space<vmem>>, vector<1x16xf32>,
      %get3A_363 = vector.shape_cast %get3A_362 : vector<1x16xf32> to vector<16xf32>
      %add3A_364 = arith.addf %get3A_359, %get3A_363 : vector<16xf32>
      %swap3A_365 = arith.constant 0 : i32
      %swap3A_366 = arith.constant 0 : i32
      %swap3A_367 = tpu.memref_slice %arg8[%scan3A_75, %swap3A_365, %swap3A_366] : memref<3x200x128xf32, #tpu.memory_space<vmem>> -> memref<1x200x128xf32, #tpu.memory_space<vmem>>
      %swap3A_368 = tpu.memref_squeeze %swap3A_367 : memref<1x200x128xf32, #tpu.memory_space<vmem>> -> memref<200x128xf32, #tpu.memory_space<vmem>>
      %swap3A_369 = arith.index_cast %add3A_199 : i32 to index
      %swap3A_370 = arith.constant 112 : index
      %swap3A_371 = tpu.vector_load %swap3A_368[%swap3A_369, %swap3A_370] {strides = array<i32>} : memref<200x128xf32, #tpu.memory_space<vmem>>, vector<1x16xf32>,
      %swap3A_372 = vector.shape_cast %swap3A_371 : vector<1x16xf32> to vector<16xf32>
      %swap3A_373 = vector.shape_cast %add3A_364 : vector<16xf32> to vector<1x16xf32>
      tpu.vector_store %swap3A_368[%swap3A_369, %swap3A_370], %swap3A_373 {strides = array<i32>} : memref<200x128xf32, #tpu.memory_space<vmem>>, vector<1x16xf32>,
      %add3A_374 = arith.constant 1 : i32
      %add3A_375 = arith.addi %mul3A_197, %add3A_374 : i32
      %get3A_376 = arith.constant 0 : i32
      %get3A_377 = arith.constant 0 : i32
      %get3A_378 = tpu.memref_slice %arg8[%scan3A_75, %get3A_376, %get3A_377] : memref<3x200x128xf32, #tpu.memory_space<vmem>> -> memref<1x200x128xf32, #tpu.memory_space<vmem>>
      %get3A_379 = tpu.memref_squeeze %get3A_378 : memref<1x200x128xf32, #tpu.memory_space<vmem>> -> memref<200x128xf32, #tpu.memory_space<vmem>>
      %get3A_380 = arith.index_cast %add3A_375 : i32 to index
      %get3A_381 = arith.constant 0 : index
      %get3A_382 = tpu.vector_load %get3A_379[%get3A_380, %get3A_381] {strides = array<i32>} : memref<200x128xf32, #tpu.memory_space<vmem>>, vector<1x16xf32>,
      %get3A_383 = vector.shape_cast %get3A_382 : vector<1x16xf32> to vector<16xf32>
      %get3A_384 = arith.index_cast %add3A_375 : i32 to index
      %get3A_385 = arith.constant 0 : index
      %get3A_386 = tpu.vector_load %arg7[%get3A_384, %get3A_385] {strides = array<i32>} : memref<200x128xf32, #tpu.memory_space<vmem>>, vector<1x16xf32>,
      %get3A_387 = vector.shape_cast %get3A_386 : vector<1x16xf32> to vector<16xf32>
      %add3A_388 = arith.addf %get3A_383, %get3A_387 : vector<16xf32>
      %swap3A_389 = arith.constant 0 : i32
      %swap3A_390 = arith.constant 0 : i32
      %swap3A_391 = tpu.memref_slice %arg8[%scan3A_75, %swap3A_389, %swap3A_390] : memref<3x200x128xf32, #tpu.memory_space<vmem>> -> memref<1x200x128xf32, #tpu.memory_space<vmem>>
      %swap3A_392 = tpu.memref_squeeze %swap3A_391 : memref<1x200x128xf32, #tpu.memory_space<vmem>> -> memref<200x128xf32, #tpu.memory_space<vmem>>
      %swap3A_393 = arith.index_cast %add3A_375 : i32 to index
      %swap3A_394 = arith.constant 0 : index
      %swap3A_395 = tpu.vector_load %swap3A_392[%swap3A_393, %swap3A_394] {strides = array<i32>} : memref<200x128xf32, #tpu.memory_space<vmem>>, vector<1x16xf32>,
      %swap3A_396 = vector.shape_cast %swap3A_395 : vector<1x16xf32> to vector<16xf32>
      %swap3A_397 = vector.shape_cast %add3A_388 : vector<16xf32> to vector<1x16xf32>
      tpu.vector_store %swap3A_392[%swap3A_393, %swap3A_394], %swap3A_397 {strides = array<i32>} : memref<200x128xf32, #tpu.memory_space<vmem>>, vector<1x16xf32>,
      %get3A_398 = arith.constant 0 : i32
      %get3A_399 = arith.constant 0 : i32
      %get3A_400 = tpu.memref_slice %arg8[%scan3A_75, %get3A_398, %get3A_399] : memref<3x200x128xf32, #tpu.memory_space<vmem>> -> memref<1x200x128xf32, #tpu.memory_space<vmem>>
      %get3A_401 = tpu.memref_squeeze %get3A_400 : memref<1x200x128xf32, #tpu.memory_space<vmem>> -> memref<200x128xf32, #tpu.memory_space<vmem>>
      %get3A_402 = arith.index_cast %add3A_375 : i32 to index
      %get3A_403 = arith.constant 16 : index
      %get3A_404 = tpu.vector_load %get3A_401[%get3A_402, %get3A_403] {strides = array<i32>} : memref<200x128xf32, #tpu.memory_space<vmem>>, vector<1x16xf32>,
      %get3A_405 = vector.shape_cast %get3A_404 : vector<1x16xf32> to vector<16xf32>
      %get3A_406 = arith.index_cast %add3A_375 : i32 to index
      %get3A_407 = arith.constant 16 : index
      %get3A_408 = tpu.vector_load %arg7[%get3A_406, %get3A_407] {strides = array<i32>} : memref<200x128xf32, #tpu.memory_space<vmem>>, vector<1x16xf32>,
      %get3A_409 = vector.shape_cast %get3A_408 : vector<1x16xf32> to vector<16xf32>
      %add3A_410 = arith.addf %get3A_405, %get3A_409 : vector<16xf32>
      %swap3A_411 = arith.constant 0 : i32
      %swap3A_412 = arith.constant 0 : i32
      %swap3A_413 = tpu.memref_slice %arg8[%scan3A_75, %swap3A_411, %swap3A_412] : memref<3x200x128xf32, #tpu.memory_space<vmem>> -> memref<1x200x128xf32, #tpu.memory_space<vmem>>
      %swap3A_414 = tpu.memref_squeeze %swap3A_413 : memref<1x200x128xf32, #tpu.memory_space<vmem>> -> memref<200x128xf32, #tpu.memory_space<vmem>>
      %swap3A_415 = arith.index_cast %add3A_375 : i32 to index
      %swap3A_416 = arith.constant 16 : index
      %swap3A_417 = tpu.vector_load %swap3A_414[%swap3A_415, %swap3A_416] {strides = array<i32>} : memref<200x128xf32, #tpu.memory_space<vmem>>, vector<1x16xf32>,
      %swap3A_418 = vector.shape_cast %swap3A_417 : vector<1x16xf32> to vector<16xf32>
      %swap3A_419 = vector.shape_cast %add3A_410 : vector<16xf32> to vector<1x16xf32>
      tpu.vector_store %swap3A_414[%swap3A_415, %swap3A_416], %swap3A_419 {strides = array<i32>} : memref<200x128xf32, #tpu.memory_space<vmem>>, vector<1x16xf32>,
      %get3A_420 = arith.constant 0 : i32
      %get3A_421 = arith.constant 0 : i32
      %get3A_422 = tpu.memref_slice %arg8[%scan3A_75, %get3A_420, %get3A_421] : memref<3x200x128xf32, #tpu.memory_space<vmem>> -> memref<1x200x128xf32, #tpu.memory_space<vmem>>
      %get3A_423 = tpu.memref_squeeze %get3A_422 : memref<1x200x128xf32, #tpu.memory_space<vmem>> -> memref<200x128xf32, #tpu.memory_space<vmem>>
      %get3A_424 = arith.index_cast %add3A_375 : i32 to index
      %get3A_425 = arith.constant 32 : index
      %get3A_426 = tpu.vector_load %get3A_423[%get3A_424, %get3A_425] {strides = array<i32>} : memref<200x128xf32, #tpu.memory_space<vmem>>, vector<1x16xf32>,
      %get3A_427 = vector.shape_cast %get3A_426 : vector<1x16xf32> to vector<16xf32>
      %get3A_428 = arith.index_cast %add3A_375 : i32 to index
      %get3A_429 = arith.constant 32 : index
      %get3A_430 = tpu.vector_load %arg7[%get3A_428, %get3A_429] {strides = array<i32>} : memref<200x128xf32, #tpu.memory_space<vmem>>, vector<1x16xf32>,
      %get3A_431 = vector.shape_cast %get3A_430 : vector<1x16xf32> to vector<16xf32>
      %add3A_432 = arith.addf %get3A_427, %get3A_431 : vector<16xf32>
      %swap3A_433 = arith.constant 0 : i32
      %swap3A_434 = arith.constant 0 : i32
      %swap3A_435 = tpu.memref_slice %arg8[%scan3A_75, %swap3A_433, %swap3A_434] : memref<3x200x128xf32, #tpu.memory_space<vmem>> -> memref<1x200x128xf32, #tpu.memory_space<vmem>>
      %swap3A_436 = tpu.memref_squeeze %swap3A_435 : memref<1x200x128xf32, #tpu.memory_space<vmem>> -> memref<200x128xf32, #tpu.memory_space<vmem>>
      %swap3A_437 = arith.index_cast %add3A_375 : i32 to index
      %swap3A_438 = arith.constant 32 : index
      %swap3A_439 = tpu.vector_load %swap3A_436[%swap3A_437, %swap3A_438] {strides = array<i32>} : memref<200x128xf32, #tpu.memory_space<vmem>>, vector<1x16xf32>,
      %swap3A_440 = vector.shape_cast %swap3A_439 : vector<1x16xf32> to vector<16xf32>
      %swap3A_441 = vector.shape_cast %add3A_432 : vector<16xf32> to vector<1x16xf32>
      tpu.vector_store %swap3A_436[%swap3A_437, %swap3A_438], %swap3A_441 {strides = array<i32>} : memref<200x128xf32, #tpu.memory_space<vmem>>, vector<1x16xf32>,
      %get3A_442 = arith.constant 0 : i32
      %get3A_443 = arith.constant 0 : i32
      %get3A_444 = tpu.memref_slice %arg8[%scan3A_75, %get3A_442, %get3A_443] : memref<3x200x128xf32, #tpu.memory_space<vmem>> -> memref<1x200x128xf32, #tpu.memory_space<vmem>>
      %get3A_445 = tpu.memref_squeeze %get3A_444 : memref<1x200x128xf32, #tpu.memory_space<vmem>> -> memref<200x128xf32, #tpu.memory_space<vmem>>
      %get3A_446 = arith.index_cast %add3A_375 : i32 to index
      %get3A_447 = arith.constant 48 : index
      %get3A_448 = tpu.vector_load %get3A_445[%get3A_446, %get3A_447] {strides = array<i32>} : memref<200x128xf32, #tpu.memory_space<vmem>>, vector<1x16xf32>,
      %get3A_449 = vector.shape_cast %get3A_448 : vector<1x16xf32> to vector<16xf32>
      %get3A_450 = arith.index_cast %add3A_375 : i32 to index
      %get3A_451 = arith.constant 48 : index
      %get3A_452 = tpu.vector_load %arg7[%get3A_450, %get3A_451] {strides = array<i32>} : memref<200x128xf32, #tpu.memory_space<vmem>>, vector<1x16xf32>,
      %get3A_453 = vector.shape_cast %get3A_452 : vector<1x16xf32> to vector<16xf32>
      %add3A_454 = arith.addf %get3A_449, %get3A_453 : vector<16xf32>
      %swap3A_455 = arith.constant 0 : i32
      %swap3A_456 = arith.constant 0 : i32
      %swap3A_457 = tpu.memref_slice %arg8[%scan3A_75, %swap3A_455, %swap3A_456] : memref<3x200x128xf32, #tpu.memory_space<vmem>> -> memref<1x200x128xf32, #tpu.memory_space<vmem>>
      %swap3A_458 = tpu.memref_squeeze %swap3A_457 : memref<1x200x128xf32, #tpu.memory_space<vmem>> -> memref<200x128xf32, #tpu.memory_space<vmem>>
      %swap3A_459 = arith.index_cast %add3A_375 : i32 to index
      %swap3A_460 = arith.constant 48 : index
      %swap3A_461 = tpu.vector_load %swap3A_458[%swap3A_459, %swap3A_460] {strides = array<i32>} : memref<200x128xf32, #tpu.memory_space<vmem>>, vector<1x16xf32>,
      %swap3A_462 = vector.shape_cast %swap3A_461 : vector<1x16xf32> to vector<16xf32>
      %swap3A_463 = vector.shape_cast %add3A_454 : vector<16xf32> to vector<1x16xf32>
      tpu.vector_store %swap3A_458[%swap3A_459, %swap3A_460], %swap3A_463 {strides = array<i32>} : memref<200x128xf32, #tpu.memory_space<vmem>>, vector<1x16xf32>,
      %get3A_464 = arith.constant 0 : i32
      %get3A_465 = arith.constant 0 : i32
      %get3A_466 = tpu.memref_slice %arg8[%scan3A_75, %get3A_464, %get3A_465] : memref<3x200x128xf32, #tpu.memory_space<vmem>> -> memref<1x200x128xf32, #tpu.memory_space<vmem>>
      %get3A_467 = tpu.memref_squeeze %get3A_466 : memref<1x200x128xf32, #tpu.memory_space<vmem>> -> memref<200x128xf32, #tpu.memory_space<vmem>>
      %get3A_468 = arith.index_cast %add3A_375 : i32 to index
      %get3A_469 = arith.constant 64 : index
      %get3A_470 = tpu.vector_load %get3A_467[%get3A_468, %get3A_469] {strides = array<i32>} : memref<200x128xf32, #tpu.memory_space<vmem>>, vector<1x16xf32>,
      %get3A_471 = vector.shape_cast %get3A_470 : vector<1x16xf32> to vector<16xf32>
      %get3A_472 = arith.index_cast %add3A_375 : i32 to index
      %get3A_473 = arith.constant 64 : index
      %get3A_474 = tpu.vector_load %arg7[%get3A_472, %get3A_473] {strides = array<i32>} : memref<200x128xf32, #tpu.memory_space<vmem>>, vector<1x16xf32>,
      %get3A_475 = vector.shape_cast %get3A_474 : vector<1x16xf32> to vector<16xf32>
      %add3A_476 = arith.addf %get3A_471, %get3A_475 : vector<16xf32>
      %swap3A_477 = arith.constant 0 : i32
      %swap3A_478 = arith.constant 0 : i32
      %swap3A_479 = tpu.memref_slice %arg8[%scan3A_75, %swap3A_477, %swap3A_478] : memref<3x200x128xf32, #tpu.memory_space<vmem>> -> memref<1x200x128xf32, #tpu.memory_space<vmem>>
      %swap3A_480 = tpu.memref_squeeze %swap3A_479 : memref<1x200x128xf32, #tpu.memory_space<vmem>> -> memref<200x128xf32, #tpu.memory_space<vmem>>
      %swap3A_481 = arith.index_cast %add3A_375 : i32 to index
      %swap3A_482 = arith.constant 64 : index
      %swap3A_483 = tpu.vector_load %swap3A_480[%swap3A_481, %swap3A_482] {strides = array<i32>} : memref<200x128xf32, #tpu.memory_space<vmem>>, vector<1x16xf32>,
      %swap3A_484 = vector.shape_cast %swap3A_483 : vector<1x16xf32> to vector<16xf32>
      %swap3A_485 = vector.shape_cast %add3A_476 : vector<16xf32> to vector<1x16xf32>
      tpu.vector_store %swap3A_480[%swap3A_481, %swap3A_482], %swap3A_485 {strides = array<i32>} : memref<200x128xf32, #tpu.memory_space<vmem>>, vector<1x16xf32>,
      %get3A_486 = arith.constant 0 : i32
      %get3A_487 = arith.constant 0 : i32
      %get3A_488 = tpu.memref_slice %arg8[%scan3A_75, %get3A_486, %get3A_487] : memref<3x200x128xf32, #tpu.memory_space<vmem>> -> memref<1x200x128xf32, #tpu.memory_space<vmem>>
      %get3A_489 = tpu.memref_squeeze %get3A_488 : memref<1x200x128xf32, #tpu.memory_space<vmem>> -> memref<200x128xf32, #tpu.memory_space<vmem>>
      %get3A_490 = arith.index_cast %add3A_375 : i32 to index
      %get3A_491 = arith.constant 80 : index
      %get3A_492 = tpu.vector_load %get3A_489[%get3A_490, %get3A_491] {strides = array<i32>} : memref<200x128xf32, #tpu.memory_space<vmem>>, vector<1x16xf32>,
      %get3A_493 = vector.shape_cast %get3A_492 : vector<1x16xf32> to vector<16xf32>
      %get3A_494 = arith.index_cast %add3A_375 : i32 to index
      %get3A_495 = arith.constant 80 : index
      %get3A_496 = tpu.vector_load %arg7[%get3A_494, %get3A_495] {strides = array<i32>} : memref<200x128xf32, #tpu.memory_space<vmem>>, vector<1x16xf32>,
      %get3A_497 = vector.shape_cast %get3A_496 : vector<1x16xf32> to vector<16xf32>
      %add3A_498 = arith.addf %get3A_493, %get3A_497 : vector<16xf32>
      %swap3A_499 = arith.constant 0 : i32
      %swap3A_500 = arith.constant 0 : i32
      %swap3A_501 = tpu.memref_slice %arg8[%scan3A_75, %swap3A_499, %swap3A_500] : memref<3x200x128xf32, #tpu.memory_space<vmem>> -> memref<1x200x128xf32, #tpu.memory_space<vmem>>
      %swap3A_502 = tpu.memref_squeeze %swap3A_501 : memref<1x200x128xf32, #tpu.memory_space<vmem>> -> memref<200x128xf32, #tpu.memory_space<vmem>>
      %swap3A_503 = arith.index_cast %add3A_375 : i32 to index
      %swap3A_504 = arith.constant 80 : index
      %swap3A_505 = tpu.vector_load %swap3A_502[%swap3A_503, %swap3A_504] {strides = array<i32>} : memref<200x128xf32, #tpu.memory_space<vmem>>, vector<1x16xf32>,
      %swap3A_506 = vector.shape_cast %swap3A_505 : vector<1x16xf32> to vector<16xf32>
      %swap3A_507 = vector.shape_cast %add3A_498 : vector<16xf32> to vector<1x16xf32>
      tpu.vector_store %swap3A_502[%swap3A_503, %swap3A_504], %swap3A_507 {strides = array<i32>} : memref<200x128xf32, #tpu.memory_space<vmem>>, vector<1x16xf32>,
      %get3A_508 = arith.constant 0 : i32
      %get3A_509 = arith.constant 0 : i32
      %get3A_510 = tpu.memref_slice %arg8[%scan3A_75, %get3A_508, %get3A_509] : memref<3x200x128xf32, #tpu.memory_space<vmem>> -> memref<1x200x128xf32, #tpu.memory_space<vmem>>
      %get3A_511 = tpu.memref_squeeze %get3A_510 : memref<1x200x128xf32, #tpu.memory_space<vmem>> -> memref<200x128xf32, #tpu.memory_space<vmem>>
      %get3A_512 = arith.index_cast %add3A_375 : i32 to index
      %get3A_513 = arith.constant 96 : index
      %get3A_514 = tpu.vector_load %get3A_511[%get3A_512, %get3A_513] {strides = array<i32>} : memref<200x128xf32, #tpu.memory_space<vmem>>, vector<1x16xf32>,
      %get3A_515 = vector.shape_cast %get3A_514 : vector<1x16xf32> to vector<16xf32>
      %get3A_516 = arith.index_cast %add3A_375 : i32 to index
      %get3A_517 = arith.constant 96 : index
      %get3A_518 = tpu.vector_load %arg7[%get3A_516, %get3A_517] {strides = array<i32>} : memref<200x128xf32, #tpu.memory_space<vmem>>, vector<1x16xf32>,
      %get3A_519 = vector.shape_cast %get3A_518 : vector<1x16xf32> to vector<16xf32>
      %add3A_520 = arith.addf %get3A_515, %get3A_519 : vector<16xf32>
      %swap3A_521 = arith.constant 0 : i32
      %swap3A_522 = arith.constant 0 : i32
      %swap3A_523 = tpu.memref_slice %arg8[%scan3A_75, %swap3A_521, %swap3A_522] : memref<3x200x128xf32, #tpu.memory_space<vmem>> -> memref<1x200x128xf32, #tpu.memory_space<vmem>>
      %swap3A_524 = tpu.memref_squeeze %swap3A_523 : memref<1x200x128xf32, #tpu.memory_space<vmem>> -> memref<200x128xf32, #tpu.memory_space<vmem>>
      %swap3A_525 = arith.index_cast %add3A_375 : i32 to index
      %swap3A_526 = arith.constant 96 : index
      %swap3A_527 = tpu.vector_load %swap3A_524[%swap3A_525, %swap3A_526] {strides = array<i32>} : memref<200x128xf32, #tpu.memory_space<vmem>>, vector<1x16xf32>,
      %swap3A_528 = vector.shape_cast %swap3A_527 : vector<1x16xf32> to vector<16xf32>
      %swap3A_529 = vector.shape_cast %add3A_520 : vector<16xf32> to vector<1x16xf32>
      tpu.vector_store %swap3A_524[%swap3A_525, %swap3A_526], %swap3A_529 {strides = array<i32>} : memref<200x128xf32, #tpu.memory_space<vmem>>, vector<1x16xf32>,
      %get3A_530 = arith.constant 0 : i32
      %get3A_531 = arith.constant 0 : i32
      %get3A_532 = tpu.memref_slice %arg8[%scan3A_75, %get3A_530, %get3A_531] : memref<3x200x128xf32, #tpu.memory_space<vmem>> -> memref<1x200x128xf32, #tpu.memory_space<vmem>>
      %get3A_533 = tpu.memref_squeeze %get3A_532 : memref<1x200x128xf32, #tpu.memory_space<vmem>> -> memref<200x128xf32, #tpu.memory_space<vmem>>
      %get3A_534 = arith.index_cast %add3A_375 : i32 to index
      %get3A_535 = arith.constant 112 : index
      %get3A_536 = tpu.vector_load %get3A_533[%get3A_534, %get3A_535] {strides = array<i32>} : memref<200x128xf32, #tpu.memory_space<vmem>>, vector<1x16xf32>,
      %get3A_537 = vector.shape_cast %get3A_536 : vector<1x16xf32> to vector<16xf32>
      %get3A_538 = arith.index_cast %add3A_375 : i32 to index
      %get3A_539 = arith.constant 112 : index
      %get3A_540 = tpu.vector_load %arg7[%get3A_538, %get3A_539] {strides = array<i32>} : memref<200x128xf32, #tpu.memory_space<vmem>>, vector<1x16xf32>,
      %get3A_541 = vector.shape_cast %get3A_540 : vector<1x16xf32> to vector<16xf32>
      %add3A_542 = arith.addf %get3A_537, %get3A_541 : vector<16xf32>
      %swap3A_543 = arith.constant 0 : i32
      %swap3A_544 = arith.constant 0 : i32
      %swap3A_545 = tpu.memref_slice %arg8[%scan3A_75, %swap3A_543, %swap3A_544] : memref<3x200x128xf32, #tpu.memory_space<vmem>> -> memref<1x200x128xf32, #tpu.memory_space<vmem>>
      %swap3A_546 = tpu.memref_squeeze %swap3A_545 : memref<1x200x128xf32, #tpu.memory_space<vmem>> -> memref<200x128xf32, #tpu.memory_space<vmem>>
      %swap3A_547 = arith.index_cast %add3A_375 : i32 to index
      %swap3A_548 = arith.constant 112 : index
      %swap3A_549 = tpu.vector_load %swap3A_546[%swap3A_547, %swap3A_548] {strides = array<i32>} : memref<200x128xf32, #tpu.memory_space<vmem>>, vector<1x16xf32>,
      %swap3A_550 = vector.shape_cast %swap3A_549 : vector<1x16xf32> to vector<16xf32>
      %swap3A_551 = vector.shape_cast %add3A_542 : vector<16xf32> to vector<1x16xf32>
      tpu.vector_store %swap3A_546[%swap3A_547, %swap3A_548], %swap3A_551 {strides = array<i32>} : memref<200x128xf32, #tpu.memory_space<vmem>>, vector<1x16xf32>,
      %add3A_552 = arith.constant 2 : i32
      %add3A_553 = arith.addi %mul3A_197, %add3A_552 : i32
      %get3A_554 = arith.constant 0 : i32
      %get3A_555 = arith.constant 0 : i32
      %get3A_556 = tpu.memref_slice %arg8[%scan3A_75, %get3A_554, %get3A_555] : memref<3x200x128xf32, #tpu.memory_space<vmem>> -> memref<1x200x128xf32, #tpu.memory_space<vmem>>
      %get3A_557 = tpu.memref_squeeze %get3A_556 : memref<1x200x128xf32, #tpu.memory_space<vmem>> -> memref<200x128xf32, #tpu.memory_space<vmem>>
      %get3A_558 = arith.index_cast %add3A_553 : i32 to index
      %get3A_559 = arith.constant 0 : index
      %get3A_560 = tpu.vector_load %get3A_557[%get3A_558, %get3A_559] {strides = array<i32>} : memref<200x128xf32, #tpu.memory_space<vmem>>, vector<1x16xf32>,
      %get3A_561 = vector.shape_cast %get3A_560 : vector<1x16xf32> to vector<16xf32>
      %get3A_562 = arith.index_cast %add3A_553 : i32 to index
      %get3A_563 = arith.constant 0 : index
      %get3A_564 = tpu.vector_load %arg7[%get3A_562, %get3A_563] {strides = array<i32>} : memref<200x128xf32, #tpu.memory_space<vmem>>, vector<1x16xf32>,
      %get3A_565 = vector.shape_cast %get3A_564 : vector<1x16xf32> to vector<16xf32>
      %add3A_566 = arith.addf %get3A_561, %get3A_565 : vector<16xf32>
      %swap3A_567 = arith.constant 0 : i32
      %swap3A_568 = arith.constant 0 : i32
      %swap3A_569 = tpu.memref_slice %arg8[%scan3A_75, %swap3A_567, %swap3A_568] : memref<3x200x128xf32, #tpu.memory_space<vmem>> -> memref<1x200x128xf32, #tpu.memory_space<vmem>>
      %swap3A_570 = tpu.memref_squeeze %swap3A_569 : memref<1x200x128xf32, #tpu.memory_space<vmem>> -> memref<200x128xf32, #tpu.memory_space<vmem>>
      %swap3A_571 = arith.index_cast %add3A_553 : i32 to index
      %swap3A_572 = arith.constant 0 : index
      %swap3A_573 = tpu.vector_load %swap3A_570[%swap3A_571, %swap3A_572] {strides = array<i32>} : memref<200x128xf32, #tpu.memory_space<vmem>>, vector<1x16xf32>,
      %swap3A_574 = vector.shape_cast %swap3A_573 : vector<1x16xf32> to vector<16xf32>
      %swap3A_575 = vector.shape_cast %add3A_566 : vector<16xf32> to vector<1x16xf32>
      tpu.vector_store %swap3A_570[%swap3A_571, %swap3A_572], %swap3A_575 {strides = array<i32>} : memref<200x128xf32, #tpu.memory_space<vmem>>, vector<1x16xf32>,
      %get3A_576 = arith.constant 0 : i32
      %get3A_577 = arith.constant 0 : i32
      %get3A_578 = tpu.memref_slice %arg8[%scan3A_75, %get3A_576, %get3A_577] : memref<3x200x128xf32, #tpu.memory_space<vmem>> -> memref<1x200x128xf32, #tpu.memory_space<vmem>>
      %get3A_579 = tpu.memref_squeeze %get3A_578 : memref<1x200x128xf32, #tpu.memory_space<vmem>> -> memref<200x128xf32, #tpu.memory_space<vmem>>
      %get3A_580 = arith.index_cast %add3A_553 : i32 to index
      %get3A_581 = arith.constant 16 : index
      %get3A_582 = tpu.vector_load %get3A_579[%get3A_580, %get3A_581] {strides = array<i32>} : memref<200x128xf32, #tpu.memory_space<vmem>>, vector<1x16xf32>,
      %get3A_583 = vector.shape_cast %get3A_582 : vector<1x16xf32> to vector<16xf32>
      %get3A_584 = arith.index_cast %add3A_553 : i32 to index
      %get3A_585 = arith.constant 16 : index
      %get3A_586 = tpu.vector_load %arg7[%get3A_584, %get3A_585] {strides = array<i32>} : memref<200x128xf32, #tpu.memory_space<vmem>>, vector<1x16xf32>,
      %get3A_587 = vector.shape_cast %get3A_586 : vector<1x16xf32> to vector<16xf32>
      %add3A_588 = arith.addf %get3A_583, %get3A_587 : vector<16xf32>
      %swap3A_589 = arith.constant 0 : i32
      %swap3A_590 = arith.constant 0 : i32
      %swap3A_591 = tpu.memref_slice %arg8[%scan3A_75, %swap3A_589, %swap3A_590] : memref<3x200x128xf32, #tpu.memory_space<vmem>> -> memref<1x200x128xf32, #tpu.memory_space<vmem>>
      %swap3A_592 = tpu.memref_squeeze %swap3A_591 : memref<1x200x128xf32, #tpu.memory_space<vmem>> -> memref<200x128xf32, #tpu.memory_space<vmem>>
      %swap3A_593 = arith.index_cast %add3A_553 : i32 to index
      %swap3A_594 = arith.constant 16 : index
      %swap3A_595 = tpu.vector_load %swap3A_592[%swap3A_593, %swap3A_594] {strides = array<i32>} : memref<200x128xf32, #tpu.memory_space<vmem>>, vector<1x16xf32>,
      %swap3A_596 = vector.shape_cast %swap3A_595 : vector<1x16xf32> to vector<16xf32>
      %swap3A_597 = vector.shape_cast %add3A_588 : vector<16xf32> to vector<1x16xf32>
      tpu.vector_store %swap3A_592[%swap3A_593, %swap3A_594], %swap3A_597 {strides = array<i32>} : memref<200x128xf32, #tpu.memory_space<vmem>>, vector<1x16xf32>,
      %get3A_598 = arith.constant 0 : i32
      %get3A_599 = arith.constant 0 : i32
      %get3A_600 = tpu.memref_slice %arg8[%scan3A_75, %get3A_598, %get3A_599] : memref<3x200x128xf32, #tpu.memory_space<vmem>> -> memref<1x200x128xf32, #tpu.memory_space<vmem>>
      %get3A_601 = tpu.memref_squeeze %get3A_600 : memref<1x200x128xf32, #tpu.memory_space<vmem>> -> memref<200x128xf32, #tpu.memory_space<vmem>>
      %get3A_602 = arith.index_cast %add3A_553 : i32 to index
      %get3A_603 = arith.constant 32 : index
      %get3A_604 = tpu.vector_load %get3A_601[%get3A_602, %get3A_603] {strides = array<i32>} : memref<200x128xf32, #tpu.memory_space<vmem>>, vector<1x16xf32>,
      %get3A_605 = vector.shape_cast %get3A_604 : vector<1x16xf32> to vector<16xf32>
      %get3A_606 = arith.index_cast %add3A_553 : i32 to index
      %get3A_607 = arith.constant 32 : index
      %get3A_608 = tpu.vector_load %arg7[%get3A_606, %get3A_607] {strides = array<i32>} : memref<200x128xf32, #tpu.memory_space<vmem>>, vector<1x16xf32>,
      %get3A_609 = vector.shape_cast %get3A_608 : vector<1x16xf32> to vector<16xf32>
      %add3A_610 = arith.addf %get3A_605, %get3A_609 : vector<16xf32>
      %swap3A_611 = arith.constant 0 : i32
      %swap3A_612 = arith.constant 0 : i32
      %swap3A_613 = tpu.memref_slice %arg8[%scan3A_75, %swap3A_611, %swap3A_612] : memref<3x200x128xf32, #tpu.memory_space<vmem>> -> memref<1x200x128xf32, #tpu.memory_space<vmem>>
      %swap3A_614 = tpu.memref_squeeze %swap3A_613 : memref<1x200x128xf32, #tpu.memory_space<vmem>> -> memref<200x128xf32, #tpu.memory_space<vmem>>
      %swap3A_615 = arith.index_cast %add3A_553 : i32 to index
      %swap3A_616 = arith.constant 32 : index
      %swap3A_617 = tpu.vector_load %swap3A_614[%swap3A_615, %swap3A_616] {strides = array<i32>} : memref<200x128xf32, #tpu.memory_space<vmem>>, vector<1x16xf32>,
      %swap3A_618 = vector.shape_cast %swap3A_617 : vector<1x16xf32> to vector<16xf32>
      %swap3A_619 = vector.shape_cast %add3A_610 : vector<16xf32> to vector<1x16xf32>
      tpu.vector_store %swap3A_614[%swap3A_615, %swap3A_616], %swap3A_619 {strides = array<i32>} : memref<200x128xf32, #tpu.memory_space<vmem>>, vector<1x16xf32>,
      %get3A_620 = arith.constant 0 : i32
      %get3A_621 = arith.constant 0 : i32
      %get3A_622 = tpu.memref_slice %arg8[%scan3A_75, %get3A_620, %get3A_621] : memref<3x200x128xf32, #tpu.memory_space<vmem>> -> memref<1x200x128xf32, #tpu.memory_space<vmem>>
      %get3A_623 = tpu.memref_squeeze %get3A_622 : memref<1x200x128xf32, #tpu.memory_space<vmem>> -> memref<200x128xf32, #tpu.memory_space<vmem>>
      %get3A_624 = arith.index_cast %add3A_553 : i32 to index
      %get3A_625 = arith.constant 48 : index
      %get3A_626 = tpu.vector_load %get3A_623[%get3A_624, %get3A_625] {strides = array<i32>} : memref<200x128xf32, #tpu.memory_space<vmem>>, vector<1x16xf32>,
      %get3A_627 = vector.shape_cast %get3A_626 : vector<1x16xf32> to vector<16xf32>
      %get3A_628 = arith.index_cast %add3A_553 : i32 to index
      %get3A_629 = arith.constant 48 : index
      %get3A_630 = tpu.vector_load %arg7[%get3A_628, %get3A_629] {strides = array<i32>} : memref<200x128xf32, #tpu.memory_space<vmem>>, vector<1x16xf32>,
      %get3A_631 = vector.shape_cast %get3A_630 : vector<1x16xf32> to vector<16xf32>
      %add3A_632 = arith.addf %get3A_627, %get3A_631 : vector<16xf32>
      %swap3A_633 = arith.constant 0 : i32
      %swap3A_634 = arith.constant 0 : i32
      %swap3A_635 = tpu.memref_slice %arg8[%scan3A_75, %swap3A_633, %swap3A_634] : memref<3x200x128xf32, #tpu.memory_space<vmem>> -> memref<1x200x128xf32, #tpu.memory_space<vmem>>
      %swap3A_636 = tpu.memref_squeeze %swap3A_635 : memref<1x200x128xf32, #tpu.memory_space<vmem>> -> memref<200x128xf32, #tpu.memory_space<vmem>>
      %swap3A_637 = arith.index_cast %add3A_553 : i32 to index
      %swap3A_638 = arith.constant 48 : index
      %swap3A_639 = tpu.vector_load %swap3A_636[%swap3A_637, %swap3A_638] {strides = array<i32>} : memref<200x128xf32, #tpu.memory_space<vmem>>, vector<1x16xf32>,
      %swap3A_640 = vector.shape_cast %swap3A_639 : vector<1x16xf32> to vector<16xf32>
      %swap3A_641 = vector.shape_cast %add3A_632 : vector<16xf32> to vector<1x16xf32>
      tpu.vector_store %swap3A_636[%swap3A_637, %swap3A_638], %swap3A_641 {strides = array<i32>} : memref<200x128xf32, #tpu.memory_space<vmem>>, vector<1x16xf32>,
      %get3A_642 = arith.constant 0 : i32
      %get3A_643 = arith.constant 0 : i32
      %get3A_644 = tpu.memref_slice %arg8[%scan3A_75, %get3A_642, %get3A_643] : memref<3x200x128xf32, #tpu.memory_space<vmem>> -> memref<1x200x128xf32, #tpu.memory_space<vmem>>
      %get3A_645 = tpu.memref_squeeze %get3A_644 : memref<1x200x128xf32, #tpu.memory_space<vmem>> -> memref<200x128xf32, #tpu.memory_space<vmem>>
      %get3A_646 = arith.index_cast %add3A_553 : i32 to index
      %get3A_647 = arith.constant 64 : index
      %get3A_648 = tpu.vector_load %get3A_645[%get3A_646, %get3A_647] {strides = array<i32>} : memref<200x128xf32, #tpu.memory_space<vmem>>, vector<1x16xf32>,
      %get3A_649 = vector.shape_cast %get3A_648 : vector<1x16xf32> to vector<16xf32>
      %get3A_650 = arith.index_cast %add3A_553 : i32 to index
      %get3A_651 = arith.constant 64 : index
      %get3A_652 = tpu.vector_load %arg7[%get3A_650, %get3A_651] {strides = array<i32>} : memref<200x128xf32, #tpu.memory_space<vmem>>, vector<1x16xf32>,
      %get3A_653 = vector.shape_cast %get3A_652 : vector<1x16xf32> to vector<16xf32>
      %add3A_654 = arith.addf %get3A_649, %get3A_653 : vector<16xf32>
      %swap3A_655 = arith.constant 0 : i32
      %swap3A_656 = arith.constant 0 : i32
      %swap3A_657 = tpu.memref_slice %arg8[%scan3A_75, %swap3A_655, %swap3A_656] : memref<3x200x128xf32, #tpu.memory_space<vmem>> -> memref<1x200x128xf32, #tpu.memory_space<vmem>>
      %swap3A_658 = tpu.memref_squeeze %swap3A_657 : memref<1x200x128xf32, #tpu.memory_space<vmem>> -> memref<200x128xf32, #tpu.memory_space<vmem>>
      %swap3A_659 = arith.index_cast %add3A_553 : i32 to index
      %swap3A_660 = arith.constant 64 : index
      %swap3A_661 = tpu.vector_load %swap3A_658[%swap3A_659, %swap3A_660] {strides = array<i32>} : memref<200x128xf32, #tpu.memory_space<vmem>>, vector<1x16xf32>,
      %swap3A_662 = vector.shape_cast %swap3A_661 : vector<1x16xf32> to vector<16xf32>
      %swap3A_663 = vector.shape_cast %add3A_654 : vector<16xf32> to vector<1x16xf32>
      tpu.vector_store %swap3A_658[%swap3A_659, %swap3A_660], %swap3A_663 {strides = array<i32>} : memref<200x128xf32, #tpu.memory_space<vmem>>, vector<1x16xf32>,
      %get3A_664 = arith.constant 0 : i32
      %get3A_665 = arith.constant 0 : i32
      %get3A_666 = tpu.memref_slice %arg8[%scan3A_75, %get3A_664, %get3A_665] : memref<3x200x128xf32, #tpu.memory_space<vmem>> -> memref<1x200x128xf32, #tpu.memory_space<vmem>>
      %get3A_667 = tpu.memref_squeeze %get3A_666 : memref<1x200x128xf32, #tpu.memory_space<vmem>> -> memref<200x128xf32, #tpu.memory_space<vmem>>
      %get3A_668 = arith.index_cast %add3A_553 : i32 to index
      %get3A_669 = arith.constant 80 : index
      %get3A_670 = tpu.vector_load %get3A_667[%get3A_668, %get3A_669] {strides = array<i32>} : memref<200x128xf32, #tpu.memory_space<vmem>>, vector<1x16xf32>,
      %get3A_671 = vector.shape_cast %get3A_670 : vector<1x16xf32> to vector<16xf32>
      %get3A_672 = arith.index_cast %add3A_553 : i32 to index
      %get3A_673 = arith.constant 80 : index
      %get3A_674 = tpu.vector_load %arg7[%get3A_672, %get3A_673] {strides = array<i32>} : memref<200x128xf32, #tpu.memory_space<vmem>>, vector<1x16xf32>,
      %get3A_675 = vector.shape_cast %get3A_674 : vector<1x16xf32> to vector<16xf32>
      %add3A_676 = arith.addf %get3A_671, %get3A_675 : vector<16xf32>
      %swap3A_677 = arith.constant 0 : i32
      %swap3A_678 = arith.constant 0 : i32
      %swap3A_679 = tpu.memref_slice %arg8[%scan3A_75, %swap3A_677, %swap3A_678] : memref<3x200x128xf32, #tpu.memory_space<vmem>> -> memref<1x200x128xf32, #tpu.memory_space<vmem>>
      %swap3A_680 = tpu.memref_squeeze %swap3A_679 : memref<1x200x128xf32, #tpu.memory_space<vmem>> -> memref<200x128xf32, #tpu.memory_space<vmem>>
      %swap3A_681 = arith.index_cast %add3A_553 : i32 to index
      %swap3A_682 = arith.constant 80 : index
      %swap3A_683 = tpu.vector_load %swap3A_680[%swap3A_681, %swap3A_682] {strides = array<i32>} : memref<200x128xf32, #tpu.memory_space<vmem>>, vector<1x16xf32>,
      %swap3A_684 = vector.shape_cast %swap3A_683 : vector<1x16xf32> to vector<16xf32>
      %swap3A_685 = vector.shape_cast %add3A_676 : vector<16xf32> to vector<1x16xf32>
      tpu.vector_store %swap3A_680[%swap3A_681, %swap3A_682], %swap3A_685 {strides = array<i32>} : memref<200x128xf32, #tpu.memory_space<vmem>>, vector<1x16xf32>,
      %get3A_686 = arith.constant 0 : i32
      %get3A_687 = arith.constant 0 : i32
      %get3A_688 = tpu.memref_slice %arg8[%scan3A_75, %get3A_686, %get3A_687] : memref<3x200x128xf32, #tpu.memory_space<vmem>> -> memref<1x200x128xf32, #tpu.memory_space<vmem>>
      %get3A_689 = tpu.memref_squeeze %get3A_688 : memref<1x200x128xf32, #tpu.memory_space<vmem>> -> memref<200x128xf32, #tpu.memory_space<vmem>>
      %get3A_690 = arith.index_cast %add3A_553 : i32 to index
      %get3A_691 = arith.constant 96 : index
      %get3A_692 = tpu.vector_load %get3A_689[%get3A_690, %get3A_691] {strides = array<i32>} : memref<200x128xf32, #tpu.memory_space<vmem>>, vector<1x16xf32>,
      %get3A_693 = vector.shape_cast %get3A_692 : vector<1x16xf32> to vector<16xf32>
      %get3A_694 = arith.index_cast %add3A_553 : i32 to index
      %get3A_695 = arith.constant 96 : index
      %get3A_696 = tpu.vector_load %arg7[%get3A_694, %get3A_695] {strides = array<i32>} : memref<200x128xf32, #tpu.memory_space<vmem>>, vector<1x16xf32>,
      %get3A_697 = vector.shape_cast %get3A_696 : vector<1x16xf32> to vector<16xf32>
      %add3A_698 = arith.addf %get3A_693, %get3A_697 : vector<16xf32>
      %swap3A_699 = arith.constant 0 : i32
      %swap3A_700 = arith.constant 0 : i32
      %swap3A_701 = tpu.memref_slice %arg8[%scan3A_75, %swap3A_699, %swap3A_700] : memref<3x200x128xf32, #tpu.memory_space<vmem>> -> memref<1x200x128xf32, #tpu.memory_space<vmem>>
      %swap3A_702 = tpu.memref_squeeze %swap3A_701 : memref<1x200x128xf32, #tpu.memory_space<vmem>> -> memref<200x128xf32, #tpu.memory_space<vmem>>
      %swap3A_703 = arith.index_cast %add3A_553 : i32 to index
      %swap3A_704 = arith.constant 96 : index
      %swap3A_705 = tpu.vector_load %swap3A_702[%swap3A_703, %swap3A_704] {strides = array<i32>} : memref<200x128xf32, #tpu.memory_space<vmem>>, vector<1x16xf32>,
      %swap3A_706 = vector.shape_cast %swap3A_705 : vector<1x16xf32> to vector<16xf32>
      %swap3A_707 = vector.shape_cast %add3A_698 : vector<16xf32> to vector<1x16xf32>
      tpu.vector_store %swap3A_702[%swap3A_703, %swap3A_704], %swap3A_707 {strides = array<i32>} : memref<200x128xf32, #tpu.memory_space<vmem>>, vector<1x16xf32>,
      %get3A_708 = arith.constant 0 : i32
      %get3A_709 = arith.constant 0 : i32
      %get3A_710 = tpu.memref_slice %arg8[%scan3A_75, %get3A_708, %get3A_709] : memref<3x200x128xf32, #tpu.memory_space<vmem>> -> memref<1x200x128xf32, #tpu.memory_space<vmem>>
      %get3A_711 = tpu.memref_squeeze %get3A_710 : memref<1x200x128xf32, #tpu.memory_space<vmem>> -> memref<200x128xf32, #tpu.memory_space<vmem>>
      %get3A_712 = arith.index_cast %add3A_553 : i32 to index
      %get3A_713 = arith.constant 112 : index
      %get3A_714 = tpu.vector_load %get3A_711[%get3A_712, %get3A_713] {strides = array<i32>} : memref<200x128xf32, #tpu.memory_space<vmem>>, vector<1x16xf32>,
      %get3A_715 = vector.shape_cast %get3A_714 : vector<1x16xf32> to vector<16xf32>
      %get3A_716 = arith.index_cast %add3A_553 : i32 to index
      %get3A_717 = arith.constant 112 : index
      %get3A_718 = tpu.vector_load %arg7[%get3A_716, %get3A_717] {strides = array<i32>} : memref<200x128xf32, #tpu.memory_space<vmem>>, vector<1x16xf32>,
      %get3A_719 = vector.shape_cast %get3A_718 : vector<1x16xf32> to vector<16xf32>
      %add3A_720 = arith.addf %get3A_715, %get3A_719 : vector<16xf32>
      %swap3A_721 = arith.constant 0 : i32
      %swap3A_722 = arith.constant 0 : i32
      %swap3A_723 = tpu.memref_slice %arg8[%scan3A_75, %swap3A_721, %swap3A_722] : memref<3x200x128xf32, #tpu.memory_space<vmem>> -> memref<1x200x128xf32, #tpu.memory_space<vmem>>
      %swap3A_724 = tpu.memref_squeeze %swap3A_723 : memref<1x200x128xf32, #tpu.memory_space<vmem>> -> memref<200x128xf32, #tpu.memory_space<vmem>>
      %swap3A_725 = arith.index_cast %add3A_553 : i32 to index
      %swap3A_726 = arith.constant 112 : index
      %swap3A_727 = tpu.vector_load %swap3A_724[%swap3A_725, %swap3A_726] {strides = array<i32>} : memref<200x128xf32, #tpu.memory_space<vmem>>, vector<1x16xf32>,
      %swap3A_728 = vector.shape_cast %swap3A_727 : vector<1x16xf32> to vector<16xf32>
      %swap3A_729 = vector.shape_cast %add3A_720 : vector<16xf32> to vector<1x16xf32>
      tpu.vector_store %swap3A_724[%swap3A_725, %swap3A_726], %swap3A_729 {strides = array<i32>} : memref<200x128xf32, #tpu.memory_space<vmem>>, vector<1x16xf32>,
      %add3A_730 = arith.constant 3 : i32
      %add3A_731 = arith.addi %mul3A_197, %add3A_730 : i32
      %get3A_732 = arith.constant 0 : i32
      %get3A_733 = arith.constant 0 : i32
      %get3A_734 = tpu.memref_slice %arg8[%scan3A_75, %get3A_732, %get3A_733] : memref<3x200x128xf32, #tpu.memory_space<vmem>> -> memref<1x200x128xf32, #tpu.memory_space<vmem>>
      %get3A_735 = tpu.memref_squeeze %get3A_734 : memref<1x200x128xf32, #tpu.memory_space<vmem>> -> memref<200x128xf32, #tpu.memory_space<vmem>>
      %get3A_736 = arith.index_cast %add3A_731 : i32 to index
      %get3A_737 = arith.constant 0 : index
      %get3A_738 = tpu.vector_load %get3A_735[%get3A_736, %get3A_737] {strides = array<i32>} : memref<200x128xf32, #tpu.memory_space<vmem>>, vector<1x16xf32>,
      %get3A_739 = vector.shape_cast %get3A_738 : vector<1x16xf32> to vector<16xf32>
      %get3A_740 = arith.index_cast %add3A_731 : i32 to index
      %get3A_741 = arith.constant 0 : index
      %get3A_742 = tpu.vector_load %arg7[%get3A_740, %get3A_741] {strides = array<i32>} : memref<200x128xf32, #tpu.memory_space<vmem>>, vector<1x16xf32>,
      %get3A_743 = vector.shape_cast %get3A_742 : vector<1x16xf32> to vector<16xf32>
      %add3A_744 = arith.addf %get3A_739, %get3A_743 : vector<16xf32>
      %swap3A_745 = arith.constant 0 : i32
      %swap3A_746 = arith.constant 0 : i32
      %swap3A_747 = tpu.memref_slice %arg8[%scan3A_75, %swap3A_745, %swap3A_746] : memref<3x200x128xf32, #tpu.memory_space<vmem>> -> memref<1x200x128xf32, #tpu.memory_space<vmem>>
      %swap3A_748 = tpu.memref_squeeze %swap3A_747 : memref<1x200x128xf32, #tpu.memory_space<vmem>> -> memref<200x128xf32, #tpu.memory_space<vmem>>
      %swap3A_749 = arith.index_cast %add3A_731 : i32 to index
      %swap3A_750 = arith.constant 0 : index
      %swap3A_751 = tpu.vector_load %swap3A_748[%swap3A_749, %swap3A_750] {strides = array<i32>} : memref<200x128xf32, #tpu.memory_space<vmem>>, vector<1x16xf32>,
      %swap3A_752 = vector.shape_cast %swap3A_751 : vector<1x16xf32> to vector<16xf32>
      %swap3A_753 = vector.shape_cast %add3A_744 : vector<16xf32> to vector<1x16xf32>
      tpu.vector_store %swap3A_748[%swap3A_749, %swap3A_750], %swap3A_753 {strides = array<i32>} : memref<200x128xf32, #tpu.memory_space<vmem>>, vector<1x16xf32>,
      %get3A_754 = arith.constant 0 : i32
      %get3A_755 = arith.constant 0 : i32
      %get3A_756 = tpu.memref_slice %arg8[%scan3A_75, %get3A_754, %get3A_755] : memref<3x200x128xf32, #tpu.memory_space<vmem>> -> memref<1x200x128xf32, #tpu.memory_space<vmem>>
      %get3A_757 = tpu.memref_squeeze %get3A_756 : memref<1x200x128xf32, #tpu.memory_space<vmem>> -> memref<200x128xf32, #tpu.memory_space<vmem>>
      %get3A_758 = arith.index_cast %add3A_731 : i32 to index
      %get3A_759 = arith.constant 16 : index
      %get3A_760 = tpu.vector_load %get3A_757[%get3A_758, %get3A_759] {strides = array<i32>} : memref<200x128xf32, #tpu.memory_space<vmem>>, vector<1x16xf32>,
      %get3A_761 = vector.shape_cast %get3A_760 : vector<1x16xf32> to vector<16xf32>
      %get3A_762 = arith.index_cast %add3A_731 : i32 to index
      %get3A_763 = arith.constant 16 : index
      %get3A_764 = tpu.vector_load %arg7[%get3A_762, %get3A_763] {strides = array<i32>} : memref<200x128xf32, #tpu.memory_space<vmem>>, vector<1x16xf32>,
      %get3A_765 = vector.shape_cast %get3A_764 : vector<1x16xf32> to vector<16xf32>
      %add3A_766 = arith.addf %get3A_761, %get3A_765 : vector<16xf32>
      %swap3A_767 = arith.constant 0 : i32
      %swap3A_768 = arith.constant 0 : i32
      %swap3A_769 = tpu.memref_slice %arg8[%scan3A_75, %swap3A_767, %swap3A_768] : memref<3x200x128xf32, #tpu.memory_space<vmem>> -> memref<1x200x128xf32, #tpu.memory_space<vmem>>
      %swap3A_770 = tpu.memref_squeeze %swap3A_769 : memref<1x200x128xf32, #tpu.memory_space<vmem>> -> memref<200x128xf32, #tpu.memory_space<vmem>>
      %swap3A_771 = arith.index_cast %add3A_731 : i32 to index
      %swap3A_772 = arith.constant 16 : index
      %swap3A_773 = tpu.vector_load %swap3A_770[%swap3A_771, %swap3A_772] {strides = array<i32>} : memref<200x128xf32, #tpu.memory_space<vmem>>, vector<1x16xf32>,
      %swap3A_774 = vector.shape_cast %swap3A_773 : vector<1x16xf32> to vector<16xf32>
      %swap3A_775 = vector.shape_cast %add3A_766 : vector<16xf32> to vector<1x16xf32>
      tpu.vector_store %swap3A_770[%swap3A_771, %swap3A_772], %swap3A_775 {strides = array<i32>} : memref<200x128xf32, #tpu.memory_space<vmem>>, vector<1x16xf32>,
      %get3A_776 = arith.constant 0 : i32
      %get3A_777 = arith.constant 0 : i32
      %get3A_778 = tpu.memref_slice %arg8[%scan3A_75, %get3A_776, %get3A_777] : memref<3x200x128xf32, #tpu.memory_space<vmem>> -> memref<1x200x128xf32, #tpu.memory_space<vmem>>
      %get3A_779 = tpu.memref_squeeze %get3A_778 : memref<1x200x128xf32, #tpu.memory_space<vmem>> -> memref<200x128xf32, #tpu.memory_space<vmem>>
      %get3A_780 = arith.index_cast %add3A_731 : i32 to index
      %get3A_781 = arith.constant 32 : index
      %get3A_782 = tpu.vector_load %get3A_779[%get3A_780, %get3A_781] {strides = array<i32>} : memref<200x128xf32, #tpu.memory_space<vmem>>, vector<1x16xf32>,
      %get3A_783 = vector.shape_cast %get3A_782 : vector<1x16xf32> to vector<16xf32>
      %get3A_784 = arith.index_cast %add3A_731 : i32 to index
      %get3A_785 = arith.constant 32 : index
      %get3A_786 = tpu.vector_load %arg7[%get3A_784, %get3A_785] {strides = array<i32>} : memref<200x128xf32, #tpu.memory_space<vmem>>, vector<1x16xf32>,
      %get3A_787 = vector.shape_cast %get3A_786 : vector<1x16xf32> to vector<16xf32>
      %add3A_788 = arith.addf %get3A_783, %get3A_787 : vector<16xf32>
      %swap3A_789 = arith.constant 0 : i32
      %swap3A_790 = arith.constant 0 : i32
      %swap3A_791 = tpu.memref_slice %arg8[%scan3A_75, %swap3A_789, %swap3A_790] : memref<3x200x128xf32, #tpu.memory_space<vmem>> -> memref<1x200x128xf32, #tpu.memory_space<vmem>>
      %swap3A_792 = tpu.memref_squeeze %swap3A_791 : memref<1x200x128xf32, #tpu.memory_space<vmem>> -> memref<200x128xf32, #tpu.memory_space<vmem>>
      %swap3A_793 = arith.index_cast %add3A_731 : i32 to index
      %swap3A_794 = arith.constant 32 : index
      %swap3A_795 = tpu.vector_load %swap3A_792[%swap3A_793, %swap3A_794] {strides = array<i32>} : memref<200x128xf32, #tpu.memory_space<vmem>>, vector<1x16xf32>,
      %swap3A_796 = vector.shape_cast %swap3A_795 : vector<1x16xf32> to vector<16xf32>
      %swap3A_797 = vector.shape_cast %add3A_788 : vector<16xf32> to vector<1x16xf32>
      tpu.vector_store %swap3A_792[%swap3A_793, %swap3A_794], %swap3A_797 {strides = array<i32>} : memref<200x128xf32, #tpu.memory_space<vmem>>, vector<1x16xf32>,
      %get3A_798 = arith.constant 0 : i32
      %get3A_799 = arith.constant 0 : i32
      %get3A_800 = tpu.memref_slice %arg8[%scan3A_75, %get3A_798, %get3A_799] : memref<3x200x128xf32, #tpu.memory_space<vmem>> -> memref<1x200x128xf32, #tpu.memory_space<vmem>>
      %get3A_801 = tpu.memref_squeeze %get3A_800 : memref<1x200x128xf32, #tpu.memory_space<vmem>> -> memref<200x128xf32, #tpu.memory_space<vmem>>
      %get3A_802 = arith.index_cast %add3A_731 : i32 to index
      %get3A_803 = arith.constant 48 : index
      %get3A_804 = tpu.vector_load %get3A_801[%get3A_802, %get3A_803] {strides = array<i32>} : memref<200x128xf32, #tpu.memory_space<vmem>>, vector<1x16xf32>,
      %get3A_805 = vector.shape_cast %get3A_804 : vector<1x16xf32> to vector<16xf32>
      %get3A_806 = arith.index_cast %add3A_731 : i32 to index
      %get3A_807 = arith.constant 48 : index
      %get3A_808 = tpu.vector_load %arg7[%get3A_806, %get3A_807] {strides = array<i32>} : memref<200x128xf32, #tpu.memory_space<vmem>>, vector<1x16xf32>,
      %get3A_809 = vector.shape_cast %get3A_808 : vector<1x16xf32> to vector<16xf32>
      %add3A_810 = arith.addf %get3A_805, %get3A_809 : vector<16xf32>
      %swap3A_811 = arith.constant 0 : i32
      %swap3A_812 = arith.constant 0 : i32
      %swap3A_813 = tpu.memref_slice %arg8[%scan3A_75, %swap3A_811, %swap3A_812] : memref<3x200x128xf32, #tpu.memory_space<vmem>> -> memref<1x200x128xf32, #tpu.memory_space<vmem>>
      %swap3A_814 = tpu.memref_squeeze %swap3A_813 : memref<1x200x128xf32, #tpu.memory_space<vmem>> -> memref<200x128xf32, #tpu.memory_space<vmem>>
      %swap3A_815 = arith.index_cast %add3A_731 : i32 to index
      %swap3A_816 = arith.constant 48 : index
      %swap3A_817 = tpu.vector_load %swap3A_814[%swap3A_815, %swap3A_816] {strides = array<i32>} : memref<200x128xf32, #tpu.memory_space<vmem>>, vector<1x16xf32>,
      %swap3A_818 = vector.shape_cast %swap3A_817 : vector<1x16xf32> to vector<16xf32>
      %swap3A_819 = vector.shape_cast %add3A_810 : vector<16xf32> to vector<1x16xf32>
      tpu.vector_store %swap3A_814[%swap3A_815, %swap3A_816], %swap3A_819 {strides = array<i32>} : memref<200x128xf32, #tpu.memory_space<vmem>>, vector<1x16xf32>,
      %get3A_820 = arith.constant 0 : i32
      %get3A_821 = arith.constant 0 : i32
      %get3A_822 = tpu.memref_slice %arg8[%scan3A_75, %get3A_820, %get3A_821] : memref<3x200x128xf32, #tpu.memory_space<vmem>> -> memref<1x200x128xf32, #tpu.memory_space<vmem>>
      %get3A_823 = tpu.memref_squeeze %get3A_822 : memref<1x200x128xf32, #tpu.memory_space<vmem>> -> memref<200x128xf32, #tpu.memory_space<vmem>>
      %get3A_824 = arith.index_cast %add3A_731 : i32 to index
      %get3A_825 = arith.constant 64 : index
      %get3A_826 = tpu.vector_load %get3A_823[%get3A_824, %get3A_825] {strides = array<i32>} : memref<200x128xf32, #tpu.memory_space<vmem>>, vector<1x16xf32>,
      %get3A_827 = vector.shape_cast %get3A_826 : vector<1x16xf32> to vector<16xf32>
      %get3A_828 = arith.index_cast %add3A_731 : i32 to index
      %get3A_829 = arith.constant 64 : index
      %get3A_830 = tpu.vector_load %arg7[%get3A_828, %get3A_829] {strides = array<i32>} : memref<200x128xf32, #tpu.memory_space<vmem>>, vector<1x16xf32>,
      %get3A_831 = vector.shape_cast %get3A_830 : vector<1x16xf32> to vector<16xf32>
      %add3A_832 = arith.addf %get3A_827, %get3A_831 : vector<16xf32>
      %swap3A_833 = arith.constant 0 : i32
      %swap3A_834 = arith.constant 0 : i32
      %swap3A_835 = tpu.memref_slice %arg8[%scan3A_75, %swap3A_833, %swap3A_834] : memref<3x200x128xf32, #tpu.memory_space<vmem>> -> memref<1x200x128xf32, #tpu.memory_space<vmem>>
      %swap3A_836 = tpu.memref_squeeze %swap3A_835 : memref<1x200x128xf32, #tpu.memory_space<vmem>> -> memref<200x128xf32, #tpu.memory_space<vmem>>
      %swap3A_837 = arith.index_cast %add3A_731 : i32 to index
      %swap3A_838 = arith.constant 64 : index
      %swap3A_839 = tpu.vector_load %swap3A_836[%swap3A_837, %swap3A_838] {strides = array<i32>} : memref<200x128xf32, #tpu.memory_space<vmem>>, vector<1x16xf32>,
      %swap3A_840 = vector.shape_cast %swap3A_839 : vector<1x16xf32> to vector<16xf32>
      %swap3A_841 = vector.shape_cast %add3A_832 : vector<16xf32> to vector<1x16xf32>
      tpu.vector_store %swap3A_836[%swap3A_837, %swap3A_838], %swap3A_841 {strides = array<i32>} : memref<200x128xf32, #tpu.memory_space<vmem>>, vector<1x16xf32>,
      %get3A_842 = arith.constant 0 : i32
      %get3A_843 = arith.constant 0 : i32
      %get3A_844 = tpu.memref_slice %arg8[%scan3A_75, %get3A_842, %get3A_843] : memref<3x200x128xf32, #tpu.memory_space<vmem>> -> memref<1x200x128xf32, #tpu.memory_space<vmem>>
      %get3A_845 = tpu.memref_squeeze %get3A_844 : memref<1x200x128xf32, #tpu.memory_space<vmem>> -> memref<200x128xf32, #tpu.memory_space<vmem>>
      %get3A_846 = arith.index_cast %add3A_731 : i32 to index
      %get3A_847 = arith.constant 80 : index
      %get3A_848 = tpu.vector_load %get3A_845[%get3A_846, %get3A_847] {strides = array<i32>} : memref<200x128xf32, #tpu.memory_space<vmem>>, vector<1x16xf32>,
      %get3A_849 = vector.shape_cast %get3A_848 : vector<1x16xf32> to vector<16xf32>
      %get3A_850 = arith.index_cast %add3A_731 : i32 to index
      %get3A_851 = arith.constant 80 : index
      %get3A_852 = tpu.vector_load %arg7[%get3A_850, %get3A_851] {strides = array<i32>} : memref<200x128xf32, #tpu.memory_space<vmem>>, vector<1x16xf32>,
      %get3A_853 = vector.shape_cast %get3A_852 : vector<1x16xf32> to vector<16xf32>
      %add3A_854 = arith.addf %get3A_849, %get3A_853 : vector<16xf32>
      %swap3A_855 = arith.constant 0 : i32
      %swap3A_856 = arith.constant 0 : i32
      %swap3A_857 = tpu.memref_slice %arg8[%scan3A_75, %swap3A_855, %swap3A_856] : memref<3x200x128xf32, #tpu.memory_space<vmem>> -> memref<1x200x128xf32, #tpu.memory_space<vmem>>
      %swap3A_858 = tpu.memref_squeeze %swap3A_857 : memref<1x200x128xf32, #tpu.memory_space<vmem>> -> memref<200x128xf32, #tpu.memory_space<vmem>>
      %swap3A_859 = arith.index_cast %add3A_731 : i32 to index
      %swap3A_860 = arith.constant 80 : index
      %swap3A_861 = tpu.vector_load %swap3A_858[%swap3A_859, %swap3A_860] {strides = array<i32>} : memref<200x128xf32, #tpu.memory_space<vmem>>, vector<1x16xf32>,
      %swap3A_862 = vector.shape_cast %swap3A_861 : vector<1x16xf32> to vector<16xf32>
      %swap3A_863 = vector.shape_cast %add3A_854 : vector<16xf32> to vector<1x16xf32>
      tpu.vector_store %swap3A_858[%swap3A_859, %swap3A_860], %swap3A_863 {strides = array<i32>} : memref<200x128xf32, #tpu.memory_space<vmem>>, vector<1x16xf32>,
      %get3A_864 = arith.constant 0 : i32
      %get3A_865 = arith.constant 0 : i32
      %get3A_866 = tpu.memref_slice %arg8[%scan3A_75, %get3A_864, %get3A_865] : memref<3x200x128xf32, #tpu.memory_space<vmem>> -> memref<1x200x128xf32, #tpu.memory_space<vmem>>
      %get3A_867 = tpu.memref_squeeze %get3A_866 : memref<1x200x128xf32, #tpu.memory_space<vmem>> -> memref<200x128xf32, #tpu.memory_space<vmem>>
      %get3A_868 = arith.index_cast %add3A_731 : i32 to index
      %get3A_869 = arith.constant 96 : index
      %get3A_870 = tpu.vector_load %get3A_867[%get3A_868, %get3A_869] {strides = array<i32>} : memref<200x128xf32, #tpu.memory_space<vmem>>, vector<1x16xf32>,
      %get3A_871 = vector.shape_cast %get3A_870 : vector<1x16xf32> to vector<16xf32>
      %get3A_872 = arith.index_cast %add3A_731 : i32 to index
      %get3A_873 = arith.constant 96 : index
      %get3A_874 = tpu.vector_load %arg7[%get3A_872, %get3A_873] {strides = array<i32>} : memref<200x128xf32, #tpu.memory_space<vmem>>, vector<1x16xf32>,
      %get3A_875 = vector.shape_cast %get3A_874 : vector<1x16xf32> to vector<16xf32>
      %add3A_876 = arith.addf %get3A_871, %get3A_875 : vector<16xf32>
      %swap3A_877 = arith.constant 0 : i32
      %swap3A_878 = arith.constant 0 : i32
      %swap3A_879 = tpu.memref_slice %arg8[%scan3A_75, %swap3A_877, %swap3A_878] : memref<3x200x128xf32, #tpu.memory_space<vmem>> -> memref<1x200x128xf32, #tpu.memory_space<vmem>>
      %swap3A_880 = tpu.memref_squeeze %swap3A_879 : memref<1x200x128xf32, #tpu.memory_space<vmem>> -> memref<200x128xf32, #tpu.memory_space<vmem>>
      %swap3A_881 = arith.index_cast %add3A_731 : i32 to index
      %swap3A_882 = arith.constant 96 : index
      %swap3A_883 = tpu.vector_load %swap3A_880[%swap3A_881, %swap3A_882] {strides = array<i32>} : memref<200x128xf32, #tpu.memory_space<vmem>>, vector<1x16xf32>,
      %swap3A_884 = vector.shape_cast %swap3A_883 : vector<1x16xf32> to vector<16xf32>
      %swap3A_885 = vector.shape_cast %add3A_876 : vector<16xf32> to vector<1x16xf32>
      tpu.vector_store %swap3A_880[%swap3A_881, %swap3A_882], %swap3A_885 {strides = array<i32>} : memref<200x128xf32, #tpu.memory_space<vmem>>, vector<1x16xf32>,
      %get3A_886 = arith.constant 0 : i32
      %get3A_887 = arith.constant 0 : i32
      %get3A_888 = tpu.memref_slice %arg8[%scan3A_75, %get3A_886, %get3A_887] : memref<3x200x128xf32, #tpu.memory_space<vmem>> -> memref<1x200x128xf32, #tpu.memory_space<vmem>>
      %get3A_889 = tpu.memref_squeeze %get3A_888 : memref<1x200x128xf32, #tpu.memory_space<vmem>> -> memref<200x128xf32, #tpu.memory_space<vmem>>
      %get3A_890 = arith.index_cast %add3A_731 : i32 to index
      %get3A_891 = arith.constant 112 : index
      %get3A_892 = tpu.vector_load %get3A_889[%get3A_890, %get3A_891] {strides = array<i32>} : memref<200x128xf32, #tpu.memory_space<vmem>>, vector<1x16xf32>,
      %get3A_893 = vector.shape_cast %get3A_892 : vector<1x16xf32> to vector<16xf32>
      %get3A_894 = arith.index_cast %add3A_731 : i32 to index
      %get3A_895 = arith.constant 112 : index
      %get3A_896 = tpu.vector_load %arg7[%get3A_894, %get3A_895] {strides = array<i32>} : memref<200x128xf32, #tpu.memory_space<vmem>>, vector<1x16xf32>,
      %get3A_897 = vector.shape_cast %get3A_896 : vector<1x16xf32> to vector<16xf32>
      %add3A_898 = arith.addf %get3A_893, %get3A_897 : vector<16xf32>
      %swap3A_899 = arith.constant 0 : i32
      %swap3A_900 = arith.constant 0 : i32
      %swap3A_901 = tpu.memref_slice %arg8[%scan3A_75, %swap3A_899, %swap3A_900] : memref<3x200x128xf32, #tpu.memory_space<vmem>> -> memref<1x200x128xf32, #tpu.memory_space<vmem>>
      %swap3A_902 = tpu.memref_squeeze %swap3A_901 : memref<1x200x128xf32, #tpu.memory_space<vmem>> -> memref<200x128xf32, #tpu.memory_space<vmem>>
      %swap3A_903 = arith.index_cast %add3A_731 : i32 to index
      %swap3A_904 = arith.constant 112 : index
      %swap3A_905 = tpu.vector_load %swap3A_902[%swap3A_903, %swap3A_904] {strides = array<i32>} : memref<200x128xf32, #tpu.memory_space<vmem>>, vector<1x16xf32>,
      %swap3A_906 = vector.shape_cast %swap3A_905 : vector<1x16xf32> to vector<16xf32>
      %swap3A_907 = vector.shape_cast %add3A_898 : vector<16xf32> to vector<1x16xf32>
      tpu.vector_store %swap3A_902[%swap3A_903, %swap3A_904], %swap3A_907 {strides = array<i32>} : memref<200x128xf32, #tpu.memory_space<vmem>>, vector<1x16xf32>,
    }
    %scan3A_80 = arith.constant 50 : i32
    %add3A_81 = arith.constant 25200 : i32
    %add3A_82 = arith.addi %mul3A_2, %add3A_81 : i32
    %dma_start3A_83 = arith.constant 0 : i32
    %dma_start3A_84 = arith.constant 0 : i32
    %dma_start3A_85 = arith.constant 0 : i32
    %dma_start3A_86 = arith.constant 0 : i32
    %dma_start3A_87 = tpu.memref_slice %arg8[%dma_start3A_83, %dma_start3A_85, %dma_start3A_86] : memref<3x200x128xf32, #tpu.memory_space<vmem>> -> memref<1x200x128xf32, #tpu.memory_space<vmem>>
    %dma_start3A_88 = tpu.memref_squeeze %dma_start3A_87 : memref<1x200x128xf32, #tpu.memory_space<vmem>> -> memref<200x128xf32, #tpu.memory_space<vmem>>
    %dma_start3A_89 = arith.constant 0 : i32
    %dma_start3A_90 = tpu.memref_slice %arg5[%add3A_82, %dma_start3A_89] : memref<819200x128xf32, #tpu.memory_space<hbm>> -> memref<200x128xf32, #tpu.memory_space<hbm>>
    %dma_start3A_91 = tpu.memref_slice %arg10[%dma_start3A_84] : memref<3x!tpu.dma_semaphore, #tpu.memory_space<semaphore_mem>> -> memref<1x!tpu.dma_semaphore, #tpu.memory_space<semaphore_mem>>
    %dma_start3A_92 = tpu.memref_squeeze %dma_start3A_91 : memref<1x!tpu.dma_semaphore, #tpu.memory_space<semaphore_mem>> -> memref<!tpu.dma_semaphore, #tpu.memory_space<semaphore_mem>>
    %dma_start3A_93 = arith.constant 0 : i32
    %dma_start3A_94 = tpu.memref_slice %arg5[%add3A_82, %dma_start3A_93] : memref<819200x128xf32, #tpu.memory_space<hbm>> -> memref<200x128xf32, #tpu.memory_space<hbm>>
    %dma_start3A_95 = arith.constant 0 : i32
    %dma_start3A_96 = arith.constant 0 : i32
    %dma_start3A_97 = tpu.memref_slice %arg8[%dma_start3A_83, %dma_start3A_95, %dma_start3A_96] : memref<3x200x128xf32, #tpu.memory_space<vmem>> -> memref<1x200x128xf32, #tpu.memory_space<vmem>>
    %dma_start3A_98 = tpu.memref_squeeze %dma_start3A_97 : memref<1x200x128xf32, #tpu.memory_space<vmem>> -> memref<200x128xf32, #tpu.memory_space<vmem>>
    tpu.enqueue_dma source(%dma_start3A_98 : memref<200x128xf32, #tpu.memory_space<vmem>>) target(%dma_start3A_94 : memref<200x128xf32, #tpu.memory_space<hbm>>) target_semaphore(%dma_start3A_92 : memref<!tpu.dma_semaphore, #tpu.memory_space<semaphore_mem>>)
    %dma_wait3A_99 = arith.constant 1 : i32
    %dma_wait3A_100 = arith.constant 1 : i32
    %dma_wait3A_101 = arith.constant 0 : i32
    %dma_wait3A_102 = arith.constant 0 : i32
    %dma_wait3A_103 = tpu.memref_slice %arg8[%dma_wait3A_99, %dma_wait3A_101, %dma_wait3A_102] : memref<3x200x128xf32, #tpu.memory_space<vmem>> -> memref<1x200x128xf32, #tpu.memory_space<vmem>>
    %dma_wait3A_104 = tpu.memref_squeeze %dma_wait3A_103 : memref<1x200x128xf32, #tpu.memory_space<vmem>> -> memref<200x128xf32, #tpu.memory_space<vmem>>
    %dma_wait3A_105 = arith.constant 0 : i32
    %dma_wait3A_106 = arith.constant 0 : i32
    %dma_wait3A_107 = tpu.memref_slice %arg3[%dma_wait3A_105, %dma_wait3A_106] : memref<100000x128xf32, #tpu.memory_space<hbm>> -> memref<200x128xf32, #tpu.memory_space<hbm>>
    %dma_wait3A_108 = tpu.memref_slice %arg9[%dma_wait3A_100] : memref<3x!tpu.dma_semaphore, #tpu.memory_space<semaphore_mem>> -> memref<1x!tpu.dma_semaphore, #tpu.memory_space<semaphore_mem>>
    %dma_wait3A_109 = tpu.memref_squeeze %dma_wait3A_108 : memref<1x!tpu.dma_semaphore, #tpu.memory_space<semaphore_mem>> -> memref<!tpu.dma_semaphore, #tpu.memory_space<semaphore_mem>>
    %dma_wait3A_110 = arith.constant 0 : i32
    %dma_wait3A_111 = arith.constant 0 : i32
    %dma_wait3A_112 = tpu.memref_slice %arg8[%dma_wait3A_99, %dma_wait3A_110, %dma_wait3A_111] : memref<3x200x128xf32, #tpu.memory_space<vmem>> -> memref<1x200x128xf32, #tpu.memory_space<vmem>>
    %dma_wait3A_113 = tpu.memref_squeeze %dma_wait3A_112 : memref<1x200x128xf32, #tpu.memory_space<vmem>> -> memref<200x128xf32, #tpu.memory_space<vmem>>
    %dma_wait3A_114 = arith.constant 0 : i32
    %dma_wait3A_115 = arith.constant 0 : i32
    %dma_wait3A_116 = tpu.memref_slice %arg3[%dma_wait3A_114, %dma_wait3A_115] : memref<100000x128xf32, #tpu.memory_space<hbm>> -> memref<200x128xf32, #tpu.memory_space<hbm>>
    tpu.wait_dma2 semaphore(%dma_wait3A_109 : memref<!tpu.dma_semaphore, #tpu.memory_space<semaphore_mem>>) src(%dma_wait3A_116 : memref<200x128xf32, #tpu.memory_space<hbm>>) dst(%dma_wait3A_113 : memref<200x128xf32, #tpu.memory_space<vmem>>)
    %scan3A_117 = arith.constant 1 : i32
    %scan3A_118 = arith.constant 0 : i32
    %scan3A_119 = arith.constant 50 : i32
    %scan3A_120 = arith.addi %scan3A_118, %scan3A_119 : i32
    %scan3A_121 = arith.constant 1 : i32
    scf.for %scan3A_195 = %scan3A_118 to %scan3A_120 step %scan3A_121  : i32 {
      %mul3A_196 = arith.constant 4 : i32
      %mul3A_197 = arith.muli %scan3A_195, %mul3A_196 : i32
      %add3A_198 = arith.constant 0 : i32
      %add3A_199 = arith.addi %mul3A_197, %add3A_198 : i32
      %get3A = arith.constant 0 : i32
      %get3A_200 = arith.constant 0 : i32
      %get3A_201 = tpu.memref_slice %arg8[%scan3A_117, %get3A, %get3A_200] : memref<3x200x128xf32, #tpu.memory_space<vmem>> -> memref<1x200x128xf32, #tpu.memory_space<vmem>>
      %get3A_202 = tpu.memref_squeeze %get3A_201 : memref<1x200x128xf32, #tpu.memory_space<vmem>> -> memref<200x128xf32, #tpu.memory_space<vmem>>
      %get3A_203 = arith.index_cast %add3A_199 : i32 to index
      %get3A_204 = arith.constant 0 : index
      %get3A_205 = tpu.vector_load %get3A_202[%get3A_203, %get3A_204] {strides = array<i32>} : memref<200x128xf32, #tpu.memory_space<vmem>>, vector<1x16xf32>,
      %get3A_206 = vector.shape_cast %get3A_205 : vector<1x16xf32> to vector<16xf32>
      %get3A_207 = arith.index_cast %add3A_199 : i32 to index
      %get3A_208 = arith.constant 0 : index
      %get3A_209 = tpu.vector_load %arg7[%get3A_207, %get3A_208] {strides = array<i32>} : memref<200x128xf32, #tpu.memory_space<vmem>>, vector<1x16xf32>,
      %get3A_210 = vector.shape_cast %get3A_209 : vector<1x16xf32> to vector<16xf32>
      %add3A_211 = arith.addf %get3A_206, %get3A_210 : vector<16xf32>
      %swap3A = arith.constant 0 : i32
      %swap3A_212 = arith.constant 0 : i32
      %swap3A_213 = tpu.memref_slice %arg8[%scan3A_117, %swap3A, %swap3A_212] : memref<3x200x128xf32, #tpu.memory_space<vmem>> -> memref<1x200x128xf32, #tpu.memory_space<vmem>>
      %swap3A_214 = tpu.memref_squeeze %swap3A_213 : memref<1x200x128xf32, #tpu.memory_space<vmem>> -> memref<200x128xf32, #tpu.memory_space<vmem>>
      %swap3A_215 = arith.index_cast %add3A_199 : i32 to index
      %swap3A_216 = arith.constant 0 : index
      %swap3A_217 = tpu.vector_load %swap3A_214[%swap3A_215, %swap3A_216] {strides = array<i32>} : memref<200x128xf32, #tpu.memory_space<vmem>>, vector<1x16xf32>,
      %swap3A_218 = vector.shape_cast %swap3A_217 : vector<1x16xf32> to vector<16xf32>
      %swap3A_219 = vector.shape_cast %add3A_211 : vector<16xf32> to vector<1x16xf32>
      tpu.vector_store %swap3A_214[%swap3A_215, %swap3A_216], %swap3A_219 {strides = array<i32>} : memref<200x128xf32, #tpu.memory_space<vmem>>, vector<1x16xf32>,
      %get3A_220 = arith.constant 0 : i32
      %get3A_221 = arith.constant 0 : i32
      %get3A_222 = tpu.memref_slice %arg8[%scan3A_117, %get3A_220, %get3A_221] : memref<3x200x128xf32, #tpu.memory_space<vmem>> -> memref<1x200x128xf32, #tpu.memory_space<vmem>>
      %get3A_223 = tpu.memref_squeeze %get3A_222 : memref<1x200x128xf32, #tpu.memory_space<vmem>> -> memref<200x128xf32, #tpu.memory_space<vmem>>
      %get3A_224 = arith.index_cast %add3A_199 : i32 to index
      %get3A_225 = arith.constant 16 : index
      %get3A_226 = tpu.vector_load %get3A_223[%get3A_224, %get3A_225] {strides = array<i32>} : memref<200x128xf32, #tpu.memory_space<vmem>>, vector<1x16xf32>,
      %get3A_227 = vector.shape_cast %get3A_226 : vector<1x16xf32> to vector<16xf32>
      %get3A_228 = arith.index_cast %add3A_199 : i32 to index
      %get3A_229 = arith.constant 16 : index
      %get3A_230 = tpu.vector_load %arg7[%get3A_228, %get3A_229] {strides = array<i32>} : memref<200x128xf32, #tpu.memory_space<vmem>>, vector<1x16xf32>,
      %get3A_231 = vector.shape_cast %get3A_230 : vector<1x16xf32> to vector<16xf32>
      %add3A_232 = arith.addf %get3A_227, %get3A_231 : vector<16xf32>
      %swap3A_233 = arith.constant 0 : i32
      %swap3A_234 = arith.constant 0 : i32
      %swap3A_235 = tpu.memref_slice %arg8[%scan3A_117, %swap3A_233, %swap3A_234] : memref<3x200x128xf32, #tpu.memory_space<vmem>> -> memref<1x200x128xf32, #tpu.memory_space<vmem>>
      %swap3A_236 = tpu.memref_squeeze %swap3A_235 : memref<1x200x128xf32, #tpu.memory_space<vmem>> -> memref<200x128xf32, #tpu.memory_space<vmem>>
      %swap3A_237 = arith.index_cast %add3A_199 : i32 to index
      %swap3A_238 = arith.constant 16 : index
      %swap3A_239 = tpu.vector_load %swap3A_236[%swap3A_237, %swap3A_238] {strides = array<i32>} : memref<200x128xf32, #tpu.memory_space<vmem>>, vector<1x16xf32>,
      %swap3A_240 = vector.shape_cast %swap3A_239 : vector<1x16xf32> to vector<16xf32>
      %swap3A_241 = vector.shape_cast %add3A_232 : vector<16xf32> to vector<1x16xf32>
      tpu.vector_store %swap3A_236[%swap3A_237, %swap3A_238], %swap3A_241 {strides = array<i32>} : memref<200x128xf32, #tpu.memory_space<vmem>>, vector<1x16xf32>,
      %get3A_242 = arith.constant 0 : i32
      %get3A_243 = arith.constant 0 : i32
      %get3A_244 = tpu.memref_slice %arg8[%scan3A_117, %get3A_242, %get3A_243] : memref<3x200x128xf32, #tpu.memory_space<vmem>> -> memref<1x200x128xf32, #tpu.memory_space<vmem>>
      %get3A_245 = tpu.memref_squeeze %get3A_244 : memref<1x200x128xf32, #tpu.memory_space<vmem>> -> memref<200x128xf32, #tpu.memory_space<vmem>>
      %get3A_246 = arith.index_cast %add3A_199 : i32 to index
      %get3A_247 = arith.constant 32 : index
      %get3A_248 = tpu.vector_load %get3A_245[%get3A_246, %get3A_247] {strides = array<i32>} : memref<200x128xf32, #tpu.memory_space<vmem>>, vector<1x16xf32>,
      %get3A_249 = vector.shape_cast %get3A_248 : vector<1x16xf32> to vector<16xf32>
      %get3A_250 = arith.index_cast %add3A_199 : i32 to index
      %get3A_251 = arith.constant 32 : index
      %get3A_252 = tpu.vector_load %arg7[%get3A_250, %get3A_251] {strides = array<i32>} : memref<200x128xf32, #tpu.memory_space<vmem>>, vector<1x16xf32>,
      %get3A_253 = vector.shape_cast %get3A_252 : vector<1x16xf32> to vector<16xf32>
      %add3A_254 = arith.addf %get3A_249, %get3A_253 : vector<16xf32>
      %swap3A_255 = arith.constant 0 : i32
      %swap3A_256 = arith.constant 0 : i32
      %swap3A_257 = tpu.memref_slice %arg8[%scan3A_117, %swap3A_255, %swap3A_256] : memref<3x200x128xf32, #tpu.memory_space<vmem>> -> memref<1x200x128xf32, #tpu.memory_space<vmem>>
      %swap3A_258 = tpu.memref_squeeze %swap3A_257 : memref<1x200x128xf32, #tpu.memory_space<vmem>> -> memref<200x128xf32, #tpu.memory_space<vmem>>
      %swap3A_259 = arith.index_cast %add3A_199 : i32 to index
      %swap3A_260 = arith.constant 32 : index
      %swap3A_261 = tpu.vector_load %swap3A_258[%swap3A_259, %swap3A_260] {strides = array<i32>} : memref<200x128xf32, #tpu.memory_space<vmem>>, vector<1x16xf32>,
      %swap3A_262 = vector.shape_cast %swap3A_261 : vector<1x16xf32> to vector<16xf32>
      %swap3A_263 = vector.shape_cast %add3A_254 : vector<16xf32> to vector<1x16xf32>
      tpu.vector_store %swap3A_258[%swap3A_259, %swap3A_260], %swap3A_263 {strides = array<i32>} : memref<200x128xf32, #tpu.memory_space<vmem>>, vector<1x16xf32>,
      %get3A_264 = arith.constant 0 : i32
      %get3A_265 = arith.constant 0 : i32
      %get3A_266 = tpu.memref_slice %arg8[%scan3A_117, %get3A_264, %get3A_265] : memref<3x200x128xf32, #tpu.memory_space<vmem>> -> memref<1x200x128xf32, #tpu.memory_space<vmem>>
      %get3A_267 = tpu.memref_squeeze %get3A_266 : memref<1x200x128xf32, #tpu.memory_space<vmem>> -> memref<200x128xf32, #tpu.memory_space<vmem>>
      %get3A_268 = arith.index_cast %add3A_199 : i32 to index
      %get3A_269 = arith.constant 48 : index
      %get3A_270 = tpu.vector_load %get3A_267[%get3A_268, %get3A_269] {strides = array<i32>} : memref<200x128xf32, #tpu.memory_space<vmem>>, vector<1x16xf32>,
      %get3A_271 = vector.shape_cast %get3A_270 : vector<1x16xf32> to vector<16xf32>
      %get3A_272 = arith.index_cast %add3A_199 : i32 to index
      %get3A_273 = arith.constant 48 : index
      %get3A_274 = tpu.vector_load %arg7[%get3A_272, %get3A_273] {strides = array<i32>} : memref<200x128xf32, #tpu.memory_space<vmem>>, vector<1x16xf32>,
      %get3A_275 = vector.shape_cast %get3A_274 : vector<1x16xf32> to vector<16xf32>
      %add3A_276 = arith.addf %get3A_271, %get3A_275 : vector<16xf32>
      %swap3A_277 = arith.constant 0 : i32
      %swap3A_278 = arith.constant 0 : i32
      %swap3A_279 = tpu.memref_slice %arg8[%scan3A_117, %swap3A_277, %swap3A_278] : memref<3x200x128xf32, #tpu.memory_space<vmem>> -> memref<1x200x128xf32, #tpu.memory_space<vmem>>
      %swap3A_280 = tpu.memref_squeeze %swap3A_279 : memref<1x200x128xf32, #tpu.memory_space<vmem>> -> memref<200x128xf32, #tpu.memory_space<vmem>>
      %swap3A_281 = arith.index_cast %add3A_199 : i32 to index
      %swap3A_282 = arith.constant 48 : index
      %swap3A_283 = tpu.vector_load %swap3A_280[%swap3A_281, %swap3A_282] {strides = array<i32>} : memref<200x128xf32, #tpu.memory_space<vmem>>, vector<1x16xf32>,
      %swap3A_284 = vector.shape_cast %swap3A_283 : vector<1x16xf32> to vector<16xf32>
      %swap3A_285 = vector.shape_cast %add3A_276 : vector<16xf32> to vector<1x16xf32>
      tpu.vector_store %swap3A_280[%swap3A_281, %swap3A_282], %swap3A_285 {strides = array<i32>} : memref<200x128xf32, #tpu.memory_space<vmem>>, vector<1x16xf32>,
      %get3A_286 = arith.constant 0 : i32
      %get3A_287 = arith.constant 0 : i32
      %get3A_288 = tpu.memref_slice %arg8[%scan3A_117, %get3A_286, %get3A_287] : memref<3x200x128xf32, #tpu.memory_space<vmem>> -> memref<1x200x128xf32, #tpu.memory_space<vmem>>
      %get3A_289 = tpu.memref_squeeze %get3A_288 : memref<1x200x128xf32, #tpu.memory_space<vmem>> -> memref<200x128xf32, #tpu.memory_space<vmem>>
      %get3A_290 = arith.index_cast %add3A_199 : i32 to index
      %get3A_291 = arith.constant 64 : index
      %get3A_292 = tpu.vector_load %get3A_289[%get3A_290, %get3A_291] {strides = array<i32>} : memref<200x128xf32, #tpu.memory_space<vmem>>, vector<1x16xf32>,
      %get3A_293 = vector.shape_cast %get3A_292 : vector<1x16xf32> to vector<16xf32>
      %get3A_294 = arith.index_cast %add3A_199 : i32 to index
      %get3A_295 = arith.constant 64 : index
      %get3A_296 = tpu.vector_load %arg7[%get3A_294, %get3A_295] {strides = array<i32>} : memref<200x128xf32, #tpu.memory_space<vmem>>, vector<1x16xf32>,
      %get3A_297 = vector.shape_cast %get3A_296 : vector<1x16xf32> to vector<16xf32>
      %add3A_298 = arith.addf %get3A_293, %get3A_297 : vector<16xf32>
      %swap3A_299 = arith.constant 0 : i32
      %swap3A_300 = arith.constant 0 : i32
      %swap3A_301 = tpu.memref_slice %arg8[%scan3A_117, %swap3A_299, %swap3A_300] : memref<3x200x128xf32, #tpu.memory_space<vmem>> -> memref<1x200x128xf32, #tpu.memory_space<vmem>>
      %swap3A_302 = tpu.memref_squeeze %swap3A_301 : memref<1x200x128xf32, #tpu.memory_space<vmem>> -> memref<200x128xf32, #tpu.memory_space<vmem>>
      %swap3A_303 = arith.index_cast %add3A_199 : i32 to index
      %swap3A_304 = arith.constant 64 : index
      %swap3A_305 = tpu.vector_load %swap3A_302[%swap3A_303, %swap3A_304] {strides = array<i32>} : memref<200x128xf32, #tpu.memory_space<vmem>>, vector<1x16xf32>,
      %swap3A_306 = vector.shape_cast %swap3A_305 : vector<1x16xf32> to vector<16xf32>
      %swap3A_307 = vector.shape_cast %add3A_298 : vector<16xf32> to vector<1x16xf32>
      tpu.vector_store %swap3A_302[%swap3A_303, %swap3A_304], %swap3A_307 {strides = array<i32>} : memref<200x128xf32, #tpu.memory_space<vmem>>, vector<1x16xf32>,
      %get3A_308 = arith.constant 0 : i32
      %get3A_309 = arith.constant 0 : i32
      %get3A_310 = tpu.memref_slice %arg8[%scan3A_117, %get3A_308, %get3A_309] : memref<3x200x128xf32, #tpu.memory_space<vmem>> -> memref<1x200x128xf32, #tpu.memory_space<vmem>>
      %get3A_311 = tpu.memref_squeeze %get3A_310 : memref<1x200x128xf32, #tpu.memory_space<vmem>> -> memref<200x128xf32, #tpu.memory_space<vmem>>
      %get3A_312 = arith.index_cast %add3A_199 : i32 to index
      %get3A_313 = arith.constant 80 : index
      %get3A_314 = tpu.vector_load %get3A_311[%get3A_312, %get3A_313] {strides = array<i32>} : memref<200x128xf32, #tpu.memory_space<vmem>>, vector<1x16xf32>,
      %get3A_315 = vector.shape_cast %get3A_314 : vector<1x16xf32> to vector<16xf32>
      %get3A_316 = arith.index_cast %add3A_199 : i32 to index
      %get3A_317 = arith.constant 80 : index
      %get3A_318 = tpu.vector_load %arg7[%get3A_316, %get3A_317] {strides = array<i32>} : memref<200x128xf32, #tpu.memory_space<vmem>>, vector<1x16xf32>,
      %get3A_319 = vector.shape_cast %get3A_318 : vector<1x16xf32> to vector<16xf32>
      %add3A_320 = arith.addf %get3A_315, %get3A_319 : vector<16xf32>
      %swap3A_321 = arith.constant 0 : i32
      %swap3A_322 = arith.constant 0 : i32
      %swap3A_323 = tpu.memref_slice %arg8[%scan3A_117, %swap3A_321, %swap3A_322] : memref<3x200x128xf32, #tpu.memory_space<vmem>> -> memref<1x200x128xf32, #tpu.memory_space<vmem>>
      %swap3A_324 = tpu.memref_squeeze %swap3A_323 : memref<1x200x128xf32, #tpu.memory_space<vmem>> -> memref<200x128xf32, #tpu.memory_space<vmem>>
      %swap3A_325 = arith.index_cast %add3A_199 : i32 to index
      %swap3A_326 = arith.constant 80 : index
      %swap3A_327 = tpu.vector_load %swap3A_324[%swap3A_325, %swap3A_326] {strides = array<i32>} : memref<200x128xf32, #tpu.memory_space<vmem>>, vector<1x16xf32>,
      %swap3A_328 = vector.shape_cast %swap3A_327 : vector<1x16xf32> to vector<16xf32>
      %swap3A_329 = vector.shape_cast %add3A_320 : vector<16xf32> to vector<1x16xf32>
      tpu.vector_store %swap3A_324[%swap3A_325, %swap3A_326], %swap3A_329 {strides = array<i32>} : memref<200x128xf32, #tpu.memory_space<vmem>>, vector<1x16xf32>,
      %get3A_330 = arith.constant 0 : i32
      %get3A_331 = arith.constant 0 : i32
      %get3A_332 = tpu.memref_slice %arg8[%scan3A_117, %get3A_330, %get3A_331] : memref<3x200x128xf32, #tpu.memory_space<vmem>> -> memref<1x200x128xf32, #tpu.memory_space<vmem>>
      %get3A_333 = tpu.memref_squeeze %get3A_332 : memref<1x200x128xf32, #tpu.memory_space<vmem>> -> memref<200x128xf32, #tpu.memory_space<vmem>>
      %get3A_334 = arith.index_cast %add3A_199 : i32 to index
      %get3A_335 = arith.constant 96 : index
      %get3A_336 = tpu.vector_load %get3A_333[%get3A_334, %get3A_335] {strides = array<i32>} : memref<200x128xf32, #tpu.memory_space<vmem>>, vector<1x16xf32>,
      %get3A_337 = vector.shape_cast %get3A_336 : vector<1x16xf32> to vector<16xf32>
      %get3A_338 = arith.index_cast %add3A_199 : i32 to index
      %get3A_339 = arith.constant 96 : index
      %get3A_340 = tpu.vector_load %arg7[%get3A_338, %get3A_339] {strides = array<i32>} : memref<200x128xf32, #tpu.memory_space<vmem>>, vector<1x16xf32>,
      %get3A_341 = vector.shape_cast %get3A_340 : vector<1x16xf32> to vector<16xf32>
      %add3A_342 = arith.addf %get3A_337, %get3A_341 : vector<16xf32>
      %swap3A_343 = arith.constant 0 : i32
      %swap3A_344 = arith.constant 0 : i32
      %swap3A_345 = tpu.memref_slice %arg8[%scan3A_117, %swap3A_343, %swap3A_344] : memref<3x200x128xf32, #tpu.memory_space<vmem>> -> memref<1x200x128xf32, #tpu.memory_space<vmem>>
      %swap3A_346 = tpu.memref_squeeze %swap3A_345 : memref<1x200x128xf32, #tpu.memory_space<vmem>> -> memref<200x128xf32, #tpu.memory_space<vmem>>
      %swap3A_347 = arith.index_cast %add3A_199 : i32 to index
      %swap3A_348 = arith.constant 96 : index
      %swap3A_349 = tpu.vector_load %swap3A_346[%swap3A_347, %swap3A_348] {strides = array<i32>} : memref<200x128xf32, #tpu.memory_space<vmem>>, vector<1x16xf32>,
      %swap3A_350 = vector.shape_cast %swap3A_349 : vector<1x16xf32> to vector<16xf32>
      %swap3A_351 = vector.shape_cast %add3A_342 : vector<16xf32> to vector<1x16xf32>
      tpu.vector_store %swap3A_346[%swap3A_347, %swap3A_348], %swap3A_351 {strides = array<i32>} : memref<200x128xf32, #tpu.memory_space<vmem>>, vector<1x16xf32>,
      %get3A_352 = arith.constant 0 : i32
      %get3A_353 = arith.constant 0 : i32
      %get3A_354 = tpu.memref_slice %arg8[%scan3A_117, %get3A_352, %get3A_353] : memref<3x200x128xf32, #tpu.memory_space<vmem>> -> memref<1x200x128xf32, #tpu.memory_space<vmem>>
      %get3A_355 = tpu.memref_squeeze %get3A_354 : memref<1x200x128xf32, #tpu.memory_space<vmem>> -> memref<200x128xf32, #tpu.memory_space<vmem>>
      %get3A_356 = arith.index_cast %add3A_199 : i32 to index
      %get3A_357 = arith.constant 112 : index
      %get3A_358 = tpu.vector_load %get3A_355[%get3A_356, %get3A_357] {strides = array<i32>} : memref<200x128xf32, #tpu.memory_space<vmem>>, vector<1x16xf32>,
      %get3A_359 = vector.shape_cast %get3A_358 : vector<1x16xf32> to vector<16xf32>
      %get3A_360 = arith.index_cast %add3A_199 : i32 to index
      %get3A_361 = arith.constant 112 : index
      %get3A_362 = tpu.vector_load %arg7[%get3A_360, %get3A_361] {strides = array<i32>} : memref<200x128xf32, #tpu.memory_space<vmem>>, vector<1x16xf32>,
      %get3A_363 = vector.shape_cast %get3A_362 : vector<1x16xf32> to vector<16xf32>
      %add3A_364 = arith.addf %get3A_359, %get3A_363 : vector<16xf32>
      %swap3A_365 = arith.constant 0 : i32
      %swap3A_366 = arith.constant 0 : i32
      %swap3A_367 = tpu.memref_slice %arg8[%scan3A_117, %swap3A_365, %swap3A_366] : memref<3x200x128xf32, #tpu.memory_space<vmem>> -> memref<1x200x128xf32, #tpu.memory_space<vmem>>
      %swap3A_368 = tpu.memref_squeeze %swap3A_367 : memref<1x200x128xf32, #tpu.memory_space<vmem>> -> memref<200x128xf32, #tpu.memory_space<vmem>>
      %swap3A_369 = arith.index_cast %add3A_199 : i32 to index
      %swap3A_370 = arith.constant 112 : index
      %swap3A_371 = tpu.vector_load %swap3A_368[%swap3A_369, %swap3A_370] {strides = array<i32>} : memref<200x128xf32, #tpu.memory_space<vmem>>, vector<1x16xf32>,
      %swap3A_372 = vector.shape_cast %swap3A_371 : vector<1x16xf32> to vector<16xf32>
      %swap3A_373 = vector.shape_cast %add3A_364 : vector<16xf32> to vector<1x16xf32>
      tpu.vector_store %swap3A_368[%swap3A_369, %swap3A_370], %swap3A_373 {strides = array<i32>} : memref<200x128xf32, #tpu.memory_space<vmem>>, vector<1x16xf32>,
      %add3A_374 = arith.constant 1 : i32
      %add3A_375 = arith.addi %mul3A_197, %add3A_374 : i32
      %get3A_376 = arith.constant 0 : i32
      %get3A_377 = arith.constant 0 : i32
      %get3A_378 = tpu.memref_slice %arg8[%scan3A_117, %get3A_376, %get3A_377] : memref<3x200x128xf32, #tpu.memory_space<vmem>> -> memref<1x200x128xf32, #tpu.memory_space<vmem>>
      %get3A_379 = tpu.memref_squeeze %get3A_378 : memref<1x200x128xf32, #tpu.memory_space<vmem>> -> memref<200x128xf32, #tpu.memory_space<vmem>>
      %get3A_380 = arith.index_cast %add3A_375 : i32 to index
      %get3A_381 = arith.constant 0 : index
      %get3A_382 = tpu.vector_load %get3A_379[%get3A_380, %get3A_381] {strides = array<i32>} : memref<200x128xf32, #tpu.memory_space<vmem>>, vector<1x16xf32>,
      %get3A_383 = vector.shape_cast %get3A_382 : vector<1x16xf32> to vector<16xf32>
      %get3A_384 = arith.index_cast %add3A_375 : i32 to index
      %get3A_385 = arith.constant 0 : index
      %get3A_386 = tpu.vector_load %arg7[%get3A_384, %get3A_385] {strides = array<i32>} : memref<200x128xf32, #tpu.memory_space<vmem>>, vector<1x16xf32>,
      %get3A_387 = vector.shape_cast %get3A_386 : vector<1x16xf32> to vector<16xf32>
      %add3A_388 = arith.addf %get3A_383, %get3A_387 : vector<16xf32>
      %swap3A_389 = arith.constant 0 : i32
      %swap3A_390 = arith.constant 0 : i32
      %swap3A_391 = tpu.memref_slice %arg8[%scan3A_117, %swap3A_389, %swap3A_390] : memref<3x200x128xf32, #tpu.memory_space<vmem>> -> memref<1x200x128xf32, #tpu.memory_space<vmem>>
      %swap3A_392 = tpu.memref_squeeze %swap3A_391 : memref<1x200x128xf32, #tpu.memory_space<vmem>> -> memref<200x128xf32, #tpu.memory_space<vmem>>
      %swap3A_393 = arith.index_cast %add3A_375 : i32 to index
      %swap3A_394 = arith.constant 0 : index
      %swap3A_395 = tpu.vector_load %swap3A_392[%swap3A_393, %swap3A_394] {strides = array<i32>} : memref<200x128xf32, #tpu.memory_space<vmem>>, vector<1x16xf32>,
      %swap3A_396 = vector.shape_cast %swap3A_395 : vector<1x16xf32> to vector<16xf32>
      %swap3A_397 = vector.shape_cast %add3A_388 : vector<16xf32> to vector<1x16xf32>
      tpu.vector_store %swap3A_392[%swap3A_393, %swap3A_394], %swap3A_397 {strides = array<i32>} : memref<200x128xf32, #tpu.memory_space<vmem>>, vector<1x16xf32>,
      %get3A_398 = arith.constant 0 : i32
      %get3A_399 = arith.constant 0 : i32
      %get3A_400 = tpu.memref_slice %arg8[%scan3A_117, %get3A_398, %get3A_399] : memref<3x200x128xf32, #tpu.memory_space<vmem>> -> memref<1x200x128xf32, #tpu.memory_space<vmem>>
      %get3A_401 = tpu.memref_squeeze %get3A_400 : memref<1x200x128xf32, #tpu.memory_space<vmem>> -> memref<200x128xf32, #tpu.memory_space<vmem>>
      %get3A_402 = arith.index_cast %add3A_375 : i32 to index
      %get3A_403 = arith.constant 16 : index
      %get3A_404 = tpu.vector_load %get3A_401[%get3A_402, %get3A_403] {strides = array<i32>} : memref<200x128xf32, #tpu.memory_space<vmem>>, vector<1x16xf32>,
      %get3A_405 = vector.shape_cast %get3A_404 : vector<1x16xf32> to vector<16xf32>
      %get3A_406 = arith.index_cast %add3A_375 : i32 to index
      %get3A_407 = arith.constant 16 : index
      %get3A_408 = tpu.vector_load %arg7[%get3A_406, %get3A_407] {strides = array<i32>} : memref<200x128xf32, #tpu.memory_space<vmem>>, vector<1x16xf32>,
      %get3A_409 = vector.shape_cast %get3A_408 : vector<1x16xf32> to vector<16xf32>
      %add3A_410 = arith.addf %get3A_405, %get3A_409 : vector<16xf32>
      %swap3A_411 = arith.constant 0 : i32
      %swap3A_412 = arith.constant 0 : i32
      %swap3A_413 = tpu.memref_slice %arg8[%scan3A_117, %swap3A_411, %swap3A_412] : memref<3x200x128xf32, #tpu.memory_space<vmem>> -> memref<1x200x128xf32, #tpu.memory_space<vmem>>
      %swap3A_414 = tpu.memref_squeeze %swap3A_413 : memref<1x200x128xf32, #tpu.memory_space<vmem>> -> memref<200x128xf32, #tpu.memory_space<vmem>>
      %swap3A_415 = arith.index_cast %add3A_375 : i32 to index
      %swap3A_416 = arith.constant 16 : index
      %swap3A_417 = tpu.vector_load %swap3A_414[%swap3A_415, %swap3A_416] {strides = array<i32>} : memref<200x128xf32, #tpu.memory_space<vmem>>, vector<1x16xf32>,
      %swap3A_418 = vector.shape_cast %swap3A_417 : vector<1x16xf32> to vector<16xf32>
      %swap3A_419 = vector.shape_cast %add3A_410 : vector<16xf32> to vector<1x16xf32>
      tpu.vector_store %swap3A_414[%swap3A_415, %swap3A_416], %swap3A_419 {strides = array<i32>} : memref<200x128xf32, #tpu.memory_space<vmem>>, vector<1x16xf32>,
      %get3A_420 = arith.constant 0 : i32
      %get3A_421 = arith.constant 0 : i32
      %get3A_422 = tpu.memref_slice %arg8[%scan3A_117, %get3A_420, %get3A_421] : memref<3x200x128xf32, #tpu.memory_space<vmem>> -> memref<1x200x128xf32, #tpu.memory_space<vmem>>
      %get3A_423 = tpu.memref_squeeze %get3A_422 : memref<1x200x128xf32, #tpu.memory_space<vmem>> -> memref<200x128xf32, #tpu.memory_space<vmem>>
      %get3A_424 = arith.index_cast %add3A_375 : i32 to index
      %get3A_425 = arith.constant 32 : index
      %get3A_426 = tpu.vector_load %get3A_423[%get3A_424, %get3A_425] {strides = array<i32>} : memref<200x128xf32, #tpu.memory_space<vmem>>, vector<1x16xf32>,
      %get3A_427 = vector.shape_cast %get3A_426 : vector<1x16xf32> to vector<16xf32>
      %get3A_428 = arith.index_cast %add3A_375 : i32 to index
      %get3A_429 = arith.constant 32 : index
      %get3A_430 = tpu.vector_load %arg7[%get3A_428, %get3A_429] {strides = array<i32>} : memref<200x128xf32, #tpu.memory_space<vmem>>, vector<1x16xf32>,
      %get3A_431 = vector.shape_cast %get3A_430 : vector<1x16xf32> to vector<16xf32>
      %add3A_432 = arith.addf %get3A_427, %get3A_431 : vector<16xf32>
      %swap3A_433 = arith.constant 0 : i32
      %swap3A_434 = arith.constant 0 : i32
      %swap3A_435 = tpu.memref_slice %arg8[%scan3A_117, %swap3A_433, %swap3A_434] : memref<3x200x128xf32, #tpu.memory_space<vmem>> -> memref<1x200x128xf32, #tpu.memory_space<vmem>>
      %swap3A_436 = tpu.memref_squeeze %swap3A_435 : memref<1x200x128xf32, #tpu.memory_space<vmem>> -> memref<200x128xf32, #tpu.memory_space<vmem>>
      %swap3A_437 = arith.index_cast %add3A_375 : i32 to index
      %swap3A_438 = arith.constant 32 : index
      %swap3A_439 = tpu.vector_load %swap3A_436[%swap3A_437, %swap3A_438] {strides = array<i32>} : memref<200x128xf32, #tpu.memory_space<vmem>>, vector<1x16xf32>,
      %swap3A_440 = vector.shape_cast %swap3A_439 : vector<1x16xf32> to vector<16xf32>
      %swap3A_441 = vector.shape_cast %add3A_432 : vector<16xf32> to vector<1x16xf32>
      tpu.vector_store %swap3A_436[%swap3A_437, %swap3A_438], %swap3A_441 {strides = array<i32>} : memref<200x128xf32, #tpu.memory_space<vmem>>, vector<1x16xf32>,
      %get3A_442 = arith.constant 0 : i32
      %get3A_443 = arith.constant 0 : i32
      %get3A_444 = tpu.memref_slice %arg8[%scan3A_117, %get3A_442, %get3A_443] : memref<3x200x128xf32, #tpu.memory_space<vmem>> -> memref<1x200x128xf32, #tpu.memory_space<vmem>>
      %get3A_445 = tpu.memref_squeeze %get3A_444 : memref<1x200x128xf32, #tpu.memory_space<vmem>> -> memref<200x128xf32, #tpu.memory_space<vmem>>
      %get3A_446 = arith.index_cast %add3A_375 : i32 to index
      %get3A_447 = arith.constant 48 : index
      %get3A_448 = tpu.vector_load %get3A_445[%get3A_446, %get3A_447] {strides = array<i32>} : memref<200x128xf32, #tpu.memory_space<vmem>>, vector<1x16xf32>,
      %get3A_449 = vector.shape_cast %get3A_448 : vector<1x16xf32> to vector<16xf32>
      %get3A_450 = arith.index_cast %add3A_375 : i32 to index
      %get3A_451 = arith.constant 48 : index
      %get3A_452 = tpu.vector_load %arg7[%get3A_450, %get3A_451] {strides = array<i32>} : memref<200x128xf32, #tpu.memory_space<vmem>>, vector<1x16xf32>,
      %get3A_453 = vector.shape_cast %get3A_452 : vector<1x16xf32> to vector<16xf32>
      %add3A_454 = arith.addf %get3A_449, %get3A_453 : vector<16xf32>
      %swap3A_455 = arith.constant 0 : i32
      %swap3A_456 = arith.constant 0 : i32
      %swap3A_457 = tpu.memref_slice %arg8[%scan3A_117, %swap3A_455, %swap3A_456] : memref<3x200x128xf32, #tpu.memory_space<vmem>> -> memref<1x200x128xf32, #tpu.memory_space<vmem>>
      %swap3A_458 = tpu.memref_squeeze %swap3A_457 : memref<1x200x128xf32, #tpu.memory_space<vmem>> -> memref<200x128xf32, #tpu.memory_space<vmem>>
      %swap3A_459 = arith.index_cast %add3A_375 : i32 to index
      %swap3A_460 = arith.constant 48 : index
      %swap3A_461 = tpu.vector_load %swap3A_458[%swap3A_459, %swap3A_460] {strides = array<i32>} : memref<200x128xf32, #tpu.memory_space<vmem>>, vector<1x16xf32>,
      %swap3A_462 = vector.shape_cast %swap3A_461 : vector<1x16xf32> to vector<16xf32>
      %swap3A_463 = vector.shape_cast %add3A_454 : vector<16xf32> to vector<1x16xf32>
      tpu.vector_store %swap3A_458[%swap3A_459, %swap3A_460], %swap3A_463 {strides = array<i32>} : memref<200x128xf32, #tpu.memory_space<vmem>>, vector<1x16xf32>,
      %get3A_464 = arith.constant 0 : i32
      %get3A_465 = arith.constant 0 : i32
      %get3A_466 = tpu.memref_slice %arg8[%scan3A_117, %get3A_464, %get3A_465] : memref<3x200x128xf32, #tpu.memory_space<vmem>> -> memref<1x200x128xf32, #tpu.memory_space<vmem>>
      %get3A_467 = tpu.memref_squeeze %get3A_466 : memref<1x200x128xf32, #tpu.memory_space<vmem>> -> memref<200x128xf32, #tpu.memory_space<vmem>>
      %get3A_468 = arith.index_cast %add3A_375 : i32 to index
      %get3A_469 = arith.constant 64 : index
      %get3A_470 = tpu.vector_load %get3A_467[%get3A_468, %get3A_469] {strides = array<i32>} : memref<200x128xf32, #tpu.memory_space<vmem>>, vector<1x16xf32>,
      %get3A_471 = vector.shape_cast %get3A_470 : vector<1x16xf32> to vector<16xf32>
      %get3A_472 = arith.index_cast %add3A_375 : i32 to index
      %get3A_473 = arith.constant 64 : index
      %get3A_474 = tpu.vector_load %arg7[%get3A_472, %get3A_473] {strides = array<i32>} : memref<200x128xf32, #tpu.memory_space<vmem>>, vector<1x16xf32>,
      %get3A_475 = vector.shape_cast %get3A_474 : vector<1x16xf32> to vector<16xf32>
      %add3A_476 = arith.addf %get3A_471, %get3A_475 : vector<16xf32>
      %swap3A_477 = arith.constant 0 : i32
      %swap3A_478 = arith.constant 0 : i32
      %swap3A_479 = tpu.memref_slice %arg8[%scan3A_117, %swap3A_477, %swap3A_478] : memref<3x200x128xf32, #tpu.memory_space<vmem>> -> memref<1x200x128xf32, #tpu.memory_space<vmem>>
      %swap3A_480 = tpu.memref_squeeze %swap3A_479 : memref<1x200x128xf32, #tpu.memory_space<vmem>> -> memref<200x128xf32, #tpu.memory_space<vmem>>
      %swap3A_481 = arith.index_cast %add3A_375 : i32 to index
      %swap3A_482 = arith.constant 64 : index
      %swap3A_483 = tpu.vector_load %swap3A_480[%swap3A_481, %swap3A_482] {strides = array<i32>} : memref<200x128xf32, #tpu.memory_space<vmem>>, vector<1x16xf32>,
      %swap3A_484 = vector.shape_cast %swap3A_483 : vector<1x16xf32> to vector<16xf32>
      %swap3A_485 = vector.shape_cast %add3A_476 : vector<16xf32> to vector<1x16xf32>
      tpu.vector_store %swap3A_480[%swap3A_481, %swap3A_482], %swap3A_485 {strides = array<i32>} : memref<200x128xf32, #tpu.memory_space<vmem>>, vector<1x16xf32>,
      %get3A_486 = arith.constant 0 : i32
      %get3A_487 = arith.constant 0 : i32
      %get3A_488 = tpu.memref_slice %arg8[%scan3A_117, %get3A_486, %get3A_487] : memref<3x200x128xf32, #tpu.memory_space<vmem>> -> memref<1x200x128xf32, #tpu.memory_space<vmem>>
      %get3A_489 = tpu.memref_squeeze %get3A_488 : memref<1x200x128xf32, #tpu.memory_space<vmem>> -> memref<200x128xf32, #tpu.memory_space<vmem>>
      %get3A_490 = arith.index_cast %add3A_375 : i32 to index
      %get3A_491 = arith.constant 80 : index
      %get3A_492 = tpu.vector_load %get3A_489[%get3A_490, %get3A_491] {strides = array<i32>} : memref<200x128xf32, #tpu.memory_space<vmem>>, vector<1x16xf32>,
      %get3A_493 = vector.shape_cast %get3A_492 : vector<1x16xf32> to vector<16xf32>
      %get3A_494 = arith.index_cast %add3A_375 : i32 to index
      %get3A_495 = arith.constant 80 : index
      %get3A_496 = tpu.vector_load %arg7[%get3A_494, %get3A_495] {strides = array<i32>} : memref<200x128xf32, #tpu.memory_space<vmem>>, vector<1x16xf32>,
      %get3A_497 = vector.shape_cast %get3A_496 : vector<1x16xf32> to vector<16xf32>
      %add3A_498 = arith.addf %get3A_493, %get3A_497 : vector<16xf32>
      %swap3A_499 = arith.constant 0 : i32
      %swap3A_500 = arith.constant 0 : i32
      %swap3A_501 = tpu.memref_slice %arg8[%scan3A_117, %swap3A_499, %swap3A_500] : memref<3x200x128xf32, #tpu.memory_space<vmem>> -> memref<1x200x128xf32, #tpu.memory_space<vmem>>
      %swap3A_502 = tpu.memref_squeeze %swap3A_501 : memref<1x200x128xf32, #tpu.memory_space<vmem>> -> memref<200x128xf32, #tpu.memory_space<vmem>>
      %swap3A_503 = arith.index_cast %add3A_375 : i32 to index
      %swap3A_504 = arith.constant 80 : index
      %swap3A_505 = tpu.vector_load %swap3A_502[%swap3A_503, %swap3A_504] {strides = array<i32>} : memref<200x128xf32, #tpu.memory_space<vmem>>, vector<1x16xf32>,
      %swap3A_506 = vector.shape_cast %swap3A_505 : vector<1x16xf32> to vector<16xf32>
      %swap3A_507 = vector.shape_cast %add3A_498 : vector<16xf32> to vector<1x16xf32>
      tpu.vector_store %swap3A_502[%swap3A_503, %swap3A_504], %swap3A_507 {strides = array<i32>} : memref<200x128xf32, #tpu.memory_space<vmem>>, vector<1x16xf32>,
      %get3A_508 = arith.constant 0 : i32
      %get3A_509 = arith.constant 0 : i32
      %get3A_510 = tpu.memref_slice %arg8[%scan3A_117, %get3A_508, %get3A_509] : memref<3x200x128xf32, #tpu.memory_space<vmem>> -> memref<1x200x128xf32, #tpu.memory_space<vmem>>
      %get3A_511 = tpu.memref_squeeze %get3A_510 : memref<1x200x128xf32, #tpu.memory_space<vmem>> -> memref<200x128xf32, #tpu.memory_space<vmem>>
      %get3A_512 = arith.index_cast %add3A_375 : i32 to index
      %get3A_513 = arith.constant 96 : index
      %get3A_514 = tpu.vector_load %get3A_511[%get3A_512, %get3A_513] {strides = array<i32>} : memref<200x128xf32, #tpu.memory_space<vmem>>, vector<1x16xf32>,
      %get3A_515 = vector.shape_cast %get3A_514 : vector<1x16xf32> to vector<16xf32>
      %get3A_516 = arith.index_cast %add3A_375 : i32 to index
      %get3A_517 = arith.constant 96 : index
      %get3A_518 = tpu.vector_load %arg7[%get3A_516, %get3A_517] {strides = array<i32>} : memref<200x128xf32, #tpu.memory_space<vmem>>, vector<1x16xf32>,
      %get3A_519 = vector.shape_cast %get3A_518 : vector<1x16xf32> to vector<16xf32>
      %add3A_520 = arith.addf %get3A_515, %get3A_519 : vector<16xf32>
      %swap3A_521 = arith.constant 0 : i32
      %swap3A_522 = arith.constant 0 : i32
      %swap3A_523 = tpu.memref_slice %arg8[%scan3A_117, %swap3A_521, %swap3A_522] : memref<3x200x128xf32, #tpu.memory_space<vmem>> -> memref<1x200x128xf32, #tpu.memory_space<vmem>>
      %swap3A_524 = tpu.memref_squeeze %swap3A_523 : memref<1x200x128xf32, #tpu.memory_space<vmem>> -> memref<200x128xf32, #tpu.memory_space<vmem>>
      %swap3A_525 = arith.index_cast %add3A_375 : i32 to index
      %swap3A_526 = arith.constant 96 : index
      %swap3A_527 = tpu.vector_load %swap3A_524[%swap3A_525, %swap3A_526] {strides = array<i32>} : memref<200x128xf32, #tpu.memory_space<vmem>>, vector<1x16xf32>,
      %swap3A_528 = vector.shape_cast %swap3A_527 : vector<1x16xf32> to vector<16xf32>
      %swap3A_529 = vector.shape_cast %add3A_520 : vector<16xf32> to vector<1x16xf32>
      tpu.vector_store %swap3A_524[%swap3A_525, %swap3A_526], %swap3A_529 {strides = array<i32>} : memref<200x128xf32, #tpu.memory_space<vmem>>, vector<1x16xf32>,
      %get3A_530 = arith.constant 0 : i32
      %get3A_531 = arith.constant 0 : i32
      %get3A_532 = tpu.memref_slice %arg8[%scan3A_117, %get3A_530, %get3A_531] : memref<3x200x128xf32, #tpu.memory_space<vmem>> -> memref<1x200x128xf32, #tpu.memory_space<vmem>>
      %get3A_533 = tpu.memref_squeeze %get3A_532 : memref<1x200x128xf32, #tpu.memory_space<vmem>> -> memref<200x128xf32, #tpu.memory_space<vmem>>
      %get3A_534 = arith.index_cast %add3A_375 : i32 to index
      %get3A_535 = arith.constant 112 : index
      %get3A_536 = tpu.vector_load %get3A_533[%get3A_534, %get3A_535] {strides = array<i32>} : memref<200x128xf32, #tpu.memory_space<vmem>>, vector<1x16xf32>,
      %get3A_537 = vector.shape_cast %get3A_536 : vector<1x16xf32> to vector<16xf32>
      %get3A_538 = arith.index_cast %add3A_375 : i32 to index
      %get3A_539 = arith.constant 112 : index
      %get3A_540 = tpu.vector_load %arg7[%get3A_538, %get3A_539] {strides = array<i32>} : memref<200x128xf32, #tpu.memory_space<vmem>>, vector<1x16xf32>,
      %get3A_541 = vector.shape_cast %get3A_540 : vector<1x16xf32> to vector<16xf32>
      %add3A_542 = arith.addf %get3A_537, %get3A_541 : vector<16xf32>
      %swap3A_543 = arith.constant 0 : i32
      %swap3A_544 = arith.constant 0 : i32
      %swap3A_545 = tpu.memref_slice %arg8[%scan3A_117, %swap3A_543, %swap3A_544] : memref<3x200x128xf32, #tpu.memory_space<vmem>> -> memref<1x200x128xf32, #tpu.memory_space<vmem>>
      %swap3A_546 = tpu.memref_squeeze %swap3A_545 : memref<1x200x128xf32, #tpu.memory_space<vmem>> -> memref<200x128xf32, #tpu.memory_space<vmem>>
      %swap3A_547 = arith.index_cast %add3A_375 : i32 to index
      %swap3A_548 = arith.constant 112 : index
      %swap3A_549 = tpu.vector_load %swap3A_546[%swap3A_547, %swap3A_548] {strides = array<i32>} : memref<200x128xf32, #tpu.memory_space<vmem>>, vector<1x16xf32>,
      %swap3A_550 = vector.shape_cast %swap3A_549 : vector<1x16xf32> to vector<16xf32>
      %swap3A_551 = vector.shape_cast %add3A_542 : vector<16xf32> to vector<1x16xf32>
      tpu.vector_store %swap3A_546[%swap3A_547, %swap3A_548], %swap3A_551 {strides = array<i32>} : memref<200x128xf32, #tpu.memory_space<vmem>>, vector<1x16xf32>,
      %add3A_552 = arith.constant 2 : i32
      %add3A_553 = arith.addi %mul3A_197, %add3A_552 : i32
      %get3A_554 = arith.constant 0 : i32
      %get3A_555 = arith.constant 0 : i32
      %get3A_556 = tpu.memref_slice %arg8[%scan3A_117, %get3A_554, %get3A_555] : memref<3x200x128xf32, #tpu.memory_space<vmem>> -> memref<1x200x128xf32, #tpu.memory_space<vmem>>
      %get3A_557 = tpu.memref_squeeze %get3A_556 : memref<1x200x128xf32, #tpu.memory_space<vmem>> -> memref<200x128xf32, #tpu.memory_space<vmem>>
      %get3A_558 = arith.index_cast %add3A_553 : i32 to index
      %get3A_559 = arith.constant 0 : index
      %get3A_560 = tpu.vector_load %get3A_557[%get3A_558, %get3A_559] {strides = array<i32>} : memref<200x128xf32, #tpu.memory_space<vmem>>, vector<1x16xf32>,
      %get3A_561 = vector.shape_cast %get3A_560 : vector<1x16xf32> to vector<16xf32>
      %get3A_562 = arith.index_cast %add3A_553 : i32 to index
      %get3A_563 = arith.constant 0 : index
      %get3A_564 = tpu.vector_load %arg7[%get3A_562, %get3A_563] {strides = array<i32>} : memref<200x128xf32, #tpu.memory_space<vmem>>, vector<1x16xf32>,
      %get3A_565 = vector.shape_cast %get3A_564 : vector<1x16xf32> to vector<16xf32>
      %add3A_566 = arith.addf %get3A_561, %get3A_565 : vector<16xf32>
      %swap3A_567 = arith.constant 0 : i32
      %swap3A_568 = arith.constant 0 : i32
      %swap3A_569 = tpu.memref_slice %arg8[%scan3A_117, %swap3A_567, %swap3A_568] : memref<3x200x128xf32, #tpu.memory_space<vmem>> -> memref<1x200x128xf32, #tpu.memory_space<vmem>>
      %swap3A_570 = tpu.memref_squeeze %swap3A_569 : memref<1x200x128xf32, #tpu.memory_space<vmem>> -> memref<200x128xf32, #tpu.memory_space<vmem>>
      %swap3A_571 = arith.index_cast %add3A_553 : i32 to index
      %swap3A_572 = arith.constant 0 : index
      %swap3A_573 = tpu.vector_load %swap3A_570[%swap3A_571, %swap3A_572] {strides = array<i32>} : memref<200x128xf32, #tpu.memory_space<vmem>>, vector<1x16xf32>,
      %swap3A_574 = vector.shape_cast %swap3A_573 : vector<1x16xf32> to vector<16xf32>
      %swap3A_575 = vector.shape_cast %add3A_566 : vector<16xf32> to vector<1x16xf32>
      tpu.vector_store %swap3A_570[%swap3A_571, %swap3A_572], %swap3A_575 {strides = array<i32>} : memref<200x128xf32, #tpu.memory_space<vmem>>, vector<1x16xf32>,
      %get3A_576 = arith.constant 0 : i32
      %get3A_577 = arith.constant 0 : i32
      %get3A_578 = tpu.memref_slice %arg8[%scan3A_117, %get3A_576, %get3A_577] : memref<3x200x128xf32, #tpu.memory_space<vmem>> -> memref<1x200x128xf32, #tpu.memory_space<vmem>>
      %get3A_579 = tpu.memref_squeeze %get3A_578 : memref<1x200x128xf32, #tpu.memory_space<vmem>> -> memref<200x128xf32, #tpu.memory_space<vmem>>
      %get3A_580 = arith.index_cast %add3A_553 : i32 to index
      %get3A_581 = arith.constant 16 : index
      %get3A_582 = tpu.vector_load %get3A_579[%get3A_580, %get3A_581] {strides = array<i32>} : memref<200x128xf32, #tpu.memory_space<vmem>>, vector<1x16xf32>,
      %get3A_583 = vector.shape_cast %get3A_582 : vector<1x16xf32> to vector<16xf32>
      %get3A_584 = arith.index_cast %add3A_553 : i32 to index
      %get3A_585 = arith.constant 16 : index
      %get3A_586 = tpu.vector_load %arg7[%get3A_584, %get3A_585] {strides = array<i32>} : memref<200x128xf32, #tpu.memory_space<vmem>>, vector<1x16xf32>,
      %get3A_587 = vector.shape_cast %get3A_586 : vector<1x16xf32> to vector<16xf32>
      %add3A_588 = arith.addf %get3A_583, %get3A_587 : vector<16xf32>
      %swap3A_589 = arith.constant 0 : i32
      %swap3A_590 = arith.constant 0 : i32
      %swap3A_591 = tpu.memref_slice %arg8[%scan3A_117, %swap3A_589, %swap3A_590] : memref<3x200x128xf32, #tpu.memory_space<vmem>> -> memref<1x200x128xf32, #tpu.memory_space<vmem>>
      %swap3A_592 = tpu.memref_squeeze %swap3A_591 : memref<1x200x128xf32, #tpu.memory_space<vmem>> -> memref<200x128xf32, #tpu.memory_space<vmem>>
      %swap3A_593 = arith.index_cast %add3A_553 : i32 to index
      %swap3A_594 = arith.constant 16 : index
      %swap3A_595 = tpu.vector_load %swap3A_592[%swap3A_593, %swap3A_594] {strides = array<i32>} : memref<200x128xf32, #tpu.memory_space<vmem>>, vector<1x16xf32>,
      %swap3A_596 = vector.shape_cast %swap3A_595 : vector<1x16xf32> to vector<16xf32>
      %swap3A_597 = vector.shape_cast %add3A_588 : vector<16xf32> to vector<1x16xf32>
      tpu.vector_store %swap3A_592[%swap3A_593, %swap3A_594], %swap3A_597 {strides = array<i32>} : memref<200x128xf32, #tpu.memory_space<vmem>>, vector<1x16xf32>,
      %get3A_598 = arith.constant 0 : i32
      %get3A_599 = arith.constant 0 : i32
      %get3A_600 = tpu.memref_slice %arg8[%scan3A_117, %get3A_598, %get3A_599] : memref<3x200x128xf32, #tpu.memory_space<vmem>> -> memref<1x200x128xf32, #tpu.memory_space<vmem>>
      %get3A_601 = tpu.memref_squeeze %get3A_600 : memref<1x200x128xf32, #tpu.memory_space<vmem>> -> memref<200x128xf32, #tpu.memory_space<vmem>>
      %get3A_602 = arith.index_cast %add3A_553 : i32 to index
      %get3A_603 = arith.constant 32 : index
      %get3A_604 = tpu.vector_load %get3A_601[%get3A_602, %get3A_603] {strides = array<i32>} : memref<200x128xf32, #tpu.memory_space<vmem>>, vector<1x16xf32>,
      %get3A_605 = vector.shape_cast %get3A_604 : vector<1x16xf32> to vector<16xf32>
      %get3A_606 = arith.index_cast %add3A_553 : i32 to index
      %get3A_607 = arith.constant 32 : index
      %get3A_608 = tpu.vector_load %arg7[%get3A_606, %get3A_607] {strides = array<i32>} : memref<200x128xf32, #tpu.memory_space<vmem>>, vector<1x16xf32>,
      %get3A_609 = vector.shape_cast %get3A_608 : vector<1x16xf32> to vector<16xf32>
      %add3A_610 = arith.addf %get3A_605, %get3A_609 : vector<16xf32>
      %swap3A_611 = arith.constant 0 : i32
      %swap3A_612 = arith.constant 0 : i32
      %swap3A_613 = tpu.memref_slice %arg8[%scan3A_117, %swap3A_611, %swap3A_612] : memref<3x200x128xf32, #tpu.memory_space<vmem>> -> memref<1x200x128xf32, #tpu.memory_space<vmem>>
      %swap3A_614 = tpu.memref_squeeze %swap3A_613 : memref<1x200x128xf32, #tpu.memory_space<vmem>> -> memref<200x128xf32, #tpu.memory_space<vmem>>
      %swap3A_615 = arith.index_cast %add3A_553 : i32 to index
      %swap3A_616 = arith.constant 32 : index
      %swap3A_617 = tpu.vector_load %swap3A_614[%swap3A_615, %swap3A_616] {strides = array<i32>} : memref<200x128xf32, #tpu.memory_space<vmem>>, vector<1x16xf32>,
      %swap3A_618 = vector.shape_cast %swap3A_617 : vector<1x16xf32> to vector<16xf32>
      %swap3A_619 = vector.shape_cast %add3A_610 : vector<16xf32> to vector<1x16xf32>
      tpu.vector_store %swap3A_614[%swap3A_615, %swap3A_616], %swap3A_619 {strides = array<i32>} : memref<200x128xf32, #tpu.memory_space<vmem>>, vector<1x16xf32>,
      %get3A_620 = arith.constant 0 : i32
      %get3A_621 = arith.constant 0 : i32
      %get3A_622 = tpu.memref_slice %arg8[%scan3A_117, %get3A_620, %get3A_621] : memref<3x200x128xf32, #tpu.memory_space<vmem>> -> memref<1x200x128xf32, #tpu.memory_space<vmem>>
      %get3A_623 = tpu.memref_squeeze %get3A_622 : memref<1x200x128xf32, #tpu.memory_space<vmem>> -> memref<200x128xf32, #tpu.memory_space<vmem>>
      %get3A_624 = arith.index_cast %add3A_553 : i32 to index
      %get3A_625 = arith.constant 48 : index
      %get3A_626 = tpu.vector_load %get3A_623[%get3A_624, %get3A_625] {strides = array<i32>} : memref<200x128xf32, #tpu.memory_space<vmem>>, vector<1x16xf32>,
      %get3A_627 = vector.shape_cast %get3A_626 : vector<1x16xf32> to vector<16xf32>
      %get3A_628 = arith.index_cast %add3A_553 : i32 to index
      %get3A_629 = arith.constant 48 : index
      %get3A_630 = tpu.vector_load %arg7[%get3A_628, %get3A_629] {strides = array<i32>} : memref<200x128xf32, #tpu.memory_space<vmem>>, vector<1x16xf32>,
      %get3A_631 = vector.shape_cast %get3A_630 : vector<1x16xf32> to vector<16xf32>
      %add3A_632 = arith.addf %get3A_627, %get3A_631 : vector<16xf32>
      %swap3A_633 = arith.constant 0 : i32
      %swap3A_634 = arith.constant 0 : i32
      %swap3A_635 = tpu.memref_slice %arg8[%scan3A_117, %swap3A_633, %swap3A_634] : memref<3x200x128xf32, #tpu.memory_space<vmem>> -> memref<1x200x128xf32, #tpu.memory_space<vmem>>
      %swap3A_636 = tpu.memref_squeeze %swap3A_635 : memref<1x200x128xf32, #tpu.memory_space<vmem>> -> memref<200x128xf32, #tpu.memory_space<vmem>>
      %swap3A_637 = arith.index_cast %add3A_553 : i32 to index
      %swap3A_638 = arith.constant 48 : index
      %swap3A_639 = tpu.vector_load %swap3A_636[%swap3A_637, %swap3A_638] {strides = array<i32>} : memref<200x128xf32, #tpu.memory_space<vmem>>, vector<1x16xf32>,
      %swap3A_640 = vector.shape_cast %swap3A_639 : vector<1x16xf32> to vector<16xf32>
      %swap3A_641 = vector.shape_cast %add3A_632 : vector<16xf32> to vector<1x16xf32>
      tpu.vector_store %swap3A_636[%swap3A_637, %swap3A_638], %swap3A_641 {strides = array<i32>} : memref<200x128xf32, #tpu.memory_space<vmem>>, vector<1x16xf32>,
      %get3A_642 = arith.constant 0 : i32
      %get3A_643 = arith.constant 0 : i32
      %get3A_644 = tpu.memref_slice %arg8[%scan3A_117, %get3A_642, %get3A_643] : memref<3x200x128xf32, #tpu.memory_space<vmem>> -> memref<1x200x128xf32, #tpu.memory_space<vmem>>
      %get3A_645 = tpu.memref_squeeze %get3A_644 : memref<1x200x128xf32, #tpu.memory_space<vmem>> -> memref<200x128xf32, #tpu.memory_space<vmem>>
      %get3A_646 = arith.index_cast %add3A_553 : i32 to index
      %get3A_647 = arith.constant 64 : index
      %get3A_648 = tpu.vector_load %get3A_645[%get3A_646, %get3A_647] {strides = array<i32>} : memref<200x128xf32, #tpu.memory_space<vmem>>, vector<1x16xf32>,
      %get3A_649 = vector.shape_cast %get3A_648 : vector<1x16xf32> to vector<16xf32>
      %get3A_650 = arith.index_cast %add3A_553 : i32 to index
      %get3A_651 = arith.constant 64 : index
      %get3A_652 = tpu.vector_load %arg7[%get3A_650, %get3A_651] {strides = array<i32>} : memref<200x128xf32, #tpu.memory_space<vmem>>, vector<1x16xf32>,
      %get3A_653 = vector.shape_cast %get3A_652 : vector<1x16xf32> to vector<16xf32>
      %add3A_654 = arith.addf %get3A_649, %get3A_653 : vector<16xf32>
      %swap3A_655 = arith.constant 0 : i32
      %swap3A_656 = arith.constant 0 : i32
      %swap3A_657 = tpu.memref_slice %arg8[%scan3A_117, %swap3A_655, %swap3A_656] : memref<3x200x128xf32, #tpu.memory_space<vmem>> -> memref<1x200x128xf32, #tpu.memory_space<vmem>>
      %swap3A_658 = tpu.memref_squeeze %swap3A_657 : memref<1x200x128xf32, #tpu.memory_space<vmem>> -> memref<200x128xf32, #tpu.memory_space<vmem>>
      %swap3A_659 = arith.index_cast %add3A_553 : i32 to index
      %swap3A_660 = arith.constant 64 : index
      %swap3A_661 = tpu.vector_load %swap3A_658[%swap3A_659, %swap3A_660] {strides = array<i32>} : memref<200x128xf32, #tpu.memory_space<vmem>>, vector<1x16xf32>,
      %swap3A_662 = vector.shape_cast %swap3A_661 : vector<1x16xf32> to vector<16xf32>
      %swap3A_663 = vector.shape_cast %add3A_654 : vector<16xf32> to vector<1x16xf32>
      tpu.vector_store %swap3A_658[%swap3A_659, %swap3A_660], %swap3A_663 {strides = array<i32>} : memref<200x128xf32, #tpu.memory_space<vmem>>, vector<1x16xf32>,
      %get3A_664 = arith.constant 0 : i32
      %get3A_665 = arith.constant 0 : i32
      %get3A_666 = tpu.memref_slice %arg8[%scan3A_117, %get3A_664, %get3A_665] : memref<3x200x128xf32, #tpu.memory_space<vmem>> -> memref<1x200x128xf32, #tpu.memory_space<vmem>>
      %get3A_667 = tpu.memref_squeeze %get3A_666 : memref<1x200x128xf32, #tpu.memory_space<vmem>> -> memref<200x128xf32, #tpu.memory_space<vmem>>
      %get3A_668 = arith.index_cast %add3A_553 : i32 to index
      %get3A_669 = arith.constant 80 : index
      %get3A_670 = tpu.vector_load %get3A_667[%get3A_668, %get3A_669] {strides = array<i32>} : memref<200x128xf32, #tpu.memory_space<vmem>>, vector<1x16xf32>,
      %get3A_671 = vector.shape_cast %get3A_670 : vector<1x16xf32> to vector<16xf32>
      %get3A_672 = arith.index_cast %add3A_553 : i32 to index
      %get3A_673 = arith.constant 80 : index
      %get3A_674 = tpu.vector_load %arg7[%get3A_672, %get3A_673] {strides = array<i32>} : memref<200x128xf32, #tpu.memory_space<vmem>>, vector<1x16xf32>,
      %get3A_675 = vector.shape_cast %get3A_674 : vector<1x16xf32> to vector<16xf32>
      %add3A_676 = arith.addf %get3A_671, %get3A_675 : vector<16xf32>
      %swap3A_677 = arith.constant 0 : i32
      %swap3A_678 = arith.constant 0 : i32
      %swap3A_679 = tpu.memref_slice %arg8[%scan3A_117, %swap3A_677, %swap3A_678] : memref<3x200x128xf32, #tpu.memory_space<vmem>> -> memref<1x200x128xf32, #tpu.memory_space<vmem>>
      %swap3A_680 = tpu.memref_squeeze %swap3A_679 : memref<1x200x128xf32, #tpu.memory_space<vmem>> -> memref<200x128xf32, #tpu.memory_space<vmem>>
      %swap3A_681 = arith.index_cast %add3A_553 : i32 to index
      %swap3A_682 = arith.constant 80 : index
      %swap3A_683 = tpu.vector_load %swap3A_680[%swap3A_681, %swap3A_682] {strides = array<i32>} : memref<200x128xf32, #tpu.memory_space<vmem>>, vector<1x16xf32>,
      %swap3A_684 = vector.shape_cast %swap3A_683 : vector<1x16xf32> to vector<16xf32>
      %swap3A_685 = vector.shape_cast %add3A_676 : vector<16xf32> to vector<1x16xf32>
      tpu.vector_store %swap3A_680[%swap3A_681, %swap3A_682], %swap3A_685 {strides = array<i32>} : memref<200x128xf32, #tpu.memory_space<vmem>>, vector<1x16xf32>,
      %get3A_686 = arith.constant 0 : i32
      %get3A_687 = arith.constant 0 : i32
      %get3A_688 = tpu.memref_slice %arg8[%scan3A_117, %get3A_686, %get3A_687] : memref<3x200x128xf32, #tpu.memory_space<vmem>> -> memref<1x200x128xf32, #tpu.memory_space<vmem>>
      %get3A_689 = tpu.memref_squeeze %get3A_688 : memref<1x200x128xf32, #tpu.memory_space<vmem>> -> memref<200x128xf32, #tpu.memory_space<vmem>>
      %get3A_690 = arith.index_cast %add3A_553 : i32 to index
      %get3A_691 = arith.constant 96 : index
      %get3A_692 = tpu.vector_load %get3A_689[%get3A_690, %get3A_691] {strides = array<i32>} : memref<200x128xf32, #tpu.memory_space<vmem>>, vector<1x16xf32>,
      %get3A_693 = vector.shape_cast %get3A_692 : vector<1x16xf32> to vector<16xf32>
      %get3A_694 = arith.index_cast %add3A_553 : i32 to index
      %get3A_695 = arith.constant 96 : index
      %get3A_696 = tpu.vector_load %arg7[%get3A_694, %get3A_695] {strides = array<i32>} : memref<200x128xf32, #tpu.memory_space<vmem>>, vector<1x16xf32>,
      %get3A_697 = vector.shape_cast %get3A_696 : vector<1x16xf32> to vector<16xf32>
      %add3A_698 = arith.addf %get3A_693, %get3A_697 : vector<16xf32>
      %swap3A_699 = arith.constant 0 : i32
      %swap3A_700 = arith.constant 0 : i32
      %swap3A_701 = tpu.memref_slice %arg8[%scan3A_117, %swap3A_699, %swap3A_700] : memref<3x200x128xf32, #tpu.memory_space<vmem>> -> memref<1x200x128xf32, #tpu.memory_space<vmem>>
      %swap3A_702 = tpu.memref_squeeze %swap3A_701 : memref<1x200x128xf32, #tpu.memory_space<vmem>> -> memref<200x128xf32, #tpu.memory_space<vmem>>
      %swap3A_703 = arith.index_cast %add3A_553 : i32 to index
      %swap3A_704 = arith.constant 96 : index
      %swap3A_705 = tpu.vector_load %swap3A_702[%swap3A_703, %swap3A_704] {strides = array<i32>} : memref<200x128xf32, #tpu.memory_space<vmem>>, vector<1x16xf32>,
      %swap3A_706 = vector.shape_cast %swap3A_705 : vector<1x16xf32> to vector<16xf32>
      %swap3A_707 = vector.shape_cast %add3A_698 : vector<16xf32> to vector<1x16xf32>
      tpu.vector_store %swap3A_702[%swap3A_703, %swap3A_704], %swap3A_707 {strides = array<i32>} : memref<200x128xf32, #tpu.memory_space<vmem>>, vector<1x16xf32>,
      %get3A_708 = arith.constant 0 : i32
      %get3A_709 = arith.constant 0 : i32
      %get3A_710 = tpu.memref_slice %arg8[%scan3A_117, %get3A_708, %get3A_709] : memref<3x200x128xf32, #tpu.memory_space<vmem>> -> memref<1x200x128xf32, #tpu.memory_space<vmem>>
      %get3A_711 = tpu.memref_squeeze %get3A_710 : memref<1x200x128xf32, #tpu.memory_space<vmem>> -> memref<200x128xf32, #tpu.memory_space<vmem>>
      %get3A_712 = arith.index_cast %add3A_553 : i32 to index
      %get3A_713 = arith.constant 112 : index
      %get3A_714 = tpu.vector_load %get3A_711[%get3A_712, %get3A_713] {strides = array<i32>} : memref<200x128xf32, #tpu.memory_space<vmem>>, vector<1x16xf32>,
      %get3A_715 = vector.shape_cast %get3A_714 : vector<1x16xf32> to vector<16xf32>
      %get3A_716 = arith.index_cast %add3A_553 : i32 to index
      %get3A_717 = arith.constant 112 : index
      %get3A_718 = tpu.vector_load %arg7[%get3A_716, %get3A_717] {strides = array<i32>} : memref<200x128xf32, #tpu.memory_space<vmem>>, vector<1x16xf32>,
      %get3A_719 = vector.shape_cast %get3A_718 : vector<1x16xf32> to vector<16xf32>
      %add3A_720 = arith.addf %get3A_715, %get3A_719 : vector<16xf32>
      %swap3A_721 = arith.constant 0 : i32
      %swap3A_722 = arith.constant 0 : i32
      %swap3A_723 = tpu.memref_slice %arg8[%scan3A_117, %swap3A_721, %swap3A_722] : memref<3x200x128xf32, #tpu.memory_space<vmem>> -> memref<1x200x128xf32, #tpu.memory_space<vmem>>
      %swap3A_724 = tpu.memref_squeeze %swap3A_723 : memref<1x200x128xf32, #tpu.memory_space<vmem>> -> memref<200x128xf32, #tpu.memory_space<vmem>>
      %swap3A_725 = arith.index_cast %add3A_553 : i32 to index
      %swap3A_726 = arith.constant 112 : index
      %swap3A_727 = tpu.vector_load %swap3A_724[%swap3A_725, %swap3A_726] {strides = array<i32>} : memref<200x128xf32, #tpu.memory_space<vmem>>, vector<1x16xf32>,
      %swap3A_728 = vector.shape_cast %swap3A_727 : vector<1x16xf32> to vector<16xf32>
      %swap3A_729 = vector.shape_cast %add3A_720 : vector<16xf32> to vector<1x16xf32>
      tpu.vector_store %swap3A_724[%swap3A_725, %swap3A_726], %swap3A_729 {strides = array<i32>} : memref<200x128xf32, #tpu.memory_space<vmem>>, vector<1x16xf32>,
      %add3A_730 = arith.constant 3 : i32
      %add3A_731 = arith.addi %mul3A_197, %add3A_730 : i32
      %get3A_732 = arith.constant 0 : i32
      %get3A_733 = arith.constant 0 : i32
      %get3A_734 = tpu.memref_slice %arg8[%scan3A_117, %get3A_732, %get3A_733] : memref<3x200x128xf32, #tpu.memory_space<vmem>> -> memref<1x200x128xf32, #tpu.memory_space<vmem>>
      %get3A_735 = tpu.memref_squeeze %get3A_734 : memref<1x200x128xf32, #tpu.memory_space<vmem>> -> memref<200x128xf32, #tpu.memory_space<vmem>>
      %get3A_736 = arith.index_cast %add3A_731 : i32 to index
      %get3A_737 = arith.constant 0 : index
      %get3A_738 = tpu.vector_load %get3A_735[%get3A_736, %get3A_737] {strides = array<i32>} : memref<200x128xf32, #tpu.memory_space<vmem>>, vector<1x16xf32>,
      %get3A_739 = vector.shape_cast %get3A_738 : vector<1x16xf32> to vector<16xf32>
      %get3A_740 = arith.index_cast %add3A_731 : i32 to index
      %get3A_741 = arith.constant 0 : index
      %get3A_742 = tpu.vector_load %arg7[%get3A_740, %get3A_741] {strides = array<i32>} : memref<200x128xf32, #tpu.memory_space<vmem>>, vector<1x16xf32>,
      %get3A_743 = vector.shape_cast %get3A_742 : vector<1x16xf32> to vector<16xf32>
      %add3A_744 = arith.addf %get3A_739, %get3A_743 : vector<16xf32>
      %swap3A_745 = arith.constant 0 : i32
      %swap3A_746 = arith.constant 0 : i32
      %swap3A_747 = tpu.memref_slice %arg8[%scan3A_117, %swap3A_745, %swap3A_746] : memref<3x200x128xf32, #tpu.memory_space<vmem>> -> memref<1x200x128xf32, #tpu.memory_space<vmem>>
      %swap3A_748 = tpu.memref_squeeze %swap3A_747 : memref<1x200x128xf32, #tpu.memory_space<vmem>> -> memref<200x128xf32, #tpu.memory_space<vmem>>
      %swap3A_749 = arith.index_cast %add3A_731 : i32 to index
      %swap3A_750 = arith.constant 0 : index
      %swap3A_751 = tpu.vector_load %swap3A_748[%swap3A_749, %swap3A_750] {strides = array<i32>} : memref<200x128xf32, #tpu.memory_space<vmem>>, vector<1x16xf32>,
      %swap3A_752 = vector.shape_cast %swap3A_751 : vector<1x16xf32> to vector<16xf32>
      %swap3A_753 = vector.shape_cast %add3A_744 : vector<16xf32> to vector<1x16xf32>
      tpu.vector_store %swap3A_748[%swap3A_749, %swap3A_750], %swap3A_753 {strides = array<i32>} : memref<200x128xf32, #tpu.memory_space<vmem>>, vector<1x16xf32>,
      %get3A_754 = arith.constant 0 : i32
      %get3A_755 = arith.constant 0 : i32
      %get3A_756 = tpu.memref_slice %arg8[%scan3A_117, %get3A_754, %get3A_755] : memref<3x200x128xf32, #tpu.memory_space<vmem>> -> memref<1x200x128xf32, #tpu.memory_space<vmem>>
      %get3A_757 = tpu.memref_squeeze %get3A_756 : memref<1x200x128xf32, #tpu.memory_space<vmem>> -> memref<200x128xf32, #tpu.memory_space<vmem>>
      %get3A_758 = arith.index_cast %add3A_731 : i32 to index
      %get3A_759 = arith.constant 16 : index
      %get3A_760 = tpu.vector_load %get3A_757[%get3A_758, %get3A_759] {strides = array<i32>} : memref<200x128xf32, #tpu.memory_space<vmem>>, vector<1x16xf32>,
      %get3A_761 = vector.shape_cast %get3A_760 : vector<1x16xf32> to vector<16xf32>
      %get3A_762 = arith.index_cast %add3A_731 : i32 to index
      %get3A_763 = arith.constant 16 : index
      %get3A_764 = tpu.vector_load %arg7[%get3A_762, %get3A_763] {strides = array<i32>} : memref<200x128xf32, #tpu.memory_space<vmem>>, vector<1x16xf32>,
      %get3A_765 = vector.shape_cast %get3A_764 : vector<1x16xf32> to vector<16xf32>
      %add3A_766 = arith.addf %get3A_761, %get3A_765 : vector<16xf32>
      %swap3A_767 = arith.constant 0 : i32
      %swap3A_768 = arith.constant 0 : i32
      %swap3A_769 = tpu.memref_slice %arg8[%scan3A_117, %swap3A_767, %swap3A_768] : memref<3x200x128xf32, #tpu.memory_space<vmem>> -> memref<1x200x128xf32, #tpu.memory_space<vmem>>
      %swap3A_770 = tpu.memref_squeeze %swap3A_769 : memref<1x200x128xf32, #tpu.memory_space<vmem>> -> memref<200x128xf32, #tpu.memory_space<vmem>>
      %swap3A_771 = arith.index_cast %add3A_731 : i32 to index
      %swap3A_772 = arith.constant 16 : index
      %swap3A_773 = tpu.vector_load %swap3A_770[%swap3A_771, %swap3A_772] {strides = array<i32>} : memref<200x128xf32, #tpu.memory_space<vmem>>, vector<1x16xf32>,
      %swap3A_774 = vector.shape_cast %swap3A_773 : vector<1x16xf32> to vector<16xf32>
      %swap3A_775 = vector.shape_cast %add3A_766 : vector<16xf32> to vector<1x16xf32>
      tpu.vector_store %swap3A_770[%swap3A_771, %swap3A_772], %swap3A_775 {strides = array<i32>} : memref<200x128xf32, #tpu.memory_space<vmem>>, vector<1x16xf32>,
      %get3A_776 = arith.constant 0 : i32
      %get3A_777 = arith.constant 0 : i32
      %get3A_778 = tpu.memref_slice %arg8[%scan3A_117, %get3A_776, %get3A_777] : memref<3x200x128xf32, #tpu.memory_space<vmem>> -> memref<1x200x128xf32, #tpu.memory_space<vmem>>
      %get3A_779 = tpu.memref_squeeze %get3A_778 : memref<1x200x128xf32, #tpu.memory_space<vmem>> -> memref<200x128xf32, #tpu.memory_space<vmem>>
      %get3A_780 = arith.index_cast %add3A_731 : i32 to index
      %get3A_781 = arith.constant 32 : index
      %get3A_782 = tpu.vector_load %get3A_779[%get3A_780, %get3A_781] {strides = array<i32>} : memref<200x128xf32, #tpu.memory_space<vmem>>, vector<1x16xf32>,
      %get3A_783 = vector.shape_cast %get3A_782 : vector<1x16xf32> to vector<16xf32>
      %get3A_784 = arith.index_cast %add3A_731 : i32 to index
      %get3A_785 = arith.constant 32 : index
      %get3A_786 = tpu.vector_load %arg7[%get3A_784, %get3A_785] {strides = array<i32>} : memref<200x128xf32, #tpu.memory_space<vmem>>, vector<1x16xf32>,
      %get3A_787 = vector.shape_cast %get3A_786 : vector<1x16xf32> to vector<16xf32>
      %add3A_788 = arith.addf %get3A_783, %get3A_787 : vector<16xf32>
      %swap3A_789 = arith.constant 0 : i32
      %swap3A_790 = arith.constant 0 : i32
      %swap3A_791 = tpu.memref_slice %arg8[%scan3A_117, %swap3A_789, %swap3A_790] : memref<3x200x128xf32, #tpu.memory_space<vmem>> -> memref<1x200x128xf32, #tpu.memory_space<vmem>>
      %swap3A_792 = tpu.memref_squeeze %swap3A_791 : memref<1x200x128xf32, #tpu.memory_space<vmem>> -> memref<200x128xf32, #tpu.memory_space<vmem>>
      %swap3A_793 = arith.index_cast %add3A_731 : i32 to index
      %swap3A_794 = arith.constant 32 : index
      %swap3A_795 = tpu.vector_load %swap3A_792[%swap3A_793, %swap3A_794] {strides = array<i32>} : memref<200x128xf32, #tpu.memory_space<vmem>>, vector<1x16xf32>,
      %swap3A_796 = vector.shape_cast %swap3A_795 : vector<1x16xf32> to vector<16xf32>
      %swap3A_797 = vector.shape_cast %add3A_788 : vector<16xf32> to vector<1x16xf32>
      tpu.vector_store %swap3A_792[%swap3A_793, %swap3A_794], %swap3A_797 {strides = array<i32>} : memref<200x128xf32, #tpu.memory_space<vmem>>, vector<1x16xf32>,
      %get3A_798 = arith.constant 0 : i32
      %get3A_799 = arith.constant 0 : i32
      %get3A_800 = tpu.memref_slice %arg8[%scan3A_117, %get3A_798, %get3A_799] : memref<3x200x128xf32, #tpu.memory_space<vmem>> -> memref<1x200x128xf32, #tpu.memory_space<vmem>>
      %get3A_801 = tpu.memref_squeeze %get3A_800 : memref<1x200x128xf32, #tpu.memory_space<vmem>> -> memref<200x128xf32, #tpu.memory_space<vmem>>
      %get3A_802 = arith.index_cast %add3A_731 : i32 to index
      %get3A_803 = arith.constant 48 : index
      %get3A_804 = tpu.vector_load %get3A_801[%get3A_802, %get3A_803] {strides = array<i32>} : memref<200x128xf32, #tpu.memory_space<vmem>>, vector<1x16xf32>,
      %get3A_805 = vector.shape_cast %get3A_804 : vector<1x16xf32> to vector<16xf32>
      %get3A_806 = arith.index_cast %add3A_731 : i32 to index
      %get3A_807 = arith.constant 48 : index
      %get3A_808 = tpu.vector_load %arg7[%get3A_806, %get3A_807] {strides = array<i32>} : memref<200x128xf32, #tpu.memory_space<vmem>>, vector<1x16xf32>,
      %get3A_809 = vector.shape_cast %get3A_808 : vector<1x16xf32> to vector<16xf32>
      %add3A_810 = arith.addf %get3A_805, %get3A_809 : vector<16xf32>
      %swap3A_811 = arith.constant 0 : i32
      %swap3A_812 = arith.constant 0 : i32
      %swap3A_813 = tpu.memref_slice %arg8[%scan3A_117, %swap3A_811, %swap3A_812] : memref<3x200x128xf32, #tpu.memory_space<vmem>> -> memref<1x200x128xf32, #tpu.memory_space<vmem>>
      %swap3A_814 = tpu.memref_squeeze %swap3A_813 : memref<1x200x128xf32, #tpu.memory_space<vmem>> -> memref<200x128xf32, #tpu.memory_space<vmem>>
      %swap3A_815 = arith.index_cast %add3A_731 : i32 to index
      %swap3A_816 = arith.constant 48 : index
      %swap3A_817 = tpu.vector_load %swap3A_814[%swap3A_815, %swap3A_816] {strides = array<i32>} : memref<200x128xf32, #tpu.memory_space<vmem>>, vector<1x16xf32>,
      %swap3A_818 = vector.shape_cast %swap3A_817 : vector<1x16xf32> to vector<16xf32>
      %swap3A_819 = vector.shape_cast %add3A_810 : vector<16xf32> to vector<1x16xf32>
      tpu.vector_store %swap3A_814[%swap3A_815, %swap3A_816], %swap3A_819 {strides = array<i32>} : memref<200x128xf32, #tpu.memory_space<vmem>>, vector<1x16xf32>,
      %get3A_820 = arith.constant 0 : i32
      %get3A_821 = arith.constant 0 : i32
      %get3A_822 = tpu.memref_slice %arg8[%scan3A_117, %get3A_820, %get3A_821] : memref<3x200x128xf32, #tpu.memory_space<vmem>> -> memref<1x200x128xf32, #tpu.memory_space<vmem>>
      %get3A_823 = tpu.memref_squeeze %get3A_822 : memref<1x200x128xf32, #tpu.memory_space<vmem>> -> memref<200x128xf32, #tpu.memory_space<vmem>>
      %get3A_824 = arith.index_cast %add3A_731 : i32 to index
      %get3A_825 = arith.constant 64 : index
      %get3A_826 = tpu.vector_load %get3A_823[%get3A_824, %get3A_825] {strides = array<i32>} : memref<200x128xf32, #tpu.memory_space<vmem>>, vector<1x16xf32>,
      %get3A_827 = vector.shape_cast %get3A_826 : vector<1x16xf32> to vector<16xf32>
      %get3A_828 = arith.index_cast %add3A_731 : i32 to index
      %get3A_829 = arith.constant 64 : index
      %get3A_830 = tpu.vector_load %arg7[%get3A_828, %get3A_829] {strides = array<i32>} : memref<200x128xf32, #tpu.memory_space<vmem>>, vector<1x16xf32>,
      %get3A_831 = vector.shape_cast %get3A_830 : vector<1x16xf32> to vector<16xf32>
      %add3A_832 = arith.addf %get3A_827, %get3A_831 : vector<16xf32>
      %swap3A_833 = arith.constant 0 : i32
      %swap3A_834 = arith.constant 0 : i32
      %swap3A_835 = tpu.memref_slice %arg8[%scan3A_117, %swap3A_833, %swap3A_834] : memref<3x200x128xf32, #tpu.memory_space<vmem>> -> memref<1x200x128xf32, #tpu.memory_space<vmem>>
      %swap3A_836 = tpu.memref_squeeze %swap3A_835 : memref<1x200x128xf32, #tpu.memory_space<vmem>> -> memref<200x128xf32, #tpu.memory_space<vmem>>
      %swap3A_837 = arith.index_cast %add3A_731 : i32 to index
      %swap3A_838 = arith.constant 64 : index
      %swap3A_839 = tpu.vector_load %swap3A_836[%swap3A_837, %swap3A_838] {strides = array<i32>} : memref<200x128xf32, #tpu.memory_space<vmem>>, vector<1x16xf32>,
      %swap3A_840 = vector.shape_cast %swap3A_839 : vector<1x16xf32> to vector<16xf32>
      %swap3A_841 = vector.shape_cast %add3A_832 : vector<16xf32> to vector<1x16xf32>
      tpu.vector_store %swap3A_836[%swap3A_837, %swap3A_838], %swap3A_841 {strides = array<i32>} : memref<200x128xf32, #tpu.memory_space<vmem>>, vector<1x16xf32>,
      %get3A_842 = arith.constant 0 : i32
      %get3A_843 = arith.constant 0 : i32
      %get3A_844 = tpu.memref_slice %arg8[%scan3A_117, %get3A_842, %get3A_843] : memref<3x200x128xf32, #tpu.memory_space<vmem>> -> memref<1x200x128xf32, #tpu.memory_space<vmem>>
      %get3A_845 = tpu.memref_squeeze %get3A_844 : memref<1x200x128xf32, #tpu.memory_space<vmem>> -> memref<200x128xf32, #tpu.memory_space<vmem>>
      %get3A_846 = arith.index_cast %add3A_731 : i32 to index
      %get3A_847 = arith.constant 80 : index
      %get3A_848 = tpu.vector_load %get3A_845[%get3A_846, %get3A_847] {strides = array<i32>} : memref<200x128xf32, #tpu.memory_space<vmem>>, vector<1x16xf32>,
      %get3A_849 = vector.shape_cast %get3A_848 : vector<1x16xf32> to vector<16xf32>
      %get3A_850 = arith.index_cast %add3A_731 : i32 to index
      %get3A_851 = arith.constant 80 : index
      %get3A_852 = tpu.vector_load %arg7[%get3A_850, %get3A_851] {strides = array<i32>} : memref<200x128xf32, #tpu.memory_space<vmem>>, vector<1x16xf32>,
      %get3A_853 = vector.shape_cast %get3A_852 : vector<1x16xf32> to vector<16xf32>
      %add3A_854 = arith.addf %get3A_849, %get3A_853 : vector<16xf32>
      %swap3A_855 = arith.constant 0 : i32
      %swap3A_856 = arith.constant 0 : i32
      %swap3A_857 = tpu.memref_slice %arg8[%scan3A_117, %swap3A_855, %swap3A_856] : memref<3x200x128xf32, #tpu.memory_space<vmem>> -> memref<1x200x128xf32, #tpu.memory_space<vmem>>
      %swap3A_858 = tpu.memref_squeeze %swap3A_857 : memref<1x200x128xf32, #tpu.memory_space<vmem>> -> memref<200x128xf32, #tpu.memory_space<vmem>>
      %swap3A_859 = arith.index_cast %add3A_731 : i32 to index
      %swap3A_860 = arith.constant 80 : index
      %swap3A_861 = tpu.vector_load %swap3A_858[%swap3A_859, %swap3A_860] {strides = array<i32>} : memref<200x128xf32, #tpu.memory_space<vmem>>, vector<1x16xf32>,
      %swap3A_862 = vector.shape_cast %swap3A_861 : vector<1x16xf32> to vector<16xf32>
      %swap3A_863 = vector.shape_cast %add3A_854 : vector<16xf32> to vector<1x16xf32>
      tpu.vector_store %swap3A_858[%swap3A_859, %swap3A_860], %swap3A_863 {strides = array<i32>} : memref<200x128xf32, #tpu.memory_space<vmem>>, vector<1x16xf32>,
      %get3A_864 = arith.constant 0 : i32
      %get3A_865 = arith.constant 0 : i32
      %get3A_866 = tpu.memref_slice %arg8[%scan3A_117, %get3A_864, %get3A_865] : memref<3x200x128xf32, #tpu.memory_space<vmem>> -> memref<1x200x128xf32, #tpu.memory_space<vmem>>
      %get3A_867 = tpu.memref_squeeze %get3A_866 : memref<1x200x128xf32, #tpu.memory_space<vmem>> -> memref<200x128xf32, #tpu.memory_space<vmem>>
      %get3A_868 = arith.index_cast %add3A_731 : i32 to index
      %get3A_869 = arith.constant 96 : index
      %get3A_870 = tpu.vector_load %get3A_867[%get3A_868, %get3A_869] {strides = array<i32>} : memref<200x128xf32, #tpu.memory_space<vmem>>, vector<1x16xf32>,
      %get3A_871 = vector.shape_cast %get3A_870 : vector<1x16xf32> to vector<16xf32>
      %get3A_872 = arith.index_cast %add3A_731 : i32 to index
      %get3A_873 = arith.constant 96 : index
      %get3A_874 = tpu.vector_load %arg7[%get3A_872, %get3A_873] {strides = array<i32>} : memref<200x128xf32, #tpu.memory_space<vmem>>, vector<1x16xf32>,
      %get3A_875 = vector.shape_cast %get3A_874 : vector<1x16xf32> to vector<16xf32>
      %add3A_876 = arith.addf %get3A_871, %get3A_875 : vector<16xf32>
      %swap3A_877 = arith.constant 0 : i32
      %swap3A_878 = arith.constant 0 : i32
      %swap3A_879 = tpu.memref_slice %arg8[%scan3A_117, %swap3A_877, %swap3A_878] : memref<3x200x128xf32, #tpu.memory_space<vmem>> -> memref<1x200x128xf32, #tpu.memory_space<vmem>>
      %swap3A_880 = tpu.memref_squeeze %swap3A_879 : memref<1x200x128xf32, #tpu.memory_space<vmem>> -> memref<200x128xf32, #tpu.memory_space<vmem>>
      %swap3A_881 = arith.index_cast %add3A_731 : i32 to index
      %swap3A_882 = arith.constant 96 : index
      %swap3A_883 = tpu.vector_load %swap3A_880[%swap3A_881, %swap3A_882] {strides = array<i32>} : memref<200x128xf32, #tpu.memory_space<vmem>>, vector<1x16xf32>,
      %swap3A_884 = vector.shape_cast %swap3A_883 : vector<1x16xf32> to vector<16xf32>
      %swap3A_885 = vector.shape_cast %add3A_876 : vector<16xf32> to vector<1x16xf32>
      tpu.vector_store %swap3A_880[%swap3A_881, %swap3A_882], %swap3A_885 {strides = array<i32>} : memref<200x128xf32, #tpu.memory_space<vmem>>, vector<1x16xf32>,
      %get3A_886 = arith.constant 0 : i32
      %get3A_887 = arith.constant 0 : i32
      %get3A_888 = tpu.memref_slice %arg8[%scan3A_117, %get3A_886, %get3A_887] : memref<3x200x128xf32, #tpu.memory_space<vmem>> -> memref<1x200x128xf32, #tpu.memory_space<vmem>>
      %get3A_889 = tpu.memref_squeeze %get3A_888 : memref<1x200x128xf32, #tpu.memory_space<vmem>> -> memref<200x128xf32, #tpu.memory_space<vmem>>
      %get3A_890 = arith.index_cast %add3A_731 : i32 to index
      %get3A_891 = arith.constant 112 : index
      %get3A_892 = tpu.vector_load %get3A_889[%get3A_890, %get3A_891] {strides = array<i32>} : memref<200x128xf32, #tpu.memory_space<vmem>>, vector<1x16xf32>,
      %get3A_893 = vector.shape_cast %get3A_892 : vector<1x16xf32> to vector<16xf32>
      %get3A_894 = arith.index_cast %add3A_731 : i32 to index
      %get3A_895 = arith.constant 112 : index
      %get3A_896 = tpu.vector_load %arg7[%get3A_894, %get3A_895] {strides = array<i32>} : memref<200x128xf32, #tpu.memory_space<vmem>>, vector<1x16xf32>,
      %get3A_897 = vector.shape_cast %get3A_896 : vector<1x16xf32> to vector<16xf32>
      %add3A_898 = arith.addf %get3A_893, %get3A_897 : vector<16xf32>
      %swap3A_899 = arith.constant 0 : i32
      %swap3A_900 = arith.constant 0 : i32
      %swap3A_901 = tpu.memref_slice %arg8[%scan3A_117, %swap3A_899, %swap3A_900] : memref<3x200x128xf32, #tpu.memory_space<vmem>> -> memref<1x200x128xf32, #tpu.memory_space<vmem>>
      %swap3A_902 = tpu.memref_squeeze %swap3A_901 : memref<1x200x128xf32, #tpu.memory_space<vmem>> -> memref<200x128xf32, #tpu.memory_space<vmem>>
      %swap3A_903 = arith.index_cast %add3A_731 : i32 to index
      %swap3A_904 = arith.constant 112 : index
      %swap3A_905 = tpu.vector_load %swap3A_902[%swap3A_903, %swap3A_904] {strides = array<i32>} : memref<200x128xf32, #tpu.memory_space<vmem>>, vector<1x16xf32>,
      %swap3A_906 = vector.shape_cast %swap3A_905 : vector<1x16xf32> to vector<16xf32>
      %swap3A_907 = vector.shape_cast %add3A_898 : vector<16xf32> to vector<1x16xf32>
      tpu.vector_store %swap3A_902[%swap3A_903, %swap3A_904], %swap3A_907 {strides = array<i32>} : memref<200x128xf32, #tpu.memory_space<vmem>>, vector<1x16xf32>,
    }
    %scan3A_122 = arith.constant 50 : i32
    %add3A_123 = arith.constant 25400 : i32
    %add3A_124 = arith.addi %mul3A_2, %add3A_123 : i32
    %dma_start3A_125 = arith.constant 1 : i32
    %dma_start3A_126 = arith.constant 1 : i32
    %dma_start3A_127 = arith.constant 0 : i32
    %dma_start3A_128 = arith.constant 0 : i32
    %dma_start3A_129 = tpu.memref_slice %arg8[%dma_start3A_125, %dma_start3A_127, %dma_start3A_128] : memref<3x200x128xf32, #tpu.memory_space<vmem>> -> memref<1x200x128xf32, #tpu.memory_space<vmem>>
    %dma_start3A_130 = tpu.memref_squeeze %dma_start3A_129 : memref<1x200x128xf32, #tpu.memory_space<vmem>> -> memref<200x128xf32, #tpu.memory_space<vmem>>
    %dma_start3A_131 = arith.constant 0 : i32
    %dma_start3A_132 = tpu.memref_slice %arg5[%add3A_124, %dma_start3A_131] : memref<819200x128xf32, #tpu.memory_space<hbm>> -> memref<200x128xf32, #tpu.memory_space<hbm>>
    %dma_start3A_133 = tpu.memref_slice %arg10[%dma_start3A_126] : memref<3x!tpu.dma_semaphore, #tpu.memory_space<semaphore_mem>> -> memref<1x!tpu.dma_semaphore, #tpu.memory_space<semaphore_mem>>
    %dma_start3A_134 = tpu.memref_squeeze %dma_start3A_133 : memref<1x!tpu.dma_semaphore, #tpu.memory_space<semaphore_mem>> -> memref<!tpu.dma_semaphore, #tpu.memory_space<semaphore_mem>>
    %dma_start3A_135 = arith.constant 0 : i32
    %dma_start3A_136 = tpu.memref_slice %arg5[%add3A_124, %dma_start3A_135] : memref<819200x128xf32, #tpu.memory_space<hbm>> -> memref<200x128xf32, #tpu.memory_space<hbm>>
    %dma_start3A_137 = arith.constant 0 : i32
    %dma_start3A_138 = arith.constant 0 : i32
    %dma_start3A_139 = tpu.memref_slice %arg8[%dma_start3A_125, %dma_start3A_137, %dma_start3A_138] : memref<3x200x128xf32, #tpu.memory_space<vmem>> -> memref<1x200x128xf32, #tpu.memory_space<vmem>>
    %dma_start3A_140 = tpu.memref_squeeze %dma_start3A_139 : memref<1x200x128xf32, #tpu.memory_space<vmem>> -> memref<200x128xf32, #tpu.memory_space<vmem>>
    tpu.enqueue_dma source(%dma_start3A_140 : memref<200x128xf32, #tpu.memory_space<vmem>>) target(%dma_start3A_136 : memref<200x128xf32, #tpu.memory_space<hbm>>) target_semaphore(%dma_start3A_134 : memref<!tpu.dma_semaphore, #tpu.memory_space<semaphore_mem>>)
    %dma_wait3A_141 = arith.constant 2 : i32
    %dma_wait3A_142 = arith.constant 2 : i32
    %dma_wait3A_143 = arith.constant 0 : i32
    %dma_wait3A_144 = arith.constant 0 : i32
    %dma_wait3A_145 = tpu.memref_slice %arg8[%dma_wait3A_141, %dma_wait3A_143, %dma_wait3A_144] : memref<3x200x128xf32, #tpu.memory_space<vmem>> -> memref<1x200x128xf32, #tpu.memory_space<vmem>>
    %dma_wait3A_146 = tpu.memref_squeeze %dma_wait3A_145 : memref<1x200x128xf32, #tpu.memory_space<vmem>> -> memref<200x128xf32, #tpu.memory_space<vmem>>
    %dma_wait3A_147 = arith.constant 0 : i32
    %dma_wait3A_148 = arith.constant 0 : i32
    %dma_wait3A_149 = tpu.memref_slice %arg5[%dma_wait3A_147, %dma_wait3A_148] : memref<819200x128xf32, #tpu.memory_space<hbm>> -> memref<200x128xf32, #tpu.memory_space<hbm>>
    %dma_wait3A_150 = tpu.memref_slice %arg10[%dma_wait3A_142] : memref<3x!tpu.dma_semaphore, #tpu.memory_space<semaphore_mem>> -> memref<1x!tpu.dma_semaphore, #tpu.memory_space<semaphore_mem>>
    %dma_wait3A_151 = tpu.memref_squeeze %dma_wait3A_150 : memref<1x!tpu.dma_semaphore, #tpu.memory_space<semaphore_mem>> -> memref<!tpu.dma_semaphore, #tpu.memory_space<semaphore_mem>>
    %dma_wait3A_152 = arith.constant 0 : i32
    %dma_wait3A_153 = arith.constant 0 : i32
    %dma_wait3A_154 = tpu.memref_slice %arg5[%dma_wait3A_152, %dma_wait3A_153] : memref<819200x128xf32, #tpu.memory_space<hbm>> -> memref<200x128xf32, #tpu.memory_space<hbm>>
    %dma_wait3A_155 = arith.constant 0 : i32
    %dma_wait3A_156 = arith.constant 0 : i32
    %dma_wait3A_157 = tpu.memref_slice %arg8[%dma_wait3A_141, %dma_wait3A_155, %dma_wait3A_156] : memref<3x200x128xf32, #tpu.memory_space<vmem>> -> memref<1x200x128xf32, #tpu.memory_space<vmem>>
    %dma_wait3A_158 = tpu.memref_squeeze %dma_wait3A_157 : memref<1x200x128xf32, #tpu.memory_space<vmem>> -> memref<200x128xf32, #tpu.memory_space<vmem>>
    tpu.wait_dma2 semaphore(%dma_wait3A_151 : memref<!tpu.dma_semaphore, #tpu.memory_space<semaphore_mem>>) src(%dma_wait3A_158 : memref<200x128xf32, #tpu.memory_space<vmem>>) dst(%dma_wait3A_154 : memref<200x128xf32, #tpu.memory_space<hbm>>)
    %dma_wait3A_159 = arith.constant 0 : i32
    %dma_wait3A_160 = arith.constant 0 : i32
    %dma_wait3A_161 = arith.constant 0 : i32
    %dma_wait3A_162 = arith.constant 0 : i32
    %dma_wait3A_163 = tpu.memref_slice %arg8[%dma_wait3A_159, %dma_wait3A_161, %dma_wait3A_162] : memref<3x200x128xf32, #tpu.memory_space<vmem>> -> memref<1x200x128xf32, #tpu.memory_space<vmem>>
    %dma_wait3A_164 = tpu.memref_squeeze %dma_wait3A_163 : memref<1x200x128xf32, #tpu.memory_space<vmem>> -> memref<200x128xf32, #tpu.memory_space<vmem>>
    %dma_wait3A_165 = arith.constant 0 : i32
    %dma_wait3A_166 = arith.constant 0 : i32
    %dma_wait3A_167 = tpu.memref_slice %arg5[%dma_wait3A_165, %dma_wait3A_166] : memref<819200x128xf32, #tpu.memory_space<hbm>> -> memref<200x128xf32, #tpu.memory_space<hbm>>
    %dma_wait3A_168 = tpu.memref_slice %arg10[%dma_wait3A_160] : memref<3x!tpu.dma_semaphore, #tpu.memory_space<semaphore_mem>> -> memref<1x!tpu.dma_semaphore, #tpu.memory_space<semaphore_mem>>
    %dma_wait3A_169 = tpu.memref_squeeze %dma_wait3A_168 : memref<1x!tpu.dma_semaphore, #tpu.memory_space<semaphore_mem>> -> memref<!tpu.dma_semaphore, #tpu.memory_space<semaphore_mem>>
    %dma_wait3A_170 = arith.constant 0 : i32
    %dma_wait3A_171 = arith.constant 0 : i32
    %dma_wait3A_172 = tpu.memref_slice %arg5[%dma_wait3A_170, %dma_wait3A_171] : memref<819200x128xf32, #tpu.memory_space<hbm>> -> memref<200x128xf32, #tpu.memory_space<hbm>>
    %dma_wait3A_173 = arith.constant 0 : i32
    %dma_wait3A_174 = arith.constant 0 : i32
    %dma_wait3A_175 = tpu.memref_slice %arg8[%dma_wait3A_159, %dma_wait3A_173, %dma_wait3A_174] : memref<3x200x128xf32, #tpu.memory_space<vmem>> -> memref<1x200x128xf32, #tpu.memory_space<vmem>>
    %dma_wait3A_176 = tpu.memref_squeeze %dma_wait3A_175 : memref<1x200x128xf32, #tpu.memory_space<vmem>> -> memref<200x128xf32, #tpu.memory_space<vmem>>
    tpu.wait_dma2 semaphore(%dma_wait3A_169 : memref<!tpu.dma_semaphore, #tpu.memory_space<semaphore_mem>>) src(%dma_wait3A_176 : memref<200x128xf32, #tpu.memory_space<vmem>>) dst(%dma_wait3A_172 : memref<200x128xf32, #tpu.memory_space<hbm>>)
    %dma_wait3A_177 = arith.constant 1 : i32
    %dma_wait3A_178 = arith.constant 1 : i32
    %dma_wait3A_179 = arith.constant 0 : i32
    %dma_wait3A_180 = arith.constant 0 : i32
    %dma_wait3A_181 = tpu.memref_slice %arg8[%dma_wait3A_177, %dma_wait3A_179, %dma_wait3A_180] : memref<3x200x128xf32, #tpu.memory_space<vmem>> -> memref<1x200x128xf32, #tpu.memory_space<vmem>>
    %dma_wait3A_182 = tpu.memref_squeeze %dma_wait3A_181 : memref<1x200x128xf32, #tpu.memory_space<vmem>> -> memref<200x128xf32, #tpu.memory_space<vmem>>
    %dma_wait3A_183 = arith.constant 0 : i32
    %dma_wait3A_184 = arith.constant 0 : i32
    %dma_wait3A_185 = tpu.memref_slice %arg5[%dma_wait3A_183, %dma_wait3A_184] : memref<819200x128xf32, #tpu.memory_space<hbm>> -> memref<200x128xf32, #tpu.memory_space<hbm>>
    %dma_wait3A_186 = tpu.memref_slice %arg10[%dma_wait3A_178] : memref<3x!tpu.dma_semaphore, #tpu.memory_space<semaphore_mem>> -> memref<1x!tpu.dma_semaphore, #tpu.memory_space<semaphore_mem>>
    %dma_wait3A_187 = tpu.memref_squeeze %dma_wait3A_186 : memref<1x!tpu.dma_semaphore, #tpu.memory_space<semaphore_mem>> -> memref<!tpu.dma_semaphore, #tpu.memory_space<semaphore_mem>>
    %dma_wait3A_188 = arith.constant 0 : i32
    %dma_wait3A_189 = arith.constant 0 : i32
    %dma_wait3A_190 = tpu.memref_slice %arg5[%dma_wait3A_188, %dma_wait3A_189] : memref<819200x128xf32, #tpu.memory_space<hbm>> -> memref<200x128xf32, #tpu.memory_space<hbm>>
    %dma_wait3A_191 = arith.constant 0 : i32
    %dma_wait3A_192 = arith.constant 0 : i32
    %dma_wait3A_193 = tpu.memref_slice %arg8[%dma_wait3A_177, %dma_wait3A_191, %dma_wait3A_192] : memref<3x200x128xf32, #tpu.memory_space<vmem>> -> memref<1x200x128xf32, #tpu.memory_space<vmem>>
    %dma_wait3A_194 = tpu.memref_squeeze %dma_wait3A_193 : memref<1x200x128xf32, #tpu.memory_space<vmem>> -> memref<200x128xf32, #tpu.memory_space<vmem>>
    tpu.wait_dma2 semaphore(%dma_wait3A_187 : memref<!tpu.dma_semaphore, #tpu.memory_space<semaphore_mem>>) src(%dma_wait3A_194 : memref<200x128xf32, #tpu.memory_space<vmem>>) dst(%dma_wait3A_190 : memref<200x128xf32, #tpu.memory_space<hbm>>)
    return
  }
}

</mosaic_0001>

<sc_bundles>
// kernel: kernel.3.cloned.1.call-start
scs
__scs_entry_jumppad:
0x0: {  	(pc) =	sbr.rel $0x88, $3  }
0x1: {  	(tag) =	ssettag $0x0;
	lr =	simm.s32 $0x1  }
0x2: {  	[smem:$0x3F9E] =	sst lr;
	_ =	strace $0xD0000000  }
0x3: {  	_ = 	snop  }
0x4: {  	_ = 	snop  }
0x5: {  	_ = 	snop  }
0x6: {  	_ = 	snop  }
0x7: {  	_ = 	snop  }
__scs_overlays_trampoline_lowered:
0x8: {  	[smem:$0x3FAD] =	sst s0  }
0x9: {  	[smem:$0x3FAE] =	sst s1  }
0xa: {  	[smem:$0x3FAF] =	sst s2  }
0xb: {  	[smem:$0x3FB0] =	sst s3  }
0xc: {  	[smem:$0x3FB1] =	sst s4  }
0xd: {  	[smem:$0x3FB2] =	sst s5  }
0xe: {  	[smem:$0x3FB3] =	sst s6  }
0xf: {  	[smem:$0x3FB4] =	sst s7  }
0x10: {  	[smem:$0x3FB5] =	sst s8  }
0x11: {  	[smem:$0x3FB6] =	sst s9;
	s0 =	simm.s32 @!p0 $0x0  }
0x12: {  	s1 =	sld [smem:$0x3F9C];
	s0 =	simm.s32 @p0 $0x1  }
0x13: {  	[smem:$0x3FB7] =	sst s0;
	s0 =	simm.s32 @!p1 $0x0  }
0x14: {  	s2 =	sld [smem:$0x3F9B];
	s0 =	simm.s32 @p1 $0x1  }
0x15: {  	[smem:$0x3FB8] =	sst s0;
	s0 =	simm.s32 @!p2 $0x0  }
0x16: {  	s3 =	sld [smem:$0x3FDB];
	s0 =	simm.s32 @p2 $0x1  }
0x17: {  	s4 =	simm.s32 $0x1BF5;
	[smem:$0x3FBA] =	sst s0  }
0x18: {  	s0 =	sld [smem:$0x3F9D];
	_ =	swait.ge [sflag:s4], $0x0  }
0x19: {  	s7 =	sld [smem:$0x3F9E]  }
0x1a: {  	s8 =	sadd.s32 $0xFFFFE003, lr  }
0x1b: {  	s9 =	sadd.s32 $0xFFFFFEF7, lr;
	s5 =	simm.s32 $0xFFFFFFFF;
	p2 =	slt.u32 s8, $0xFFFFF086  }
0x1c: {  	p1 =	slt.u32 s9, $0xF7A;
	s5 =	simm.s32 @!p2 $0x0  }
0x1d: {  	s5 =	simm.s32 @p1 $0x1;
	p0 =	seq.s32 s7, s2  }
0x1e: {  	s7 =	smul.u32 @!p0 $0xF7A, s2;
	p2 =	seq.s32 @!p0 s5, $0x0  }
0x1f: {  	s9 =	smul.u32 $0xF7A, s1;
	s8 =	simm.s32 @!p0 $0x1BF5;
	p2 =	por !p2, p0  }
0x20: {  	[sflag:s8] =	ssyncset.s32 @!p0 $0xFFFFF086;
	s6 =	sadd.s32 @!p0 s3, s7;
	s7 =	simm.s32 @!p0 $0x108  }
0x21: {  	s3 =	sadd.s32 s3, s9;
	s6 =	sadd.s32 @!p0 $0x88, s6;
	s7 =	simm.s32 @p2 $0x1082  }
0x22: {  	[simem:s7], [sflag:s8] =	dma.local @!p0 [hbm:s6], $0xF7A  }
0x23: {  	s9 =	sor.u32 $0xD0000000, s2;
	s6 =	simm.s32 $0x108;
	_ =	swait.ge @!p0 [sflag:s8], $0x0  }
0x24: {  	s3 =	sadd.s32 $0x88, s3;
	s6 =	simm.s32 @!p1 $0x1082;
	[sflag:s4] =	ssyncset.s32 $0xFFFFF086  }
0x25: {  	[simem:s6], [sflag:s4] =	dma.local [hbm:s3], $0xF7A  }
0x26: {  	[smem:$0x3F9E] =	sst s1;
	(tag) =	ssettag s2;
	_ =	strace s9  }
0x27: {  	s1 =	sld [smem:$0x3FAE]  }
0x28: {  	s2 =	sld [smem:$0x3FAF]  }
0x29: {  	s4 =	sld [smem:$0x3FB1]  }
0x2a: {  	p0 =	seq.s32 s5, $0x0;
	s5 =	sld [smem:$0x3FB2]  }
0x2b: {  	s6 =	sld [smem:$0x3FB3]  }
0x2c: {  	s7 =	sld [smem:$0x3FB4]  }
0x2d: {  	s3 =	simm.s32 $0x108;
	s8 =	sld [smem:$0x3FB5]  }
0x2e: {  	s3 =	simm.s32 @!p0 $0x1082;
	s9 =	sld [smem:$0x3FB6]  }
0x2f: {  	lr =	sadd.s32 s0, s3;
	s0 =	sld [smem:$0x3FAD]  }
0x30: {  	s3 =	sld [smem:$0x3FB0]  }
0x31: {  	[smem:$0x3FB9] =	sst s10  }
0x32: {  	s10 =	sld [smem:$0x3FB7];
	_ =	sdelay $0x3  }
0x33: {  	p0 =	seq.s32 s10, $0x1;
	s10 =	sld [smem:$0x3FB9];
	_ =	sdelay $0x3  }
0x34: {  	[smem:$0x3FB9] =	sst s10  }
0x35: {  	s10 =	sld [smem:$0x3FB8];
	_ =	sdelay $0x3  }
0x36: {  	p1 =	seq.s32 s10, $0x1;
	s10 =	sld [smem:$0x3FB9];
	_ =	sdelay $0x3  }
0x37: {  	[smem:$0x3FB9] =	sst s10  }
0x38: {  	s10 =	sld [smem:$0x3FBA]  }
0x39: {  	_ = 	snop;
	(pc) =	sbr.ind lr, $3  }
0x3a: {  	_ = 	snop  }
0x3b: {  	_ = 	snop  }
0x3c: {  	p2 =	seq.s32 s10, $0x1;
	s10 =	sld [smem:$0x3FB9]  }
0x3d: {  	_ =	shalt  }
0x3e: {  	_ =	shalt  }
0x3f: {  	_ =	shalt  }
0x40: {  	_ =	shalt  }
0x41: {  	_ =	shalt  }
0x42: {  	_ =	shalt  }
0x43: {  	_ =	shalt  }
0x44: {  	_ =	shalt  }
0x45: {  	_ =	shalt  }
0x46: {  	_ =	shalt  }
0x47: {  	_ =	shalt  }
0x48: {  	_ =	shalt  }
0x49: {  	_ =	shalt  }
0x4a: {  	_ =	shalt  }
0x4b: {  	_ =	shalt  }
0x4c: {  	_ =	shalt  }
0x4d: {  	_ =	shalt  }
0x4e: {  	_ =	shalt  }
0x4f: {  	_ =	shalt  }
0x50: {  	_ =	shalt  }
0x51: {  	_ =	shalt  }
0x52: {  	_ =	shalt  }
0x53: {  	_ =	shalt  }
0x54: {  	_ =	shalt  }
0x55: {  	_ =	shalt  }
0x56: {  	_ =	shalt  }
0x57: {  	_ =	shalt  }
0x58: {  	_ =	shalt  }
0x59: {  	_ =	shalt  }
0x5a: {  	_ =	shalt  }
0x5b: {  	_ =	shalt  }
0x5c: {  	_ =	shalt  }
0x5d: {  	_ =	shalt  }
0x5e: {  	_ =	shalt  }
0x5f: {  	_ =	shalt  }
0x60: {  	_ =	shalt  }
0x61: {  	_ =	shalt  }
0x62: {  	_ =	shalt  }
0x63: {  	_ =	shalt  }
0x64: {  	_ =	shalt  }
0x65: {  	_ =	shalt  }
0x66: {  	_ =	shalt  }
0x67: {  	_ =	shalt  }
0x68: {  	_ =	shalt  }
0x69: {  	_ =	shalt  }
0x6a: {  	_ =	shalt  }
0x6b: {  	_ =	shalt  }
0x6c: {  	_ =	shalt  }
0x6d: {  	_ =	shalt  }
0x6e: {  	_ =	shalt  }
0x6f: {  	_ =	shalt  }
0x70: {  	_ =	shalt  }
0x71: {  	_ =	shalt  }
0x72: {  	_ =	shalt  }
0x73: {  	_ =	shalt  }
0x74: {  	_ =	shalt  }
0x75: {  	_ =	shalt  }
0x76: {  	_ =	shalt  }
0x77: {  	_ =	shalt  }
0x78: {  	_ =	shalt  }
0x79: {  	_ =	shalt  }
0x7a: {  	_ =	shalt  }
0x7b: {  	_ =	shalt  }
0x7c: {  	_ =	shalt  }
0x7d: {  	_ =	shalt  }
0x7e: {  	_ =	shalt  }
0x7f: {  	_ =	shalt  }
0x80: {  	_ =	shalt  }
0x81: {  	_ =	shalt  }
0x82: {  	_ =	shalt  }
0x83: {  	_ =	shalt  }
0x84: {  	_ =	shalt  }
0x85: {  	_ =	shalt  }
0x86: {  	_ =	shalt  }
0x87: {  	_ =	shalt  }
.Lfunc_end0:
.L_simem_size_0:
called_computation_lowered:
.L_overlay_start_0:
0x88: {  	s2 =	sld [smem:$0x3FD9]  }
0x89: {  	s3 =	sld [smem:$0x3FFE];
	_ =	sdelay $0x1  }
0x8a: {  	s1 =	srdreg.scid  }
0x8b: {  	s0 =	sand.u32 $0x1, s1  }
0x8c: {  	s17 =	sshll.u32 s0, $0xA;
	s2 =	sadd.s32 s3, s2  }
0x8d: {  	s2 =	sadd.s32 s2, s17  }
0x8e: {  	[smem:$0x3FC5] =	sst s2  }
0x8f: {  	_ = 	snop  }
0x90: {  	s2 =	sld [smem:$0x3FC8]  }
0x91: {  	s18 =	sld [smem:$0x3FC7]  }
0x92: {  	s4 =	sld [smem:$0x3FD0];
	(tm) =	ssettm $0x1  }
0x93: {  	s5 =	sld [smem:$0x3FFB];
	_ =	sdelay $0x3  }
0x94: {  	_ =	strace s5  }
0x95: {  	s5 =	sld [smem:$0x3FFC];
	_ =	sdelay $0x3  }
0x96: {  	_ =	strace s5  }
0x97: {  	s5 =	sld [smem:$0x3FFD];
	_ =	sdelay $0x3  }
0x98: {  	_ =	strace s5  }
0x99: {  	_ =	strace $0x8FFFFFFF  }
0x9a: {  	s19 =	sld [smem:$0x3FDB];
	_ =	sdelay $0x1  }
0x9b: {  	s6 =	simm.s32 $_scs_section_size  }
0x9c: {  	s7 =	simm.s32 $_size__tile_overlayer_lowered;
	s8 =	simm.s32 $_tile_overlayer_lowered  }
0x9d: {  	s22 =	simm.s32 $0x1BFF;
	s21 =	sshll.u32 s8, $0x1;
	s5 =	sadd.s32 s6, s19  }
0x9e: {  	s9 =	simm.s32 $0x0;
	s20 =	sshll.u32 s7, $0x1;
	s7 =	sadd.s32 s21, s5  }
0x9f: {  	[timem:s9], [sflag:s22] =	dma.local [hbm:s7], s20  }
0xa0: {  	_ =	swait.ge [sflag:s22], s20  }
0xa1: {  	s6 =	ssub.s32 $0x0, s20;
	[sflag:s22] =	ssyncset.done $0x0  }
0xa2: {  	[sflag:s22] =	ssyncadd.s32 s6;
	_ =	sdelay $0x1  }
0xa3: {  	s23 =	simm.s32 $0x1B8B  }
0xa4: {  	_ =	swait.ge [sflag:s23], $0x1  }
0xa5: {  	[sflag:s23] =	ssyncset.done $0x0  }
0xa6: {  	s25 =	simm.s32 $0x1B8E;
	s24 =	sld [smem:$0x3FFE];
	[sflag:s23] =	ssyncadd.s32 $0xFFFFFFFF  }
0xa7: {  	s26 =	simm.s32 $execute0_lowered;
	[smem:$0x3FD2] =	sst s25  }
0xa8: {  	s7 =	sshll.u32 s26, $0x1;
	_ =	strace $0x80000046;
	[dreg:$0x1] =	wrdreg $0xFFFFFFFF  }
0xa9: {  	s28 =	simm.s32 $_size_execute0_lowered;
	s5 =	sadd.s32 s5, s7;
	[dreg:$0x0] =	wrdreg $0x0  }
0xaa: {  	s7 =	sshll.u32 s28, $0x1;
	[dreg:$0x2] =	wrdreg s5  }
0xab: {  	[dreg:$0x3] =	wrdreg s7  }
0xac: {  	[dreg:$0x4] =	wrdreg $0xC0  }
0xad: {  	_ =	task [dreg:s9], $0x5FFFF  }
0xae: {  	[dreg:$0x1] =	wrdreg $0xFFFFFFFF  }
0xaf: {  	[dreg:$0x0] =	wrdreg $0x60  }
0xb0: {  	[dreg:$0x2] =	wrdreg s24  }
0xb1: {  	[dreg:$0x3] =	wrdreg s2  }
0xb2: {  	[dreg:$0x4] =	wrdreg s18  }
0xb3: {  	[dreg:$0x5] =	wrdreg s4  }
0xb4: {  	[dreg:$0x6] =	wrdreg $0x9  }
0xb5: {  	_ =	task.clear_ibuf [dreg:s9], $0x7FFFF;
	_ =	strace $0x90000046  }
0xb6: {  	s29 =	simm.s32 $0x9;
	_ =	strace $0x80000048  }
0xb7: {  	_ =	swait.ge [sflag:s29], $0x1  }
0xb8: {  	[sflag:s29] =	ssyncadd.s32 $0xFFFFFFFF  }
0xb9: {  	_ =	strace $0x90000048  }
0xba: {  	_ =	sfence  }
0xbb: {  	s30 =	sld [smem:$0x0];
	_ =	sdelay $0x2  }
0xbc: {  	s31 =	sshll.u32 s1, $0xD;
	s1 =	sshrl.u32 s1, $0x2  }
0xbd: {  	s3 =	sand.u32 $0x4000, s31;
	s1 =	sadd.s32 s1, s30  }
0xbe: {  	s0 =	sor.u32 s3, s0;
	s1 =	sshll.u32 s1, $0x11  }
0xbf: {  	s0 =	sor.u32 s1, s0  }
0xc0: {  	s0 =	sadd.s32 $0x8F2B, s0  }
0xc1: {  	[sflag:s0] =	ssyncadd.remote.s32 $0x1  }
0xc2: {  	_ =	sfence.sel $0xFFFF  }
0xc3: {  	[dreg:$0x0] =	wrdreg $0xFFFFFFFF;
	(pc) =	sbr.abs _section_cstart, $3  }
0xc4: {  	[dreg:$0x1] =	wrdreg $0xFFFFFFFF  }
0xc5: {  	_ =	task.clear_ibuf [dreg:s9], $0x2FFFF;
	_ =	strace $0x9FFFFFFF  }
0xc6: {  	(tm) =	ssettm $0x7FFFFFFF  }
0xc7: {  	_ =	shalt  }
tec
execute0_lowered:
.L_overlay_start_1:
0x0: {  	(tag) =	ssettag $0x1  }
0x1: {  	s0 =	rddreg [dreg:$0x0]  }
0x2: {  	s1 =	rddreg [dreg:$0x1];
	s2 =	srdreg.scid  }
0x3: {  	s3 =	stileid.u32;
	s4 =	rddreg [dreg:$0x3]  }
0x4: {  	s5 =	simm.s32 $0x0;
	s12 =	simm.s32 $0x7;
	s14 =	simm.s32 $0x80  }
0x5: {  	s15 =	simm.s32 $0xC800;
	s16 =	simm.s32 $0x48;
	s17 =	simm.s32 $0x10800  }
0x6: {  	s19 =	simm.s32 $0x12C00;
	s21 =	simm.s32 $0x16C00;
	s22 =	simm.s32 $0x1  }
0x7: {  	s23 =	simm.s32 $0x19000;
	s24 =	simm.s32 $0x1D000;
	s25 =	simm.s32 $0x2  }
0x8: {  	s26 =	simm.s32 $0x4;
	s2 =	sand.u32 $0x1, s2;
	s3 =	sshll.u32 s3, $0x1  }
0x9: {  	s28 =	simm.s32 $0x3;
	s29 =	simm.s32 $0x5;
	s3 =	sor.u32 s2, s3  }
0xa: {  	s30 =	simm.s32 $0x6;
	s2 =	ssub.s32 $0x2, s2;
	s6 =	smul.u32 $0x6400, s3  }
0xb: {  	[smem:$0x7FF] =	sst s5;
	s3 =	smul.u32 $0x320000, s3;
	s8 =	sshrl.u32 s2, $0x1  }
0xc: {  	s31 =	simm.s32 $0x0;
	_ =	strace $0x80000047;
	s2 =	ssub.s32 s2, s8  }
0xd: {  	s7 =	sshrl.u32 s6, $0x3;
	s3 =	sshrl.u32 s3, $0x3;
	s8 =	sor.u32 $0xC8, s6  }
0xe: {  	s11 =	smax.u32 s2, $0x1;
	s0 =	sadd.s32 s7, s0;
	s3 =	sadd.s32 s4, s3  }
0xf: {  	s7 =	sadd.s32 $0x400, s0;
	s9 =	sadd.s32 $0x62700, s3;
	s10 =	sadd.s32 $0x63380, s3  }
.LBB2_1:
0x10: {  	[tilespmem:s5], [sflag:$0x7] =	stream.linear.gather [hbm4b:s7+s5], $0x6400, $0x38;
	[tilespmem:$0x1F400] =	vst v63  }
0x11: {  	_ =	swait.ge [sflag:s12], $0x6400  }
0x12: {  	[sflag:s12] =	ssyncset.done $0x0  }
0x13: {  	[sflag:s12] =	ssyncadd.s32 $0xFFFF9C00  }
0x14: {  	s2 =	simm.s32 $0x6400;
	s0 =	rddreg [dreg:$0x2]  }
0x15: {  	[tilespmem:s2], [sflag:$0x7] =	stream.linear.gather [hbm4b:s0+s5], $0x6400, $0x38;
	[tilespmem:$0x1F400] =	vst v63  }
0x16: {  	_ =	swait.ge [sflag:s12], $0x6400  }
0x17: {  	[sflag:s12] =	ssyncset.done $0x0  }
0x18: {  	[sflag:s12] =	ssyncadd.s32 $0xFFFF9C00  }
0x19: {  	[tilespmem:s15], [sflag:$0x1] =	stream.indirect.gather [hbm4b:s1+s14], $0x80, s5, s14, $0xb8;
	[tilespmem:$0x1F400] =	vst v63  }
0x1a: {  	_ = 	snop  }
0x1b: {  	[tilespmem:s17], [sflag:$0x1] =	stream.indirect.gather [hbm4b:s1+s16], $0x80, s14, s16, $0xb8;
	[tilespmem:$0x1F400] =	vst v63  }
0x1c: {  	s18 =	simm.s32 $0xC8  }
0x1d: {  	[tilespmem:s19], [sflag:$0x2] =	stream.indirect.gather [hbm4b:s1+s14], $0x80, s18, s14, $0xb8;
	[tilespmem:$0x1F400] =	vst v63  }
0x1e: {  	s20 =	simm.s32 $0x148;
	s2 =	simm.s32 $0x0  }
0x1f: {  	[tilespmem:s21], [sflag:$0x2] =	stream.indirect.gather [hbm4b:s1+s16], $0x80, s20, s16, $0xb8;
	[tilespmem:$0x1F400] =	vst v63  }
.LBB2_2:
0x20: {  	_ =	swait.ge [sflag:s22], $0x6400  }
0x21: {  	[sflag:s22] =	ssyncset.done $0x0  }
0x22: {  	s0 =	simm.s32 $0x0;
	[sflag:s22] =	ssyncadd.s32 $0xFFFF9C00  }
0x23: {  	v6 =	vld [tilespmem:s0+$0x6400]  }
0x24: {  	v7 =	vld [tilespmem:s0+$0x6410]  }
0x25: {  	v8 =	vld [tilespmem:s0+$0x6420]  }
0x26: {  	v9 =	vld [tilespmem:s0+$0x6430]  }
0x27: {  	v10 =	vld [tilespmem:s0+$0x6440]  }
0x28: {  	v11 =	vld [tilespmem:s0+$0x6450]  }
0x29: {  	v12 =	vld [tilespmem:s0+$0x6460]  }
0x2a: {  	v13 =	vld [tilespmem:s0+$0x6470]  }
0x2b: {  	v14 =	vld [tilespmem:s0+$0x6480]  }
0x2c: {  	v15 =	vld [tilespmem:s0+$0x6490]  }
0x2d: {  	v16 =	vld [tilespmem:s0+$0x64A0]  }
0x2e: {  	v17 =	vld [tilespmem:s0+$0x64B0]  }
0x2f: {  	v18 =	vld [tilespmem:s0+$0x64C0]  }
0x30: {  	v19 =	vld [tilespmem:s0+$0x64D0]  }
0x31: {  	v20 =	vld [tilespmem:s0+$0x64E0]  }
0x32: {  	v21 =	vld [tilespmem:s0+$0x64F0]  }
0x33: {  	v22 =	vld [tilespmem:s0+$0x6500]  }
0x34: {  	v23 =	vld [tilespmem:s0+$0x6510]  }
0x35: {  	v24 =	vld [tilespmem:s0+$0x6520]  }
0x36: {  	v25 =	vld [tilespmem:s0+$0x6530]  }
0x37: {  	v26 =	vld [tilespmem:s0+$0x6540]  }
0x38: {  	v27 =	vld [tilespmem:s0+$0x6550]  }
0x39: {  	v28 =	vld [tilespmem:s0+$0x6560]  }
0x3a: {  	v29 =	vld [tilespmem:s0+$0x6570]  }
0x3b: {  	v30 =	vld [tilespmem:s0+$0x6580]  }
0x3c: {  	v31 =	vld [tilespmem:s0+$0x6590]  }
0x3d: {  	v5 =	vld [tilespmem:s0+$0x65A0]  }
0x3e: {  	v4 =	vld [tilespmem:s0+$0x65B0]  }
0x3f: {  	v3 =	vld [tilespmem:s0+$0x65C0]  }
0x40: {  	v2 =	vld [tilespmem:s0+$0x65D0]  }
0x41: {  	v1 =	vld [tilespmem:s0+$0x65E0]  }
0x42: {  	v32 =	vld [tilespmem:s0+$0xC800]  }
0x43: {  	v33 =	vld [tilespmem:s0+$0xC810]  }
0x44: {  	v34 =	vld [tilespmem:s0+$0xC820]  }
0x45: {  	v35 =	vld [tilespmem:s0+$0xC830]  }
0x46: {  	v36 =	vld [tilespmem:s0+$0xC840]  }
0x47: {  	v63 =	vld [tilespmem:s0+$0xC850];
	v6 =	vadd.f32 v6, v32  }
0x48: {  	v37 =	vld [tilespmem:s0+$0xC860];
	v7 =	vadd.f32 v7, v33  }
0x49: {  	v8 =	vadd.f32 v8, v34;
	[tilespmem:s0+$0xC800] =	vst v6;
	v6 =	vld [tilespmem:s0+$0xC870]  }
0x4a: {  	v9 =	vadd.f32 v9, v35;
	[tilespmem:s0+$0xC810] =	vst v7;
	v7 =	vld [tilespmem:s0+$0xC880]  }
0x4b: {  	v10 =	vadd.f32 v10, v36;
	[tilespmem:s0+$0xC820] =	vst v8;
	v8 =	vld [tilespmem:s0+$0xC890]  }
0x4c: {  	v11 =	vadd.f32 v11, v63;
	[tilespmem:s0+$0xC830] =	vst v9;
	v9 =	vld [tilespmem:s0+$0xC8A0]  }
0x4d: {  	v12 =	vadd.f32 v12, v37;
	[tilespmem:s0+$0xC840] =	vst v10;
	v10 =	vld [tilespmem:s0+$0xC8B0]  }
0x4e: {  	[tilespmem:s0+$0xC850] =	vst v11;
	v11 =	vld [tilespmem:s0+$0xC8C0];
	v6 =	vadd.f32 v13, v6  }
0x4f: {  	[tilespmem:s0+$0xC860] =	vst v12;
	v12 =	vld [tilespmem:s0+$0xC8D0];
	v7 =	vadd.f32 v14, v7  }
0x50: {  	v8 =	vadd.f32 v15, v8;
	[tilespmem:s0+$0xC870] =	vst v6;
	v6 =	vld [tilespmem:s0+$0xC8E0]  }
0x51: {  	v9 =	vadd.f32 v16, v9;
	[tilespmem:s0+$0xC880] =	vst v7;
	v7 =	vld [tilespmem:s0+$0xC8F0]  }
0x52: {  	v10 =	vadd.f32 v17, v10;
	[tilespmem:s0+$0xC890] =	vst v8;
	v8 =	vld [tilespmem:s0+$0xC900]  }
0x53: {  	v11 =	vadd.f32 v18, v11;
	[tilespmem:s0+$0xC8A0] =	vst v9;
	v9 =	vld [tilespmem:s0+$0xC910]  }
0x54: {  	v12 =	vadd.f32 v19, v12;
	[tilespmem:s0+$0xC8B0] =	vst v10;
	v10 =	vld [tilespmem:s0+$0xC920]  }
0x55: {  	[tilespmem:s0+$0xC8C0] =	vst v11;
	v11 =	vld [tilespmem:s0+$0xC930];
	v6 =	vadd.f32 v20, v6  }
0x56: {  	[tilespmem:s0+$0xC8D0] =	vst v12;
	v12 =	vld [tilespmem:s0+$0xC940]  }
0x57: {  	v7 =	vadd.f32 v21, v7;
	[tilespmem:s0+$0xC8E0] =	vst v6;
	v6 =	vld [tilespmem:s0+$0xC950]  }
0x58: {  	v0 =	vld [tilespmem:s0+$0x65F0];
	v8 =	vadd.f32 v22, v8  }
0x59: {  	[tilespmem:s0+$0xC8F0] =	vst v7;
	v7 =	vadd.f32 v23, v9;
	v9 =	vld [tilespmem:s0+$0xC970]  }
0x5a: {  	v13 =	vld [tilespmem:s0+$0xC960];
	[tilespmem:s0+$0xC900] =	vst v8;
	v8 =	vadd.f32 v24, v10  }
0x5b: {  	v10 =	vld [tilespmem:s0+$0xC980];
	[tilespmem:s0+$0xC910] =	vst v7;
	v7 =	vadd.f32 v25, v11  }
0x5c: {  	[tilespmem:s0+$0xC920] =	vst v8;
	v11 =	vld [tilespmem:s0+$0xC990];
	v8 =	vadd.f32 v26, v12;
	v12 =	vadd.f32 v27, v6  }
0x5d: {  	[tilespmem:s0+$0xC930] =	vst v7;
	v7 =	vld [tilespmem:s0+$0xC9A0]  }
0x5e: {  	v6 =	vld [tilespmem:s0+$0xC9B0];
	[tilespmem:s0+$0xC950] =	vst v12;
	v12 =	vadd.f32 v29, v9  }
0x5f: {  	v13 =	vadd.f32 v28, v13;
	[tilespmem:s0+$0xC940] =	vst v8;
	v8 =	vld [tilespmem:s0+$0xC9C0]  }
0x60: {  	v9 =	vld [tilespmem:s0+$0xC9D0];
	[tilespmem:s0+$0xC970] =	vst v12;
	v12 =	vadd.f32 v30, v10  }
0x61: {  	s3 =	simm.s32 $0x800;
	[tilespmem:s0+$0xC960] =	vst v13;
	v11 =	vadd.f32 v31, v11;
	v10 =	vld [tilespmem:s0+$0xC9E0]  }
.LBB2_3:
0x62: {  	s13 =	sshra.s32 s3, $0x2;
	p0 =	sne.s32 s3, $0x18800;
	[tilespmem:s0+$0xC980] =	vst v12;
	v5 =	vadd.f32 v5, v7;
	v7 =	vld [tilespmem:s0+$0xC9F0]  }
0x63: {  	v12 =	vld [tilespmem:s13+$0x6400];
	[tilespmem:s0+$0xC990] =	vst v11;
	v4 =	vadd.f32 v4, v6  }
0x64: {  	v6 =	vld [tilespmem:s13+$0x6410];
	[tilespmem:s0+$0xC9A0] =	vst v5;
	v3 =	vadd.f32 v3, v8  }
0x65: {  	v8 =	vld [tilespmem:s13+$0x6420];
	[tilespmem:s0+$0xC9B0] =	vst v4;
	v2 =	vadd.f32 v2, v9  }
0x66: {  	v9 =	vld [tilespmem:s13+$0x6430];
	[tilespmem:s0+$0xC9C0] =	vst v3;
	v1 =	vadd.f32 v1, v10  }
0x67: {  	v10 =	vld [tilespmem:s13+$0x6440];
	[tilespmem:s0+$0xC9D0] =	vst v2;
	v0 =	vadd.f32 v0, v7  }
0x68: {  	v7 =	vld [tilespmem:s13+$0x6450];
	[tilespmem:s0+$0xC9E0] =	vst v1  }
0x69: {  	v11 =	vld [tilespmem:s13+$0x6460];
	[tilespmem:s0+$0xC9F0] =	vst v0;
	s0 =	smov.u32 s13  }
0x6a: {  	v13 =	vld [tilespmem:s0+$0x6470]  }
0x6b: {  	v14 =	vld [tilespmem:s0+$0x6480]  }
0x6c: {  	v15 =	vld [tilespmem:s0+$0x6490]  }
0x6d: {  	v16 =	vld [tilespmem:s0+$0x64A0]  }
0x6e: {  	v17 =	vld [tilespmem:s0+$0x64B0]  }
0x6f: {  	v18 =	vld [tilespmem:s0+$0x64C0]  }
0x70: {  	v19 =	vld [tilespmem:s0+$0x64D0]  }
0x71: {  	v20 =	vld [tilespmem:s0+$0x64E0]  }
0x72: {  	v21 =	vld [tilespmem:s0+$0x64F0]  }
0x73: {  	v22 =	vld [tilespmem:s0+$0x6500]  }
0x74: {  	v23 =	vld [tilespmem:s0+$0x6510]  }
0x75: {  	v24 =	vld [tilespmem:s0+$0x6520]  }
0x76: {  	v25 =	vld [tilespmem:s0+$0x6530]  }
0x77: {  	v26 =	vld [tilespmem:s0+$0x6540]  }
0x78: {  	v27 =	vld [tilespmem:s0+$0x6550]  }
0x79: {  	v28 =	vld [tilespmem:s0+$0x6560]  }
0x7a: {  	v29 =	vld [tilespmem:s0+$0x6570]  }
0x7b: {  	v30 =	vld [tilespmem:s0+$0x6580]  }
0x7c: {  	v31 =	vld [tilespmem:s0+$0x6590]  }
0x7d: {  	v5 =	vld [tilespmem:s0+$0x65A0]  }
0x7e: {  	v4 =	vld [tilespmem:s0+$0x65B0]  }
0x7f: {  	v3 =	vld [tilespmem:s0+$0x65C0]  }
0x80: {  	v2 =	vld [tilespmem:s0+$0x65D0]  }
0x81: {  	v1 =	vld [tilespmem:s0+$0x65E0]  }
0x82: {  	v0 =	vld [tilespmem:s0+$0x65F0]  }
0x83: {  	v32 =	vld [tilespmem:s0+$0xC800]  }
0x84: {  	v33 =	vld [tilespmem:s0+$0xC810]  }
0x85: {  	v34 =	vld [tilespmem:s0+$0xC820]  }
0x86: {  	v35 =	vld [tilespmem:s0+$0xC830]  }
0x87: {  	v36 =	vld [tilespmem:s0+$0xC840]  }
0x88: {  	v12 =	vadd.f32 v12, v32;
	v32 =	vld [tilespmem:s0+$0xC850]  }
0x89: {  	v6 =	vadd.f32 v6, v33;
	v33 =	vld [tilespmem:s0+$0xC860]  }
0x8a: {  	[tilespmem:s0+$0xC800] =	vst v12;
	v8 =	vadd.f32 v8, v34;
	v12 =	vld [tilespmem:s0+$0xC870]  }
0x8b: {  	[tilespmem:s0+$0xC810] =	vst v6;
	v6 =	vadd.f32 v9, v35;
	v9 =	vld [tilespmem:s0+$0xC880]  }
0x8c: {  	[tilespmem:s0+$0xC820] =	vst v8;
	v8 =	vadd.f32 v10, v36;
	v10 =	vld [tilespmem:s0+$0xC890]  }
0x8d: {  	[tilespmem:s0+$0xC830] =	vst v6;
	v6 =	vadd.f32 v7, v32;
	v7 =	vld [tilespmem:s0+$0xC8A0]  }
0x8e: {  	[tilespmem:s0+$0xC840] =	vst v8;
	v8 =	vadd.f32 v11, v33;
	v11 =	vld [tilespmem:s0+$0xC8B0]  }
0x8f: {  	[tilespmem:s0+$0xC850] =	vst v6;
	v6 =	vadd.f32 v13, v12;
	v12 =	vld [tilespmem:s0+$0xC8C0]  }
0x90: {  	[tilespmem:s0+$0xC860] =	vst v8;
	v8 =	vadd.f32 v14, v9;
	v9 =	vld [tilespmem:s0+$0xC8D0]  }
0x91: {  	[tilespmem:s0+$0xC870] =	vst v6;
	v6 =	vadd.f32 v15, v10;
	v10 =	vld [tilespmem:s0+$0xC8E0]  }
0x92: {  	[tilespmem:s0+$0xC880] =	vst v8;
	v7 =	vadd.f32 v16, v7;
	v8 =	vld [tilespmem:s0+$0xC8F0]  }
0x93: {  	[tilespmem:s0+$0xC890] =	vst v6;
	v6 =	vadd.f32 v17, v11;
	v11 =	vld [tilespmem:s0+$0xC900]  }
0x94: {  	[tilespmem:s0+$0xC8A0] =	vst v7;
	v7 =	vadd.f32 v18, v12;
	v12 =	vld [tilespmem:s0+$0xC910]  }
0x95: {  	[tilespmem:s0+$0xC8B0] =	vst v6;
	v6 =	vadd.f32 v19, v9;
	v9 =	vld [tilespmem:s0+$0xC920]  }
0x96: {  	[tilespmem:s0+$0xC8C0] =	vst v7;
	v7 =	vadd.f32 v20, v10;
	v10 =	vld [tilespmem:s0+$0xC930]  }
0x97: {  	[tilespmem:s0+$0xC8D0] =	vst v6;
	v6 =	vadd.f32 v21, v8;
	v8 =	vld [tilespmem:s0+$0xC940]  }
0x98: {  	[tilespmem:s0+$0xC8E0] =	vst v7;
	v7 =	vadd.f32 v22, v11;
	v11 =	vld [tilespmem:s0+$0xC950]  }
0x99: {  	[tilespmem:s0+$0xC8F0] =	vst v6;
	v6 =	vadd.f32 v23, v12;
	v12 =	vld [tilespmem:s0+$0xC960]  }
0x9a: {  	[tilespmem:s0+$0xC900] =	vst v7;
	v7 =	vadd.f32 v24, v9;
	v9 =	vld [tilespmem:s0+$0xC970]  }
0x9b: {  	[tilespmem:s0+$0xC910] =	vst v6;
	v6 =	vadd.f32 v25, v10;
	v10 =	vld [tilespmem:s0+$0xC980]  }
0x9c: {  	[tilespmem:s0+$0xC920] =	vst v7;
	v8 =	vadd.f32 v26, v8;
	v13 =	vld [tilespmem:s0+$0xC990]  }
.Ltmp0:
0x9d: {  	[tilespmem:s0+$0xC930] =	vst v6;
	v11 =	vadd.f32 v27, v11;
	v7 =	vld [tilespmem:s0+$0xC9A0];
	(pc) =	sbr.rel @p0 .LBB2_3-.Ltmp0, $4  }
0x9e: {  	[tilespmem:s0+$0xC940] =	vst v8;
	v12 =	vadd.f32 v28, v12;
	v6 =	vld [tilespmem:s0+$0xC9B0]  }
0x9f: {  	[tilespmem:s0+$0xC950] =	vst v11;
	v11 =	vadd.f32 v29, v9;
	v8 =	vld [tilespmem:s0+$0xC9C0]  }
0xa0: {  	[tilespmem:s0+$0xC960] =	vst v12;
	v12 =	vadd.f32 v30, v10;
	v9 =	vld [tilespmem:s0+$0xC9D0]  }
0xa1: {  	s3 =	sadd.s32 $0x800, s3;
	[tilespmem:s0+$0xC970] =	vst v11;
	v11 =	vadd.f32 v31, v13;
	v10 =	vld [tilespmem:s0+$0xC9E0]  }
0xa2: {  	[tilespmem:s0+$0xC980] =	vst v12;
	v5 =	vadd.f32 v5, v7;
	v7 =	vld [tilespmem:s0+$0xC9F0]  }
0xa3: {  	[tilespmem:s0+$0xC990] =	vst v11;
	v4 =	vadd.f32 v4, v6  }
0xa4: {  	[tilespmem:s0+$0xC9A0] =	vst v5;
	v3 =	vadd.f32 v3, v8  }
0xa5: {  	[tilespmem:s0+$0xC9B0] =	vst v4;
	v2 =	vadd.f32 v2, v9  }
0xa6: {  	[tilespmem:s0+$0xC9C0] =	vst v3;
	v1 =	vadd.f32 v1, v10  }
0xa7: {  	[tilespmem:s0+$0xC9D0] =	vst v2;
	v0 =	vadd.f32 v0, v7  }
0xa8: {  	p0 =	seq.s32 s2, $0x0;
	[tilespmem:s0+$0xC9E0] =	vst v1  }
0xa9: {  	s3 =	simm.s32 @!p0 $0x6;
	[tilespmem:s0+$0xC9F0] =	vst v0  }
0xaa: {  	s0 =	smul.u32 $0x258, s2;
	_ =	swait.ge @!p0 [sflag:s3], $0x6400  }
0xab: {  	[sflag:s3] =	ssyncset.done @!p0 $0x0  }
0xac: {  	[sflag:s3] =	ssyncadd.s32 @!p0 $0xFFFF9C00;
	s3 =	sadd.s32 $0x190, s0  }
0xad: {  	[tilespmem:s23], [sflag:$0x3] =	stream.indirect.gather [hbm4b:s1+s14], $0x80, s3, s14, $0xb8;
	[tilespmem:$0x1F400] =	vst v63  }
0xae: {  	s13 =	sadd.s32 $0x210, s0;
	s20 =	sadd.s32 s6, s0  }
0xaf: {  	[tilespmem:s24], [sflag:$0x3] =	stream.indirect.gather [hbm4b:s1+s16], $0x80, s13, s16, $0xb8;
	[tilespmem:$0x1F400] =	vst v63  }
0xb0: {  	s13 =	sshll.u32 s20, $0x4  }
0xb1: {  	s18 =	simm.s32 $0x0;
	s13 =	sadd.s32 s4, s13  }
0xb2: {  	[hbm4b:s13+s18] =	stream.linear.scatter [tilespmem:s15], [sflag:$0x4], $0x6400, $0x38;
	[tilespmem:$0x1F400] =	vst v63  }
0xb3: {  	_ =	swait.ge [sflag:s25], $0x6400  }
0xb4: {  	[sflag:s25] =	ssyncset.done $0x0  }
0xb5: {  	s13 =	simm.s32 $0x0;
	[sflag:s25] =	ssyncadd.s32 $0xFFFF9C00  }
0xb6: {  	v6 =	vld [tilespmem:s13+$0x6400]  }
0xb7: {  	v7 =	vld [tilespmem:s13+$0x6410]  }
0xb8: {  	v8 =	vld [tilespmem:s13+$0x6420]  }
0xb9: {  	v9 =	vld [tilespmem:s13+$0x6430]  }
0xba: {  	v10 =	vld [tilespmem:s13+$0x6440]  }
0xbb: {  	v11 =	vld [tilespmem:s13+$0x6450]  }
0xbc: {  	v12 =	vld [tilespmem:s13+$0x6460]  }
0xbd: {  	v13 =	vld [tilespmem:s13+$0x6470]  }
0xbe: {  	v14 =	vld [tilespmem:s13+$0x6480]  }
0xbf: {  	v15 =	vld [tilespmem:s13+$0x6490]  }
0xc0: {  	v16 =	vld [tilespmem:s13+$0x64A0]  }
0xc1: {  	v17 =	vld [tilespmem:s13+$0x64B0]  }
0xc2: {  	v18 =	vld [tilespmem:s13+$0x64C0]  }
0xc3: {  	v19 =	vld [tilespmem:s13+$0x64D0]  }
0xc4: {  	v20 =	vld [tilespmem:s13+$0x64E0]  }
0xc5: {  	v21 =	vld [tilespmem:s13+$0x64F0]  }
0xc6: {  	v22 =	vld [tilespmem:s13+$0x6500]  }
0xc7: {  	v23 =	vld [tilespmem:s13+$0x6510]  }
0xc8: {  	v24 =	vld [tilespmem:s13+$0x6520]  }
0xc9: {  	v25 =	vld [tilespmem:s13+$0x6530]  }
0xca: {  	v26 =	vld [tilespmem:s13+$0x6540]  }
0xcb: {  	v27 =	vld [tilespmem:s13+$0x6550]  }
0xcc: {  	v28 =	vld [tilespmem:s13+$0x6560]  }
0xcd: {  	v29 =	vld [tilespmem:s13+$0x6570]  }
0xce: {  	v30 =	vld [tilespmem:s13+$0x6580]  }
0xcf: {  	v31 =	vld [tilespmem:s13+$0x6590]  }
0xd0: {  	v5 =	vld [tilespmem:s13+$0x65A0]  }
0xd1: {  	v4 =	vld [tilespmem:s13+$0x65B0]  }
0xd2: {  	v3 =	vld [tilespmem:s13+$0x65C0]  }
0xd3: {  	v2 =	vld [tilespmem:s13+$0x65D0]  }
0xd4: {  	v1 =	vld [tilespmem:s13+$0x65E0]  }
0xd5: {  	v32 =	vld [tilespmem:s13+$0x12C00]  }
0xd6: {  	v33 =	vld [tilespmem:s13+$0x12C10]  }
0xd7: {  	v34 =	vld [tilespmem:s13+$0x12C20]  }
0xd8: {  	v35 =	vld [tilespmem:s13+$0x12C30]  }
0xd9: {  	v36 =	vld [tilespmem:s13+$0x12C40]  }
0xda: {  	v63 =	vld [tilespmem:s13+$0x12C50];
	v6 =	vadd.f32 v6, v32  }
0xdb: {  	v37 =	vld [tilespmem:s13+$0x12C60];
	v7 =	vadd.f32 v7, v33  }
0xdc: {  	v8 =	vadd.f32 v8, v34;
	[tilespmem:s13+$0x12C00] =	vst v6;
	v6 =	vld [tilespmem:s13+$0x12C70]  }
0xdd: {  	v9 =	vadd.f32 v9, v35;
	[tilespmem:s13+$0x12C10] =	vst v7;
	v7 =	vld [tilespmem:s13+$0x12C80]  }
0xde: {  	v10 =	vadd.f32 v10, v36;
	[tilespmem:s13+$0x12C20] =	vst v8;
	v8 =	vld [tilespmem:s13+$0x12C90]  }
0xdf: {  	v11 =	vadd.f32 v11, v63;
	[tilespmem:s13+$0x12C30] =	vst v9;
	v9 =	vld [tilespmem:s13+$0x12CA0]  }
0xe0: {  	v12 =	vadd.f32 v12, v37;
	[tilespmem:s13+$0x12C40] =	vst v10;
	v10 =	vld [tilespmem:s13+$0x12CB0]  }
0xe1: {  	[tilespmem:s13+$0x12C50] =	vst v11;
	v11 =	vld [tilespmem:s13+$0x12CC0];
	v6 =	vadd.f32 v13, v6  }
0xe2: {  	[tilespmem:s13+$0x12C60] =	vst v12;
	v12 =	vld [tilespmem:s13+$0x12CD0];
	v7 =	vadd.f32 v14, v7  }
0xe3: {  	v8 =	vadd.f32 v15, v8;
	[tilespmem:s13+$0x12C70] =	vst v6;
	v6 =	vld [tilespmem:s13+$0x12CE0]  }
0xe4: {  	v9 =	vadd.f32 v16, v9;
	[tilespmem:s13+$0x12C80] =	vst v7;
	v7 =	vld [tilespmem:s13+$0x12CF0]  }
0xe5: {  	v10 =	vadd.f32 v17, v10;
	[tilespmem:s13+$0x12C90] =	vst v8;
	v8 =	vld [tilespmem:s13+$0x12D00]  }
0xe6: {  	v11 =	vadd.f32 v18, v11;
	[tilespmem:s13+$0x12CA0] =	vst v9;
	v9 =	vld [tilespmem:s13+$0x12D10]  }
0xe7: {  	v12 =	vadd.f32 v19, v12;
	[tilespmem:s13+$0x12CB0] =	vst v10;
	v10 =	vld [tilespmem:s13+$0x12D20]  }
0xe8: {  	[tilespmem:s13+$0x12CC0] =	vst v11;
	v11 =	vld [tilespmem:s13+$0x12D30];
	v6 =	vadd.f32 v20, v6  }
0xe9: {  	[tilespmem:s13+$0x12CD0] =	vst v12;
	v12 =	vld [tilespmem:s13+$0x12D40]  }
0xea: {  	v7 =	vadd.f32 v21, v7;
	[tilespmem:s13+$0x12CE0] =	vst v6;
	v6 =	vld [tilespmem:s13+$0x12D50]  }
0xeb: {  	v0 =	vld [tilespmem:s13+$0x65F0];
	v8 =	vadd.f32 v22, v8  }
0xec: {  	[tilespmem:s13+$0x12CF0] =	vst v7;
	v7 =	vadd.f32 v23, v9;
	v9 =	vld [tilespmem:s13+$0x12D70]  }
0xed: {  	v13 =	vld [tilespmem:s13+$0x12D60];
	[tilespmem:s13+$0x12D00] =	vst v8;
	v8 =	vadd.f32 v24, v10  }
0xee: {  	v10 =	vld [tilespmem:s13+$0x12D80];
	[tilespmem:s13+$0x12D10] =	vst v7;
	v7 =	vadd.f32 v25, v11  }
0xef: {  	[tilespmem:s13+$0x12D20] =	vst v8;
	v11 =	vld [tilespmem:s13+$0x12D90];
	v8 =	vadd.f32 v26, v12;
	v12 =	vadd.f32 v27, v6  }
0xf0: {  	[tilespmem:s13+$0x12D30] =	vst v7;
	v7 =	vld [tilespmem:s13+$0x12DA0]  }
0xf1: {  	v6 =	vld [tilespmem:s13+$0x12DB0];
	[tilespmem:s13+$0x12D50] =	vst v12;
	v12 =	vadd.f32 v29, v9  }
0xf2: {  	v13 =	vadd.f32 v28, v13;
	[tilespmem:s13+$0x12D40] =	vst v8;
	v8 =	vld [tilespmem:s13+$0x12DC0]  }
0xf3: {  	v9 =	vld [tilespmem:s13+$0x12DD0];
	[tilespmem:s13+$0x12D70] =	vst v12;
	v12 =	vadd.f32 v30, v10  }
0xf4: {  	s18 =	simm.s32 $0x800;
	[tilespmem:s13+$0x12D60] =	vst v13;
	v11 =	vadd.f32 v31, v11;
	v10 =	vld [tilespmem:s13+$0x12DE0]  }
.LBB2_5:
0xf5: {  	s20 =	sshra.s32 s18, $0x2;
	p0 =	sne.s32 s18, $0x18800;
	[tilespmem:s13+$0x12D80] =	vst v12;
	v5 =	vadd.f32 v5, v7;
	v7 =	vld [tilespmem:s13+$0x12DF0]  }
0xf6: {  	v12 =	vld [tilespmem:s20+$0x6400];
	[tilespmem:s13+$0x12D90] =	vst v11;
	v4 =	vadd.f32 v4, v6  }
0xf7: {  	v6 =	vld [tilespmem:s20+$0x6410];
	[tilespmem:s13+$0x12DA0] =	vst v5;
	v3 =	vadd.f32 v3, v8  }
0xf8: {  	v8 =	vld [tilespmem:s20+$0x6420];
	[tilespmem:s13+$0x12DB0] =	vst v4;
	v2 =	vadd.f32 v2, v9  }
0xf9: {  	v9 =	vld [tilespmem:s20+$0x6430];
	[tilespmem:s13+$0x12DC0] =	vst v3;
	v1 =	vadd.f32 v1, v10  }
0xfa: {  	v10 =	vld [tilespmem:s20+$0x6440];
	[tilespmem:s13+$0x12DD0] =	vst v2;
	v0 =	vadd.f32 v0, v7  }
0xfb: {  	v7 =	vld [tilespmem:s20+$0x6450];
	[tilespmem:s13+$0x12DE0] =	vst v1  }
0xfc: {  	v11 =	vld [tilespmem:s20+$0x6460];
	[tilespmem:s13+$0x12DF0] =	vst v0;
	s13 =	smov.u32 s20  }
0xfd: {  	v13 =	vld [tilespmem:s13+$0x6470]  }
0xfe: {  	v14 =	vld [tilespmem:s13+$0x6480]  }
0xff: {  	v15 =	vld [tilespmem:s13+$0x6490]  }
0x100: {  	v16 =	vld [tilespmem:s13+$0x64A0]  }
0x101: {  	v17 =	vld [tilespmem:s13+$0x64B0]  }
0x102: {  	v18 =	vld [tilespmem:s13+$0x64C0]  }
0x103: {  	v19 =	vld [tilespmem:s13+$0x64D0]  }
0x104: {  	v20 =	vld [tilespmem:s13+$0x64E0]  }
0x105: {  	v21 =	vld [tilespmem:s13+$0x64F0]  }
0x106: {  	v22 =	vld [tilespmem:s13+$0x6500]  }
0x107: {  	v23 =	vld [tilespmem:s13+$0x6510]  }
0x108: {  	v24 =	vld [tilespmem:s13+$0x6520]  }
0x109: {  	v25 =	vld [tilespmem:s13+$0x6530]  }
0x10a: {  	v26 =	vld [tilespmem:s13+$0x6540]  }
0x10b: {  	v27 =	vld [tilespmem:s13+$0x6550]  }
0x10c: {  	v28 =	vld [tilespmem:s13+$0x6560]  }
0x10d: {  	v29 =	vld [tilespmem:s13+$0x6570]  }
0x10e: {  	v30 =	vld [tilespmem:s13+$0x6580]  }
0x10f: {  	v31 =	vld [tilespmem:s13+$0x6590]  }
0x110: {  	v5 =	vld [tilespmem:s13+$0x65A0]  }
0x111: {  	v4 =	vld [tilespmem:s13+$0x65B0]  }
0x112: {  	v3 =	vld [tilespmem:s13+$0x65C0]  }
0x113: {  	v2 =	vld [tilespmem:s13+$0x65D0]  }
0x114: {  	v1 =	vld [tilespmem:s13+$0x65E0]  }
0x115: {  	v0 =	vld [tilespmem:s13+$0x65F0]  }
0x116: {  	v32 =	vld [tilespmem:s13+$0x12C00]  }
0x117: {  	v33 =	vld [tilespmem:s13+$0x12C10]  }
0x118: {  	v34 =	vld [tilespmem:s13+$0x12C20]  }
0x119: {  	v35 =	vld [tilespmem:s13+$0x12C30]  }
0x11a: {  	v36 =	vld [tilespmem:s13+$0x12C40]  }
0x11b: {  	v12 =	vadd.f32 v12, v32;
	v32 =	vld [tilespmem:s13+$0x12C50]  }
0x11c: {  	v6 =	vadd.f32 v6, v33;
	v33 =	vld [tilespmem:s13+$0x12C60]  }
0x11d: {  	[tilespmem:s13+$0x12C00] =	vst v12;
	v8 =	vadd.f32 v8, v34;
	v12 =	vld [tilespmem:s13+$0x12C70]  }
0x11e: {  	[tilespmem:s13+$0x12C10] =	vst v6;
	v6 =	vadd.f32 v9, v35;
	v9 =	vld [tilespmem:s13+$0x12C80]  }
0x11f: {  	[tilespmem:s13+$0x12C20] =	vst v8;
	v8 =	vadd.f32 v10, v36;
	v10 =	vld [tilespmem:s13+$0x12C90]  }
0x120: {  	[tilespmem:s13+$0x12C30] =	vst v6;
	v6 =	vadd.f32 v7, v32;
	v7 =	vld [tilespmem:s13+$0x12CA0]  }
0x121: {  	[tilespmem:s13+$0x12C40] =	vst v8;
	v8 =	vadd.f32 v11, v33;
	v11 =	vld [tilespmem:s13+$0x12CB0]  }
0x122: {  	[tilespmem:s13+$0x12C50] =	vst v6;
	v6 =	vadd.f32 v13, v12;
	v12 =	vld [tilespmem:s13+$0x12CC0]  }
0x123: {  	[tilespmem:s13+$0x12C60] =	vst v8;
	v8 =	vadd.f32 v14, v9;
	v9 =	vld [tilespmem:s13+$0x12CD0]  }
0x124: {  	[tilespmem:s13+$0x12C70] =	vst v6;
	v6 =	vadd.f32 v15, v10;
	v10 =	vld [tilespmem:s13+$0x12CE0]  }
0x125: {  	[tilespmem:s13+$0x12C80] =	vst v8;
	v7 =	vadd.f32 v16, v7;
	v8 =	vld [tilespmem:s13+$0x12CF0]  }
0x126: {  	[tilespmem:s13+$0x12C90] =	vst v6;
	v6 =	vadd.f32 v17, v11;
	v11 =	vld [tilespmem:s13+$0x12D00]  }
0x127: {  	[tilespmem:s13+$0x12CA0] =	vst v7;
	v7 =	vadd.f32 v18, v12;
	v12 =	vld [tilespmem:s13+$0x12D10]  }
0x128: {  	[tilespmem:s13+$0x12CB0] =	vst v6;
	v6 =	vadd.f32 v19, v9;
	v9 =	vld [tilespmem:s13+$0x12D20]  }
0x129: {  	[tilespmem:s13+$0x12CC0] =	vst v7;
	v7 =	vadd.f32 v20, v10;
	v10 =	vld [tilespmem:s13+$0x12D30]  }
0x12a: {  	[tilespmem:s13+$0x12CD0] =	vst v6;
	v6 =	vadd.f32 v21, v8;
	v8 =	vld [tilespmem:s13+$0x12D40]  }
0x12b: {  	[tilespmem:s13+$0x12CE0] =	vst v7;
	v7 =	vadd.f32 v22, v11;
	v11 =	vld [tilespmem:s13+$0x12D50]  }
0x12c: {  	[tilespmem:s13+$0x12CF0] =	vst v6;
	v6 =	vadd.f32 v23, v12;
	v12 =	vld [tilespmem:s13+$0x12D60]  }
0x12d: {  	[tilespmem:s13+$0x12D00] =	vst v7;
	v7 =	vadd.f32 v24, v9;
	v9 =	vld [tilespmem:s13+$0x12D70]  }
0x12e: {  	[tilespmem:s13+$0x12D10] =	vst v6;
	v6 =	vadd.f32 v25, v10;
	v10 =	vld [tilespmem:s13+$0x12D80]  }
0x12f: {  	[tilespmem:s13+$0x12D20] =	vst v7;
	v8 =	vadd.f32 v26, v8;
	v13 =	vld [tilespmem:s13+$0x12D90]  }
.Ltmp1:
0x130: {  	[tilespmem:s13+$0x12D30] =	vst v6;
	v11 =	vadd.f32 v27, v11;
	v7 =	vld [tilespmem:s13+$0x12DA0];
	(pc) =	sbr.rel @p0 .LBB2_5-.Ltmp1, $4  }
0x131: {  	[tilespmem:s13+$0x12D40] =	vst v8;
	v12 =	vadd.f32 v28, v12;
	v6 =	vld [tilespmem:s13+$0x12DB0]  }
0x132: {  	[tilespmem:s13+$0x12D50] =	vst v11;
	v11 =	vadd.f32 v29, v9;
	v8 =	vld [tilespmem:s13+$0x12DC0]  }
0x133: {  	[tilespmem:s13+$0x12D60] =	vst v12;
	v12 =	vadd.f32 v30, v10;
	v9 =	vld [tilespmem:s13+$0x12DD0]  }
0x134: {  	s18 =	sadd.s32 $0x800, s18;
	[tilespmem:s13+$0x12D70] =	vst v11;
	v11 =	vadd.f32 v31, v13;
	v10 =	vld [tilespmem:s13+$0x12DE0]  }
0x135: {  	[tilespmem:s13+$0x12D80] =	vst v12;
	v5 =	vadd.f32 v5, v7;
	v7 =	vld [tilespmem:s13+$0x12DF0]  }
0x136: {  	[tilespmem:s13+$0x12D90] =	vst v11;
	v4 =	vadd.f32 v4, v6  }
0x137: {  	[tilespmem:s13+$0x12DA0] =	vst v5;
	v3 =	vadd.f32 v3, v8  }
0x138: {  	[tilespmem:s13+$0x12DB0] =	vst v4;
	v2 =	vadd.f32 v2, v9  }
0x139: {  	[tilespmem:s13+$0x12DC0] =	vst v3;
	v1 =	vadd.f32 v1, v10  }
0x13a: {  	[tilespmem:s13+$0x12DD0] =	vst v2;
	v0 =	vadd.f32 v0, v7  }
0x13b: {  	[tilespmem:s13+$0x12DE0] =	vst v1  }
0x13c: {  	[tilespmem:s13+$0x12DF0] =	vst v0  }
0x13d: {  	_ =	swait.ge [sflag:s26], $0x6400  }
0x13e: {  	[sflag:s26] =	ssyncset.done $0x0  }
0x13f: {  	s20 =	sadd.s32 $0x258, s0;
	[sflag:s26] =	ssyncadd.s32 $0xFFFF9C00  }
0x140: {  	[tilespmem:s15], [sflag:$0x1] =	stream.indirect.gather [hbm4b:s1+s14], $0x80, s20, s14, $0xb8;
	[tilespmem:$0x1F400] =	vst v63  }
0x141: {  	s20 =	sadd.s32 s0, s8  }
0x142: {  	s18 =	sadd.s32 $0x2D8, s0;
	s13 =	sshll.u32 s20, $0x4  }
0x143: {  	[tilespmem:s17], [sflag:$0x1] =	stream.indirect.gather [hbm4b:s1+s16], $0x80, s18, s16, $0xb8;
	[tilespmem:$0x1F400] =	vst v63  }
0x144: {  	s13 =	sadd.s32 s4, s13;
	s18 =	simm.s32 $0x0  }
0x145: {  	[hbm4b:s13+s18] =	stream.linear.scatter [tilespmem:s19], [sflag:$0x5], $0x6400, $0x38;
	[tilespmem:$0x1F400] =	vst v63  }
0x146: {  	_ =	swait.ge [sflag:s28], $0x6400  }
0x147: {  	[sflag:s28] =	ssyncset.done $0x0  }
0x148: {  	s13 =	simm.s32 $0x0;
	[sflag:s28] =	ssyncadd.s32 $0xFFFF9C00  }
0x149: {  	v6 =	vld [tilespmem:s13+$0x6400]  }
0x14a: {  	v7 =	vld [tilespmem:s13+$0x6410]  }
0x14b: {  	v8 =	vld [tilespmem:s13+$0x6420]  }
0x14c: {  	v9 =	vld [tilespmem:s13+$0x6430]  }
0x14d: {  	v10 =	vld [tilespmem:s13+$0x6440]  }
0x14e: {  	v11 =	vld [tilespmem:s13+$0x6450]  }
0x14f: {  	v12 =	vld [tilespmem:s13+$0x6460]  }
0x150: {  	v13 =	vld [tilespmem:s13+$0x6470]  }
0x151: {  	v14 =	vld [tilespmem:s13+$0x6480]  }
0x152: {  	v15 =	vld [tilespmem:s13+$0x6490]  }
0x153: {  	v16 =	vld [tilespmem:s13+$0x64A0]  }
0x154: {  	v17 =	vld [tilespmem:s13+$0x64B0]  }
0x155: {  	v18 =	vld [tilespmem:s13+$0x64C0]  }
0x156: {  	v19 =	vld [tilespmem:s13+$0x64D0]  }
0x157: {  	v20 =	vld [tilespmem:s13+$0x64E0]  }
0x158: {  	v21 =	vld [tilespmem:s13+$0x64F0]  }
0x159: {  	v22 =	vld [tilespmem:s13+$0x6500]  }
0x15a: {  	v23 =	vld [tilespmem:s13+$0x6510]  }
0x15b: {  	v24 =	vld [tilespmem:s13+$0x6520]  }
0x15c: {  	v25 =	vld [tilespmem:s13+$0x6530]  }
0x15d: {  	v26 =	vld [tilespmem:s13+$0x6540]  }
0x15e: {  	v27 =	vld [tilespmem:s13+$0x6550]  }
0x15f: {  	v28 =	vld [tilespmem:s13+$0x6560]  }
0x160: {  	v29 =	vld [tilespmem:s13+$0x6570]  }
0x161: {  	v30 =	vld [tilespmem:s13+$0x6580]  }
0x162: {  	v31 =	vld [tilespmem:s13+$0x6590]  }
0x163: {  	v5 =	vld [tilespmem:s13+$0x65A0]  }
0x164: {  	v4 =	vld [tilespmem:s13+$0x65B0]  }
0x165: {  	v3 =	vld [tilespmem:s13+$0x65C0]  }
0x166: {  	v2 =	vld [tilespmem:s13+$0x65D0]  }
0x167: {  	v1 =	vld [tilespmem:s13+$0x65E0]  }
0x168: {  	v32 =	vld [tilespmem:s13+$0x19000]  }
0x169: {  	v33 =	vld [tilespmem:s13+$0x19010]  }
0x16a: {  	v34 =	vld [tilespmem:s13+$0x19020]  }
0x16b: {  	v35 =	vld [tilespmem:s13+$0x19030]  }
0x16c: {  	v36 =	vld [tilespmem:s13+$0x19040]  }
0x16d: {  	v63 =	vld [tilespmem:s13+$0x19050];
	v6 =	vadd.f32 v6, v32  }
0x16e: {  	v37 =	vld [tilespmem:s13+$0x19060];
	v7 =	vadd.f32 v7, v33  }
0x16f: {  	v8 =	vadd.f32 v8, v34;
	[tilespmem:s13+$0x19000] =	vst v6;
	v6 =	vld [tilespmem:s13+$0x19070]  }
0x170: {  	v9 =	vadd.f32 v9, v35;
	[tilespmem:s13+$0x19010] =	vst v7;
	v7 =	vld [tilespmem:s13+$0x19080]  }
0x171: {  	v10 =	vadd.f32 v10, v36;
	[tilespmem:s13+$0x19020] =	vst v8;
	v8 =	vld [tilespmem:s13+$0x19090]  }
0x172: {  	v11 =	vadd.f32 v11, v63;
	[tilespmem:s13+$0x19030] =	vst v9;
	v9 =	vld [tilespmem:s13+$0x190A0]  }
0x173: {  	v12 =	vadd.f32 v12, v37;
	[tilespmem:s13+$0x19040] =	vst v10;
	v10 =	vld [tilespmem:s13+$0x190B0]  }
0x174: {  	[tilespmem:s13+$0x19050] =	vst v11;
	v11 =	vld [tilespmem:s13+$0x190C0];
	v6 =	vadd.f32 v13, v6  }
0x175: {  	[tilespmem:s13+$0x19060] =	vst v12;
	v12 =	vld [tilespmem:s13+$0x190D0];
	v7 =	vadd.f32 v14, v7  }
0x176: {  	v8 =	vadd.f32 v15, v8;
	[tilespmem:s13+$0x19070] =	vst v6;
	v6 =	vld [tilespmem:s13+$0x190E0]  }
0x177: {  	v9 =	vadd.f32 v16, v9;
	[tilespmem:s13+$0x19080] =	vst v7;
	v7 =	vld [tilespmem:s13+$0x190F0]  }
0x178: {  	v10 =	vadd.f32 v17, v10;
	[tilespmem:s13+$0x19090] =	vst v8;
	v8 =	vld [tilespmem:s13+$0x19100]  }
0x179: {  	v11 =	vadd.f32 v18, v11;
	[tilespmem:s13+$0x190A0] =	vst v9;
	v9 =	vld [tilespmem:s13+$0x19110]  }
0x17a: {  	v12 =	vadd.f32 v19, v12;
	[tilespmem:s13+$0x190B0] =	vst v10;
	v10 =	vld [tilespmem:s13+$0x19120]  }
0x17b: {  	[tilespmem:s13+$0x190C0] =	vst v11;
	v11 =	vld [tilespmem:s13+$0x19130];
	v6 =	vadd.f32 v20, v6  }
0x17c: {  	[tilespmem:s13+$0x190D0] =	vst v12;
	v12 =	vld [tilespmem:s13+$0x19140]  }
0x17d: {  	v7 =	vadd.f32 v21, v7;
	[tilespmem:s13+$0x190E0] =	vst v6;
	v6 =	vld [tilespmem:s13+$0x19150]  }
0x17e: {  	v0 =	vld [tilespmem:s13+$0x65F0];
	v8 =	vadd.f32 v22, v8  }
0x17f: {  	[tilespmem:s13+$0x190F0] =	vst v7;
	v7 =	vadd.f32 v23, v9;
	v9 =	vld [tilespmem:s13+$0x19170]  }
0x180: {  	v13 =	vld [tilespmem:s13+$0x19160];
	[tilespmem:s13+$0x19100] =	vst v8;
	v8 =	vadd.f32 v24, v10  }
0x181: {  	v10 =	vld [tilespmem:s13+$0x19180];
	[tilespmem:s13+$0x19110] =	vst v7;
	v7 =	vadd.f32 v25, v11  }
0x182: {  	[tilespmem:s13+$0x19120] =	vst v8;
	v11 =	vld [tilespmem:s13+$0x19190];
	v8 =	vadd.f32 v26, v12;
	v12 =	vadd.f32 v27, v6  }
0x183: {  	[tilespmem:s13+$0x19130] =	vst v7;
	v7 =	vld [tilespmem:s13+$0x191A0]  }
0x184: {  	v6 =	vld [tilespmem:s13+$0x191B0];
	[tilespmem:s13+$0x19150] =	vst v12;
	v12 =	vadd.f32 v29, v9  }
0x185: {  	v13 =	vadd.f32 v28, v13;
	[tilespmem:s13+$0x19140] =	vst v8;
	v8 =	vld [tilespmem:s13+$0x191C0]  }
0x186: {  	v9 =	vld [tilespmem:s13+$0x191D0];
	[tilespmem:s13+$0x19170] =	vst v12;
	v12 =	vadd.f32 v30, v10  }
0x187: {  	s18 =	simm.s32 $0x800;
	[tilespmem:s13+$0x19160] =	vst v13;
	v11 =	vadd.f32 v31, v11;
	v10 =	vld [tilespmem:s13+$0x191E0]  }
.LBB2_7:
0x188: {  	s20 =	sshra.s32 s18, $0x2;
	p0 =	sne.s32 s18, $0x18800;
	[tilespmem:s13+$0x19180] =	vst v12;
	v5 =	vadd.f32 v5, v7;
	v7 =	vld [tilespmem:s13+$0x191F0]  }
0x189: {  	v12 =	vld [tilespmem:s20+$0x6400];
	[tilespmem:s13+$0x19190] =	vst v11;
	v4 =	vadd.f32 v4, v6  }
0x18a: {  	v6 =	vld [tilespmem:s20+$0x6410];
	[tilespmem:s13+$0x191A0] =	vst v5;
	v3 =	vadd.f32 v3, v8  }
0x18b: {  	v8 =	vld [tilespmem:s20+$0x6420];
	[tilespmem:s13+$0x191B0] =	vst v4;
	v2 =	vadd.f32 v2, v9  }
0x18c: {  	v9 =	vld [tilespmem:s20+$0x6430];
	[tilespmem:s13+$0x191C0] =	vst v3;
	v1 =	vadd.f32 v1, v10  }
0x18d: {  	v10 =	vld [tilespmem:s20+$0x6440];
	[tilespmem:s13+$0x191D0] =	vst v2;
	v0 =	vadd.f32 v0, v7  }
0x18e: {  	v7 =	vld [tilespmem:s20+$0x6450];
	[tilespmem:s13+$0x191E0] =	vst v1  }
0x18f: {  	v11 =	vld [tilespmem:s20+$0x6460];
	[tilespmem:s13+$0x191F0] =	vst v0;
	s13 =	smov.u32 s20  }
0x190: {  	v13 =	vld [tilespmem:s13+$0x6470]  }
0x191: {  	v14 =	vld [tilespmem:s13+$0x6480]  }
0x192: {  	v15 =	vld [tilespmem:s13+$0x6490]  }
0x193: {  	v16 =	vld [tilespmem:s13+$0x64A0]  }
0x194: {  	v17 =	vld [tilespmem:s13+$0x64B0]  }
0x195: {  	v18 =	vld [tilespmem:s13+$0x64C0]  }
0x196: {  	v19 =	vld [tilespmem:s13+$0x64D0]  }
0x197: {  	v20 =	vld [tilespmem:s13+$0x64E0]  }
0x198: {  	v21 =	vld [tilespmem:s13+$0x64F0]  }
0x199: {  	v22 =	vld [tilespmem:s13+$0x6500]  }
0x19a: {  	v23 =	vld [tilespmem:s13+$0x6510]  }
0x19b: {  	v24 =	vld [tilespmem:s13+$0x6520]  }
0x19c: {  	v25 =	vld [tilespmem:s13+$0x6530]  }
0x19d: {  	v26 =	vld [tilespmem:s13+$0x6540]  }
0x19e: {  	v27 =	vld [tilespmem:s13+$0x6550]  }
0x19f: {  	v28 =	vld [tilespmem:s13+$0x6560]  }
0x1a0: {  	v29 =	vld [tilespmem:s13+$0x6570]  }
0x1a1: {  	v30 =	vld [tilespmem:s13+$0x6580]  }
0x1a2: {  	v31 =	vld [tilespmem:s13+$0x6590]  }
0x1a3: {  	v5 =	vld [tilespmem:s13+$0x65A0]  }
0x1a4: {  	v4 =	vld [tilespmem:s13+$0x65B0]  }
0x1a5: {  	v3 =	vld [tilespmem:s13+$0x65C0]  }
0x1a6: {  	v2 =	vld [tilespmem:s13+$0x65D0]  }
0x1a7: {  	v1 =	vld [tilespmem:s13+$0x65E0]  }
0x1a8: {  	v0 =	vld [tilespmem:s13+$0x65F0]  }
0x1a9: {  	v32 =	vld [tilespmem:s13+$0x19000]  }
0x1aa: {  	v33 =	vld [tilespmem:s13+$0x19010]  }
0x1ab: {  	v34 =	vld [tilespmem:s13+$0x19020]  }
0x1ac: {  	v35 =	vld [tilespmem:s13+$0x19030]  }
0x1ad: {  	v36 =	vld [tilespmem:s13+$0x19040]  }
0x1ae: {  	v12 =	vadd.f32 v12, v32;
	v32 =	vld [tilespmem:s13+$0x19050]  }
0x1af: {  	v6 =	vadd.f32 v6, v33;
	v33 =	vld [tilespmem:s13+$0x19060]  }
0x1b0: {  	[tilespmem:s13+$0x19000] =	vst v12;
	v8 =	vadd.f32 v8, v34;
	v12 =	vld [tilespmem:s13+$0x19070]  }
0x1b1: {  	[tilespmem:s13+$0x19010] =	vst v6;
	v6 =	vadd.f32 v9, v35;
	v9 =	vld [tilespmem:s13+$0x19080]  }
0x1b2: {  	[tilespmem:s13+$0x19020] =	vst v8;
	v8 =	vadd.f32 v10, v36;
	v10 =	vld [tilespmem:s13+$0x19090]  }
0x1b3: {  	[tilespmem:s13+$0x19030] =	vst v6;
	v6 =	vadd.f32 v7, v32;
	v7 =	vld [tilespmem:s13+$0x190A0]  }
0x1b4: {  	[tilespmem:s13+$0x19040] =	vst v8;
	v8 =	vadd.f32 v11, v33;
	v11 =	vld [tilespmem:s13+$0x190B0]  }
0x1b5: {  	[tilespmem:s13+$0x19050] =	vst v6;
	v6 =	vadd.f32 v13, v12;
	v12 =	vld [tilespmem:s13+$0x190C0]  }
0x1b6: {  	[tilespmem:s13+$0x19060] =	vst v8;
	v8 =	vadd.f32 v14, v9;
	v9 =	vld [tilespmem:s13+$0x190D0]  }
0x1b7: {  	[tilespmem:s13+$0x19070] =	vst v6;
	v6 =	vadd.f32 v15, v10;
	v10 =	vld [tilespmem:s13+$0x190E0]  }
0x1b8: {  	[tilespmem:s13+$0x19080] =	vst v8;
	v7 =	vadd.f32 v16, v7;
	v8 =	vld [tilespmem:s13+$0x190F0]  }
0x1b9: {  	[tilespmem:s13+$0x19090] =	vst v6;
	v6 =	vadd.f32 v17, v11;
	v11 =	vld [tilespmem:s13+$0x19100]  }
0x1ba: {  	[tilespmem:s13+$0x190A0] =	vst v7;
	v7 =	vadd.f32 v18, v12;
	v12 =	vld [tilespmem:s13+$0x19110]  }
0x1bb: {  	[tilespmem:s13+$0x190B0] =	vst v6;
	v6 =	vadd.f32 v19, v9;
	v9 =	vld [tilespmem:s13+$0x19120]  }
0x1bc: {  	[tilespmem:s13+$0x190C0] =	vst v7;
	v7 =	vadd.f32 v20, v10;
	v10 =	vld [tilespmem:s13+$0x19130]  }
0x1bd: {  	[tilespmem:s13+$0x190D0] =	vst v6;
	v6 =	vadd.f32 v21, v8;
	v8 =	vld [tilespmem:s13+$0x19140]  }
0x1be: {  	[tilespmem:s13+$0x190E0] =	vst v7;
	v7 =	vadd.f32 v22, v11;
	v11 =	vld [tilespmem:s13+$0x19150]  }
0x1bf: {  	[tilespmem:s13+$0x190F0] =	vst v6;
	v6 =	vadd.f32 v23, v12;
	v12 =	vld [tilespmem:s13+$0x19160]  }
0x1c0: {  	[tilespmem:s13+$0x19100] =	vst v7;
	v7 =	vadd.f32 v24, v9;
	v9 =	vld [tilespmem:s13+$0x19170]  }
0x1c1: {  	[tilespmem:s13+$0x19110] =	vst v6;
	v6 =	vadd.f32 v25, v10;
	v10 =	vld [tilespmem:s13+$0x19180]  }
0x1c2: {  	[tilespmem:s13+$0x19120] =	vst v7;
	v8 =	vadd.f32 v26, v8;
	v13 =	vld [tilespmem:s13+$0x19190]  }
.Ltmp2:
0x1c3: {  	[tilespmem:s13+$0x19130] =	vst v6;
	v11 =	vadd.f32 v27, v11;
	v7 =	vld [tilespmem:s13+$0x191A0];
	(pc) =	sbr.rel @p0 .LBB2_7-.Ltmp2, $4  }
0x1c4: {  	[tilespmem:s13+$0x19140] =	vst v8;
	v12 =	vadd.f32 v28, v12;
	v6 =	vld [tilespmem:s13+$0x191B0]  }
0x1c5: {  	[tilespmem:s13+$0x19150] =	vst v11;
	v11 =	vadd.f32 v29, v9;
	v8 =	vld [tilespmem:s13+$0x191C0]  }
0x1c6: {  	[tilespmem:s13+$0x19160] =	vst v12;
	v12 =	vadd.f32 v30, v10;
	v9 =	vld [tilespmem:s13+$0x191D0]  }
0x1c7: {  	s18 =	sadd.s32 $0x800, s18;
	[tilespmem:s13+$0x19170] =	vst v11;
	v11 =	vadd.f32 v31, v13;
	v10 =	vld [tilespmem:s13+$0x191E0]  }
0x1c8: {  	[tilespmem:s13+$0x19180] =	vst v12;
	v5 =	vadd.f32 v5, v7;
	v63 =	vld [tilespmem:s13+$0x191F0]  }
0x1c9: {  	[tilespmem:s13+$0x19190] =	vst v11;
	v4 =	vadd.f32 v4, v6  }
0x1ca: {  	[tilespmem:s13+$0x191A0] =	vst v5;
	v3 =	vadd.f32 v3, v8  }
0x1cb: {  	[tilespmem:s13+$0x191B0] =	vst v4;
	v2 =	vadd.f32 v2, v9  }
0x1cc: {  	[tilespmem:s13+$0x191C0] =	vst v3;
	v1 =	vadd.f32 v1, v10  }
0x1cd: {  	[tilespmem:s13+$0x191D0] =	vst v2;
	v0 =	vadd.f32 v0, v63  }
0x1ce: {  	[tilespmem:s13+$0x191E0] =	vst v1  }
0x1cf: {  	[tilespmem:s13+$0x191F0] =	vst v0  }
0x1d0: {  	_ =	swait.ge [sflag:s29], $0x6400  }
0x1d1: {  	s2 =	sadd.s32 $0x1, s2;
	[sflag:s29] =	ssyncset.done $0x0  }
0x1d2: {  	s20 =	sadd.s32 $0x320, s0;
	p0 =	sne.s32 s2, $0x2A;
	[sflag:s29] =	ssyncadd.s32 $0xFFFF9C00  }
0x1d3: {  	[tilespmem:s19], [sflag:$0x2] =	stream.indirect.gather [hbm4b:s1+s14], $0x80, s20, s14, $0xb8;
	[tilespmem:$0x1F400] =	vst v63  }
.Ltmp3:
0x1d4: {  	s20 =	sadd.s32 s6, s3;
	(pc) =	sbr.rel @p0 .LBB2_2-.Ltmp3, $4  }
0x1d5: {  	s18 =	sadd.s32 $0x3A0, s0;
	s0 =	sshll.u32 s20, $0x4  }
0x1d6: {  	[tilespmem:s21], [sflag:$0x2] =	stream.indirect.gather [hbm4b:s1+s16], $0x80, s18, s16, $0xb8;
	[tilespmem:$0x1F400] =	vst v63  }
0x1d7: {  	s0 =	sadd.s32 s4, s0  }
0x1d8: {  	[hbm4b:s0+s5] =	stream.linear.scatter [tilespmem:s23], [sflag:$0x6], $0x6400, $0x38;
	[tilespmem:$0x1F400] =	vst v63  }
0x1d9: {  	_ =	swait.ge [sflag:s22], $0x6400  }
0x1da: {  	[sflag:s22] =	ssyncset.done $0x0  }
0x1db: {  	s0 =	simm.s32 $0x0;
	[sflag:s22] =	ssyncadd.s32 $0xFFFF9C00  }
0x1dc: {  	v6 =	vld [tilespmem:s0+$0x6400]  }
0x1dd: {  	v7 =	vld [tilespmem:s0+$0x6410]  }
0x1de: {  	v8 =	vld [tilespmem:s0+$0x6420]  }
0x1df: {  	v9 =	vld [tilespmem:s0+$0x6430]  }
0x1e0: {  	v10 =	vld [tilespmem:s0+$0x6440]  }
0x1e1: {  	v11 =	vld [tilespmem:s0+$0x6450]  }
0x1e2: {  	v12 =	vld [tilespmem:s0+$0x6460]  }
0x1e3: {  	v13 =	vld [tilespmem:s0+$0x6470]  }
0x1e4: {  	v14 =	vld [tilespmem:s0+$0x6480]  }
0x1e5: {  	v15 =	vld [tilespmem:s0+$0x6490]  }
0x1e6: {  	v16 =	vld [tilespmem:s0+$0x64A0]  }
0x1e7: {  	v17 =	vld [tilespmem:s0+$0x64B0]  }
0x1e8: {  	v18 =	vld [tilespmem:s0+$0x64C0]  }
0x1e9: {  	v19 =	vld [tilespmem:s0+$0x64D0]  }
0x1ea: {  	v20 =	vld [tilespmem:s0+$0x64E0]  }
0x1eb: {  	v21 =	vld [tilespmem:s0+$0x64F0]  }
0x1ec: {  	v22 =	vld [tilespmem:s0+$0x6500]  }
0x1ed: {  	v23 =	vld [tilespmem:s0+$0x6510]  }
0x1ee: {  	v24 =	vld [tilespmem:s0+$0x6520]  }
0x1ef: {  	v25 =	vld [tilespmem:s0+$0x6530]  }
0x1f0: {  	v26 =	vld [tilespmem:s0+$0x6540]  }
0x1f1: {  	v27 =	vld [tilespmem:s0+$0x6550]  }
0x1f2: {  	v28 =	vld [tilespmem:s0+$0x6560]  }
0x1f3: {  	v29 =	vld [tilespmem:s0+$0x6570]  }
0x1f4: {  	v30 =	vld [tilespmem:s0+$0x6580]  }
0x1f5: {  	v31 =	vld [tilespmem:s0+$0x6590]  }
0x1f6: {  	v5 =	vld [tilespmem:s0+$0x65A0]  }
0x1f7: {  	v4 =	vld [tilespmem:s0+$0x65B0]  }
0x1f8: {  	v3 =	vld [tilespmem:s0+$0x65C0]  }
0x1f9: {  	v2 =	vld [tilespmem:s0+$0x65D0]  }
0x1fa: {  	v1 =	vld [tilespmem:s0+$0x65E0]  }
0x1fb: {  	v32 =	vld [tilespmem:s0+$0xC800]  }
0x1fc: {  	v33 =	vld [tilespmem:s0+$0xC810]  }
0x1fd: {  	v34 =	vld [tilespmem:s0+$0xC820]  }
0x1fe: {  	v35 =	vld [tilespmem:s0+$0xC830]  }
0x1ff: {  	v36 =	vld [tilespmem:s0+$0xC840]  }
0x200: {  	v63 =	vld [tilespmem:s0+$0xC850];
	v6 =	vadd.f32 v6, v32  }
0x201: {  	v37 =	vld [tilespmem:s0+$0xC860];
	v7 =	vadd.f32 v7, v33  }
0x202: {  	v8 =	vadd.f32 v8, v34;
	[tilespmem:s0+$0xC800] =	vst v6;
	v6 =	vld [tilespmem:s0+$0xC870]  }
0x203: {  	v9 =	vadd.f32 v9, v35;
	[tilespmem:s0+$0xC810] =	vst v7;
	v7 =	vld [tilespmem:s0+$0xC880]  }
0x204: {  	v10 =	vadd.f32 v10, v36;
	[tilespmem:s0+$0xC820] =	vst v8;
	v8 =	vld [tilespmem:s0+$0xC890]  }
0x205: {  	v11 =	vadd.f32 v11, v63;
	[tilespmem:s0+$0xC830] =	vst v9;
	v9 =	vld [tilespmem:s0+$0xC8A0]  }
0x206: {  	v12 =	vadd.f32 v12, v37;
	[tilespmem:s0+$0xC840] =	vst v10;
	v10 =	vld [tilespmem:s0+$0xC8B0]  }
0x207: {  	[tilespmem:s0+$0xC850] =	vst v11;
	v11 =	vld [tilespmem:s0+$0xC8C0];
	v6 =	vadd.f32 v13, v6  }
0x208: {  	[tilespmem:s0+$0xC860] =	vst v12;
	v12 =	vld [tilespmem:s0+$0xC8D0];
	v7 =	vadd.f32 v14, v7  }
0x209: {  	v8 =	vadd.f32 v15, v8;
	[tilespmem:s0+$0xC870] =	vst v6;
	v6 =	vld [tilespmem:s0+$0xC8E0]  }
0x20a: {  	v9 =	vadd.f32 v16, v9;
	[tilespmem:s0+$0xC880] =	vst v7;
	v7 =	vld [tilespmem:s0+$0xC8F0]  }
0x20b: {  	v10 =	vadd.f32 v17, v10;
	[tilespmem:s0+$0xC890] =	vst v8;
	v8 =	vld [tilespmem:s0+$0xC900]  }
0x20c: {  	v11 =	vadd.f32 v18, v11;
	[tilespmem:s0+$0xC8A0] =	vst v9;
	v9 =	vld [tilespmem:s0+$0xC910]  }
0x20d: {  	v12 =	vadd.f32 v19, v12;
	[tilespmem:s0+$0xC8B0] =	vst v10;
	v10 =	vld [tilespmem:s0+$0xC920]  }
0x20e: {  	[tilespmem:s0+$0xC8C0] =	vst v11;
	v11 =	vld [tilespmem:s0+$0xC930];
	v6 =	vadd.f32 v20, v6  }
0x20f: {  	[tilespmem:s0+$0xC8D0] =	vst v12;
	v12 =	vld [tilespmem:s0+$0xC940]  }
0x210: {  	v7 =	vadd.f32 v21, v7;
	[tilespmem:s0+$0xC8E0] =	vst v6;
	v6 =	vld [tilespmem:s0+$0xC950]  }
0x211: {  	v0 =	vld [tilespmem:s0+$0x65F0];
	v8 =	vadd.f32 v22, v8  }
0x212: {  	[tilespmem:s0+$0xC8F0] =	vst v7;
	v7 =	vadd.f32 v23, v9;
	v9 =	vld [tilespmem:s0+$0xC970]  }
0x213: {  	v13 =	vld [tilespmem:s0+$0xC960];
	[tilespmem:s0+$0xC900] =	vst v8;
	v8 =	vadd.f32 v24, v10  }
0x214: {  	v10 =	vld [tilespmem:s0+$0xC980];
	[tilespmem:s0+$0xC910] =	vst v7;
	v7 =	vadd.f32 v25, v11  }
0x215: {  	[tilespmem:s0+$0xC920] =	vst v8;
	v11 =	vld [tilespmem:s0+$0xC990];
	v8 =	vadd.f32 v26, v12;
	v12 =	vadd.f32 v27, v6  }
0x216: {  	[tilespmem:s0+$0xC930] =	vst v7;
	v7 =	vld [tilespmem:s0+$0xC9A0]  }
0x217: {  	v6 =	vld [tilespmem:s0+$0xC9B0];
	[tilespmem:s0+$0xC950] =	vst v12;
	v12 =	vadd.f32 v29, v9  }
0x218: {  	v13 =	vadd.f32 v28, v13;
	[tilespmem:s0+$0xC940] =	vst v8;
	v8 =	vld [tilespmem:s0+$0xC9C0]  }
0x219: {  	v9 =	vld [tilespmem:s0+$0xC9D0];
	[tilespmem:s0+$0xC970] =	vst v12;
	v12 =	vadd.f32 v30, v10  }
0x21a: {  	s2 =	simm.s32 $0x800;
	[tilespmem:s0+$0xC960] =	vst v13;
	v11 =	vadd.f32 v31, v11;
	v10 =	vld [tilespmem:s0+$0xC9E0]  }
.LBB2_10:
0x21b: {  	s3 =	sshra.s32 s2, $0x2;
	p0 =	sne.s32 s2, $0x18800;
	[tilespmem:s0+$0xC980] =	vst v12;
	v5 =	vadd.f32 v5, v7;
	v7 =	vld [tilespmem:s0+$0xC9F0]  }
0x21c: {  	v12 =	vld [tilespmem:s3+$0x6400];
	[tilespmem:s0+$0xC990] =	vst v11;
	v4 =	vadd.f32 v4, v6  }
0x21d: {  	v6 =	vld [tilespmem:s3+$0x6410];
	[tilespmem:s0+$0xC9A0] =	vst v5;
	v3 =	vadd.f32 v3, v8  }
0x21e: {  	v8 =	vld [tilespmem:s3+$0x6420];
	[tilespmem:s0+$0xC9B0] =	vst v4;
	v2 =	vadd.f32 v2, v9  }
0x21f: {  	v9 =	vld [tilespmem:s3+$0x6430];
	[tilespmem:s0+$0xC9C0] =	vst v3;
	v1 =	vadd.f32 v1, v10  }
0x220: {  	v10 =	vld [tilespmem:s3+$0x6440];
	[tilespmem:s0+$0xC9D0] =	vst v2;
	v0 =	vadd.f32 v0, v7  }
0x221: {  	v7 =	vld [tilespmem:s3+$0x6450];
	[tilespmem:s0+$0xC9E0] =	vst v1  }
0x222: {  	v11 =	vld [tilespmem:s3+$0x6460];
	[tilespmem:s0+$0xC9F0] =	vst v0;
	s0 =	smov.u32 s3  }
0x223: {  	v13 =	vld [tilespmem:s0+$0x6470]  }
0x224: {  	v14 =	vld [tilespmem:s0+$0x6480]  }
0x225: {  	v15 =	vld [tilespmem:s0+$0x6490]  }
0x226: {  	v16 =	vld [tilespmem:s0+$0x64A0]  }
0x227: {  	v17 =	vld [tilespmem:s0+$0x64B0]  }
0x228: {  	v18 =	vld [tilespmem:s0+$0x64C0]  }
0x229: {  	v19 =	vld [tilespmem:s0+$0x64D0]  }
0x22a: {  	v20 =	vld [tilespmem:s0+$0x64E0]  }
0x22b: {  	v21 =	vld [tilespmem:s0+$0x64F0]  }
0x22c: {  	v22 =	vld [tilespmem:s0+$0x6500]  }
0x22d: {  	v23 =	vld [tilespmem:s0+$0x6510]  }
0x22e: {  	v24 =	vld [tilespmem:s0+$0x6520]  }
0x22f: {  	v25 =	vld [tilespmem:s0+$0x6530]  }
0x230: {  	v26 =	vld [tilespmem:s0+$0x6540]  }
0x231: {  	v27 =	vld [tilespmem:s0+$0x6550]  }
0x232: {  	v28 =	vld [tilespmem:s0+$0x6560]  }
0x233: {  	v29 =	vld [tilespmem:s0+$0x6570]  }
0x234: {  	v30 =	vld [tilespmem:s0+$0x6580]  }
0x235: {  	v31 =	vld [tilespmem:s0+$0x6590]  }
0x236: {  	v5 =	vld [tilespmem:s0+$0x65A0]  }
0x237: {  	v4 =	vld [tilespmem:s0+$0x65B0]  }
0x238: {  	v3 =	vld [tilespmem:s0+$0x65C0]  }
0x239: {  	v2 =	vld [tilespmem:s0+$0x65D0]  }
0x23a: {  	v1 =	vld [tilespmem:s0+$0x65E0]  }
0x23b: {  	v0 =	vld [tilespmem:s0+$0x65F0]  }
0x23c: {  	v32 =	vld [tilespmem:s0+$0xC800]  }
0x23d: {  	v33 =	vld [tilespmem:s0+$0xC810]  }
0x23e: {  	v34 =	vld [tilespmem:s0+$0xC820]  }
0x23f: {  	v35 =	vld [tilespmem:s0+$0xC830]  }
0x240: {  	v36 =	vld [tilespmem:s0+$0xC840]  }
0x241: {  	v12 =	vadd.f32 v12, v32;
	v32 =	vld [tilespmem:s0+$0xC850]  }
0x242: {  	v6 =	vadd.f32 v6, v33;
	v33 =	vld [tilespmem:s0+$0xC860]  }
0x243: {  	[tilespmem:s0+$0xC800] =	vst v12;
	v8 =	vadd.f32 v8, v34;
	v12 =	vld [tilespmem:s0+$0xC870]  }
0x244: {  	[tilespmem:s0+$0xC810] =	vst v6;
	v6 =	vadd.f32 v9, v35;
	v9 =	vld [tilespmem:s0+$0xC880]  }
0x245: {  	[tilespmem:s0+$0xC820] =	vst v8;
	v8 =	vadd.f32 v10, v36;
	v10 =	vld [tilespmem:s0+$0xC890]  }
0x246: {  	[tilespmem:s0+$0xC830] =	vst v6;
	v6 =	vadd.f32 v7, v32;
	v7 =	vld [tilespmem:s0+$0xC8A0]  }
0x247: {  	[tilespmem:s0+$0xC840] =	vst v8;
	v8 =	vadd.f32 v11, v33;
	v11 =	vld [tilespmem:s0+$0xC8B0]  }
0x248: {  	[tilespmem:s0+$0xC850] =	vst v6;
	v6 =	vadd.f32 v13, v12;
	v12 =	vld [tilespmem:s0+$0xC8C0]  }
0x249: {  	[tilespmem:s0+$0xC860] =	vst v8;
	v8 =	vadd.f32 v14, v9;
	v9 =	vld [tilespmem:s0+$0xC8D0]  }
0x24a: {  	[tilespmem:s0+$0xC870] =	vst v6;
	v6 =	vadd.f32 v15, v10;
	v10 =	vld [tilespmem:s0+$0xC8E0]  }
0x24b: {  	[tilespmem:s0+$0xC880] =	vst v8;
	v7 =	vadd.f32 v16, v7;
	v8 =	vld [tilespmem:s0+$0xC8F0]  }
0x24c: {  	[tilespmem:s0+$0xC890] =	vst v6;
	v6 =	vadd.f32 v17, v11;
	v11 =	vld [tilespmem:s0+$0xC900]  }
0x24d: {  	[tilespmem:s0+$0xC8A0] =	vst v7;
	v7 =	vadd.f32 v18, v12;
	v12 =	vld [tilespmem:s0+$0xC910]  }
0x24e: {  	[tilespmem:s0+$0xC8B0] =	vst v6;
	v6 =	vadd.f32 v19, v9;
	v9 =	vld [tilespmem:s0+$0xC920]  }
0x24f: {  	[tilespmem:s0+$0xC8C0] =	vst v7;
	v7 =	vadd.f32 v20, v10;
	v10 =	vld [tilespmem:s0+$0xC930]  }
0x250: {  	[tilespmem:s0+$0xC8D0] =	vst v6;
	v6 =	vadd.f32 v21, v8;
	v8 =	vld [tilespmem:s0+$0xC940]  }
0x251: {  	[tilespmem:s0+$0xC8E0] =	vst v7;
	v7 =	vadd.f32 v22, v11;
	v11 =	vld [tilespmem:s0+$0xC950]  }
0x252: {  	[tilespmem:s0+$0xC8F0] =	vst v6;
	v6 =	vadd.f32 v23, v12;
	v12 =	vld [tilespmem:s0+$0xC960]  }
0x253: {  	[tilespmem:s0+$0xC900] =	vst v7;
	v7 =	vadd.f32 v24, v9;
	v9 =	vld [tilespmem:s0+$0xC970]  }
0x254: {  	[tilespmem:s0+$0xC910] =	vst v6;
	v6 =	vadd.f32 v25, v10;
	v10 =	vld [tilespmem:s0+$0xC980]  }
0x255: {  	[tilespmem:s0+$0xC920] =	vst v7;
	v8 =	vadd.f32 v26, v8;
	v13 =	vld [tilespmem:s0+$0xC990]  }
.Ltmp4:
0x256: {  	[tilespmem:s0+$0xC930] =	vst v6;
	v11 =	vadd.f32 v27, v11;
	v7 =	vld [tilespmem:s0+$0xC9A0];
	(pc) =	sbr.rel @p0 .LBB2_10-.Ltmp4, $4  }
0x257: {  	[tilespmem:s0+$0xC940] =	vst v8;
	v12 =	vadd.f32 v28, v12;
	v6 =	vld [tilespmem:s0+$0xC9B0]  }
0x258: {  	[tilespmem:s0+$0xC950] =	vst v11;
	v11 =	vadd.f32 v29, v9;
	v8 =	vld [tilespmem:s0+$0xC9C0]  }
0x259: {  	[tilespmem:s0+$0xC960] =	vst v12;
	v12 =	vadd.f32 v30, v10;
	v9 =	vld [tilespmem:s0+$0xC9D0]  }
0x25a: {  	s2 =	sadd.s32 $0x800, s2;
	[tilespmem:s0+$0xC970] =	vst v11;
	v11 =	vadd.f32 v31, v13;
	v10 =	vld [tilespmem:s0+$0xC9E0]  }
0x25b: {  	[tilespmem:s0+$0xC980] =	vst v12;
	v5 =	vadd.f32 v5, v7;
	v7 =	vld [tilespmem:s0+$0xC9F0]  }
0x25c: {  	[tilespmem:s0+$0xC990] =	vst v11;
	v4 =	vadd.f32 v4, v6  }
0x25d: {  	[tilespmem:s0+$0xC9A0] =	vst v5;
	v3 =	vadd.f32 v3, v8  }
0x25e: {  	[tilespmem:s0+$0xC9B0] =	vst v4;
	v2 =	vadd.f32 v2, v9  }
0x25f: {  	[tilespmem:s0+$0xC9C0] =	vst v3;
	v1 =	vadd.f32 v1, v10  }
0x260: {  	[tilespmem:s0+$0xC9D0] =	vst v2;
	v0 =	vadd.f32 v0, v7  }
0x261: {  	[tilespmem:s0+$0xC9E0] =	vst v1  }
0x262: {  	s20 =	simm.s32 $0x0;
	[tilespmem:s0+$0xC9F0] =	vst v0  }
0x263: {  	[hbm4b:s9+s20] =	stream.linear.scatter [tilespmem:s15], [sflag:$0x4], $0x6400, $0x38;
	[tilespmem:$0x1F400] =	vst v63  }
0x264: {  	_ =	swait.ge [sflag:s25], $0x6400  }
0x265: {  	[sflag:s25] =	ssyncset.done $0x0  }
0x266: {  	s0 =	simm.s32 $0x0;
	[sflag:s25] =	ssyncadd.s32 $0xFFFF9C00  }
0x267: {  	v6 =	vld [tilespmem:s0+$0x6400]  }
0x268: {  	v7 =	vld [tilespmem:s0+$0x6410]  }
0x269: {  	v8 =	vld [tilespmem:s0+$0x6420]  }
0x26a: {  	v9 =	vld [tilespmem:s0+$0x6430]  }
0x26b: {  	v10 =	vld [tilespmem:s0+$0x6440]  }
0x26c: {  	v11 =	vld [tilespmem:s0+$0x6450]  }
0x26d: {  	v12 =	vld [tilespmem:s0+$0x6460]  }
0x26e: {  	v13 =	vld [tilespmem:s0+$0x6470]  }
0x26f: {  	v14 =	vld [tilespmem:s0+$0x6480]  }
0x270: {  	v15 =	vld [tilespmem:s0+$0x6490]  }
0x271: {  	v16 =	vld [tilespmem:s0+$0x64A0]  }
0x272: {  	v17 =	vld [tilespmem:s0+$0x64B0]  }
0x273: {  	v18 =	vld [tilespmem:s0+$0x64C0]  }
0x274: {  	v19 =	vld [tilespmem:s0+$0x64D0]  }
0x275: {  	v20 =	vld [tilespmem:s0+$0x64E0]  }
0x276: {  	v21 =	vld [tilespmem:s0+$0x64F0]  }
0x277: {  	v22 =	vld [tilespmem:s0+$0x6500]  }
0x278: {  	v23 =	vld [tilespmem:s0+$0x6510]  }
0x279: {  	v24 =	vld [tilespmem:s0+$0x6520]  }
0x27a: {  	v25 =	vld [tilespmem:s0+$0x6530]  }
0x27b: {  	v26 =	vld [tilespmem:s0+$0x6540]  }
0x27c: {  	v27 =	vld [tilespmem:s0+$0x6550]  }
0x27d: {  	v28 =	vld [tilespmem:s0+$0x6560]  }
0x27e: {  	v29 =	vld [tilespmem:s0+$0x6570]  }
0x27f: {  	v30 =	vld [tilespmem:s0+$0x6580]  }
0x280: {  	v31 =	vld [tilespmem:s0+$0x6590]  }
0x281: {  	v5 =	vld [tilespmem:s0+$0x65A0]  }
0x282: {  	v4 =	vld [tilespmem:s0+$0x65B0]  }
0x283: {  	v3 =	vld [tilespmem:s0+$0x65C0]  }
0x284: {  	v2 =	vld [tilespmem:s0+$0x65D0]  }
0x285: {  	v1 =	vld [tilespmem:s0+$0x65E0]  }
0x286: {  	v32 =	vld [tilespmem:s0+$0x12C00]  }
0x287: {  	v33 =	vld [tilespmem:s0+$0x12C10]  }
0x288: {  	v34 =	vld [tilespmem:s0+$0x12C20]  }
0x289: {  	v35 =	vld [tilespmem:s0+$0x12C30]  }
0x28a: {  	v36 =	vld [tilespmem:s0+$0x12C40]  }
0x28b: {  	v63 =	vld [tilespmem:s0+$0x12C50];
	v6 =	vadd.f32 v6, v32  }
0x28c: {  	v37 =	vld [tilespmem:s0+$0x12C60];
	v7 =	vadd.f32 v7, v33  }
0x28d: {  	v8 =	vadd.f32 v8, v34;
	[tilespmem:s0+$0x12C00] =	vst v6;
	v6 =	vld [tilespmem:s0+$0x12C70]  }
0x28e: {  	v9 =	vadd.f32 v9, v35;
	[tilespmem:s0+$0x12C10] =	vst v7;
	v7 =	vld [tilespmem:s0+$0x12C80]  }
0x28f: {  	v10 =	vadd.f32 v10, v36;
	[tilespmem:s0+$0x12C20] =	vst v8;
	v8 =	vld [tilespmem:s0+$0x12C90]  }
0x290: {  	v11 =	vadd.f32 v11, v63;
	[tilespmem:s0+$0x12C30] =	vst v9;
	v9 =	vld [tilespmem:s0+$0x12CA0]  }
0x291: {  	v12 =	vadd.f32 v12, v37;
	[tilespmem:s0+$0x12C40] =	vst v10;
	v10 =	vld [tilespmem:s0+$0x12CB0]  }
0x292: {  	[tilespmem:s0+$0x12C50] =	vst v11;
	v11 =	vld [tilespmem:s0+$0x12CC0];
	v6 =	vadd.f32 v13, v6  }
0x293: {  	[tilespmem:s0+$0x12C60] =	vst v12;
	v12 =	vld [tilespmem:s0+$0x12CD0];
	v7 =	vadd.f32 v14, v7  }
0x294: {  	v8 =	vadd.f32 v15, v8;
	[tilespmem:s0+$0x12C70] =	vst v6;
	v6 =	vld [tilespmem:s0+$0x12CE0]  }
0x295: {  	v9 =	vadd.f32 v16, v9;
	[tilespmem:s0+$0x12C80] =	vst v7;
	v7 =	vld [tilespmem:s0+$0x12CF0]  }
0x296: {  	v10 =	vadd.f32 v17, v10;
	[tilespmem:s0+$0x12C90] =	vst v8;
	v8 =	vld [tilespmem:s0+$0x12D00]  }
0x297: {  	v11 =	vadd.f32 v18, v11;
	[tilespmem:s0+$0x12CA0] =	vst v9;
	v9 =	vld [tilespmem:s0+$0x12D10]  }
0x298: {  	v12 =	vadd.f32 v19, v12;
	[tilespmem:s0+$0x12CB0] =	vst v10;
	v10 =	vld [tilespmem:s0+$0x12D20]  }
0x299: {  	[tilespmem:s0+$0x12CC0] =	vst v11;
	v11 =	vld [tilespmem:s0+$0x12D30];
	v6 =	vadd.f32 v20, v6  }
0x29a: {  	[tilespmem:s0+$0x12CD0] =	vst v12;
	v12 =	vld [tilespmem:s0+$0x12D40]  }
0x29b: {  	v7 =	vadd.f32 v21, v7;
	[tilespmem:s0+$0x12CE0] =	vst v6;
	v6 =	vld [tilespmem:s0+$0x12D50]  }
0x29c: {  	v0 =	vld [tilespmem:s0+$0x65F0];
	v8 =	vadd.f32 v22, v8  }
0x29d: {  	[tilespmem:s0+$0x12CF0] =	vst v7;
	v7 =	vadd.f32 v23, v9;
	v9 =	vld [tilespmem:s0+$0x12D70]  }
0x29e: {  	v13 =	vld [tilespmem:s0+$0x12D60];
	[tilespmem:s0+$0x12D00] =	vst v8;
	v8 =	vadd.f32 v24, v10  }
0x29f: {  	v10 =	vld [tilespmem:s0+$0x12D80];
	[tilespmem:s0+$0x12D10] =	vst v7;
	v7 =	vadd.f32 v25, v11  }
0x2a0: {  	[tilespmem:s0+$0x12D20] =	vst v8;
	v11 =	vld [tilespmem:s0+$0x12D90];
	v8 =	vadd.f32 v26, v12;
	v12 =	vadd.f32 v27, v6  }
0x2a1: {  	[tilespmem:s0+$0x12D30] =	vst v7;
	v7 =	vld [tilespmem:s0+$0x12DA0]  }
0x2a2: {  	v6 =	vld [tilespmem:s0+$0x12DB0];
	[tilespmem:s0+$0x12D50] =	vst v12;
	v12 =	vadd.f32 v29, v9  }
0x2a3: {  	v13 =	vadd.f32 v28, v13;
	[tilespmem:s0+$0x12D40] =	vst v8;
	v8 =	vld [tilespmem:s0+$0x12DC0]  }
0x2a4: {  	v9 =	vld [tilespmem:s0+$0x12DD0];
	[tilespmem:s0+$0x12D70] =	vst v12;
	v12 =	vadd.f32 v30, v10  }
0x2a5: {  	s2 =	simm.s32 $0x800;
	[tilespmem:s0+$0x12D60] =	vst v13;
	v11 =	vadd.f32 v31, v11;
	v10 =	vld [tilespmem:s0+$0x12DE0]  }
.LBB2_12:
0x2a6: {  	s3 =	sshra.s32 s2, $0x2;
	p0 =	sne.s32 s2, $0x18800;
	[tilespmem:s0+$0x12D80] =	vst v12;
	v5 =	vadd.f32 v5, v7;
	v7 =	vld [tilespmem:s0+$0x12DF0]  }
0x2a7: {  	v12 =	vld [tilespmem:s3+$0x6400];
	[tilespmem:s0+$0x12D90] =	vst v11;
	v4 =	vadd.f32 v4, v6  }
0x2a8: {  	v6 =	vld [tilespmem:s3+$0x6410];
	[tilespmem:s0+$0x12DA0] =	vst v5;
	v3 =	vadd.f32 v3, v8  }
0x2a9: {  	v8 =	vld [tilespmem:s3+$0x6420];
	[tilespmem:s0+$0x12DB0] =	vst v4;
	v2 =	vadd.f32 v2, v9  }
0x2aa: {  	v9 =	vld [tilespmem:s3+$0x6430];
	[tilespmem:s0+$0x12DC0] =	vst v3;
	v1 =	vadd.f32 v1, v10  }
0x2ab: {  	v10 =	vld [tilespmem:s3+$0x6440];
	[tilespmem:s0+$0x12DD0] =	vst v2;
	v0 =	vadd.f32 v0, v7  }
0x2ac: {  	v7 =	vld [tilespmem:s3+$0x6450];
	[tilespmem:s0+$0x12DE0] =	vst v1  }
0x2ad: {  	v11 =	vld [tilespmem:s3+$0x6460];
	[tilespmem:s0+$0x12DF0] =	vst v0;
	s0 =	smov.u32 s3  }
0x2ae: {  	v13 =	vld [tilespmem:s0+$0x6470]  }
0x2af: {  	v14 =	vld [tilespmem:s0+$0x6480]  }
0x2b0: {  	v15 =	vld [tilespmem:s0+$0x6490]  }
0x2b1: {  	v16 =	vld [tilespmem:s0+$0x64A0]  }
0x2b2: {  	v17 =	vld [tilespmem:s0+$0x64B0]  }
0x2b3: {  	v18 =	vld [tilespmem:s0+$0x64C0]  }
0x2b4: {  	v19 =	vld [tilespmem:s0+$0x64D0]  }
0x2b5: {  	v20 =	vld [tilespmem:s0+$0x64E0]  }
0x2b6: {  	v21 =	vld [tilespmem:s0+$0x64F0]  }
0x2b7: {  	v22 =	vld [tilespmem:s0+$0x6500]  }
0x2b8: {  	v23 =	vld [tilespmem:s0+$0x6510]  }
0x2b9: {  	v24 =	vld [tilespmem:s0+$0x6520]  }
0x2ba: {  	v25 =	vld [tilespmem:s0+$0x6530]  }
0x2bb: {  	v26 =	vld [tilespmem:s0+$0x6540]  }
0x2bc: {  	v27 =	vld [tilespmem:s0+$0x6550]  }
0x2bd: {  	v28 =	vld [tilespmem:s0+$0x6560]  }
0x2be: {  	v29 =	vld [tilespmem:s0+$0x6570]  }
0x2bf: {  	v30 =	vld [tilespmem:s0+$0x6580]  }
0x2c0: {  	v31 =	vld [tilespmem:s0+$0x6590]  }
0x2c1: {  	v5 =	vld [tilespmem:s0+$0x65A0]  }
0x2c2: {  	v4 =	vld [tilespmem:s0+$0x65B0]  }
0x2c3: {  	v3 =	vld [tilespmem:s0+$0x65C0]  }
0x2c4: {  	v2 =	vld [tilespmem:s0+$0x65D0]  }
0x2c5: {  	v1 =	vld [tilespmem:s0+$0x65E0]  }
0x2c6: {  	v0 =	vld [tilespmem:s0+$0x65F0]  }
0x2c7: {  	v32 =	vld [tilespmem:s0+$0x12C00]  }
0x2c8: {  	v33 =	vld [tilespmem:s0+$0x12C10]  }
0x2c9: {  	v34 =	vld [tilespmem:s0+$0x12C20]  }
0x2ca: {  	v35 =	vld [tilespmem:s0+$0x12C30]  }
0x2cb: {  	v36 =	vld [tilespmem:s0+$0x12C40]  }
0x2cc: {  	v12 =	vadd.f32 v12, v32;
	v32 =	vld [tilespmem:s0+$0x12C50]  }
0x2cd: {  	v6 =	vadd.f32 v6, v33;
	v33 =	vld [tilespmem:s0+$0x12C60]  }
0x2ce: {  	[tilespmem:s0+$0x12C00] =	vst v12;
	v8 =	vadd.f32 v8, v34;
	v12 =	vld [tilespmem:s0+$0x12C70]  }
0x2cf: {  	[tilespmem:s0+$0x12C10] =	vst v6;
	v6 =	vadd.f32 v9, v35;
	v9 =	vld [tilespmem:s0+$0x12C80]  }
0x2d0: {  	[tilespmem:s0+$0x12C20] =	vst v8;
	v8 =	vadd.f32 v10, v36;
	v10 =	vld [tilespmem:s0+$0x12C90]  }
0x2d1: {  	[tilespmem:s0+$0x12C30] =	vst v6;
	v6 =	vadd.f32 v7, v32;
	v7 =	vld [tilespmem:s0+$0x12CA0]  }
0x2d2: {  	[tilespmem:s0+$0x12C40] =	vst v8;
	v8 =	vadd.f32 v11, v33;
	v11 =	vld [tilespmem:s0+$0x12CB0]  }
0x2d3: {  	[tilespmem:s0+$0x12C50] =	vst v6;
	v6 =	vadd.f32 v13, v12;
	v12 =	vld [tilespmem:s0+$0x12CC0]  }
0x2d4: {  	[tilespmem:s0+$0x12C60] =	vst v8;
	v8 =	vadd.f32 v14, v9;
	v9 =	vld [tilespmem:s0+$0x12CD0]  }
0x2d5: {  	[tilespmem:s0+$0x12C70] =	vst v6;
	v6 =	vadd.f32 v15, v10;
	v10 =	vld [tilespmem:s0+$0x12CE0]  }
0x2d6: {  	[tilespmem:s0+$0x12C80] =	vst v8;
	v7 =	vadd.f32 v16, v7;
	v8 =	vld [tilespmem:s0+$0x12CF0]  }
0x2d7: {  	[tilespmem:s0+$0x12C90] =	vst v6;
	v6 =	vadd.f32 v17, v11;
	v11 =	vld [tilespmem:s0+$0x12D00]  }
0x2d8: {  	[tilespmem:s0+$0x12CA0] =	vst v7;
	v7 =	vadd.f32 v18, v12;
	v12 =	vld [tilespmem:s0+$0x12D10]  }
0x2d9: {  	[tilespmem:s0+$0x12CB0] =	vst v6;
	v6 =	vadd.f32 v19, v9;
	v9 =	vld [tilespmem:s0+$0x12D20]  }
0x2da: {  	[tilespmem:s0+$0x12CC0] =	vst v7;
	v7 =	vadd.f32 v20, v10;
	v10 =	vld [tilespmem:s0+$0x12D30]  }
0x2db: {  	[tilespmem:s0+$0x12CD0] =	vst v6;
	v6 =	vadd.f32 v21, v8;
	v8 =	vld [tilespmem:s0+$0x12D40]  }
0x2dc: {  	[tilespmem:s0+$0x12CE0] =	vst v7;
	v7 =	vadd.f32 v22, v11;
	v11 =	vld [tilespmem:s0+$0x12D50]  }
0x2dd: {  	[tilespmem:s0+$0x12CF0] =	vst v6;
	v6 =	vadd.f32 v23, v12;
	v12 =	vld [tilespmem:s0+$0x12D60]  }
0x2de: {  	[tilespmem:s0+$0x12D00] =	vst v7;
	v7 =	vadd.f32 v24, v9;
	v9 =	vld [tilespmem:s0+$0x12D70]  }
0x2df: {  	[tilespmem:s0+$0x12D10] =	vst v6;
	v6 =	vadd.f32 v25, v10;
	v10 =	vld [tilespmem:s0+$0x12D80]  }
0x2e0: {  	[tilespmem:s0+$0x12D20] =	vst v7;
	v8 =	vadd.f32 v26, v8;
	v13 =	vld [tilespmem:s0+$0x12D90]  }
.Ltmp5:
0x2e1: {  	[tilespmem:s0+$0x12D30] =	vst v6;
	v11 =	vadd.f32 v27, v11;
	v7 =	vld [tilespmem:s0+$0x12DA0];
	(pc) =	sbr.rel @p0 .LBB2_12-.Ltmp5, $4  }
0x2e2: {  	[tilespmem:s0+$0x12D40] =	vst v8;
	v12 =	vadd.f32 v28, v12;
	v6 =	vld [tilespmem:s0+$0x12DB0]  }
0x2e3: {  	[tilespmem:s0+$0x12D50] =	vst v11;
	v11 =	vadd.f32 v29, v9;
	v8 =	vld [tilespmem:s0+$0x12DC0]  }
0x2e4: {  	[tilespmem:s0+$0x12D60] =	vst v12;
	v12 =	vadd.f32 v30, v10;
	v9 =	vld [tilespmem:s0+$0x12DD0]  }
0x2e5: {  	s2 =	sadd.s32 $0x800, s2;
	[tilespmem:s0+$0x12D70] =	vst v11;
	v11 =	vadd.f32 v31, v13;
	v10 =	vld [tilespmem:s0+$0x12DE0]  }
0x2e6: {  	[tilespmem:s0+$0x12D80] =	vst v12;
	v5 =	vadd.f32 v5, v7;
	v63 =	vld [tilespmem:s0+$0x12DF0]  }
0x2e7: {  	[tilespmem:s0+$0x12D90] =	vst v11;
	v4 =	vadd.f32 v4, v6  }
0x2e8: {  	[tilespmem:s0+$0x12DA0] =	vst v5;
	v3 =	vadd.f32 v3, v8  }
0x2e9: {  	[tilespmem:s0+$0x12DB0] =	vst v4;
	v2 =	vadd.f32 v2, v9  }
0x2ea: {  	[tilespmem:s0+$0x12DC0] =	vst v3;
	v1 =	vadd.f32 v1, v10  }
0x2eb: {  	[tilespmem:s0+$0x12DD0] =	vst v2;
	v0 =	vadd.f32 v0, v63  }
0x2ec: {  	[tilespmem:s0+$0x12DE0] =	vst v1  }
0x2ed: {  	[tilespmem:s0+$0x12DF0] =	vst v0  }
0x2ee: {  	[hbm4b:s10+s5] =	stream.linear.scatter [tilespmem:s19], [sflag:$0x5], $0x6400, $0x38;
	[tilespmem:$0x1F400] =	vst v63  }
0x2ef: {  	_ =	swait.ge [sflag:s30], $0x6400  }
0x2f0: {  	[sflag:s30] =	ssyncset.done $0x0  }
0x2f1: {  	s31 =	sadd.s32 $0x1, s31;
	[sflag:s30] =	ssyncadd.s32 $0xFFFF9C00  }
0x2f2: {  	p0 =	sne.s32 s31, s11;
	_ =	swait.ge [sflag:s26], $0x6400  }
.Ltmp6:
0x2f3: {  	[sflag:s26] =	ssyncset.done $0x0;
	(pc) =	sbr.rel @p0 .LBB2_1-.Ltmp6, $4  }
0x2f4: {  	[sflag:s26] =	ssyncadd.s32 $0xFFFF9C00  }
0x2f5: {  	_ =	swait.ge [sflag:s29], $0x6400  }
0x2f6: {  	[sflag:s29] =	ssyncset.done $0x0  }
0x2f7: {  	[sflag:s29] =	ssyncadd.s32 $0xFFFF9C00  }
0x2f8: {  	_ =	sfence.sel $0x180000  }
0x2f9: {  	[bflag:$0x0] =	sbarrier.arrive $0xFFFF  }
0x2fa: {  	_ =	strace $0x90000047  }
0x2fb: {  	s0 =	stileid.u32;
	[bflag:$0x2] =	sbarrier.arrive $0xFFFF  }
0x2fc: {  	p0 =	sne.s32 s0, $0x0;
	s0 =	rddreg [dreg:$0x4]  }
0x2fd: {  	s0 =	sadd.s32 @!p0 $0x100000, s0  }
0x2fe: {  	[sflag:s0] =	ssyncadd.tile.s32 @!p0 $0x1;
	_ =	shalt  }
.Lfunc_end2:
_tile_overlayer_lowered:
.L_overlay_start_2:
0x2ff: {  	(tag) =	ssettag $0x2  }
0x300: {  	s0 =	rddreg [dreg:$0x0];
	s2 =	stileid.u32  }
0x301: {  	s1 =	rddreg [dreg:$0x1];
	p0 =	sne.s32 s2, $0x0  }
0x302: {  	s3 =	rddreg [dreg:$0x2];
	[bflag:$0x3] =	sbarrier.arrive $0xFFFF;
	s2 =	simm.s32 @!p0 $0x1C07  }
0x303: {  	[timem:s3], [sflag:s2] =	dma.local @!p0 [hbm:s0], s1  }
0x304: {  	s0 =	simm.s32 @!p0 $0x7  }
0x305: {  	_ =	swait.ge @!p0 [sflag:s0], s1  }
0x306: {  	s1 =	ssub.s32 @!p0 $0x0, s1;
	[sflag:s0] =	ssyncset.done @!p0 $0x0  }
0x307: {  	[sflag:s0] =	ssyncadd.s32 @!p0 s1  }
0x308: {  	[bflag:$0x3] =	sbarrier.arrive $0xFFFF  }
0x309: {  	_ =	shalt  }

</sc_bundles>
